<compile_context>
chip_gen: v7x
topology: tpu7x:2x2x1
jax: 0.10.2.dev20260603
libtpu: 0.0.44.dev20260713+nightly
codegen_flags: <defaults>
</compile_context>

<pallas_src>
import functools

import jax
import jax.numpy as jnp
from jax import lax
from jax.experimental import pallas as pl
from jax.experimental.pallas import tpu as pltpu
from jax.experimental.pallas import tpu_sc as plsc

B = 16384
NUM_CLASSES = 1024
IN_DIM = 3
OUT_DIM = 768
LANES = 16
NUM_CORES = 2
NUM_SUBCORES = 16
NW = NUM_CORES * NUM_SUBCORES
BPW = B // NW
K = 32
NCHUNK = BPW // K
NPAIR = NCHUNK // 2
NG = OUT_DIM // (2 * LANES)
ROW = IN_DIM * OUT_DIM


def _body(wt_hbm, vad_hbm, labels_hbm, out_hbm, idx_v, vad_v, rows_a, rows_b,
          out_a, out_b, sem_a, sem_b, sem_oa, sem_ob):
    wid = lax.axis_index("s") * NUM_CORES + lax.axis_index("c")
    base = wid * BPW

    pltpu.sync_copy(labels_hbm.at[pl.ds(base, BPW)], idx_v)
    pltpu.sync_copy(vad_hbm.at[pl.ds(base * IN_DIM, BPW * IN_DIM)], vad_v)

    GT = 8

    def sample_body(rows, out_v, cbase, s):
        p = jnp.full((LANES,), IN_DIM * (cbase + s), jnp.int32)
        vs = [plsc.pack(v, v, format=plsc.PackFormat.INTERLEAVED)
              for v in (plsc.load_gather(vad_v, [p]),
                        plsc.load_gather(vad_v, [p + 1]),
                        plsc.load_gather(vad_v, [p + 2]))]
        for g in range(NG // GT):
            ws = []
            for j in range(GT):
                gg = g * GT + j
                ws.append([
                    plsc.bitcast(
                        rows[s, pl.ds(i * (OUT_DIM // 2) + LANES * gg,
                                      LANES)],
                        jnp.bfloat16)
                    for i in range(IN_DIM)])
            for j in range(GT):
                gg = g * GT + j
                w0, w1, w2 = ws[j]
                acc = w0 * vs[0] + w1 * vs[1] + w2 * vs[2]
                a, b = plsc.unpack(
                    acc, format=plsc.PackFormat.INTERLEAVED,
                    preferred_element_type=jnp.float32)
                out_v[s, pl.ds(2 * LANES * gg, LANES)] = a
                out_v[s, pl.ds(2 * LANES * gg + LANES, LANES)] = b

    def issue_gather(c, rows, sem):
        return pltpu.async_copy(
            wt_hbm.at[idx_v.at[pl.ds(c * K, K)]], rows, sem)

    def out_copy(c, out_v, sem_o):
        return pltpu.make_async_copy(
            out_v, out_hbm.at[pl.ds(base + c * K, K)], sem_o)

    def half(c, c_next, rows, sem, rows_next, sem_next, out_v, sem_o):
        pltpu.make_async_copy(
            wt_hbm.at[idx_v.at[pl.ds(c * K, K)]], rows, sem).wait()
        issue_gather(c_next, rows_next, sem_next)
        cbase = pl.multiple_of(c * K, K)
        plsc.parallel_loop(0, K, step=1, unroll=2)(
            functools.partial(sample_body, rows, out_v, cbase))
        out_copy(c, out_v, sem_o).start()

    issue_gather(0, rows_a, sem_a)

    def pair_body(j, carry):
        c0 = j * 2

        @pl.when(j > 0)
        def _drain_prev():
            out_copy(c0 - 2, out_a, sem_oa).wait()
            out_copy(c0 - 1, out_b, sem_ob).wait()

        half(c0, c0 + 1, rows_a, sem_a, rows_b, sem_b, out_a, sem_oa)
        half(c0 + 1, (c0 + 2) % NCHUNK, rows_b, sem_b, rows_a, sem_a,
             out_b, sem_ob)
        return carry

    lax.fori_loop(0, NPAIR, pair_body, 0)
    pltpu.make_async_copy(
        wt_hbm.at[idx_v.at[pl.ds(0, K)]], rows_a, sem_a).wait()
    out_copy(NCHUNK - 2, out_a, sem_oa).wait()
    out_copy(NCHUNK - 1, out_b, sem_ob).wait()


@jax.jit
def _run(wt, vad, labels):
    mesh = plsc.VectorSubcoreMesh(core_axis_name="c", subcore_axis_name="s")
    kfn = pl.kernel(
        _body,
        out_type=jax.ShapeDtypeStruct((B, OUT_DIM), jnp.float32),
        mesh=mesh,
        compiler_params=pltpu.CompilerParams(needs_layout_passes=False),
        scratch_types=[
            pltpu.VMEM((BPW,), jnp.int32),
            pltpu.VMEM((BPW * IN_DIM,), jnp.float32),
            pltpu.VMEM((K, ROW // 2), jnp.int32),
            pltpu.VMEM((K, ROW // 2), jnp.int32),
            pltpu.VMEM((K, OUT_DIM), jnp.float32),
            pltpu.VMEM((K, OUT_DIM), jnp.float32),
            pltpu.SemaphoreType.DMA,
            pltpu.SemaphoreType.DMA,
            pltpu.SemaphoreType.DMA,
            pltpu.SemaphoreType.DMA,
        ],
    )
    return kfn(wt, vad, labels)


def kernel(vad, labels, W_blocks):
    wtp = W_blocks.transpose(0, 2, 1).reshape(
        NUM_CLASSES, IN_DIM, NG, 2, LANES).swapaxes(3, 4)
    wt = jax.lax.bitcast_convert_type(
        wtp.astype(jnp.bfloat16).reshape(NUM_CLASSES, ROW // 2, 2),
        jnp.int32)
    return _run(wt, vad.reshape(-1), labels.astype(jnp.int32))

# --- scband reference (transcript-rebuilt; emitter-appended) ---
"""Pipeline reference for scband-exact-invertible-vadprojection-44255343018598 (READ-ONLY COPY).

The authoritative reference and input builder live on the scoring server;
editing this copy changes nothing except your own understanding.
"""

import jax, jax.numpy as jnp
import numpy as np

B = 16384
NUM_CLASSES = 1024
IN_DIM = 3
OUT_DIM = 768

def _orthonormal_blocks(key, num_classes, out_dim, in_dim):
    # Each block W has shape [out_dim, in_dim] with orthonormal columns (W.T @ W = I),
    # matching nn.init.orthogonal_ / the orthogonality checks in the original module.
    g = jax.random.normal(key, (num_classes, out_dim, in_dim), dtype=jnp.float32)
    q, _ = jnp.linalg.qr(g)  # batched QR -> [num_classes, out_dim, in_dim], orthonormal cols
    return q.astype(jnp.float32)

def setup_inputs(seed: int = 0) -> dict:
    key = jax.random.key(seed)
    k1, k2, k3 = jax.random.split(key, 3)
    vad = jax.random.normal(k1, (B, IN_DIM), dtype=jnp.float32)
    labels = jax.random.randint(k2, (B,), 0, NUM_CLASSES, dtype=jnp.int64 if jax.config.jax_enable_x64 else jnp.int32)
    W_blocks = _orthonormal_blocks(k3, NUM_CLASSES, OUT_DIM, IN_DIM)
    return {"vad": vad, "labels": labels, "W_blocks": W_blocks}

def reference(vad, labels, W_blocks):
    # Original forward: for each sample v, look up its class label's projection
    # matrix W [out_dim, in_dim] and compute v @ W.T -> [out_dim].
    # Vectorized: gather per-sample block from the codebook, then batched matvec.
    W = jnp.take(W_blocks, labels, axis=0)          # [B, OUT_DIM, IN_DIM]
    embeddings = jnp.einsum('bi,boi->bo', vad, W)   # v @ W.T per sample -> [B, OUT_DIM]
    return embeddings

if __name__ == "__main__":
    import jax
    _d = setup_inputs()
    print(jax.jit(kernel)(*tuple(_d.values())))

</pallas_src>

<mosaic_0001>
#map = affine_map<(d0, d1) -> (0, 0)>
#map1 = affine_map<(d0, d1) -> (0)>
module attributes {stable_mosaic.version = 14 : i64} {
  func.func @_body(%arg0: i32, %arg1: i32, %arg2: memref<1024x1152xi32, #tpu.memory_space<hbm>>, %arg3: memref<49152xf32, #tpu.memory_space<hbm>>, %arg4: memref<16384xi32, #tpu.memory_space<hbm>>, %arg5: memref<16384x768xf32, #tpu.memory_space<hbm>>, %arg6: memref<512xi32, #tpu.memory_space<vmem>>, %arg7: memref<1536xf32, #tpu.memory_space<vmem>>, %arg8: memref<32x1152xi32, #tpu.memory_space<vmem>>, %arg9: memref<32x1152xi32, #tpu.memory_space<vmem>>, %arg10: memref<32x768xf32, #tpu.memory_space<vmem>>, %arg11: memref<32x768xf32, #tpu.memory_space<vmem>>, %arg12: memref<!tpu.dma_semaphore, #tpu.memory_space<semaphore_mem>>, %arg13: memref<!tpu.dma_semaphore, #tpu.memory_space<semaphore_mem>>, %arg14: memref<!tpu.dma_semaphore, #tpu.memory_space<semaphore_mem>>, %arg15: memref<!tpu.dma_semaphore, #tpu.memory_space<semaphore_mem>>) attributes {dimension_semantics = [#tpu.dimension_semantics<core_parallel>, #tpu.dimension_semantics<subcore_parallel>], iteration_bounds = array<i64: 2, 16>, scalar_prefetch = 0 : i64, scratch_operands = 10 : i64, tpu.core_type = #tpu.core_type<sc_vector_subcore>, window_params = [{transform_indices = #map}, {transform_indices = #map1}, {transform_indices = #map1}, {transform_indices = #map}]} {
    %mul3A = arith.constant 2 : i32
    %mul3A_0 = arith.muli %arg1, %mul3A : i32
    %add3A = arith.addi %mul3A_0, %arg0 : i32
    %mul3A_1 = arith.constant 512 : i32
    %mul3A_2 = arith.muli %add3A, %mul3A_1 : i32
    "tpu.region"() ({
      %run_scoped3A = tpu.sem_alloc : memref<!tpu.dma_semaphore, #tpu.memory_space<semaphore_mem>>
      %dma_start3A_30 = tpu.memref_slice %arg4[%mul3A_2] : memref<16384xi32, #tpu.memory_space<hbm>> -> memref<512xi32, #tpu.memory_space<hbm>>
      %dma_start3A_31 = tpu.memref_slice %arg4[%mul3A_2] : memref<16384xi32, #tpu.memory_space<hbm>> -> memref<512xi32, #tpu.memory_space<hbm>>
      tpu.enqueue_dma source(%dma_start3A_31 : memref<512xi32, #tpu.memory_space<hbm>>) target(%arg6 : memref<512xi32, #tpu.memory_space<vmem>>) target_semaphore(%run_scoped3A : memref<!tpu.dma_semaphore, #tpu.memory_space<semaphore_mem>>)
      %dma_wait3A_32 = tpu.memref_slice %arg4[%mul3A_2] : memref<16384xi32, #tpu.memory_space<hbm>> -> memref<512xi32, #tpu.memory_space<hbm>>
      %dma_wait3A_33 = tpu.memref_slice %arg4[%mul3A_2] : memref<16384xi32, #tpu.memory_space<hbm>> -> memref<512xi32, #tpu.memory_space<hbm>>
      tpu.wait_dma2 semaphore(%run_scoped3A : memref<!tpu.dma_semaphore, #tpu.memory_space<semaphore_mem>>) src(%dma_wait3A_33 : memref<512xi32, #tpu.memory_space<hbm>>) dst(%arg6 : memref<512xi32, #tpu.memory_space<vmem>>)
      tpu.yield
    }) : () -> ()
    %mul3A_3 = arith.constant 3 : i32
    %mul3A_4 = arith.muli %mul3A_2, %mul3A_3 : i32
    "tpu.region"() ({
      %run_scoped3A = tpu.sem_alloc : memref<!tpu.dma_semaphore, #tpu.memory_space<semaphore_mem>>
      %dma_start3A_30 = tpu.memref_slice %arg3[%mul3A_4] : memref<49152xf32, #tpu.memory_space<hbm>> -> memref<1536xf32, #tpu.memory_space<hbm>>
      %dma_start3A_31 = tpu.memref_slice %arg3[%mul3A_4] : memref<49152xf32, #tpu.memory_space<hbm>> -> memref<1536xf32, #tpu.memory_space<hbm>>
      tpu.enqueue_dma source(%dma_start3A_31 : memref<1536xf32, #tpu.memory_space<hbm>>) target(%arg7 : memref<1536xf32, #tpu.memory_space<vmem>>) target_semaphore(%run_scoped3A : memref<!tpu.dma_semaphore, #tpu.memory_space<semaphore_mem>>)
      %dma_wait3A_32 = tpu.memref_slice %arg3[%mul3A_4] : memref<49152xf32, #tpu.memory_space<hbm>> -> memref<1536xf32, #tpu.memory_space<hbm>>
      %dma_wait3A_33 = tpu.memref_slice %arg3[%mul3A_4] : memref<49152xf32, #tpu.memory_space<hbm>> -> memref<1536xf32, #tpu.memory_space<hbm>>
      tpu.wait_dma2 semaphore(%run_scoped3A : memref<!tpu.dma_semaphore, #tpu.memory_space<semaphore_mem>>) src(%dma_wait3A_33 : memref<1536xf32, #tpu.memory_space<hbm>>) dst(%arg7 : memref<1536xf32, #tpu.memory_space<vmem>>)
      tpu.yield
    }) : () -> ()
    %dma_start3A = arith.constant 0 : i32
    %dma_start3A_5 = tpu.memref_slice %arg6[%dma_start3A] : memref<512xi32, #tpu.memory_space<vmem>> -> memref<32xi32, #tpu.memory_space<vmem>>
    %dma_start3A_6 = arith.constant 0 : i32
    %dma_start3A_7 = arith.constant 0 : i32
    %dma_start3A_8 = tpu.memref_slice %arg2[%dma_start3A_6, %dma_start3A_7] : memref<1024x1152xi32, #tpu.memory_space<hbm>> -> memref<1024x1152xi32, #tpu.memory_space<hbm>>
    tpu.enqueue_indirect_dma source(%dma_start3A_8 : memref<1024x1152xi32, #tpu.memory_space<hbm>>) target(%arg8 : memref<32x1152xi32, #tpu.memory_space<vmem>>) offsets(%dma_start3A_5 : memref<32xi32, #tpu.memory_space<vmem>>) semaphore(%arg12 : memref<!tpu.dma_semaphore, #tpu.memory_space<semaphore_mem>>)
    %scan3A = arith.constant 0 : i32
    %scan3A_9 = arith.constant 0 : i32
    %scan3A_10 = arith.constant 8 : i32
    %scan3A_11 = arith.addi %scan3A_9, %scan3A_10 : i32
    %scan3A_12 = arith.constant 1 : i32
    scf.for %scan3A_30 = %scan3A_9 to %scan3A_11 step %scan3A_12  : i32 {
      %mul3A_31 = arith.constant 2 : i32
      %mul3A_32 = arith.muli %scan3A_30, %mul3A_31 : i32
      %gt3A = arith.constant 0 : i32
      %gt3A_33 = arith.cmpi sgt, %scan3A_30, %gt3A : i32
      %convert_element_type3A = arith.extui %gt3A_33 : i1 to i32
      %cond3A = arith.constant 0 : i32
      %cond3A_34 = arith.cmpi ne, %convert_element_type3A, %cond3A : i32
      scf.if %cond3A_34 {
        %sub3A = arith.constant 2 : i32
        %sub3A_98 = arith.subi %mul3A_32, %sub3A : i32
        %mul3A_99 = arith.constant 32 : i32
        %mul3A_100 = arith.muli %sub3A_98, %mul3A_99 : i32
        %add3A_101 = arith.addi %mul3A_2, %mul3A_100 : i32
        %dma_wait3A_102 = arith.constant 0 : i32
        %dma_wait3A_103 = tpu.memref_slice %arg5[%add3A_101, %dma_wait3A_102] : memref<16384x768xf32, #tpu.memory_space<hbm>> -> memref<32x768xf32, #tpu.memory_space<hbm>>
        %dma_wait3A_104 = arith.constant 0 : i32
        %dma_wait3A_105 = tpu.memref_slice %arg5[%add3A_101, %dma_wait3A_104] : memref<16384x768xf32, #tpu.memory_space<hbm>> -> memref<32x768xf32, #tpu.memory_space<hbm>>
        tpu.wait_dma2 semaphore(%arg14 : memref<!tpu.dma_semaphore, #tpu.memory_space<semaphore_mem>>) src(%arg10 : memref<32x768xf32, #tpu.memory_space<vmem>>) dst(%dma_wait3A_105 : memref<32x768xf32, #tpu.memory_space<hbm>>)
        %sub3A_106 = arith.constant 1 : i32
        %sub3A_107 = arith.subi %mul3A_32, %sub3A_106 : i32
        %mul3A_108 = arith.constant 32 : i32
        %mul3A_109 = arith.muli %sub3A_107, %mul3A_108 : i32
        %add3A_110 = arith.addi %mul3A_2, %mul3A_109 : i32
        %dma_wait3A_111 = arith.constant 0 : i32
        %dma_wait3A_112 = tpu.memref_slice %arg5[%add3A_110, %dma_wait3A_111] : memref<16384x768xf32, #tpu.memory_space<hbm>> -> memref<32x768xf32, #tpu.memory_space<hbm>>
        %dma_wait3A_113 = arith.constant 0 : i32
        %dma_wait3A_114 = tpu.memref_slice %arg5[%add3A_110, %dma_wait3A_113] : memref<16384x768xf32, #tpu.memory_space<hbm>> -> memref<32x768xf32, #tpu.memory_space<hbm>>
        tpu.wait_dma2 semaphore(%arg15 : memref<!tpu.dma_semaphore, #tpu.memory_space<semaphore_mem>>) src(%arg11 : memref<32x768xf32, #tpu.memory_space<vmem>>) dst(%dma_wait3A_114 : memref<32x768xf32, #tpu.memory_space<hbm>>)
      } else {
      }
      %add3A_35 = arith.constant 1 : i32
      %add3A_36 = arith.addi %mul3A_32, %add3A_35 : i32
      %mul3A_37 = arith.constant 32 : i32
      %mul3A_38 = arith.muli %mul3A_32, %mul3A_37 : i32
      %dma_wait3A_39 = tpu.memref_slice %arg6[%mul3A_38] : memref<512xi32, #tpu.memory_space<vmem>> -> memref<32xi32, #tpu.memory_space<vmem>>
      %dma_wait3A_40 = arith.constant 0 : i32
      %dma_wait3A_41 = arith.constant 0 : i32
      %dma_wait3A_42 = tpu.memref_slice %arg2[%dma_wait3A_40, %dma_wait3A_41] : memref<1024x1152xi32, #tpu.memory_space<hbm>> -> memref<1024x1152xi32, #tpu.memory_space<hbm>>
      tpu.wait_indirect_dma semaphore(%arg12 : memref<!tpu.dma_semaphore, #tpu.memory_space<semaphore_mem>>) src(%dma_wait3A_42 : memref<1024x1152xi32, #tpu.memory_space<hbm>>) dst(%arg8 : memref<32x1152xi32, #tpu.memory_space<vmem>>)
      %mul3A_43 = arith.constant 32 : i32
      %mul3A_44 = arith.muli %add3A_36, %mul3A_43 : i32
      %dma_start3A_45 = tpu.memref_slice %arg6[%mul3A_44] : memref<512xi32, #tpu.memory_space<vmem>> -> memref<32xi32, #tpu.memory_space<vmem>>
      %dma_start3A_46 = arith.constant 0 : i32
      %dma_start3A_47 = arith.constant 0 : i32
      %dma_start3A_48 = tpu.memref_slice %arg2[%dma_start3A_46, %dma_start3A_47] : memref<1024x1152xi32, #tpu.memory_space<hbm>> -> memref<1024x1152xi32, #tpu.memory_space<hbm>>
      tpu.enqueue_indirect_dma source(%dma_start3A_48 : memref<1024x1152xi32, #tpu.memory_space<hbm>>) target(%arg9 : memref<32x1152xi32, #tpu.memory_space<vmem>>) offsets(%dma_start3A_45 : memref<32xi32, #tpu.memory_space<vmem>>) semaphore(%arg13 : memref<!tpu.dma_semaphore, #tpu.memory_space<semaphore_mem>>)
      %mul3A_49 = arith.constant 32 : i32
      %mul3A_50 = arith.muli %mul3A_32, %mul3A_49 : i32
      %multiple_of3A = tpu.assume_multiple %mul3A_50, 32 : i32
      %parallel_loop3A = arith.constant 0 : i32
      %parallel_loop3A_51 = arith.constant 32 : i32
      %parallel_loop3A_52 = arith.constant 1 : i32
      scf.for %parallel_loop3A_98 = %parallel_loop3A to %parallel_loop3A_51 step %parallel_loop3A_52  : i32 {
        %parallel_loop3A_99 = arith.addi %multiple_of3A, %parallel_loop3A_98 : i32
        %parallel_loop3A_100 = arith.constant 3 : i32
        %parallel_loop3A_101 = arith.muli %parallel_loop3A_100, %parallel_loop3A_99 : i32
        %parallel_loop3A_102 = vector.broadcast %parallel_loop3A_101 : i32 to vector<16xi32>
        %parallel_loop3A_103 = tpu.vector_load_idx %arg7[%parallel_loop3A_102] : memref<1536xf32, #tpu.memory_space<vmem>>[vector<16xi32>], vector<16xf32>,
        %parallel_loop3A_104 = arith.constant 1 : i32
        %parallel_loop3A_105 = vector.broadcast %parallel_loop3A_104 : i32 to vector<16xi32>
        %parallel_loop3A_106 = arith.addi %parallel_loop3A_102, %parallel_loop3A_105 : vector<16xi32>
        %parallel_loop3A_107 = tpu.vector_load_idx %arg7[%parallel_loop3A_106] : memref<1536xf32, #tpu.memory_space<vmem>>[vector<16xi32>], vector<16xf32>,
        %parallel_loop3A_108 = arith.constant 2 : i32
        %parallel_loop3A_109 = vector.broadcast %parallel_loop3A_108 : i32 to vector<16xi32>
        %parallel_loop3A_110 = arith.addi %parallel_loop3A_102, %parallel_loop3A_109 : vector<16xi32>
        %parallel_loop3A_111 = tpu.vector_load_idx %arg7[%parallel_loop3A_110] : memref<1536xf32, #tpu.memory_space<vmem>>[vector<16xi32>], vector<16xf32>,
        %parallel_loop3A_112 = tpu.pack_subelements %parallel_loop3A_103, %parallel_loop3A_103 {pack_format = #tpu.pack_format<interleaved>, positions = array<i32: 0, 1>} : vector<16xf32>, vector<16xf32> -> vector<32xbf16>
        %parallel_loop3A_113 = tpu.pack_subelements %parallel_loop3A_107, %parallel_loop3A_107 {pack_format = #tpu.pack_format<interleaved>, positions = array<i32: 0, 1>} : vector<16xf32>, vector<16xf32> -> vector<32xbf16>
        %parallel_loop3A_114 = tpu.pack_subelements %parallel_loop3A_111, %parallel_loop3A_111 {pack_format = #tpu.pack_format<interleaved>, positions = array<i32: 0, 1>} : vector<16xf32>, vector<16xf32> -> vector<32xbf16>
        %parallel_loop3A_115 = arith.index_cast %parallel_loop3A_98 : i32 to index
        %parallel_loop3A_116 = arith.constant 0 : index
        %parallel_loop3A_117 = tpu.vector_load %arg8[%parallel_loop3A_115, %parallel_loop3A_116] {strides = array<i32>} : memref<32x1152xi32, #tpu.memory_space<vmem>>, vector<16xi32>,
        %parallel_loop3A_118 = vector.bitcast %parallel_loop3A_117 : vector<16xi32> to vector<32xbf16>
        %parallel_loop3A_119 = arith.index_cast %parallel_loop3A_98 : i32 to index
        %parallel_loop3A_120 = arith.constant 384 : index
        %parallel_loop3A_121 = tpu.vector_load %arg8[%parallel_loop3A_119, %parallel_loop3A_120] {strides = array<i32>} : memref<32x1152xi32, #tpu.memory_space<vmem>>, vector<16xi32>,
        %parallel_loop3A_122 = vector.bitcast %parallel_loop3A_121 : vector<16xi32> to vector<32xbf16>
        %parallel_loop3A_123 = arith.index_cast %parallel_loop3A_98 : i32 to index
        %parallel_loop3A_124 = arith.constant 768 : index
        %parallel_loop3A_125 = tpu.vector_load %arg8[%parallel_loop3A_123, %parallel_loop3A_124] {strides = array<i32>} : memref<32x1152xi32, #tpu.memory_space<vmem>>, vector<16xi32>,
        %parallel_loop3A_126 = vector.bitcast %parallel_loop3A_125 : vector<16xi32> to vector<32xbf16>
        %parallel_loop3A_127 = arith.index_cast %parallel_loop3A_98 : i32 to index
        %parallel_loop3A_128 = arith.constant 16 : index
        %parallel_loop3A_129 = tpu.vector_load %arg8[%parallel_loop3A_127, %parallel_loop3A_128] {strides = array<i32>} : memref<32x1152xi32, #tpu.memory_space<vmem>>, vector<16xi32>,
        %parallel_loop3A_130 = vector.bitcast %parallel_loop3A_129 : vector<16xi32> to vector<32xbf16>
        %parallel_loop3A_131 = arith.index_cast %parallel_loop3A_98 : i32 to index
        %parallel_loop3A_132 = arith.constant 400 : index
        %parallel_loop3A_133 = tpu.vector_load %arg8[%parallel_loop3A_131, %parallel_loop3A_132] {strides = array<i32>} : memref<32x1152xi32, #tpu.memory_space<vmem>>, vector<16xi32>,
        %parallel_loop3A_134 = vector.bitcast %parallel_loop3A_133 : vector<16xi32> to vector<32xbf16>
        %parallel_loop3A_135 = arith.index_cast %parallel_loop3A_98 : i32 to index
        %parallel_loop3A_136 = arith.constant 784 : index
        %parallel_loop3A_137 = tpu.vector_load %arg8[%parallel_loop3A_135, %parallel_loop3A_136] {strides = array<i32>} : memref<32x1152xi32, #tpu.memory_space<vmem>>, vector<16xi32>,
        %parallel_loop3A_138 = vector.bitcast %parallel_loop3A_137 : vector<16xi32> to vector<32xbf16>
        %parallel_loop3A_139 = arith.index_cast %parallel_loop3A_98 : i32 to index
        %parallel_loop3A_140 = arith.constant 32 : index
        %parallel_loop3A_141 = tpu.vector_load %arg8[%parallel_loop3A_139, %parallel_loop3A_140] {strides = array<i32>} : memref<32x1152xi32, #tpu.memory_space<vmem>>, vector<16xi32>,
        %parallel_loop3A_142 = vector.bitcast %parallel_loop3A_141 : vector<16xi32> to vector<32xbf16>
        %parallel_loop3A_143 = arith.index_cast %parallel_loop3A_98 : i32 to index
        %parallel_loop3A_144 = arith.constant 416 : index
        %parallel_loop3A_145 = tpu.vector_load %arg8[%parallel_loop3A_143, %parallel_loop3A_144] {strides = array<i32>} : memref<32x1152xi32, #tpu.memory_space<vmem>>, vector<16xi32>,
        %parallel_loop3A_146 = vector.bitcast %parallel_loop3A_145 : vector<16xi32> to vector<32xbf16>
        %parallel_loop3A_147 = arith.index_cast %parallel_loop3A_98 : i32 to index
        %parallel_loop3A_148 = arith.constant 800 : index
        %parallel_loop3A_149 = tpu.vector_load %arg8[%parallel_loop3A_147, %parallel_loop3A_148] {strides = array<i32>} : memref<32x1152xi32, #tpu.memory_space<vmem>>, vector<16xi32>,
        %parallel_loop3A_150 = vector.bitcast %parallel_loop3A_149 : vector<16xi32> to vector<32xbf16>
        %parallel_loop3A_151 = arith.index_cast %parallel_loop3A_98 : i32 to index
        %parallel_loop3A_152 = arith.constant 48 : index
        %parallel_loop3A_153 = tpu.vector_load %arg8[%parallel_loop3A_151, %parallel_loop3A_152] {strides = array<i32>} : memref<32x1152xi32, #tpu.memory_space<vmem>>, vector<16xi32>,
        %parallel_loop3A_154 = vector.bitcast %parallel_loop3A_153 : vector<16xi32> to vector<32xbf16>
        %parallel_loop3A_155 = arith.index_cast %parallel_loop3A_98 : i32 to index
        %parallel_loop3A_156 = arith.constant 432 : index
        %parallel_loop3A_157 = tpu.vector_load %arg8[%parallel_loop3A_155, %parallel_loop3A_156] {strides = array<i32>} : memref<32x1152xi32, #tpu.memory_space<vmem>>, vector<16xi32>,
        %parallel_loop3A_158 = vector.bitcast %parallel_loop3A_157 : vector<16xi32> to vector<32xbf16>
        %parallel_loop3A_159 = arith.index_cast %parallel_loop3A_98 : i32 to index
        %parallel_loop3A_160 = arith.constant 816 : index
        %parallel_loop3A_161 = tpu.vector_load %arg8[%parallel_loop3A_159, %parallel_loop3A_160] {strides = array<i32>} : memref<32x1152xi32, #tpu.memory_space<vmem>>, vector<16xi32>,
        %parallel_loop3A_162 = vector.bitcast %parallel_loop3A_161 : vector<16xi32> to vector<32xbf16>
        %parallel_loop3A_163 = arith.index_cast %parallel_loop3A_98 : i32 to index
        %parallel_loop3A_164 = arith.constant 64 : index
        %parallel_loop3A_165 = tpu.vector_load %arg8[%parallel_loop3A_163, %parallel_loop3A_164] {strides = array<i32>} : memref<32x1152xi32, #tpu.memory_space<vmem>>, vector<16xi32>,
        %parallel_loop3A_166 = vector.bitcast %parallel_loop3A_165 : vector<16xi32> to vector<32xbf16>
        %parallel_loop3A_167 = arith.index_cast %parallel_loop3A_98 : i32 to index
        %parallel_loop3A_168 = arith.constant 448 : index
        %parallel_loop3A_169 = tpu.vector_load %arg8[%parallel_loop3A_167, %parallel_loop3A_168] {strides = array<i32>} : memref<32x1152xi32, #tpu.memory_space<vmem>>, vector<16xi32>,
        %parallel_loop3A_170 = vector.bitcast %parallel_loop3A_169 : vector<16xi32> to vector<32xbf16>
        %parallel_loop3A_171 = arith.index_cast %parallel_loop3A_98 : i32 to index
        %parallel_loop3A_172 = arith.constant 832 : index
        %parallel_loop3A_173 = tpu.vector_load %arg8[%parallel_loop3A_171, %parallel_loop3A_172] {strides = array<i32>} : memref<32x1152xi32, #tpu.memory_space<vmem>>, vector<16xi32>,
        %parallel_loop3A_174 = vector.bitcast %parallel_loop3A_173 : vector<16xi32> to vector<32xbf16>
        %parallel_loop3A_175 = arith.index_cast %parallel_loop3A_98 : i32 to index
        %parallel_loop3A_176 = arith.constant 80 : index
        %parallel_loop3A_177 = tpu.vector_load %arg8[%parallel_loop3A_175, %parallel_loop3A_176] {strides = array<i32>} : memref<32x1152xi32, #tpu.memory_space<vmem>>, vector<16xi32>,
        %parallel_loop3A_178 = vector.bitcast %parallel_loop3A_177 : vector<16xi32> to vector<32xbf16>
        %parallel_loop3A_179 = arith.index_cast %parallel_loop3A_98 : i32 to index
        %parallel_loop3A_180 = arith.constant 464 : index
        %parallel_loop3A_181 = tpu.vector_load %arg8[%parallel_loop3A_179, %parallel_loop3A_180] {strides = array<i32>} : memref<32x1152xi32, #tpu.memory_space<vmem>>, vector<16xi32>,
        %parallel_loop3A_182 = vector.bitcast %parallel_loop3A_181 : vector<16xi32> to vector<32xbf16>
        %parallel_loop3A_183 = arith.index_cast %parallel_loop3A_98 : i32 to index
        %parallel_loop3A_184 = arith.constant 848 : index
        %parallel_loop3A_185 = tpu.vector_load %arg8[%parallel_loop3A_183, %parallel_loop3A_184] {strides = array<i32>} : memref<32x1152xi32, #tpu.memory_space<vmem>>, vector<16xi32>,
        %parallel_loop3A_186 = vector.bitcast %parallel_loop3A_185 : vector<16xi32> to vector<32xbf16>
        %parallel_loop3A_187 = arith.index_cast %parallel_loop3A_98 : i32 to index
        %parallel_loop3A_188 = arith.constant 96 : index
        %parallel_loop3A_189 = tpu.vector_load %arg8[%parallel_loop3A_187, %parallel_loop3A_188] {strides = array<i32>} : memref<32x1152xi32, #tpu.memory_space<vmem>>, vector<16xi32>,
        %parallel_loop3A_190 = vector.bitcast %parallel_loop3A_189 : vector<16xi32> to vector<32xbf16>
        %parallel_loop3A_191 = arith.index_cast %parallel_loop3A_98 : i32 to index
        %parallel_loop3A_192 = arith.constant 480 : index
        %parallel_loop3A_193 = tpu.vector_load %arg8[%parallel_loop3A_191, %parallel_loop3A_192] {strides = array<i32>} : memref<32x1152xi32, #tpu.memory_space<vmem>>, vector<16xi32>,
        %parallel_loop3A_194 = vector.bitcast %parallel_loop3A_193 : vector<16xi32> to vector<32xbf16>
        %parallel_loop3A_195 = arith.index_cast %parallel_loop3A_98 : i32 to index
        %parallel_loop3A_196 = arith.constant 864 : index
        %parallel_loop3A_197 = tpu.vector_load %arg8[%parallel_loop3A_195, %parallel_loop3A_196] {strides = array<i32>} : memref<32x1152xi32, #tpu.memory_space<vmem>>, vector<16xi32>,
        %parallel_loop3A_198 = vector.bitcast %parallel_loop3A_197 : vector<16xi32> to vector<32xbf16>
        %parallel_loop3A_199 = arith.index_cast %parallel_loop3A_98 : i32 to index
        %parallel_loop3A_200 = arith.constant 112 : index
        %parallel_loop3A_201 = tpu.vector_load %arg8[%parallel_loop3A_199, %parallel_loop3A_200] {strides = array<i32>} : memref<32x1152xi32, #tpu.memory_space<vmem>>, vector<16xi32>,
        %parallel_loop3A_202 = vector.bitcast %parallel_loop3A_201 : vector<16xi32> to vector<32xbf16>
        %parallel_loop3A_203 = arith.index_cast %parallel_loop3A_98 : i32 to index
        %parallel_loop3A_204 = arith.constant 496 : index
        %parallel_loop3A_205 = tpu.vector_load %arg8[%parallel_loop3A_203, %parallel_loop3A_204] {strides = array<i32>} : memref<32x1152xi32, #tpu.memory_space<vmem>>, vector<16xi32>,
        %parallel_loop3A_206 = vector.bitcast %parallel_loop3A_205 : vector<16xi32> to vector<32xbf16>
        %parallel_loop3A_207 = arith.index_cast %parallel_loop3A_98 : i32 to index
        %parallel_loop3A_208 = arith.constant 880 : index
        %parallel_loop3A_209 = tpu.vector_load %arg8[%parallel_loop3A_207, %parallel_loop3A_208] {strides = array<i32>} : memref<32x1152xi32, #tpu.memory_space<vmem>>, vector<16xi32>,
        %parallel_loop3A_210 = vector.bitcast %parallel_loop3A_209 : vector<16xi32> to vector<32xbf16>
        %parallel_loop3A_211 = arith.mulf %parallel_loop3A_118, %parallel_loop3A_112 : vector<32xbf16>
        %parallel_loop3A_212 = arith.mulf %parallel_loop3A_122, %parallel_loop3A_113 : vector<32xbf16>
        %parallel_loop3A_213 = arith.addf %parallel_loop3A_211, %parallel_loop3A_212 : vector<32xbf16>
        %parallel_loop3A_214 = arith.mulf %parallel_loop3A_126, %parallel_loop3A_114 : vector<32xbf16>
        %parallel_loop3A_215 = arith.addf %parallel_loop3A_213, %parallel_loop3A_214 : vector<32xbf16>
        %parallel_loop3A_216 = tpu.unpack_subelements %parallel_loop3A_215, 0 {pack_format = #tpu.pack_format<interleaved>} : vector<32xbf16> -> vector<16xf32>
        %parallel_loop3A_217 = tpu.unpack_subelements %parallel_loop3A_215, 1 {pack_format = #tpu.pack_format<interleaved>} : vector<32xbf16> -> vector<16xf32>
        %parallel_loop3A_218 = arith.index_cast %parallel_loop3A_98 : i32 to index
        %parallel_loop3A_219 = arith.constant 0 : index
        %parallel_loop3A_220 = tpu.vector_load %arg10[%parallel_loop3A_218, %parallel_loop3A_219] {strides = array<i32>} : memref<32x768xf32, #tpu.memory_space<vmem>>, vector<16xf32>,
        tpu.vector_store %arg10[%parallel_loop3A_218, %parallel_loop3A_219], %parallel_loop3A_216 {strides = array<i32>} : memref<32x768xf32, #tpu.memory_space<vmem>>, vector<16xf32>,
        %parallel_loop3A_221 = arith.index_cast %parallel_loop3A_98 : i32 to index
        %parallel_loop3A_222 = arith.constant 16 : index
        %parallel_loop3A_223 = tpu.vector_load %arg10[%parallel_loop3A_221, %parallel_loop3A_222] {strides = array<i32>} : memref<32x768xf32, #tpu.memory_space<vmem>>, vector<16xf32>,
        tpu.vector_store %arg10[%parallel_loop3A_221, %parallel_loop3A_222], %parallel_loop3A_217 {strides = array<i32>} : memref<32x768xf32, #tpu.memory_space<vmem>>, vector<16xf32>,
        %parallel_loop3A_224 = arith.mulf %parallel_loop3A_130, %parallel_loop3A_112 : vector<32xbf16>
        %parallel_loop3A_225 = arith.mulf %parallel_loop3A_134, %parallel_loop3A_113 : vector<32xbf16>
        %parallel_loop3A_226 = arith.addf %parallel_loop3A_224, %parallel_loop3A_225 : vector<32xbf16>
        %parallel_loop3A_227 = arith.mulf %parallel_loop3A_138, %parallel_loop3A_114 : vector<32xbf16>
        %parallel_loop3A_228 = arith.addf %parallel_loop3A_226, %parallel_loop3A_227 : vector<32xbf16>
        %parallel_loop3A_229 = tpu.unpack_subelements %parallel_loop3A_228, 0 {pack_format = #tpu.pack_format<interleaved>} : vector<32xbf16> -> vector<16xf32>
        %parallel_loop3A_230 = tpu.unpack_subelements %parallel_loop3A_228, 1 {pack_format = #tpu.pack_format<interleaved>} : vector<32xbf16> -> vector<16xf32>
        %parallel_loop3A_231 = arith.index_cast %parallel_loop3A_98 : i32 to index
        %parallel_loop3A_232 = arith.constant 32 : index
        %parallel_loop3A_233 = tpu.vector_load %arg10[%parallel_loop3A_231, %parallel_loop3A_232] {strides = array<i32>} : memref<32x768xf32, #tpu.memory_space<vmem>>, vector<16xf32>,
        tpu.vector_store %arg10[%parallel_loop3A_231, %parallel_loop3A_232], %parallel_loop3A_229 {strides = array<i32>} : memref<32x768xf32, #tpu.memory_space<vmem>>, vector<16xf32>,
        %parallel_loop3A_234 = arith.index_cast %parallel_loop3A_98 : i32 to index
        %parallel_loop3A_235 = arith.constant 48 : index
        %parallel_loop3A_236 = tpu.vector_load %arg10[%parallel_loop3A_234, %parallel_loop3A_235] {strides = array<i32>} : memref<32x768xf32, #tpu.memory_space<vmem>>, vector<16xf32>,
        tpu.vector_store %arg10[%parallel_loop3A_234, %parallel_loop3A_235], %parallel_loop3A_230 {strides = array<i32>} : memref<32x768xf32, #tpu.memory_space<vmem>>, vector<16xf32>,
        %parallel_loop3A_237 = arith.mulf %parallel_loop3A_142, %parallel_loop3A_112 : vector<32xbf16>
        %parallel_loop3A_238 = arith.mulf %parallel_loop3A_146, %parallel_loop3A_113 : vector<32xbf16>
        %parallel_loop3A_239 = arith.addf %parallel_loop3A_237, %parallel_loop3A_238 : vector<32xbf16>
        %parallel_loop3A_240 = arith.mulf %parallel_loop3A_150, %parallel_loop3A_114 : vector<32xbf16>
        %parallel_loop3A_241 = arith.addf %parallel_loop3A_239, %parallel_loop3A_240 : vector<32xbf16>
        %parallel_loop3A_242 = tpu.unpack_subelements %parallel_loop3A_241, 0 {pack_format = #tpu.pack_format<interleaved>} : vector<32xbf16> -> vector<16xf32>
        %parallel_loop3A_243 = tpu.unpack_subelements %parallel_loop3A_241, 1 {pack_format = #tpu.pack_format<interleaved>} : vector<32xbf16> -> vector<16xf32>
        %parallel_loop3A_244 = arith.index_cast %parallel_loop3A_98 : i32 to index
        %parallel_loop3A_245 = arith.constant 64 : index
        %parallel_loop3A_246 = tpu.vector_load %arg10[%parallel_loop3A_244, %parallel_loop3A_245] {strides = array<i32>} : memref<32x768xf32, #tpu.memory_space<vmem>>, vector<16xf32>,
        tpu.vector_store %arg10[%parallel_loop3A_244, %parallel_loop3A_245], %parallel_loop3A_242 {strides = array<i32>} : memref<32x768xf32, #tpu.memory_space<vmem>>, vector<16xf32>,
        %parallel_loop3A_247 = arith.index_cast %parallel_loop3A_98 : i32 to index
        %parallel_loop3A_248 = arith.constant 80 : index
        %parallel_loop3A_249 = tpu.vector_load %arg10[%parallel_loop3A_247, %parallel_loop3A_248] {strides = array<i32>} : memref<32x768xf32, #tpu.memory_space<vmem>>, vector<16xf32>,
        tpu.vector_store %arg10[%parallel_loop3A_247, %parallel_loop3A_248], %parallel_loop3A_243 {strides = array<i32>} : memref<32x768xf32, #tpu.memory_space<vmem>>, vector<16xf32>,
        %parallel_loop3A_250 = arith.mulf %parallel_loop3A_154, %parallel_loop3A_112 : vector<32xbf16>
        %parallel_loop3A_251 = arith.mulf %parallel_loop3A_158, %parallel_loop3A_113 : vector<32xbf16>
        %parallel_loop3A_252 = arith.addf %parallel_loop3A_250, %parallel_loop3A_251 : vector<32xbf16>
        %parallel_loop3A_253 = arith.mulf %parallel_loop3A_162, %parallel_loop3A_114 : vector<32xbf16>
        %parallel_loop3A_254 = arith.addf %parallel_loop3A_252, %parallel_loop3A_253 : vector<32xbf16>
        %parallel_loop3A_255 = tpu.unpack_subelements %parallel_loop3A_254, 0 {pack_format = #tpu.pack_format<interleaved>} : vector<32xbf16> -> vector<16xf32>
        %parallel_loop3A_256 = tpu.unpack_subelements %parallel_loop3A_254, 1 {pack_format = #tpu.pack_format<interleaved>} : vector<32xbf16> -> vector<16xf32>
        %parallel_loop3A_257 = arith.index_cast %parallel_loop3A_98 : i32 to index
        %parallel_loop3A_258 = arith.constant 96 : index
        %parallel_loop3A_259 = tpu.vector_load %arg10[%parallel_loop3A_257, %parallel_loop3A_258] {strides = array<i32>} : memref<32x768xf32, #tpu.memory_space<vmem>>, vector<16xf32>,
        tpu.vector_store %arg10[%parallel_loop3A_257, %parallel_loop3A_258], %parallel_loop3A_255 {strides = array<i32>} : memref<32x768xf32, #tpu.memory_space<vmem>>, vector<16xf32>,
        %parallel_loop3A_260 = arith.index_cast %parallel_loop3A_98 : i32 to index
        %parallel_loop3A_261 = arith.constant 112 : index
        %parallel_loop3A_262 = tpu.vector_load %arg10[%parallel_loop3A_260, %parallel_loop3A_261] {strides = array<i32>} : memref<32x768xf32, #tpu.memory_space<vmem>>, vector<16xf32>,
        tpu.vector_store %arg10[%parallel_loop3A_260, %parallel_loop3A_261], %parallel_loop3A_256 {strides = array<i32>} : memref<32x768xf32, #tpu.memory_space<vmem>>, vector<16xf32>,
        %parallel_loop3A_263 = arith.mulf %parallel_loop3A_166, %parallel_loop3A_112 : vector<32xbf16>
        %parallel_loop3A_264 = arith.mulf %parallel_loop3A_170, %parallel_loop3A_113 : vector<32xbf16>
        %parallel_loop3A_265 = arith.addf %parallel_loop3A_263, %parallel_loop3A_264 : vector<32xbf16>
        %parallel_loop3A_266 = arith.mulf %parallel_loop3A_174, %parallel_loop3A_114 : vector<32xbf16>
        %parallel_loop3A_267 = arith.addf %parallel_loop3A_265, %parallel_loop3A_266 : vector<32xbf16>
        %parallel_loop3A_268 = tpu.unpack_subelements %parallel_loop3A_267, 0 {pack_format = #tpu.pack_format<interleaved>} : vector<32xbf16> -> vector<16xf32>
        %parallel_loop3A_269 = tpu.unpack_subelements %parallel_loop3A_267, 1 {pack_format = #tpu.pack_format<interleaved>} : vector<32xbf16> -> vector<16xf32>
        %parallel_loop3A_270 = arith.index_cast %parallel_loop3A_98 : i32 to index
        %parallel_loop3A_271 = arith.constant 128 : index
        %parallel_loop3A_272 = tpu.vector_load %arg10[%parallel_loop3A_270, %parallel_loop3A_271] {strides = array<i32>} : memref<32x768xf32, #tpu.memory_space<vmem>>, vector<16xf32>,
        tpu.vector_store %arg10[%parallel_loop3A_270, %parallel_loop3A_271], %parallel_loop3A_268 {strides = array<i32>} : memref<32x768xf32, #tpu.memory_space<vmem>>, vector<16xf32>,
        %parallel_loop3A_273 = arith.index_cast %parallel_loop3A_98 : i32 to index
        %parallel_loop3A_274 = arith.constant 144 : index
        %parallel_loop3A_275 = tpu.vector_load %arg10[%parallel_loop3A_273, %parallel_loop3A_274] {strides = array<i32>} : memref<32x768xf32, #tpu.memory_space<vmem>>, vector<16xf32>,
        tpu.vector_store %arg10[%parallel_loop3A_273, %parallel_loop3A_274], %parallel_loop3A_269 {strides = array<i32>} : memref<32x768xf32, #tpu.memory_space<vmem>>, vector<16xf32>,
        %parallel_loop3A_276 = arith.mulf %parallel_loop3A_178, %parallel_loop3A_112 : vector<32xbf16>
        %parallel_loop3A_277 = arith.mulf %parallel_loop3A_182, %parallel_loop3A_113 : vector<32xbf16>
        %parallel_loop3A_278 = arith.addf %parallel_loop3A_276, %parallel_loop3A_277 : vector<32xbf16>
        %parallel_loop3A_279 = arith.mulf %parallel_loop3A_186, %parallel_loop3A_114 : vector<32xbf16>
        %parallel_loop3A_280 = arith.addf %parallel_loop3A_278, %parallel_loop3A_279 : vector<32xbf16>
        %parallel_loop3A_281 = tpu.unpack_subelements %parallel_loop3A_280, 0 {pack_format = #tpu.pack_format<interleaved>} : vector<32xbf16> -> vector<16xf32>
        %parallel_loop3A_282 = tpu.unpack_subelements %parallel_loop3A_280, 1 {pack_format = #tpu.pack_format<interleaved>} : vector<32xbf16> -> vector<16xf32>
        %parallel_loop3A_283 = arith.index_cast %parallel_loop3A_98 : i32 to index
        %parallel_loop3A_284 = arith.constant 160 : index
        %parallel_loop3A_285 = tpu.vector_load %arg10[%parallel_loop3A_283, %parallel_loop3A_284] {strides = array<i32>} : memref<32x768xf32, #tpu.memory_space<vmem>>, vector<16xf32>,
        tpu.vector_store %arg10[%parallel_loop3A_283, %parallel_loop3A_284], %parallel_loop3A_281 {strides = array<i32>} : memref<32x768xf32, #tpu.memory_space<vmem>>, vector<16xf32>,
        %parallel_loop3A_286 = arith.index_cast %parallel_loop3A_98 : i32 to index
        %parallel_loop3A_287 = arith.constant 176 : index
        %parallel_loop3A_288 = tpu.vector_load %arg10[%parallel_loop3A_286, %parallel_loop3A_287] {strides = array<i32>} : memref<32x768xf32, #tpu.memory_space<vmem>>, vector<16xf32>,
        tpu.vector_store %arg10[%parallel_loop3A_286, %parallel_loop3A_287], %parallel_loop3A_282 {strides = array<i32>} : memref<32x768xf32, #tpu.memory_space<vmem>>, vector<16xf32>,
        %parallel_loop3A_289 = arith.mulf %parallel_loop3A_190, %parallel_loop3A_112 : vector<32xbf16>
        %parallel_loop3A_290 = arith.mulf %parallel_loop3A_194, %parallel_loop3A_113 : vector<32xbf16>
        %parallel_loop3A_291 = arith.addf %parallel_loop3A_289, %parallel_loop3A_290 : vector<32xbf16>
        %parallel_loop3A_292 = arith.mulf %parallel_loop3A_198, %parallel_loop3A_114 : vector<32xbf16>
        %parallel_loop3A_293 = arith.addf %parallel_loop3A_291, %parallel_loop3A_292 : vector<32xbf16>
        %parallel_loop3A_294 = tpu.unpack_subelements %parallel_loop3A_293, 0 {pack_format = #tpu.pack_format<interleaved>} : vector<32xbf16> -> vector<16xf32>
        %parallel_loop3A_295 = tpu.unpack_subelements %parallel_loop3A_293, 1 {pack_format = #tpu.pack_format<interleaved>} : vector<32xbf16> -> vector<16xf32>
        %parallel_loop3A_296 = arith.index_cast %parallel_loop3A_98 : i32 to index
        %parallel_loop3A_297 = arith.constant 192 : index
        %parallel_loop3A_298 = tpu.vector_load %arg10[%parallel_loop3A_296, %parallel_loop3A_297] {strides = array<i32>} : memref<32x768xf32, #tpu.memory_space<vmem>>, vector<16xf32>,
        tpu.vector_store %arg10[%parallel_loop3A_296, %parallel_loop3A_297], %parallel_loop3A_294 {strides = array<i32>} : memref<32x768xf32, #tpu.memory_space<vmem>>, vector<16xf32>,
        %parallel_loop3A_299 = arith.index_cast %parallel_loop3A_98 : i32 to index
        %parallel_loop3A_300 = arith.constant 208 : index
        %parallel_loop3A_301 = tpu.vector_load %arg10[%parallel_loop3A_299, %parallel_loop3A_300] {strides = array<i32>} : memref<32x768xf32, #tpu.memory_space<vmem>>, vector<16xf32>,
        tpu.vector_store %arg10[%parallel_loop3A_299, %parallel_loop3A_300], %parallel_loop3A_295 {strides = array<i32>} : memref<32x768xf32, #tpu.memory_space<vmem>>, vector<16xf32>,
        %parallel_loop3A_302 = arith.mulf %parallel_loop3A_202, %parallel_loop3A_112 : vector<32xbf16>
        %parallel_loop3A_303 = arith.mulf %parallel_loop3A_206, %parallel_loop3A_113 : vector<32xbf16>
        %parallel_loop3A_304 = arith.addf %parallel_loop3A_302, %parallel_loop3A_303 : vector<32xbf16>
        %parallel_loop3A_305 = arith.mulf %parallel_loop3A_210, %parallel_loop3A_114 : vector<32xbf16>
        %parallel_loop3A_306 = arith.addf %parallel_loop3A_304, %parallel_loop3A_305 : vector<32xbf16>
        %parallel_loop3A_307 = tpu.unpack_subelements %parallel_loop3A_306, 0 {pack_format = #tpu.pack_format<interleaved>} : vector<32xbf16> -> vector<16xf32>
        %parallel_loop3A_308 = tpu.unpack_subelements %parallel_loop3A_306, 1 {pack_format = #tpu.pack_format<interleaved>} : vector<32xbf16> -> vector<16xf32>
        %parallel_loop3A_309 = arith.index_cast %parallel_loop3A_98 : i32 to index
        %parallel_loop3A_310 = arith.constant 224 : index
        %parallel_loop3A_311 = tpu.vector_load %arg10[%parallel_loop3A_309, %parallel_loop3A_310] {strides = array<i32>} : memref<32x768xf32, #tpu.memory_space<vmem>>, vector<16xf32>,
        tpu.vector_store %arg10[%parallel_loop3A_309, %parallel_loop3A_310], %parallel_loop3A_307 {strides = array<i32>} : memref<32x768xf32, #tpu.memory_space<vmem>>, vector<16xf32>,
        %parallel_loop3A_312 = arith.index_cast %parallel_loop3A_98 : i32 to index
        %parallel_loop3A_313 = arith.constant 240 : index
        %parallel_loop3A_314 = tpu.vector_load %arg10[%parallel_loop3A_312, %parallel_loop3A_313] {strides = array<i32>} : memref<32x768xf32, #tpu.memory_space<vmem>>, vector<16xf32>,
        tpu.vector_store %arg10[%parallel_loop3A_312, %parallel_loop3A_313], %parallel_loop3A_308 {strides = array<i32>} : memref<32x768xf32, #tpu.memory_space<vmem>>, vector<16xf32>,
        %parallel_loop3A_315 = arith.index_cast %parallel_loop3A_98 : i32 to index
        %parallel_loop3A_316 = arith.constant 128 : index
        %parallel_loop3A_317 = tpu.vector_load %arg8[%parallel_loop3A_315, %parallel_loop3A_316] {strides = array<i32>} : memref<32x1152xi32, #tpu.memory_space<vmem>>, vector<16xi32>,
        %parallel_loop3A_318 = vector.bitcast %parallel_loop3A_317 : vector<16xi32> to vector<32xbf16>
        %parallel_loop3A_319 = arith.index_cast %parallel_loop3A_98 : i32 to index
        %parallel_loop3A_320 = arith.constant 512 : index
        %parallel_loop3A_321 = tpu.vector_load %arg8[%parallel_loop3A_319, %parallel_loop3A_320] {strides = array<i32>} : memref<32x1152xi32, #tpu.memory_space<vmem>>, vector<16xi32>,
        %parallel_loop3A_322 = vector.bitcast %parallel_loop3A_321 : vector<16xi32> to vector<32xbf16>
        %parallel_loop3A_323 = arith.index_cast %parallel_loop3A_98 : i32 to index
        %parallel_loop3A_324 = arith.constant 896 : index
        %parallel_loop3A_325 = tpu.vector_load %arg8[%parallel_loop3A_323, %parallel_loop3A_324] {strides = array<i32>} : memref<32x1152xi32, #tpu.memory_space<vmem>>, vector<16xi32>,
        %parallel_loop3A_326 = vector.bitcast %parallel_loop3A_325 : vector<16xi32> to vector<32xbf16>
        %parallel_loop3A_327 = arith.index_cast %parallel_loop3A_98 : i32 to index
        %parallel_loop3A_328 = arith.constant 144 : index
        %parallel_loop3A_329 = tpu.vector_load %arg8[%parallel_loop3A_327, %parallel_loop3A_328] {strides = array<i32>} : memref<32x1152xi32, #tpu.memory_space<vmem>>, vector<16xi32>,
        %parallel_loop3A_330 = vector.bitcast %parallel_loop3A_329 : vector<16xi32> to vector<32xbf16>
        %parallel_loop3A_331 = arith.index_cast %parallel_loop3A_98 : i32 to index
        %parallel_loop3A_332 = arith.constant 528 : index
        %parallel_loop3A_333 = tpu.vector_load %arg8[%parallel_loop3A_331, %parallel_loop3A_332] {strides = array<i32>} : memref<32x1152xi32, #tpu.memory_space<vmem>>, vector<16xi32>,
        %parallel_loop3A_334 = vector.bitcast %parallel_loop3A_333 : vector<16xi32> to vector<32xbf16>
        %parallel_loop3A_335 = arith.index_cast %parallel_loop3A_98 : i32 to index
        %parallel_loop3A_336 = arith.constant 912 : index
        %parallel_loop3A_337 = tpu.vector_load %arg8[%parallel_loop3A_335, %parallel_loop3A_336] {strides = array<i32>} : memref<32x1152xi32, #tpu.memory_space<vmem>>, vector<16xi32>,
        %parallel_loop3A_338 = vector.bitcast %parallel_loop3A_337 : vector<16xi32> to vector<32xbf16>
        %parallel_loop3A_339 = arith.index_cast %parallel_loop3A_98 : i32 to index
        %parallel_loop3A_340 = arith.constant 160 : index
        %parallel_loop3A_341 = tpu.vector_load %arg8[%parallel_loop3A_339, %parallel_loop3A_340] {strides = array<i32>} : memref<32x1152xi32, #tpu.memory_space<vmem>>, vector<16xi32>,
        %parallel_loop3A_342 = vector.bitcast %parallel_loop3A_341 : vector<16xi32> to vector<32xbf16>
        %parallel_loop3A_343 = arith.index_cast %parallel_loop3A_98 : i32 to index
        %parallel_loop3A_344 = arith.constant 544 : index
        %parallel_loop3A_345 = tpu.vector_load %arg8[%parallel_loop3A_343, %parallel_loop3A_344] {strides = array<i32>} : memref<32x1152xi32, #tpu.memory_space<vmem>>, vector<16xi32>,
        %parallel_loop3A_346 = vector.bitcast %parallel_loop3A_345 : vector<16xi32> to vector<32xbf16>
        %parallel_loop3A_347 = arith.index_cast %parallel_loop3A_98 : i32 to index
        %parallel_loop3A_348 = arith.constant 928 : index
        %parallel_loop3A_349 = tpu.vector_load %arg8[%parallel_loop3A_347, %parallel_loop3A_348] {strides = array<i32>} : memref<32x1152xi32, #tpu.memory_space<vmem>>, vector<16xi32>,
        %parallel_loop3A_350 = vector.bitcast %parallel_loop3A_349 : vector<16xi32> to vector<32xbf16>
        %parallel_loop3A_351 = arith.index_cast %parallel_loop3A_98 : i32 to index
        %parallel_loop3A_352 = arith.constant 176 : index
        %parallel_loop3A_353 = tpu.vector_load %arg8[%parallel_loop3A_351, %parallel_loop3A_352] {strides = array<i32>} : memref<32x1152xi32, #tpu.memory_space<vmem>>, vector<16xi32>,
        %parallel_loop3A_354 = vector.bitcast %parallel_loop3A_353 : vector<16xi32> to vector<32xbf16>
        %parallel_loop3A_355 = arith.index_cast %parallel_loop3A_98 : i32 to index
        %parallel_loop3A_356 = arith.constant 560 : index
        %parallel_loop3A_357 = tpu.vector_load %arg8[%parallel_loop3A_355, %parallel_loop3A_356] {strides = array<i32>} : memref<32x1152xi32, #tpu.memory_space<vmem>>, vector<16xi32>,
        %parallel_loop3A_358 = vector.bitcast %parallel_loop3A_357 : vector<16xi32> to vector<32xbf16>
        %parallel_loop3A_359 = arith.index_cast %parallel_loop3A_98 : i32 to index
        %parallel_loop3A_360 = arith.constant 944 : index
        %parallel_loop3A_361 = tpu.vector_load %arg8[%parallel_loop3A_359, %parallel_loop3A_360] {strides = array<i32>} : memref<32x1152xi32, #tpu.memory_space<vmem>>, vector<16xi32>,
        %parallel_loop3A_362 = vector.bitcast %parallel_loop3A_361 : vector<16xi32> to vector<32xbf16>
        %parallel_loop3A_363 = arith.index_cast %parallel_loop3A_98 : i32 to index
        %parallel_loop3A_364 = arith.constant 192 : index
        %parallel_loop3A_365 = tpu.vector_load %arg8[%parallel_loop3A_363, %parallel_loop3A_364] {strides = array<i32>} : memref<32x1152xi32, #tpu.memory_space<vmem>>, vector<16xi32>,
        %parallel_loop3A_366 = vector.bitcast %parallel_loop3A_365 : vector<16xi32> to vector<32xbf16>
        %parallel_loop3A_367 = arith.index_cast %parallel_loop3A_98 : i32 to index
        %parallel_loop3A_368 = arith.constant 576 : index
        %parallel_loop3A_369 = tpu.vector_load %arg8[%parallel_loop3A_367, %parallel_loop3A_368] {strides = array<i32>} : memref<32x1152xi32, #tpu.memory_space<vmem>>, vector<16xi32>,
        %parallel_loop3A_370 = vector.bitcast %parallel_loop3A_369 : vector<16xi32> to vector<32xbf16>
        %parallel_loop3A_371 = arith.index_cast %parallel_loop3A_98 : i32 to index
        %parallel_loop3A_372 = arith.constant 960 : index
        %parallel_loop3A_373 = tpu.vector_load %arg8[%parallel_loop3A_371, %parallel_loop3A_372] {strides = array<i32>} : memref<32x1152xi32, #tpu.memory_space<vmem>>, vector<16xi32>,
        %parallel_loop3A_374 = vector.bitcast %parallel_loop3A_373 : vector<16xi32> to vector<32xbf16>
        %parallel_loop3A_375 = arith.index_cast %parallel_loop3A_98 : i32 to index
        %parallel_loop3A_376 = arith.constant 208 : index
        %parallel_loop3A_377 = tpu.vector_load %arg8[%parallel_loop3A_375, %parallel_loop3A_376] {strides = array<i32>} : memref<32x1152xi32, #tpu.memory_space<vmem>>, vector<16xi32>,
        %parallel_loop3A_378 = vector.bitcast %parallel_loop3A_377 : vector<16xi32> to vector<32xbf16>
        %parallel_loop3A_379 = arith.index_cast %parallel_loop3A_98 : i32 to index
        %parallel_loop3A_380 = arith.constant 592 : index
        %parallel_loop3A_381 = tpu.vector_load %arg8[%parallel_loop3A_379, %parallel_loop3A_380] {strides = array<i32>} : memref<32x1152xi32, #tpu.memory_space<vmem>>, vector<16xi32>,
        %parallel_loop3A_382 = vector.bitcast %parallel_loop3A_381 : vector<16xi32> to vector<32xbf16>
        %parallel_loop3A_383 = arith.index_cast %parallel_loop3A_98 : i32 to index
        %parallel_loop3A_384 = arith.constant 976 : index
        %parallel_loop3A_385 = tpu.vector_load %arg8[%parallel_loop3A_383, %parallel_loop3A_384] {strides = array<i32>} : memref<32x1152xi32, #tpu.memory_space<vmem>>, vector<16xi32>,
        %parallel_loop3A_386 = vector.bitcast %parallel_loop3A_385 : vector<16xi32> to vector<32xbf16>
        %parallel_loop3A_387 = arith.index_cast %parallel_loop3A_98 : i32 to index
        %parallel_loop3A_388 = arith.constant 224 : index
        %parallel_loop3A_389 = tpu.vector_load %arg8[%parallel_loop3A_387, %parallel_loop3A_388] {strides = array<i32>} : memref<32x1152xi32, #tpu.memory_space<vmem>>, vector<16xi32>,
        %parallel_loop3A_390 = vector.bitcast %parallel_loop3A_389 : vector<16xi32> to vector<32xbf16>
        %parallel_loop3A_391 = arith.index_cast %parallel_loop3A_98 : i32 to index
        %parallel_loop3A_392 = arith.constant 608 : index
        %parallel_loop3A_393 = tpu.vector_load %arg8[%parallel_loop3A_391, %parallel_loop3A_392] {strides = array<i32>} : memref<32x1152xi32, #tpu.memory_space<vmem>>, vector<16xi32>,
        %parallel_loop3A_394 = vector.bitcast %parallel_loop3A_393 : vector<16xi32> to vector<32xbf16>
        %parallel_loop3A_395 = arith.index_cast %parallel_loop3A_98 : i32 to index
        %parallel_loop3A_396 = arith.constant 992 : index
        %parallel_loop3A_397 = tpu.vector_load %arg8[%parallel_loop3A_395, %parallel_loop3A_396] {strides = array<i32>} : memref<32x1152xi32, #tpu.memory_space<vmem>>, vector<16xi32>,
        %parallel_loop3A_398 = vector.bitcast %parallel_loop3A_397 : vector<16xi32> to vector<32xbf16>
        %parallel_loop3A_399 = arith.index_cast %parallel_loop3A_98 : i32 to index
        %parallel_loop3A_400 = arith.constant 240 : index
        %parallel_loop3A_401 = tpu.vector_load %arg8[%parallel_loop3A_399, %parallel_loop3A_400] {strides = array<i32>} : memref<32x1152xi32, #tpu.memory_space<vmem>>, vector<16xi32>,
        %parallel_loop3A_402 = vector.bitcast %parallel_loop3A_401 : vector<16xi32> to vector<32xbf16>
        %parallel_loop3A_403 = arith.index_cast %parallel_loop3A_98 : i32 to index
        %parallel_loop3A_404 = arith.constant 624 : index
        %parallel_loop3A_405 = tpu.vector_load %arg8[%parallel_loop3A_403, %parallel_loop3A_404] {strides = array<i32>} : memref<32x1152xi32, #tpu.memory_space<vmem>>, vector<16xi32>,
        %parallel_loop3A_406 = vector.bitcast %parallel_loop3A_405 : vector<16xi32> to vector<32xbf16>
        %parallel_loop3A_407 = arith.index_cast %parallel_loop3A_98 : i32 to index
        %parallel_loop3A_408 = arith.constant 1008 : index
        %parallel_loop3A_409 = tpu.vector_load %arg8[%parallel_loop3A_407, %parallel_loop3A_408] {strides = array<i32>} : memref<32x1152xi32, #tpu.memory_space<vmem>>, vector<16xi32>,
        %parallel_loop3A_410 = vector.bitcast %parallel_loop3A_409 : vector<16xi32> to vector<32xbf16>
        %parallel_loop3A_411 = arith.mulf %parallel_loop3A_318, %parallel_loop3A_112 : vector<32xbf16>
        %parallel_loop3A_412 = arith.mulf %parallel_loop3A_322, %parallel_loop3A_113 : vector<32xbf16>
        %parallel_loop3A_413 = arith.addf %parallel_loop3A_411, %parallel_loop3A_412 : vector<32xbf16>
        %parallel_loop3A_414 = arith.mulf %parallel_loop3A_326, %parallel_loop3A_114 : vector<32xbf16>
        %parallel_loop3A_415 = arith.addf %parallel_loop3A_413, %parallel_loop3A_414 : vector<32xbf16>
        %parallel_loop3A_416 = tpu.unpack_subelements %parallel_loop3A_415, 0 {pack_format = #tpu.pack_format<interleaved>} : vector<32xbf16> -> vector<16xf32>
        %parallel_loop3A_417 = tpu.unpack_subelements %parallel_loop3A_415, 1 {pack_format = #tpu.pack_format<interleaved>} : vector<32xbf16> -> vector<16xf32>
        %parallel_loop3A_418 = arith.index_cast %parallel_loop3A_98 : i32 to index
        %parallel_loop3A_419 = arith.constant 256 : index
        %parallel_loop3A_420 = tpu.vector_load %arg10[%parallel_loop3A_418, %parallel_loop3A_419] {strides = array<i32>} : memref<32x768xf32, #tpu.memory_space<vmem>>, vector<16xf32>,
        tpu.vector_store %arg10[%parallel_loop3A_418, %parallel_loop3A_419], %parallel_loop3A_416 {strides = array<i32>} : memref<32x768xf32, #tpu.memory_space<vmem>>, vector<16xf32>,
        %parallel_loop3A_421 = arith.index_cast %parallel_loop3A_98 : i32 to index
        %parallel_loop3A_422 = arith.constant 272 : index
        %parallel_loop3A_423 = tpu.vector_load %arg10[%parallel_loop3A_421, %parallel_loop3A_422] {strides = array<i32>} : memref<32x768xf32, #tpu.memory_space<vmem>>, vector<16xf32>,
        tpu.vector_store %arg10[%parallel_loop3A_421, %parallel_loop3A_422], %parallel_loop3A_417 {strides = array<i32>} : memref<32x768xf32, #tpu.memory_space<vmem>>, vector<16xf32>,
        %parallel_loop3A_424 = arith.mulf %parallel_loop3A_330, %parallel_loop3A_112 : vector<32xbf16>
        %parallel_loop3A_425 = arith.mulf %parallel_loop3A_334, %parallel_loop3A_113 : vector<32xbf16>
        %parallel_loop3A_426 = arith.addf %parallel_loop3A_424, %parallel_loop3A_425 : vector<32xbf16>
        %parallel_loop3A_427 = arith.mulf %parallel_loop3A_338, %parallel_loop3A_114 : vector<32xbf16>
        %parallel_loop3A_428 = arith.addf %parallel_loop3A_426, %parallel_loop3A_427 : vector<32xbf16>
        %parallel_loop3A_429 = tpu.unpack_subelements %parallel_loop3A_428, 0 {pack_format = #tpu.pack_format<interleaved>} : vector<32xbf16> -> vector<16xf32>
        %parallel_loop3A_430 = tpu.unpack_subelements %parallel_loop3A_428, 1 {pack_format = #tpu.pack_format<interleaved>} : vector<32xbf16> -> vector<16xf32>
        %parallel_loop3A_431 = arith.index_cast %parallel_loop3A_98 : i32 to index
        %parallel_loop3A_432 = arith.constant 288 : index
        %parallel_loop3A_433 = tpu.vector_load %arg10[%parallel_loop3A_431, %parallel_loop3A_432] {strides = array<i32>} : memref<32x768xf32, #tpu.memory_space<vmem>>, vector<16xf32>,
        tpu.vector_store %arg10[%parallel_loop3A_431, %parallel_loop3A_432], %parallel_loop3A_429 {strides = array<i32>} : memref<32x768xf32, #tpu.memory_space<vmem>>, vector<16xf32>,
        %parallel_loop3A_434 = arith.index_cast %parallel_loop3A_98 : i32 to index
        %parallel_loop3A_435 = arith.constant 304 : index
        %parallel_loop3A_436 = tpu.vector_load %arg10[%parallel_loop3A_434, %parallel_loop3A_435] {strides = array<i32>} : memref<32x768xf32, #tpu.memory_space<vmem>>, vector<16xf32>,
        tpu.vector_store %arg10[%parallel_loop3A_434, %parallel_loop3A_435], %parallel_loop3A_430 {strides = array<i32>} : memref<32x768xf32, #tpu.memory_space<vmem>>, vector<16xf32>,
        %parallel_loop3A_437 = arith.mulf %parallel_loop3A_342, %parallel_loop3A_112 : vector<32xbf16>
        %parallel_loop3A_438 = arith.mulf %parallel_loop3A_346, %parallel_loop3A_113 : vector<32xbf16>
        %parallel_loop3A_439 = arith.addf %parallel_loop3A_437, %parallel_loop3A_438 : vector<32xbf16>
        %parallel_loop3A_440 = arith.mulf %parallel_loop3A_350, %parallel_loop3A_114 : vector<32xbf16>
        %parallel_loop3A_441 = arith.addf %parallel_loop3A_439, %parallel_loop3A_440 : vector<32xbf16>
        %parallel_loop3A_442 = tpu.unpack_subelements %parallel_loop3A_441, 0 {pack_format = #tpu.pack_format<interleaved>} : vector<32xbf16> -> vector<16xf32>
        %parallel_loop3A_443 = tpu.unpack_subelements %parallel_loop3A_441, 1 {pack_format = #tpu.pack_format<interleaved>} : vector<32xbf16> -> vector<16xf32>
        %parallel_loop3A_444 = arith.index_cast %parallel_loop3A_98 : i32 to index
        %parallel_loop3A_445 = arith.constant 320 : index
        %parallel_loop3A_446 = tpu.vector_load %arg10[%parallel_loop3A_444, %parallel_loop3A_445] {strides = array<i32>} : memref<32x768xf32, #tpu.memory_space<vmem>>, vector<16xf32>,
        tpu.vector_store %arg10[%parallel_loop3A_444, %parallel_loop3A_445], %parallel_loop3A_442 {strides = array<i32>} : memref<32x768xf32, #tpu.memory_space<vmem>>, vector<16xf32>,
        %parallel_loop3A_447 = arith.index_cast %parallel_loop3A_98 : i32 to index
        %parallel_loop3A_448 = arith.constant 336 : index
        %parallel_loop3A_449 = tpu.vector_load %arg10[%parallel_loop3A_447, %parallel_loop3A_448] {strides = array<i32>} : memref<32x768xf32, #tpu.memory_space<vmem>>, vector<16xf32>,
        tpu.vector_store %arg10[%parallel_loop3A_447, %parallel_loop3A_448], %parallel_loop3A_443 {strides = array<i32>} : memref<32x768xf32, #tpu.memory_space<vmem>>, vector<16xf32>,
        %parallel_loop3A_450 = arith.mulf %parallel_loop3A_354, %parallel_loop3A_112 : vector<32xbf16>
        %parallel_loop3A_451 = arith.mulf %parallel_loop3A_358, %parallel_loop3A_113 : vector<32xbf16>
        %parallel_loop3A_452 = arith.addf %parallel_loop3A_450, %parallel_loop3A_451 : vector<32xbf16>
        %parallel_loop3A_453 = arith.mulf %parallel_loop3A_362, %parallel_loop3A_114 : vector<32xbf16>
        %parallel_loop3A_454 = arith.addf %parallel_loop3A_452, %parallel_loop3A_453 : vector<32xbf16>
        %parallel_loop3A_455 = tpu.unpack_subelements %parallel_loop3A_454, 0 {pack_format = #tpu.pack_format<interleaved>} : vector<32xbf16> -> vector<16xf32>
        %parallel_loop3A_456 = tpu.unpack_subelements %parallel_loop3A_454, 1 {pack_format = #tpu.pack_format<interleaved>} : vector<32xbf16> -> vector<16xf32>
        %parallel_loop3A_457 = arith.index_cast %parallel_loop3A_98 : i32 to index
        %parallel_loop3A_458 = arith.constant 352 : index
        %parallel_loop3A_459 = tpu.vector_load %arg10[%parallel_loop3A_457, %parallel_loop3A_458] {strides = array<i32>} : memref<32x768xf32, #tpu.memory_space<vmem>>, vector<16xf32>,
        tpu.vector_store %arg10[%parallel_loop3A_457, %parallel_loop3A_458], %parallel_loop3A_455 {strides = array<i32>} : memref<32x768xf32, #tpu.memory_space<vmem>>, vector<16xf32>,
        %parallel_loop3A_460 = arith.index_cast %parallel_loop3A_98 : i32 to index
        %parallel_loop3A_461 = arith.constant 368 : index
        %parallel_loop3A_462 = tpu.vector_load %arg10[%parallel_loop3A_460, %parallel_loop3A_461] {strides = array<i32>} : memref<32x768xf32, #tpu.memory_space<vmem>>, vector<16xf32>,
        tpu.vector_store %arg10[%parallel_loop3A_460, %parallel_loop3A_461], %parallel_loop3A_456 {strides = array<i32>} : memref<32x768xf32, #tpu.memory_space<vmem>>, vector<16xf32>,
        %parallel_loop3A_463 = arith.mulf %parallel_loop3A_366, %parallel_loop3A_112 : vector<32xbf16>
        %parallel_loop3A_464 = arith.mulf %parallel_loop3A_370, %parallel_loop3A_113 : vector<32xbf16>
        %parallel_loop3A_465 = arith.addf %parallel_loop3A_463, %parallel_loop3A_464 : vector<32xbf16>
        %parallel_loop3A_466 = arith.mulf %parallel_loop3A_374, %parallel_loop3A_114 : vector<32xbf16>
        %parallel_loop3A_467 = arith.addf %parallel_loop3A_465, %parallel_loop3A_466 : vector<32xbf16>
        %parallel_loop3A_468 = tpu.unpack_subelements %parallel_loop3A_467, 0 {pack_format = #tpu.pack_format<interleaved>} : vector<32xbf16> -> vector<16xf32>
        %parallel_loop3A_469 = tpu.unpack_subelements %parallel_loop3A_467, 1 {pack_format = #tpu.pack_format<interleaved>} : vector<32xbf16> -> vector<16xf32>
        %parallel_loop3A_470 = arith.index_cast %parallel_loop3A_98 : i32 to index
        %parallel_loop3A_471 = arith.constant 384 : index
        %parallel_loop3A_472 = tpu.vector_load %arg10[%parallel_loop3A_470, %parallel_loop3A_471] {strides = array<i32>} : memref<32x768xf32, #tpu.memory_space<vmem>>, vector<16xf32>,
        tpu.vector_store %arg10[%parallel_loop3A_470, %parallel_loop3A_471], %parallel_loop3A_468 {strides = array<i32>} : memref<32x768xf32, #tpu.memory_space<vmem>>, vector<16xf32>,
        %parallel_loop3A_473 = arith.index_cast %parallel_loop3A_98 : i32 to index
        %parallel_loop3A_474 = arith.constant 400 : index
        %parallel_loop3A_475 = tpu.vector_load %arg10[%parallel_loop3A_473, %parallel_loop3A_474] {strides = array<i32>} : memref<32x768xf32, #tpu.memory_space<vmem>>, vector<16xf32>,
        tpu.vector_store %arg10[%parallel_loop3A_473, %parallel_loop3A_474], %parallel_loop3A_469 {strides = array<i32>} : memref<32x768xf32, #tpu.memory_space<vmem>>, vector<16xf32>,
        %parallel_loop3A_476 = arith.mulf %parallel_loop3A_378, %parallel_loop3A_112 : vector<32xbf16>
        %parallel_loop3A_477 = arith.mulf %parallel_loop3A_382, %parallel_loop3A_113 : vector<32xbf16>
        %parallel_loop3A_478 = arith.addf %parallel_loop3A_476, %parallel_loop3A_477 : vector<32xbf16>
        %parallel_loop3A_479 = arith.mulf %parallel_loop3A_386, %parallel_loop3A_114 : vector<32xbf16>
        %parallel_loop3A_480 = arith.addf %parallel_loop3A_478, %parallel_loop3A_479 : vector<32xbf16>
        %parallel_loop3A_481 = tpu.unpack_subelements %parallel_loop3A_480, 0 {pack_format = #tpu.pack_format<interleaved>} : vector<32xbf16> -> vector<16xf32>
        %parallel_loop3A_482 = tpu.unpack_subelements %parallel_loop3A_480, 1 {pack_format = #tpu.pack_format<interleaved>} : vector<32xbf16> -> vector<16xf32>
        %parallel_loop3A_483 = arith.index_cast %parallel_loop3A_98 : i32 to index
        %parallel_loop3A_484 = arith.constant 416 : index
        %parallel_loop3A_485 = tpu.vector_load %arg10[%parallel_loop3A_483, %parallel_loop3A_484] {strides = array<i32>} : memref<32x768xf32, #tpu.memory_space<vmem>>, vector<16xf32>,
        tpu.vector_store %arg10[%parallel_loop3A_483, %parallel_loop3A_484], %parallel_loop3A_481 {strides = array<i32>} : memref<32x768xf32, #tpu.memory_space<vmem>>, vector<16xf32>,
        %parallel_loop3A_486 = arith.index_cast %parallel_loop3A_98 : i32 to index
        %parallel_loop3A_487 = arith.constant 432 : index
        %parallel_loop3A_488 = tpu.vector_load %arg10[%parallel_loop3A_486, %parallel_loop3A_487] {strides = array<i32>} : memref<32x768xf32, #tpu.memory_space<vmem>>, vector<16xf32>,
        tpu.vector_store %arg10[%parallel_loop3A_486, %parallel_loop3A_487], %parallel_loop3A_482 {strides = array<i32>} : memref<32x768xf32, #tpu.memory_space<vmem>>, vector<16xf32>,
        %parallel_loop3A_489 = arith.mulf %parallel_loop3A_390, %parallel_loop3A_112 : vector<32xbf16>
        %parallel_loop3A_490 = arith.mulf %parallel_loop3A_394, %parallel_loop3A_113 : vector<32xbf16>
        %parallel_loop3A_491 = arith.addf %parallel_loop3A_489, %parallel_loop3A_490 : vector<32xbf16>
        %parallel_loop3A_492 = arith.mulf %parallel_loop3A_398, %parallel_loop3A_114 : vector<32xbf16>
        %parallel_loop3A_493 = arith.addf %parallel_loop3A_491, %parallel_loop3A_492 : vector<32xbf16>
        %parallel_loop3A_494 = tpu.unpack_subelements %parallel_loop3A_493, 0 {pack_format = #tpu.pack_format<interleaved>} : vector<32xbf16> -> vector<16xf32>
        %parallel_loop3A_495 = tpu.unpack_subelements %parallel_loop3A_493, 1 {pack_format = #tpu.pack_format<interleaved>} : vector<32xbf16> -> vector<16xf32>
        %parallel_loop3A_496 = arith.index_cast %parallel_loop3A_98 : i32 to index
        %parallel_loop3A_497 = arith.constant 448 : index
        %parallel_loop3A_498 = tpu.vector_load %arg10[%parallel_loop3A_496, %parallel_loop3A_497] {strides = array<i32>} : memref<32x768xf32, #tpu.memory_space<vmem>>, vector<16xf32>,
        tpu.vector_store %arg10[%parallel_loop3A_496, %parallel_loop3A_497], %parallel_loop3A_494 {strides = array<i32>} : memref<32x768xf32, #tpu.memory_space<vmem>>, vector<16xf32>,
        %parallel_loop3A_499 = arith.index_cast %parallel_loop3A_98 : i32 to index
        %parallel_loop3A_500 = arith.constant 464 : index
        %parallel_loop3A_501 = tpu.vector_load %arg10[%parallel_loop3A_499, %parallel_loop3A_500] {strides = array<i32>} : memref<32x768xf32, #tpu.memory_space<vmem>>, vector<16xf32>,
        tpu.vector_store %arg10[%parallel_loop3A_499, %parallel_loop3A_500], %parallel_loop3A_495 {strides = array<i32>} : memref<32x768xf32, #tpu.memory_space<vmem>>, vector<16xf32>,
        %parallel_loop3A_502 = arith.mulf %parallel_loop3A_402, %parallel_loop3A_112 : vector<32xbf16>
        %parallel_loop3A_503 = arith.mulf %parallel_loop3A_406, %parallel_loop3A_113 : vector<32xbf16>
        %parallel_loop3A_504 = arith.addf %parallel_loop3A_502, %parallel_loop3A_503 : vector<32xbf16>
        %parallel_loop3A_505 = arith.mulf %parallel_loop3A_410, %parallel_loop3A_114 : vector<32xbf16>
        %parallel_loop3A_506 = arith.addf %parallel_loop3A_504, %parallel_loop3A_505 : vector<32xbf16>
        %parallel_loop3A_507 = tpu.unpack_subelements %parallel_loop3A_506, 0 {pack_format = #tpu.pack_format<interleaved>} : vector<32xbf16> -> vector<16xf32>
        %parallel_loop3A_508 = tpu.unpack_subelements %parallel_loop3A_506, 1 {pack_format = #tpu.pack_format<interleaved>} : vector<32xbf16> -> vector<16xf32>
        %parallel_loop3A_509 = arith.index_cast %parallel_loop3A_98 : i32 to index
        %parallel_loop3A_510 = arith.constant 480 : index
        %parallel_loop3A_511 = tpu.vector_load %arg10[%parallel_loop3A_509, %parallel_loop3A_510] {strides = array<i32>} : memref<32x768xf32, #tpu.memory_space<vmem>>, vector<16xf32>,
        tpu.vector_store %arg10[%parallel_loop3A_509, %parallel_loop3A_510], %parallel_loop3A_507 {strides = array<i32>} : memref<32x768xf32, #tpu.memory_space<vmem>>, vector<16xf32>,
        %parallel_loop3A_512 = arith.index_cast %parallel_loop3A_98 : i32 to index
        %parallel_loop3A_513 = arith.constant 496 : index
        %parallel_loop3A_514 = tpu.vector_load %arg10[%parallel_loop3A_512, %parallel_loop3A_513] {strides = array<i32>} : memref<32x768xf32, #tpu.memory_space<vmem>>, vector<16xf32>,
        tpu.vector_store %arg10[%parallel_loop3A_512, %parallel_loop3A_513], %parallel_loop3A_508 {strides = array<i32>} : memref<32x768xf32, #tpu.memory_space<vmem>>, vector<16xf32>,
        %parallel_loop3A_515 = arith.index_cast %parallel_loop3A_98 : i32 to index
        %parallel_loop3A_516 = arith.constant 256 : index
        %parallel_loop3A_517 = tpu.vector_load %arg8[%parallel_loop3A_515, %parallel_loop3A_516] {strides = array<i32>} : memref<32x1152xi32, #tpu.memory_space<vmem>>, vector<16xi32>,
        %parallel_loop3A_518 = vector.bitcast %parallel_loop3A_517 : vector<16xi32> to vector<32xbf16>
        %parallel_loop3A_519 = arith.index_cast %parallel_loop3A_98 : i32 to index
        %parallel_loop3A_520 = arith.constant 640 : index
        %parallel_loop3A_521 = tpu.vector_load %arg8[%parallel_loop3A_519, %parallel_loop3A_520] {strides = array<i32>} : memref<32x1152xi32, #tpu.memory_space<vmem>>, vector<16xi32>,
        %parallel_loop3A_522 = vector.bitcast %parallel_loop3A_521 : vector<16xi32> to vector<32xbf16>
        %parallel_loop3A_523 = arith.index_cast %parallel_loop3A_98 : i32 to index
        %parallel_loop3A_524 = arith.constant 1024 : index
        %parallel_loop3A_525 = tpu.vector_load %arg8[%parallel_loop3A_523, %parallel_loop3A_524] {strides = array<i32>} : memref<32x1152xi32, #tpu.memory_space<vmem>>, vector<16xi32>,
        %parallel_loop3A_526 = vector.bitcast %parallel_loop3A_525 : vector<16xi32> to vector<32xbf16>
        %parallel_loop3A_527 = arith.index_cast %parallel_loop3A_98 : i32 to index
        %parallel_loop3A_528 = arith.constant 272 : index
        %parallel_loop3A_529 = tpu.vector_load %arg8[%parallel_loop3A_527, %parallel_loop3A_528] {strides = array<i32>} : memref<32x1152xi32, #tpu.memory_space<vmem>>, vector<16xi32>,
        %parallel_loop3A_530 = vector.bitcast %parallel_loop3A_529 : vector<16xi32> to vector<32xbf16>
        %parallel_loop3A_531 = arith.index_cast %parallel_loop3A_98 : i32 to index
        %parallel_loop3A_532 = arith.constant 656 : index
        %parallel_loop3A_533 = tpu.vector_load %arg8[%parallel_loop3A_531, %parallel_loop3A_532] {strides = array<i32>} : memref<32x1152xi32, #tpu.memory_space<vmem>>, vector<16xi32>,
        %parallel_loop3A_534 = vector.bitcast %parallel_loop3A_533 : vector<16xi32> to vector<32xbf16>
        %parallel_loop3A_535 = arith.index_cast %parallel_loop3A_98 : i32 to index
        %parallel_loop3A_536 = arith.constant 1040 : index
        %parallel_loop3A_537 = tpu.vector_load %arg8[%parallel_loop3A_535, %parallel_loop3A_536] {strides = array<i32>} : memref<32x1152xi32, #tpu.memory_space<vmem>>, vector<16xi32>,
        %parallel_loop3A_538 = vector.bitcast %parallel_loop3A_537 : vector<16xi32> to vector<32xbf16>
        %parallel_loop3A_539 = arith.index_cast %parallel_loop3A_98 : i32 to index
        %parallel_loop3A_540 = arith.constant 288 : index
        %parallel_loop3A_541 = tpu.vector_load %arg8[%parallel_loop3A_539, %parallel_loop3A_540] {strides = array<i32>} : memref<32x1152xi32, #tpu.memory_space<vmem>>, vector<16xi32>,
        %parallel_loop3A_542 = vector.bitcast %parallel_loop3A_541 : vector<16xi32> to vector<32xbf16>
        %parallel_loop3A_543 = arith.index_cast %parallel_loop3A_98 : i32 to index
        %parallel_loop3A_544 = arith.constant 672 : index
        %parallel_loop3A_545 = tpu.vector_load %arg8[%parallel_loop3A_543, %parallel_loop3A_544] {strides = array<i32>} : memref<32x1152xi32, #tpu.memory_space<vmem>>, vector<16xi32>,
        %parallel_loop3A_546 = vector.bitcast %parallel_loop3A_545 : vector<16xi32> to vector<32xbf16>
        %parallel_loop3A_547 = arith.index_cast %parallel_loop3A_98 : i32 to index
        %parallel_loop3A_548 = arith.constant 1056 : index
        %parallel_loop3A_549 = tpu.vector_load %arg8[%parallel_loop3A_547, %parallel_loop3A_548] {strides = array<i32>} : memref<32x1152xi32, #tpu.memory_space<vmem>>, vector<16xi32>,
        %parallel_loop3A_550 = vector.bitcast %parallel_loop3A_549 : vector<16xi32> to vector<32xbf16>
        %parallel_loop3A_551 = arith.index_cast %parallel_loop3A_98 : i32 to index
        %parallel_loop3A_552 = arith.constant 304 : index
        %parallel_loop3A_553 = tpu.vector_load %arg8[%parallel_loop3A_551, %parallel_loop3A_552] {strides = array<i32>} : memref<32x1152xi32, #tpu.memory_space<vmem>>, vector<16xi32>,
        %parallel_loop3A_554 = vector.bitcast %parallel_loop3A_553 : vector<16xi32> to vector<32xbf16>
        %parallel_loop3A_555 = arith.index_cast %parallel_loop3A_98 : i32 to index
        %parallel_loop3A_556 = arith.constant 688 : index
        %parallel_loop3A_557 = tpu.vector_load %arg8[%parallel_loop3A_555, %parallel_loop3A_556] {strides = array<i32>} : memref<32x1152xi32, #tpu.memory_space<vmem>>, vector<16xi32>,
        %parallel_loop3A_558 = vector.bitcast %parallel_loop3A_557 : vector<16xi32> to vector<32xbf16>
        %parallel_loop3A_559 = arith.index_cast %parallel_loop3A_98 : i32 to index
        %parallel_loop3A_560 = arith.constant 1072 : index
        %parallel_loop3A_561 = tpu.vector_load %arg8[%parallel_loop3A_559, %parallel_loop3A_560] {strides = array<i32>} : memref<32x1152xi32, #tpu.memory_space<vmem>>, vector<16xi32>,
        %parallel_loop3A_562 = vector.bitcast %parallel_loop3A_561 : vector<16xi32> to vector<32xbf16>
        %parallel_loop3A_563 = arith.index_cast %parallel_loop3A_98 : i32 to index
        %parallel_loop3A_564 = arith.constant 320 : index
        %parallel_loop3A_565 = tpu.vector_load %arg8[%parallel_loop3A_563, %parallel_loop3A_564] {strides = array<i32>} : memref<32x1152xi32, #tpu.memory_space<vmem>>, vector<16xi32>,
        %parallel_loop3A_566 = vector.bitcast %parallel_loop3A_565 : vector<16xi32> to vector<32xbf16>
        %parallel_loop3A_567 = arith.index_cast %parallel_loop3A_98 : i32 to index
        %parallel_loop3A_568 = arith.constant 704 : index
        %parallel_loop3A_569 = tpu.vector_load %arg8[%parallel_loop3A_567, %parallel_loop3A_568] {strides = array<i32>} : memref<32x1152xi32, #tpu.memory_space<vmem>>, vector<16xi32>,
        %parallel_loop3A_570 = vector.bitcast %parallel_loop3A_569 : vector<16xi32> to vector<32xbf16>
        %parallel_loop3A_571 = arith.index_cast %parallel_loop3A_98 : i32 to index
        %parallel_loop3A_572 = arith.constant 1088 : index
        %parallel_loop3A_573 = tpu.vector_load %arg8[%parallel_loop3A_571, %parallel_loop3A_572] {strides = array<i32>} : memref<32x1152xi32, #tpu.memory_space<vmem>>, vector<16xi32>,
        %parallel_loop3A_574 = vector.bitcast %parallel_loop3A_573 : vector<16xi32> to vector<32xbf16>
        %parallel_loop3A_575 = arith.index_cast %parallel_loop3A_98 : i32 to index
        %parallel_loop3A_576 = arith.constant 336 : index
        %parallel_loop3A_577 = tpu.vector_load %arg8[%parallel_loop3A_575, %parallel_loop3A_576] {strides = array<i32>} : memref<32x1152xi32, #tpu.memory_space<vmem>>, vector<16xi32>,
        %parallel_loop3A_578 = vector.bitcast %parallel_loop3A_577 : vector<16xi32> to vector<32xbf16>
        %parallel_loop3A_579 = arith.index_cast %parallel_loop3A_98 : i32 to index
        %parallel_loop3A_580 = arith.constant 720 : index
        %parallel_loop3A_581 = tpu.vector_load %arg8[%parallel_loop3A_579, %parallel_loop3A_580] {strides = array<i32>} : memref<32x1152xi32, #tpu.memory_space<vmem>>, vector<16xi32>,
        %parallel_loop3A_582 = vector.bitcast %parallel_loop3A_581 : vector<16xi32> to vector<32xbf16>
        %parallel_loop3A_583 = arith.index_cast %parallel_loop3A_98 : i32 to index
        %parallel_loop3A_584 = arith.constant 1104 : index
        %parallel_loop3A_585 = tpu.vector_load %arg8[%parallel_loop3A_583, %parallel_loop3A_584] {strides = array<i32>} : memref<32x1152xi32, #tpu.memory_space<vmem>>, vector<16xi32>,
        %parallel_loop3A_586 = vector.bitcast %parallel_loop3A_585 : vector<16xi32> to vector<32xbf16>
        %parallel_loop3A_587 = arith.index_cast %parallel_loop3A_98 : i32 to index
        %parallel_loop3A_588 = arith.constant 352 : index
        %parallel_loop3A_589 = tpu.vector_load %arg8[%parallel_loop3A_587, %parallel_loop3A_588] {strides = array<i32>} : memref<32x1152xi32, #tpu.memory_space<vmem>>, vector<16xi32>,
        %parallel_loop3A_590 = vector.bitcast %parallel_loop3A_589 : vector<16xi32> to vector<32xbf16>
        %parallel_loop3A_591 = arith.index_cast %parallel_loop3A_98 : i32 to index
        %parallel_loop3A_592 = arith.constant 736 : index
        %parallel_loop3A_593 = tpu.vector_load %arg8[%parallel_loop3A_591, %parallel_loop3A_592] {strides = array<i32>} : memref<32x1152xi32, #tpu.memory_space<vmem>>, vector<16xi32>,
        %parallel_loop3A_594 = vector.bitcast %parallel_loop3A_593 : vector<16xi32> to vector<32xbf16>
        %parallel_loop3A_595 = arith.index_cast %parallel_loop3A_98 : i32 to index
        %parallel_loop3A_596 = arith.constant 1120 : index
        %parallel_loop3A_597 = tpu.vector_load %arg8[%parallel_loop3A_595, %parallel_loop3A_596] {strides = array<i32>} : memref<32x1152xi32, #tpu.memory_space<vmem>>, vector<16xi32>,
        %parallel_loop3A_598 = vector.bitcast %parallel_loop3A_597 : vector<16xi32> to vector<32xbf16>
        %parallel_loop3A_599 = arith.index_cast %parallel_loop3A_98 : i32 to index
        %parallel_loop3A_600 = arith.constant 368 : index
        %parallel_loop3A_601 = tpu.vector_load %arg8[%parallel_loop3A_599, %parallel_loop3A_600] {strides = array<i32>} : memref<32x1152xi32, #tpu.memory_space<vmem>>, vector<16xi32>,
        %parallel_loop3A_602 = vector.bitcast %parallel_loop3A_601 : vector<16xi32> to vector<32xbf16>
        %parallel_loop3A_603 = arith.index_cast %parallel_loop3A_98 : i32 to index
        %parallel_loop3A_604 = arith.constant 752 : index
        %parallel_loop3A_605 = tpu.vector_load %arg8[%parallel_loop3A_603, %parallel_loop3A_604] {strides = array<i32>} : memref<32x1152xi32, #tpu.memory_space<vmem>>, vector<16xi32>,
        %parallel_loop3A_606 = vector.bitcast %parallel_loop3A_605 : vector<16xi32> to vector<32xbf16>
        %parallel_loop3A_607 = arith.index_cast %parallel_loop3A_98 : i32 to index
        %parallel_loop3A_608 = arith.constant 1136 : index
        %parallel_loop3A_609 = tpu.vector_load %arg8[%parallel_loop3A_607, %parallel_loop3A_608] {strides = array<i32>} : memref<32x1152xi32, #tpu.memory_space<vmem>>, vector<16xi32>,
        %parallel_loop3A_610 = vector.bitcast %parallel_loop3A_609 : vector<16xi32> to vector<32xbf16>
        %parallel_loop3A_611 = arith.mulf %parallel_loop3A_518, %parallel_loop3A_112 : vector<32xbf16>
        %parallel_loop3A_612 = arith.mulf %parallel_loop3A_522, %parallel_loop3A_113 : vector<32xbf16>
        %parallel_loop3A_613 = arith.addf %parallel_loop3A_611, %parallel_loop3A_612 : vector<32xbf16>
        %parallel_loop3A_614 = arith.mulf %parallel_loop3A_526, %parallel_loop3A_114 : vector<32xbf16>
        %parallel_loop3A_615 = arith.addf %parallel_loop3A_613, %parallel_loop3A_614 : vector<32xbf16>
        %parallel_loop3A_616 = tpu.unpack_subelements %parallel_loop3A_615, 0 {pack_format = #tpu.pack_format<interleaved>} : vector<32xbf16> -> vector<16xf32>
        %parallel_loop3A_617 = tpu.unpack_subelements %parallel_loop3A_615, 1 {pack_format = #tpu.pack_format<interleaved>} : vector<32xbf16> -> vector<16xf32>
        %parallel_loop3A_618 = arith.index_cast %parallel_loop3A_98 : i32 to index
        %parallel_loop3A_619 = arith.constant 512 : index
        %parallel_loop3A_620 = tpu.vector_load %arg10[%parallel_loop3A_618, %parallel_loop3A_619] {strides = array<i32>} : memref<32x768xf32, #tpu.memory_space<vmem>>, vector<16xf32>,
        tpu.vector_store %arg10[%parallel_loop3A_618, %parallel_loop3A_619], %parallel_loop3A_616 {strides = array<i32>} : memref<32x768xf32, #tpu.memory_space<vmem>>, vector<16xf32>,
        %parallel_loop3A_621 = arith.index_cast %parallel_loop3A_98 : i32 to index
        %parallel_loop3A_622 = arith.constant 528 : index
        %parallel_loop3A_623 = tpu.vector_load %arg10[%parallel_loop3A_621, %parallel_loop3A_622] {strides = array<i32>} : memref<32x768xf32, #tpu.memory_space<vmem>>, vector<16xf32>,
        tpu.vector_store %arg10[%parallel_loop3A_621, %parallel_loop3A_622], %parallel_loop3A_617 {strides = array<i32>} : memref<32x768xf32, #tpu.memory_space<vmem>>, vector<16xf32>,
        %parallel_loop3A_624 = arith.mulf %parallel_loop3A_530, %parallel_loop3A_112 : vector<32xbf16>
        %parallel_loop3A_625 = arith.mulf %parallel_loop3A_534, %parallel_loop3A_113 : vector<32xbf16>
        %parallel_loop3A_626 = arith.addf %parallel_loop3A_624, %parallel_loop3A_625 : vector<32xbf16>
        %parallel_loop3A_627 = arith.mulf %parallel_loop3A_538, %parallel_loop3A_114 : vector<32xbf16>
        %parallel_loop3A_628 = arith.addf %parallel_loop3A_626, %parallel_loop3A_627 : vector<32xbf16>
        %parallel_loop3A_629 = tpu.unpack_subelements %parallel_loop3A_628, 0 {pack_format = #tpu.pack_format<interleaved>} : vector<32xbf16> -> vector<16xf32>
        %parallel_loop3A_630 = tpu.unpack_subelements %parallel_loop3A_628, 1 {pack_format = #tpu.pack_format<interleaved>} : vector<32xbf16> -> vector<16xf32>
        %parallel_loop3A_631 = arith.index_cast %parallel_loop3A_98 : i32 to index
        %parallel_loop3A_632 = arith.constant 544 : index
        %parallel_loop3A_633 = tpu.vector_load %arg10[%parallel_loop3A_631, %parallel_loop3A_632] {strides = array<i32>} : memref<32x768xf32, #tpu.memory_space<vmem>>, vector<16xf32>,
        tpu.vector_store %arg10[%parallel_loop3A_631, %parallel_loop3A_632], %parallel_loop3A_629 {strides = array<i32>} : memref<32x768xf32, #tpu.memory_space<vmem>>, vector<16xf32>,
        %parallel_loop3A_634 = arith.index_cast %parallel_loop3A_98 : i32 to index
        %parallel_loop3A_635 = arith.constant 560 : index
        %parallel_loop3A_636 = tpu.vector_load %arg10[%parallel_loop3A_634, %parallel_loop3A_635] {strides = array<i32>} : memref<32x768xf32, #tpu.memory_space<vmem>>, vector<16xf32>,
        tpu.vector_store %arg10[%parallel_loop3A_634, %parallel_loop3A_635], %parallel_loop3A_630 {strides = array<i32>} : memref<32x768xf32, #tpu.memory_space<vmem>>, vector<16xf32>,
        %parallel_loop3A_637 = arith.mulf %parallel_loop3A_542, %parallel_loop3A_112 : vector<32xbf16>
        %parallel_loop3A_638 = arith.mulf %parallel_loop3A_546, %parallel_loop3A_113 : vector<32xbf16>
        %parallel_loop3A_639 = arith.addf %parallel_loop3A_637, %parallel_loop3A_638 : vector<32xbf16>
        %parallel_loop3A_640 = arith.mulf %parallel_loop3A_550, %parallel_loop3A_114 : vector<32xbf16>
        %parallel_loop3A_641 = arith.addf %parallel_loop3A_639, %parallel_loop3A_640 : vector<32xbf16>
        %parallel_loop3A_642 = tpu.unpack_subelements %parallel_loop3A_641, 0 {pack_format = #tpu.pack_format<interleaved>} : vector<32xbf16> -> vector<16xf32>
        %parallel_loop3A_643 = tpu.unpack_subelements %parallel_loop3A_641, 1 {pack_format = #tpu.pack_format<interleaved>} : vector<32xbf16> -> vector<16xf32>
        %parallel_loop3A_644 = arith.index_cast %parallel_loop3A_98 : i32 to index
        %parallel_loop3A_645 = arith.constant 576 : index
        %parallel_loop3A_646 = tpu.vector_load %arg10[%parallel_loop3A_644, %parallel_loop3A_645] {strides = array<i32>} : memref<32x768xf32, #tpu.memory_space<vmem>>, vector<16xf32>,
        tpu.vector_store %arg10[%parallel_loop3A_644, %parallel_loop3A_645], %parallel_loop3A_642 {strides = array<i32>} : memref<32x768xf32, #tpu.memory_space<vmem>>, vector<16xf32>,
        %parallel_loop3A_647 = arith.index_cast %parallel_loop3A_98 : i32 to index
        %parallel_loop3A_648 = arith.constant 592 : index
        %parallel_loop3A_649 = tpu.vector_load %arg10[%parallel_loop3A_647, %parallel_loop3A_648] {strides = array<i32>} : memref<32x768xf32, #tpu.memory_space<vmem>>, vector<16xf32>,
        tpu.vector_store %arg10[%parallel_loop3A_647, %parallel_loop3A_648], %parallel_loop3A_643 {strides = array<i32>} : memref<32x768xf32, #tpu.memory_space<vmem>>, vector<16xf32>,
        %parallel_loop3A_650 = arith.mulf %parallel_loop3A_554, %parallel_loop3A_112 : vector<32xbf16>
        %parallel_loop3A_651 = arith.mulf %parallel_loop3A_558, %parallel_loop3A_113 : vector<32xbf16>
        %parallel_loop3A_652 = arith.addf %parallel_loop3A_650, %parallel_loop3A_651 : vector<32xbf16>
        %parallel_loop3A_653 = arith.mulf %parallel_loop3A_562, %parallel_loop3A_114 : vector<32xbf16>
        %parallel_loop3A_654 = arith.addf %parallel_loop3A_652, %parallel_loop3A_653 : vector<32xbf16>
        %parallel_loop3A_655 = tpu.unpack_subelements %parallel_loop3A_654, 0 {pack_format = #tpu.pack_format<interleaved>} : vector<32xbf16> -> vector<16xf32>
        %parallel_loop3A_656 = tpu.unpack_subelements %parallel_loop3A_654, 1 {pack_format = #tpu.pack_format<interleaved>} : vector<32xbf16> -> vector<16xf32>
        %parallel_loop3A_657 = arith.index_cast %parallel_loop3A_98 : i32 to index
        %parallel_loop3A_658 = arith.constant 608 : index
        %parallel_loop3A_659 = tpu.vector_load %arg10[%parallel_loop3A_657, %parallel_loop3A_658] {strides = array<i32>} : memref<32x768xf32, #tpu.memory_space<vmem>>, vector<16xf32>,
        tpu.vector_store %arg10[%parallel_loop3A_657, %parallel_loop3A_658], %parallel_loop3A_655 {strides = array<i32>} : memref<32x768xf32, #tpu.memory_space<vmem>>, vector<16xf32>,
        %parallel_loop3A_660 = arith.index_cast %parallel_loop3A_98 : i32 to index
        %parallel_loop3A_661 = arith.constant 624 : index
        %parallel_loop3A_662 = tpu.vector_load %arg10[%parallel_loop3A_660, %parallel_loop3A_661] {strides = array<i32>} : memref<32x768xf32, #tpu.memory_space<vmem>>, vector<16xf32>,
        tpu.vector_store %arg10[%parallel_loop3A_660, %parallel_loop3A_661], %parallel_loop3A_656 {strides = array<i32>} : memref<32x768xf32, #tpu.memory_space<vmem>>, vector<16xf32>,
        %parallel_loop3A_663 = arith.mulf %parallel_loop3A_566, %parallel_loop3A_112 : vector<32xbf16>
        %parallel_loop3A_664 = arith.mulf %parallel_loop3A_570, %parallel_loop3A_113 : vector<32xbf16>
        %parallel_loop3A_665 = arith.addf %parallel_loop3A_663, %parallel_loop3A_664 : vector<32xbf16>
        %parallel_loop3A_666 = arith.mulf %parallel_loop3A_574, %parallel_loop3A_114 : vector<32xbf16>
        %parallel_loop3A_667 = arith.addf %parallel_loop3A_665, %parallel_loop3A_666 : vector<32xbf16>
        %parallel_loop3A_668 = tpu.unpack_subelements %parallel_loop3A_667, 0 {pack_format = #tpu.pack_format<interleaved>} : vector<32xbf16> -> vector<16xf32>
        %parallel_loop3A_669 = tpu.unpack_subelements %parallel_loop3A_667, 1 {pack_format = #tpu.pack_format<interleaved>} : vector<32xbf16> -> vector<16xf32>
        %parallel_loop3A_670 = arith.index_cast %parallel_loop3A_98 : i32 to index
        %parallel_loop3A_671 = arith.constant 640 : index
        %parallel_loop3A_672 = tpu.vector_load %arg10[%parallel_loop3A_670, %parallel_loop3A_671] {strides = array<i32>} : memref<32x768xf32, #tpu.memory_space<vmem>>, vector<16xf32>,
        tpu.vector_store %arg10[%parallel_loop3A_670, %parallel_loop3A_671], %parallel_loop3A_668 {strides = array<i32>} : memref<32x768xf32, #tpu.memory_space<vmem>>, vector<16xf32>,
        %parallel_loop3A_673 = arith.index_cast %parallel_loop3A_98 : i32 to index
        %parallel_loop3A_674 = arith.constant 656 : index
        %parallel_loop3A_675 = tpu.vector_load %arg10[%parallel_loop3A_673, %parallel_loop3A_674] {strides = array<i32>} : memref<32x768xf32, #tpu.memory_space<vmem>>, vector<16xf32>,
        tpu.vector_store %arg10[%parallel_loop3A_673, %parallel_loop3A_674], %parallel_loop3A_669 {strides = array<i32>} : memref<32x768xf32, #tpu.memory_space<vmem>>, vector<16xf32>,
        %parallel_loop3A_676 = arith.mulf %parallel_loop3A_578, %parallel_loop3A_112 : vector<32xbf16>
        %parallel_loop3A_677 = arith.mulf %parallel_loop3A_582, %parallel_loop3A_113 : vector<32xbf16>
        %parallel_loop3A_678 = arith.addf %parallel_loop3A_676, %parallel_loop3A_677 : vector<32xbf16>
        %parallel_loop3A_679 = arith.mulf %parallel_loop3A_586, %parallel_loop3A_114 : vector<32xbf16>
        %parallel_loop3A_680 = arith.addf %parallel_loop3A_678, %parallel_loop3A_679 : vector<32xbf16>
        %parallel_loop3A_681 = tpu.unpack_subelements %parallel_loop3A_680, 0 {pack_format = #tpu.pack_format<interleaved>} : vector<32xbf16> -> vector<16xf32>
        %parallel_loop3A_682 = tpu.unpack_subelements %parallel_loop3A_680, 1 {pack_format = #tpu.pack_format<interleaved>} : vector<32xbf16> -> vector<16xf32>
        %parallel_loop3A_683 = arith.index_cast %parallel_loop3A_98 : i32 to index
        %parallel_loop3A_684 = arith.constant 672 : index
        %parallel_loop3A_685 = tpu.vector_load %arg10[%parallel_loop3A_683, %parallel_loop3A_684] {strides = array<i32>} : memref<32x768xf32, #tpu.memory_space<vmem>>, vector<16xf32>,
        tpu.vector_store %arg10[%parallel_loop3A_683, %parallel_loop3A_684], %parallel_loop3A_681 {strides = array<i32>} : memref<32x768xf32, #tpu.memory_space<vmem>>, vector<16xf32>,
        %parallel_loop3A_686 = arith.index_cast %parallel_loop3A_98 : i32 to index
        %parallel_loop3A_687 = arith.constant 688 : index
        %parallel_loop3A_688 = tpu.vector_load %arg10[%parallel_loop3A_686, %parallel_loop3A_687] {strides = array<i32>} : memref<32x768xf32, #tpu.memory_space<vmem>>, vector<16xf32>,
        tpu.vector_store %arg10[%parallel_loop3A_686, %parallel_loop3A_687], %parallel_loop3A_682 {strides = array<i32>} : memref<32x768xf32, #tpu.memory_space<vmem>>, vector<16xf32>,
        %parallel_loop3A_689 = arith.mulf %parallel_loop3A_590, %parallel_loop3A_112 : vector<32xbf16>
        %parallel_loop3A_690 = arith.mulf %parallel_loop3A_594, %parallel_loop3A_113 : vector<32xbf16>
        %parallel_loop3A_691 = arith.addf %parallel_loop3A_689, %parallel_loop3A_690 : vector<32xbf16>
        %parallel_loop3A_692 = arith.mulf %parallel_loop3A_598, %parallel_loop3A_114 : vector<32xbf16>
        %parallel_loop3A_693 = arith.addf %parallel_loop3A_691, %parallel_loop3A_692 : vector<32xbf16>
        %parallel_loop3A_694 = tpu.unpack_subelements %parallel_loop3A_693, 0 {pack_format = #tpu.pack_format<interleaved>} : vector<32xbf16> -> vector<16xf32>
        %parallel_loop3A_695 = tpu.unpack_subelements %parallel_loop3A_693, 1 {pack_format = #tpu.pack_format<interleaved>} : vector<32xbf16> -> vector<16xf32>
        %parallel_loop3A_696 = arith.index_cast %parallel_loop3A_98 : i32 to index
        %parallel_loop3A_697 = arith.constant 704 : index
        %parallel_loop3A_698 = tpu.vector_load %arg10[%parallel_loop3A_696, %parallel_loop3A_697] {strides = array<i32>} : memref<32x768xf32, #tpu.memory_space<vmem>>, vector<16xf32>,
        tpu.vector_store %arg10[%parallel_loop3A_696, %parallel_loop3A_697], %parallel_loop3A_694 {strides = array<i32>} : memref<32x768xf32, #tpu.memory_space<vmem>>, vector<16xf32>,
        %parallel_loop3A_699 = arith.index_cast %parallel_loop3A_98 : i32 to index
        %parallel_loop3A_700 = arith.constant 720 : index
        %parallel_loop3A_701 = tpu.vector_load %arg10[%parallel_loop3A_699, %parallel_loop3A_700] {strides = array<i32>} : memref<32x768xf32, #tpu.memory_space<vmem>>, vector<16xf32>,
        tpu.vector_store %arg10[%parallel_loop3A_699, %parallel_loop3A_700], %parallel_loop3A_695 {strides = array<i32>} : memref<32x768xf32, #tpu.memory_space<vmem>>, vector<16xf32>,
        %parallel_loop3A_702 = arith.mulf %parallel_loop3A_602, %parallel_loop3A_112 : vector<32xbf16>
        %parallel_loop3A_703 = arith.mulf %parallel_loop3A_606, %parallel_loop3A_113 : vector<32xbf16>
        %parallel_loop3A_704 = arith.addf %parallel_loop3A_702, %parallel_loop3A_703 : vector<32xbf16>
        %parallel_loop3A_705 = arith.mulf %parallel_loop3A_610, %parallel_loop3A_114 : vector<32xbf16>
        %parallel_loop3A_706 = arith.addf %parallel_loop3A_704, %parallel_loop3A_705 : vector<32xbf16>
        %parallel_loop3A_707 = tpu.unpack_subelements %parallel_loop3A_706, 0 {pack_format = #tpu.pack_format<interleaved>} : vector<32xbf16> -> vector<16xf32>
        %parallel_loop3A_708 = tpu.unpack_subelements %parallel_loop3A_706, 1 {pack_format = #tpu.pack_format<interleaved>} : vector<32xbf16> -> vector<16xf32>
        %parallel_loop3A_709 = arith.index_cast %parallel_loop3A_98 : i32 to index
        %parallel_loop3A_710 = arith.constant 736 : index
        %parallel_loop3A_711 = tpu.vector_load %arg10[%parallel_loop3A_709, %parallel_loop3A_710] {strides = array<i32>} : memref<32x768xf32, #tpu.memory_space<vmem>>, vector<16xf32>,
        tpu.vector_store %arg10[%parallel_loop3A_709, %parallel_loop3A_710], %parallel_loop3A_707 {strides = array<i32>} : memref<32x768xf32, #tpu.memory_space<vmem>>, vector<16xf32>,
        %parallel_loop3A_712 = arith.index_cast %parallel_loop3A_98 : i32 to index
        %parallel_loop3A_713 = arith.constant 752 : index
        %parallel_loop3A_714 = tpu.vector_load %arg10[%parallel_loop3A_712, %parallel_loop3A_713] {strides = array<i32>} : memref<32x768xf32, #tpu.memory_space<vmem>>, vector<16xf32>,
        tpu.vector_store %arg10[%parallel_loop3A_712, %parallel_loop3A_713], %parallel_loop3A_708 {strides = array<i32>} : memref<32x768xf32, #tpu.memory_space<vmem>>, vector<16xf32>,
      } {sc.loop_unroll_factor = 2 : i64, sc.parallel_access}
      %mul3A_53 = arith.constant 32 : i32
      %mul3A_54 = arith.muli %mul3A_32, %mul3A_53 : i32
      %add3A_55 = arith.addi %mul3A_2, %mul3A_54 : i32
      %dma_start3A_56 = arith.constant 0 : i32
      %dma_start3A_57 = tpu.memref_slice %arg5[%add3A_55, %dma_start3A_56] : memref<16384x768xf32, #tpu.memory_space<hbm>> -> memref<32x768xf32, #tpu.memory_space<hbm>>
      %dma_start3A_58 = arith.constant 0 : i32
      %dma_start3A_59 = tpu.memref_slice %arg5[%add3A_55, %dma_start3A_58] : memref<16384x768xf32, #tpu.memory_space<hbm>> -> memref<32x768xf32, #tpu.memory_space<hbm>>
      tpu.enqueue_dma source(%arg10 : memref<32x768xf32, #tpu.memory_space<vmem>>) target(%dma_start3A_59 : memref<32x768xf32, #tpu.memory_space<hbm>>) target_semaphore(%arg14 : memref<!tpu.dma_semaphore, #tpu.memory_space<semaphore_mem>>)
      %add3A_60 = arith.constant 1 : i32
      %add3A_61 = arith.addi %mul3A_32, %add3A_60 : i32
      %add3A_62 = arith.constant 2 : i32
      %add3A_63 = arith.addi %mul3A_32, %add3A_62 : i32
      %jit3A = arith.constant 16 : i32
      %eq3A = arith.constant 0 : i32
      %eq3A_64 = arith.cmpi eq, %jit3A, %eq3A : i32
      %jit3A_65 = arith.constant 1 : i32
      %select_n3A = arith.select %eq3A_64, %jit3A_65, %jit3A : i32
      %rem3A = arith.remsi %add3A_63, %select_n3A : i32
      %ne3A = arith.constant 0 : i32
      %ne3A_66 = arith.cmpi ne, %rem3A, %ne3A : i32
      %lt3A = arith.constant 0 : i32
      %lt3A_67 = arith.cmpi slt, %rem3A, %lt3A : i32
      %lt3A_68 = arith.constant 0 : i32
      %lt3A_69 = arith.cmpi slt, %select_n3A, %lt3A_68 : i32
      %ne3A_70 = arith.xori %lt3A_67, %lt3A_69 : i1
      %and3A = arith.andi %ne3A_70, %ne3A_66 : i1
      %add3A_71 = arith.addi %rem3A, %select_n3A : i32
      %select_n3A_72 = arith.select %and3A, %add3A_71, %rem3A : i32
      %mul3A_73 = arith.constant 32 : i32
      %mul3A_74 = arith.muli %add3A_61, %mul3A_73 : i32
      %dma_wait3A_75 = tpu.memref_slice %arg6[%mul3A_74] : memref<512xi32, #tpu.memory_space<vmem>> -> memref<32xi32, #tpu.memory_space<vmem>>
      %dma_wait3A_76 = arith.constant 0 : i32
      %dma_wait3A_77 = arith.constant 0 : i32
      %dma_wait3A_78 = tpu.memref_slice %arg2[%dma_wait3A_76, %dma_wait3A_77] : memref<1024x1152xi32, #tpu.memory_space<hbm>> -> memref<1024x1152xi32, #tpu.memory_space<hbm>>
      tpu.wait_indirect_dma semaphore(%arg13 : memref<!tpu.dma_semaphore, #tpu.memory_space<semaphore_mem>>) src(%dma_wait3A_78 : memref<1024x1152xi32, #tpu.memory_space<hbm>>) dst(%arg9 : memref<32x1152xi32, #tpu.memory_space<vmem>>)
      %mul3A_79 = arith.constant 32 : i32
      %mul3A_80 = arith.muli %select_n3A_72, %mul3A_79 : i32
      %dma_start3A_81 = tpu.memref_slice %arg6[%mul3A_80] : memref<512xi32, #tpu.memory_space<vmem>> -> memref<32xi32, #tpu.memory_space<vmem>>
      %dma_start3A_82 = arith.constant 0 : i32
      %dma_start3A_83 = arith.constant 0 : i32
      %dma_start3A_84 = tpu.memref_slice %arg2[%dma_start3A_82, %dma_start3A_83] : memref<1024x1152xi32, #tpu.memory_space<hbm>> -> memref<1024x1152xi32, #tpu.memory_space<hbm>>
      tpu.enqueue_indirect_dma source(%dma_start3A_84 : memref<1024x1152xi32, #tpu.memory_space<hbm>>) target(%arg8 : memref<32x1152xi32, #tpu.memory_space<vmem>>) offsets(%dma_start3A_81 : memref<32xi32, #tpu.memory_space<vmem>>) semaphore(%arg12 : memref<!tpu.dma_semaphore, #tpu.memory_space<semaphore_mem>>)
      %mul3A_85 = arith.constant 32 : i32
      %mul3A_86 = arith.muli %add3A_61, %mul3A_85 : i32
      %multiple_of3A_87 = tpu.assume_multiple %mul3A_86, 32 : i32
      %parallel_loop3A_88 = arith.constant 0 : i32
      %parallel_loop3A_89 = arith.constant 32 : i32
      %parallel_loop3A_90 = arith.constant 1 : i32
      scf.for %parallel_loop3A_98 = %parallel_loop3A_88 to %parallel_loop3A_89 step %parallel_loop3A_90  : i32 {
        %parallel_loop3A_99 = arith.addi %multiple_of3A_87, %parallel_loop3A_98 : i32
        %parallel_loop3A_100 = arith.constant 3 : i32
        %parallel_loop3A_101 = arith.muli %parallel_loop3A_100, %parallel_loop3A_99 : i32
        %parallel_loop3A_102 = vector.broadcast %parallel_loop3A_101 : i32 to vector<16xi32>
        %parallel_loop3A_103 = tpu.vector_load_idx %arg7[%parallel_loop3A_102] : memref<1536xf32, #tpu.memory_space<vmem>>[vector<16xi32>], vector<16xf32>,
        %parallel_loop3A_104 = arith.constant 1 : i32
        %parallel_loop3A_105 = vector.broadcast %parallel_loop3A_104 : i32 to vector<16xi32>
        %parallel_loop3A_106 = arith.addi %parallel_loop3A_102, %parallel_loop3A_105 : vector<16xi32>
        %parallel_loop3A_107 = tpu.vector_load_idx %arg7[%parallel_loop3A_106] : memref<1536xf32, #tpu.memory_space<vmem>>[vector<16xi32>], vector<16xf32>,
        %parallel_loop3A_108 = arith.constant 2 : i32
        %parallel_loop3A_109 = vector.broadcast %parallel_loop3A_108 : i32 to vector<16xi32>
        %parallel_loop3A_110 = arith.addi %parallel_loop3A_102, %parallel_loop3A_109 : vector<16xi32>
        %parallel_loop3A_111 = tpu.vector_load_idx %arg7[%parallel_loop3A_110] : memref<1536xf32, #tpu.memory_space<vmem>>[vector<16xi32>], vector<16xf32>,
        %parallel_loop3A_112 = tpu.pack_subelements %parallel_loop3A_103, %parallel_loop3A_103 {pack_format = #tpu.pack_format<interleaved>, positions = array<i32: 0, 1>} : vector<16xf32>, vector<16xf32> -> vector<32xbf16>
        %parallel_loop3A_113 = tpu.pack_subelements %parallel_loop3A_107, %parallel_loop3A_107 {pack_format = #tpu.pack_format<interleaved>, positions = array<i32: 0, 1>} : vector<16xf32>, vector<16xf32> -> vector<32xbf16>
        %parallel_loop3A_114 = tpu.pack_subelements %parallel_loop3A_111, %parallel_loop3A_111 {pack_format = #tpu.pack_format<interleaved>, positions = array<i32: 0, 1>} : vector<16xf32>, vector<16xf32> -> vector<32xbf16>
        %parallel_loop3A_115 = arith.index_cast %parallel_loop3A_98 : i32 to index
        %parallel_loop3A_116 = arith.constant 0 : index
        %parallel_loop3A_117 = tpu.vector_load %arg9[%parallel_loop3A_115, %parallel_loop3A_116] {strides = array<i32>} : memref<32x1152xi32, #tpu.memory_space<vmem>>, vector<16xi32>,
        %parallel_loop3A_118 = vector.bitcast %parallel_loop3A_117 : vector<16xi32> to vector<32xbf16>
        %parallel_loop3A_119 = arith.index_cast %parallel_loop3A_98 : i32 to index
        %parallel_loop3A_120 = arith.constant 384 : index
        %parallel_loop3A_121 = tpu.vector_load %arg9[%parallel_loop3A_119, %parallel_loop3A_120] {strides = array<i32>} : memref<32x1152xi32, #tpu.memory_space<vmem>>, vector<16xi32>,
        %parallel_loop3A_122 = vector.bitcast %parallel_loop3A_121 : vector<16xi32> to vector<32xbf16>
        %parallel_loop3A_123 = arith.index_cast %parallel_loop3A_98 : i32 to index
        %parallel_loop3A_124 = arith.constant 768 : index
        %parallel_loop3A_125 = tpu.vector_load %arg9[%parallel_loop3A_123, %parallel_loop3A_124] {strides = array<i32>} : memref<32x1152xi32, #tpu.memory_space<vmem>>, vector<16xi32>,
        %parallel_loop3A_126 = vector.bitcast %parallel_loop3A_125 : vector<16xi32> to vector<32xbf16>
        %parallel_loop3A_127 = arith.index_cast %parallel_loop3A_98 : i32 to index
        %parallel_loop3A_128 = arith.constant 16 : index
        %parallel_loop3A_129 = tpu.vector_load %arg9[%parallel_loop3A_127, %parallel_loop3A_128] {strides = array<i32>} : memref<32x1152xi32, #tpu.memory_space<vmem>>, vector<16xi32>,
        %parallel_loop3A_130 = vector.bitcast %parallel_loop3A_129 : vector<16xi32> to vector<32xbf16>
        %parallel_loop3A_131 = arith.index_cast %parallel_loop3A_98 : i32 to index
        %parallel_loop3A_132 = arith.constant 400 : index
        %parallel_loop3A_133 = tpu.vector_load %arg9[%parallel_loop3A_131, %parallel_loop3A_132] {strides = array<i32>} : memref<32x1152xi32, #tpu.memory_space<vmem>>, vector<16xi32>,
        %parallel_loop3A_134 = vector.bitcast %parallel_loop3A_133 : vector<16xi32> to vector<32xbf16>
        %parallel_loop3A_135 = arith.index_cast %parallel_loop3A_98 : i32 to index
        %parallel_loop3A_136 = arith.constant 784 : index
        %parallel_loop3A_137 = tpu.vector_load %arg9[%parallel_loop3A_135, %parallel_loop3A_136] {strides = array<i32>} : memref<32x1152xi32, #tpu.memory_space<vmem>>, vector<16xi32>,
        %parallel_loop3A_138 = vector.bitcast %parallel_loop3A_137 : vector<16xi32> to vector<32xbf16>
        %parallel_loop3A_139 = arith.index_cast %parallel_loop3A_98 : i32 to index
        %parallel_loop3A_140 = arith.constant 32 : index
        %parallel_loop3A_141 = tpu.vector_load %arg9[%parallel_loop3A_139, %parallel_loop3A_140] {strides = array<i32>} : memref<32x1152xi32, #tpu.memory_space<vmem>>, vector<16xi32>,
        %parallel_loop3A_142 = vector.bitcast %parallel_loop3A_141 : vector<16xi32> to vector<32xbf16>
        %parallel_loop3A_143 = arith.index_cast %parallel_loop3A_98 : i32 to index
        %parallel_loop3A_144 = arith.constant 416 : index
        %parallel_loop3A_145 = tpu.vector_load %arg9[%parallel_loop3A_143, %parallel_loop3A_144] {strides = array<i32>} : memref<32x1152xi32, #tpu.memory_space<vmem>>, vector<16xi32>,
        %parallel_loop3A_146 = vector.bitcast %parallel_loop3A_145 : vector<16xi32> to vector<32xbf16>
        %parallel_loop3A_147 = arith.index_cast %parallel_loop3A_98 : i32 to index
        %parallel_loop3A_148 = arith.constant 800 : index
        %parallel_loop3A_149 = tpu.vector_load %arg9[%parallel_loop3A_147, %parallel_loop3A_148] {strides = array<i32>} : memref<32x1152xi32, #tpu.memory_space<vmem>>, vector<16xi32>,
        %parallel_loop3A_150 = vector.bitcast %parallel_loop3A_149 : vector<16xi32> to vector<32xbf16>
        %parallel_loop3A_151 = arith.index_cast %parallel_loop3A_98 : i32 to index
        %parallel_loop3A_152 = arith.constant 48 : index
        %parallel_loop3A_153 = tpu.vector_load %arg9[%parallel_loop3A_151, %parallel_loop3A_152] {strides = array<i32>} : memref<32x1152xi32, #tpu.memory_space<vmem>>, vector<16xi32>,
        %parallel_loop3A_154 = vector.bitcast %parallel_loop3A_153 : vector<16xi32> to vector<32xbf16>
        %parallel_loop3A_155 = arith.index_cast %parallel_loop3A_98 : i32 to index
        %parallel_loop3A_156 = arith.constant 432 : index
        %parallel_loop3A_157 = tpu.vector_load %arg9[%parallel_loop3A_155, %parallel_loop3A_156] {strides = array<i32>} : memref<32x1152xi32, #tpu.memory_space<vmem>>, vector<16xi32>,
        %parallel_loop3A_158 = vector.bitcast %parallel_loop3A_157 : vector<16xi32> to vector<32xbf16>
        %parallel_loop3A_159 = arith.index_cast %parallel_loop3A_98 : i32 to index
        %parallel_loop3A_160 = arith.constant 816 : index
        %parallel_loop3A_161 = tpu.vector_load %arg9[%parallel_loop3A_159, %parallel_loop3A_160] {strides = array<i32>} : memref<32x1152xi32, #tpu.memory_space<vmem>>, vector<16xi32>,
        %parallel_loop3A_162 = vector.bitcast %parallel_loop3A_161 : vector<16xi32> to vector<32xbf16>
        %parallel_loop3A_163 = arith.index_cast %parallel_loop3A_98 : i32 to index
        %parallel_loop3A_164 = arith.constant 64 : index
        %parallel_loop3A_165 = tpu.vector_load %arg9[%parallel_loop3A_163, %parallel_loop3A_164] {strides = array<i32>} : memref<32x1152xi32, #tpu.memory_space<vmem>>, vector<16xi32>,
        %parallel_loop3A_166 = vector.bitcast %parallel_loop3A_165 : vector<16xi32> to vector<32xbf16>
        %parallel_loop3A_167 = arith.index_cast %parallel_loop3A_98 : i32 to index
        %parallel_loop3A_168 = arith.constant 448 : index
        %parallel_loop3A_169 = tpu.vector_load %arg9[%parallel_loop3A_167, %parallel_loop3A_168] {strides = array<i32>} : memref<32x1152xi32, #tpu.memory_space<vmem>>, vector<16xi32>,
        %parallel_loop3A_170 = vector.bitcast %parallel_loop3A_169 : vector<16xi32> to vector<32xbf16>
        %parallel_loop3A_171 = arith.index_cast %parallel_loop3A_98 : i32 to index
        %parallel_loop3A_172 = arith.constant 832 : index
        %parallel_loop3A_173 = tpu.vector_load %arg9[%parallel_loop3A_171, %parallel_loop3A_172] {strides = array<i32>} : memref<32x1152xi32, #tpu.memory_space<vmem>>, vector<16xi32>,
        %parallel_loop3A_174 = vector.bitcast %parallel_loop3A_173 : vector<16xi32> to vector<32xbf16>
        %parallel_loop3A_175 = arith.index_cast %parallel_loop3A_98 : i32 to index
        %parallel_loop3A_176 = arith.constant 80 : index
        %parallel_loop3A_177 = tpu.vector_load %arg9[%parallel_loop3A_175, %parallel_loop3A_176] {strides = array<i32>} : memref<32x1152xi32, #tpu.memory_space<vmem>>, vector<16xi32>,
        %parallel_loop3A_178 = vector.bitcast %parallel_loop3A_177 : vector<16xi32> to vector<32xbf16>
        %parallel_loop3A_179 = arith.index_cast %parallel_loop3A_98 : i32 to index
        %parallel_loop3A_180 = arith.constant 464 : index
        %parallel_loop3A_181 = tpu.vector_load %arg9[%parallel_loop3A_179, %parallel_loop3A_180] {strides = array<i32>} : memref<32x1152xi32, #tpu.memory_space<vmem>>, vector<16xi32>,
        %parallel_loop3A_182 = vector.bitcast %parallel_loop3A_181 : vector<16xi32> to vector<32xbf16>
        %parallel_loop3A_183 = arith.index_cast %parallel_loop3A_98 : i32 to index
        %parallel_loop3A_184 = arith.constant 848 : index
        %parallel_loop3A_185 = tpu.vector_load %arg9[%parallel_loop3A_183, %parallel_loop3A_184] {strides = array<i32>} : memref<32x1152xi32, #tpu.memory_space<vmem>>, vector<16xi32>,
        %parallel_loop3A_186 = vector.bitcast %parallel_loop3A_185 : vector<16xi32> to vector<32xbf16>
        %parallel_loop3A_187 = arith.index_cast %parallel_loop3A_98 : i32 to index
        %parallel_loop3A_188 = arith.constant 96 : index
        %parallel_loop3A_189 = tpu.vector_load %arg9[%parallel_loop3A_187, %parallel_loop3A_188] {strides = array<i32>} : memref<32x1152xi32, #tpu.memory_space<vmem>>, vector<16xi32>,
        %parallel_loop3A_190 = vector.bitcast %parallel_loop3A_189 : vector<16xi32> to vector<32xbf16>
        %parallel_loop3A_191 = arith.index_cast %parallel_loop3A_98 : i32 to index
        %parallel_loop3A_192 = arith.constant 480 : index
        %parallel_loop3A_193 = tpu.vector_load %arg9[%parallel_loop3A_191, %parallel_loop3A_192] {strides = array<i32>} : memref<32x1152xi32, #tpu.memory_space<vmem>>, vector<16xi32>,
        %parallel_loop3A_194 = vector.bitcast %parallel_loop3A_193 : vector<16xi32> to vector<32xbf16>
        %parallel_loop3A_195 = arith.index_cast %parallel_loop3A_98 : i32 to index
        %parallel_loop3A_196 = arith.constant 864 : index
        %parallel_loop3A_197 = tpu.vector_load %arg9[%parallel_loop3A_195, %parallel_loop3A_196] {strides = array<i32>} : memref<32x1152xi32, #tpu.memory_space<vmem>>, vector<16xi32>,
        %parallel_loop3A_198 = vector.bitcast %parallel_loop3A_197 : vector<16xi32> to vector<32xbf16>
        %parallel_loop3A_199 = arith.index_cast %parallel_loop3A_98 : i32 to index
        %parallel_loop3A_200 = arith.constant 112 : index
        %parallel_loop3A_201 = tpu.vector_load %arg9[%parallel_loop3A_199, %parallel_loop3A_200] {strides = array<i32>} : memref<32x1152xi32, #tpu.memory_space<vmem>>, vector<16xi32>,
        %parallel_loop3A_202 = vector.bitcast %parallel_loop3A_201 : vector<16xi32> to vector<32xbf16>
        %parallel_loop3A_203 = arith.index_cast %parallel_loop3A_98 : i32 to index
        %parallel_loop3A_204 = arith.constant 496 : index
        %parallel_loop3A_205 = tpu.vector_load %arg9[%parallel_loop3A_203, %parallel_loop3A_204] {strides = array<i32>} : memref<32x1152xi32, #tpu.memory_space<vmem>>, vector<16xi32>,
        %parallel_loop3A_206 = vector.bitcast %parallel_loop3A_205 : vector<16xi32> to vector<32xbf16>
        %parallel_loop3A_207 = arith.index_cast %parallel_loop3A_98 : i32 to index
        %parallel_loop3A_208 = arith.constant 880 : index
        %parallel_loop3A_209 = tpu.vector_load %arg9[%parallel_loop3A_207, %parallel_loop3A_208] {strides = array<i32>} : memref<32x1152xi32, #tpu.memory_space<vmem>>, vector<16xi32>,
        %parallel_loop3A_210 = vector.bitcast %parallel_loop3A_209 : vector<16xi32> to vector<32xbf16>
        %parallel_loop3A_211 = arith.mulf %parallel_loop3A_118, %parallel_loop3A_112 : vector<32xbf16>
        %parallel_loop3A_212 = arith.mulf %parallel_loop3A_122, %parallel_loop3A_113 : vector<32xbf16>
        %parallel_loop3A_213 = arith.addf %parallel_loop3A_211, %parallel_loop3A_212 : vector<32xbf16>
        %parallel_loop3A_214 = arith.mulf %parallel_loop3A_126, %parallel_loop3A_114 : vector<32xbf16>
        %parallel_loop3A_215 = arith.addf %parallel_loop3A_213, %parallel_loop3A_214 : vector<32xbf16>
        %parallel_loop3A_216 = tpu.unpack_subelements %parallel_loop3A_215, 0 {pack_format = #tpu.pack_format<interleaved>} : vector<32xbf16> -> vector<16xf32>
        %parallel_loop3A_217 = tpu.unpack_subelements %parallel_loop3A_215, 1 {pack_format = #tpu.pack_format<interleaved>} : vector<32xbf16> -> vector<16xf32>
        %parallel_loop3A_218 = arith.index_cast %parallel_loop3A_98 : i32 to index
        %parallel_loop3A_219 = arith.constant 0 : index
        %parallel_loop3A_220 = tpu.vector_load %arg11[%parallel_loop3A_218, %parallel_loop3A_219] {strides = array<i32>} : memref<32x768xf32, #tpu.memory_space<vmem>>, vector<16xf32>,
        tpu.vector_store %arg11[%parallel_loop3A_218, %parallel_loop3A_219], %parallel_loop3A_216 {strides = array<i32>} : memref<32x768xf32, #tpu.memory_space<vmem>>, vector<16xf32>,
        %parallel_loop3A_221 = arith.index_cast %parallel_loop3A_98 : i32 to index
        %parallel_loop3A_222 = arith.constant 16 : index
        %parallel_loop3A_223 = tpu.vector_load %arg11[%parallel_loop3A_221, %parallel_loop3A_222] {strides = array<i32>} : memref<32x768xf32, #tpu.memory_space<vmem>>, vector<16xf32>,
        tpu.vector_store %arg11[%parallel_loop3A_221, %parallel_loop3A_222], %parallel_loop3A_217 {strides = array<i32>} : memref<32x768xf32, #tpu.memory_space<vmem>>, vector<16xf32>,
        %parallel_loop3A_224 = arith.mulf %parallel_loop3A_130, %parallel_loop3A_112 : vector<32xbf16>
        %parallel_loop3A_225 = arith.mulf %parallel_loop3A_134, %parallel_loop3A_113 : vector<32xbf16>
        %parallel_loop3A_226 = arith.addf %parallel_loop3A_224, %parallel_loop3A_225 : vector<32xbf16>
        %parallel_loop3A_227 = arith.mulf %parallel_loop3A_138, %parallel_loop3A_114 : vector<32xbf16>
        %parallel_loop3A_228 = arith.addf %parallel_loop3A_226, %parallel_loop3A_227 : vector<32xbf16>
        %parallel_loop3A_229 = tpu.unpack_subelements %parallel_loop3A_228, 0 {pack_format = #tpu.pack_format<interleaved>} : vector<32xbf16> -> vector<16xf32>
        %parallel_loop3A_230 = tpu.unpack_subelements %parallel_loop3A_228, 1 {pack_format = #tpu.pack_format<interleaved>} : vector<32xbf16> -> vector<16xf32>
        %parallel_loop3A_231 = arith.index_cast %parallel_loop3A_98 : i32 to index
        %parallel_loop3A_232 = arith.constant 32 : index
        %parallel_loop3A_233 = tpu.vector_load %arg11[%parallel_loop3A_231, %parallel_loop3A_232] {strides = array<i32>} : memref<32x768xf32, #tpu.memory_space<vmem>>, vector<16xf32>,
        tpu.vector_store %arg11[%parallel_loop3A_231, %parallel_loop3A_232], %parallel_loop3A_229 {strides = array<i32>} : memref<32x768xf32, #tpu.memory_space<vmem>>, vector<16xf32>,
        %parallel_loop3A_234 = arith.index_cast %parallel_loop3A_98 : i32 to index
        %parallel_loop3A_235 = arith.constant 48 : index
        %parallel_loop3A_236 = tpu.vector_load %arg11[%parallel_loop3A_234, %parallel_loop3A_235] {strides = array<i32>} : memref<32x768xf32, #tpu.memory_space<vmem>>, vector<16xf32>,
        tpu.vector_store %arg11[%parallel_loop3A_234, %parallel_loop3A_235], %parallel_loop3A_230 {strides = array<i32>} : memref<32x768xf32, #tpu.memory_space<vmem>>, vector<16xf32>,
        %parallel_loop3A_237 = arith.mulf %parallel_loop3A_142, %parallel_loop3A_112 : vector<32xbf16>
        %parallel_loop3A_238 = arith.mulf %parallel_loop3A_146, %parallel_loop3A_113 : vector<32xbf16>
        %parallel_loop3A_239 = arith.addf %parallel_loop3A_237, %parallel_loop3A_238 : vector<32xbf16>
        %parallel_loop3A_240 = arith.mulf %parallel_loop3A_150, %parallel_loop3A_114 : vector<32xbf16>
        %parallel_loop3A_241 = arith.addf %parallel_loop3A_239, %parallel_loop3A_240 : vector<32xbf16>
        %parallel_loop3A_242 = tpu.unpack_subelements %parallel_loop3A_241, 0 {pack_format = #tpu.pack_format<interleaved>} : vector<32xbf16> -> vector<16xf32>
        %parallel_loop3A_243 = tpu.unpack_subelements %parallel_loop3A_241, 1 {pack_format = #tpu.pack_format<interleaved>} : vector<32xbf16> -> vector<16xf32>
        %parallel_loop3A_244 = arith.index_cast %parallel_loop3A_98 : i32 to index
        %parallel_loop3A_245 = arith.constant 64 : index
        %parallel_loop3A_246 = tpu.vector_load %arg11[%parallel_loop3A_244, %parallel_loop3A_245] {strides = array<i32>} : memref<32x768xf32, #tpu.memory_space<vmem>>, vector<16xf32>,
        tpu.vector_store %arg11[%parallel_loop3A_244, %parallel_loop3A_245], %parallel_loop3A_242 {strides = array<i32>} : memref<32x768xf32, #tpu.memory_space<vmem>>, vector<16xf32>,
        %parallel_loop3A_247 = arith.index_cast %parallel_loop3A_98 : i32 to index
        %parallel_loop3A_248 = arith.constant 80 : index
        %parallel_loop3A_249 = tpu.vector_load %arg11[%parallel_loop3A_247, %parallel_loop3A_248] {strides = array<i32>} : memref<32x768xf32, #tpu.memory_space<vmem>>, vector<16xf32>,
        tpu.vector_store %arg11[%parallel_loop3A_247, %parallel_loop3A_248], %parallel_loop3A_243 {strides = array<i32>} : memref<32x768xf32, #tpu.memory_space<vmem>>, vector<16xf32>,
        %parallel_loop3A_250 = arith.mulf %parallel_loop3A_154, %parallel_loop3A_112 : vector<32xbf16>
        %parallel_loop3A_251 = arith.mulf %parallel_loop3A_158, %parallel_loop3A_113 : vector<32xbf16>
        %parallel_loop3A_252 = arith.addf %parallel_loop3A_250, %parallel_loop3A_251 : vector<32xbf16>
        %parallel_loop3A_253 = arith.mulf %parallel_loop3A_162, %parallel_loop3A_114 : vector<32xbf16>
        %parallel_loop3A_254 = arith.addf %parallel_loop3A_252, %parallel_loop3A_253 : vector<32xbf16>
        %parallel_loop3A_255 = tpu.unpack_subelements %parallel_loop3A_254, 0 {pack_format = #tpu.pack_format<interleaved>} : vector<32xbf16> -> vector<16xf32>
        %parallel_loop3A_256 = tpu.unpack_subelements %parallel_loop3A_254, 1 {pack_format = #tpu.pack_format<interleaved>} : vector<32xbf16> -> vector<16xf32>
        %parallel_loop3A_257 = arith.index_cast %parallel_loop3A_98 : i32 to index
        %parallel_loop3A_258 = arith.constant 96 : index
        %parallel_loop3A_259 = tpu.vector_load %arg11[%parallel_loop3A_257, %parallel_loop3A_258] {strides = array<i32>} : memref<32x768xf32, #tpu.memory_space<vmem>>, vector<16xf32>,
        tpu.vector_store %arg11[%parallel_loop3A_257, %parallel_loop3A_258], %parallel_loop3A_255 {strides = array<i32>} : memref<32x768xf32, #tpu.memory_space<vmem>>, vector<16xf32>,
        %parallel_loop3A_260 = arith.index_cast %parallel_loop3A_98 : i32 to index
        %parallel_loop3A_261 = arith.constant 112 : index
        %parallel_loop3A_262 = tpu.vector_load %arg11[%parallel_loop3A_260, %parallel_loop3A_261] {strides = array<i32>} : memref<32x768xf32, #tpu.memory_space<vmem>>, vector<16xf32>,
        tpu.vector_store %arg11[%parallel_loop3A_260, %parallel_loop3A_261], %parallel_loop3A_256 {strides = array<i32>} : memref<32x768xf32, #tpu.memory_space<vmem>>, vector<16xf32>,
        %parallel_loop3A_263 = arith.mulf %parallel_loop3A_166, %parallel_loop3A_112 : vector<32xbf16>
        %parallel_loop3A_264 = arith.mulf %parallel_loop3A_170, %parallel_loop3A_113 : vector<32xbf16>
        %parallel_loop3A_265 = arith.addf %parallel_loop3A_263, %parallel_loop3A_264 : vector<32xbf16>
        %parallel_loop3A_266 = arith.mulf %parallel_loop3A_174, %parallel_loop3A_114 : vector<32xbf16>
        %parallel_loop3A_267 = arith.addf %parallel_loop3A_265, %parallel_loop3A_266 : vector<32xbf16>
        %parallel_loop3A_268 = tpu.unpack_subelements %parallel_loop3A_267, 0 {pack_format = #tpu.pack_format<interleaved>} : vector<32xbf16> -> vector<16xf32>
        %parallel_loop3A_269 = tpu.unpack_subelements %parallel_loop3A_267, 1 {pack_format = #tpu.pack_format<interleaved>} : vector<32xbf16> -> vector<16xf32>
        %parallel_loop3A_270 = arith.index_cast %parallel_loop3A_98 : i32 to index
        %parallel_loop3A_271 = arith.constant 128 : index
        %parallel_loop3A_272 = tpu.vector_load %arg11[%parallel_loop3A_270, %parallel_loop3A_271] {strides = array<i32>} : memref<32x768xf32, #tpu.memory_space<vmem>>, vector<16xf32>,
        tpu.vector_store %arg11[%parallel_loop3A_270, %parallel_loop3A_271], %parallel_loop3A_268 {strides = array<i32>} : memref<32x768xf32, #tpu.memory_space<vmem>>, vector<16xf32>,
        %parallel_loop3A_273 = arith.index_cast %parallel_loop3A_98 : i32 to index
        %parallel_loop3A_274 = arith.constant 144 : index
        %parallel_loop3A_275 = tpu.vector_load %arg11[%parallel_loop3A_273, %parallel_loop3A_274] {strides = array<i32>} : memref<32x768xf32, #tpu.memory_space<vmem>>, vector<16xf32>,
        tpu.vector_store %arg11[%parallel_loop3A_273, %parallel_loop3A_274], %parallel_loop3A_269 {strides = array<i32>} : memref<32x768xf32, #tpu.memory_space<vmem>>, vector<16xf32>,
        %parallel_loop3A_276 = arith.mulf %parallel_loop3A_178, %parallel_loop3A_112 : vector<32xbf16>
        %parallel_loop3A_277 = arith.mulf %parallel_loop3A_182, %parallel_loop3A_113 : vector<32xbf16>
        %parallel_loop3A_278 = arith.addf %parallel_loop3A_276, %parallel_loop3A_277 : vector<32xbf16>
        %parallel_loop3A_279 = arith.mulf %parallel_loop3A_186, %parallel_loop3A_114 : vector<32xbf16>
        %parallel_loop3A_280 = arith.addf %parallel_loop3A_278, %parallel_loop3A_279 : vector<32xbf16>
        %parallel_loop3A_281 = tpu.unpack_subelements %parallel_loop3A_280, 0 {pack_format = #tpu.pack_format<interleaved>} : vector<32xbf16> -> vector<16xf32>
        %parallel_loop3A_282 = tpu.unpack_subelements %parallel_loop3A_280, 1 {pack_format = #tpu.pack_format<interleaved>} : vector<32xbf16> -> vector<16xf32>
        %parallel_loop3A_283 = arith.index_cast %parallel_loop3A_98 : i32 to index
        %parallel_loop3A_284 = arith.constant 160 : index
        %parallel_loop3A_285 = tpu.vector_load %arg11[%parallel_loop3A_283, %parallel_loop3A_284] {strides = array<i32>} : memref<32x768xf32, #tpu.memory_space<vmem>>, vector<16xf32>,
        tpu.vector_store %arg11[%parallel_loop3A_283, %parallel_loop3A_284], %parallel_loop3A_281 {strides = array<i32>} : memref<32x768xf32, #tpu.memory_space<vmem>>, vector<16xf32>,
        %parallel_loop3A_286 = arith.index_cast %parallel_loop3A_98 : i32 to index
        %parallel_loop3A_287 = arith.constant 176 : index
        %parallel_loop3A_288 = tpu.vector_load %arg11[%parallel_loop3A_286, %parallel_loop3A_287] {strides = array<i32>} : memref<32x768xf32, #tpu.memory_space<vmem>>, vector<16xf32>,
        tpu.vector_store %arg11[%parallel_loop3A_286, %parallel_loop3A_287], %parallel_loop3A_282 {strides = array<i32>} : memref<32x768xf32, #tpu.memory_space<vmem>>, vector<16xf32>,
        %parallel_loop3A_289 = arith.mulf %parallel_loop3A_190, %parallel_loop3A_112 : vector<32xbf16>
        %parallel_loop3A_290 = arith.mulf %parallel_loop3A_194, %parallel_loop3A_113 : vector<32xbf16>
        %parallel_loop3A_291 = arith.addf %parallel_loop3A_289, %parallel_loop3A_290 : vector<32xbf16>
        %parallel_loop3A_292 = arith.mulf %parallel_loop3A_198, %parallel_loop3A_114 : vector<32xbf16>
        %parallel_loop3A_293 = arith.addf %parallel_loop3A_291, %parallel_loop3A_292 : vector<32xbf16>
        %parallel_loop3A_294 = tpu.unpack_subelements %parallel_loop3A_293, 0 {pack_format = #tpu.pack_format<interleaved>} : vector<32xbf16> -> vector<16xf32>
        %parallel_loop3A_295 = tpu.unpack_subelements %parallel_loop3A_293, 1 {pack_format = #tpu.pack_format<interleaved>} : vector<32xbf16> -> vector<16xf32>
        %parallel_loop3A_296 = arith.index_cast %parallel_loop3A_98 : i32 to index
        %parallel_loop3A_297 = arith.constant 192 : index
        %parallel_loop3A_298 = tpu.vector_load %arg11[%parallel_loop3A_296, %parallel_loop3A_297] {strides = array<i32>} : memref<32x768xf32, #tpu.memory_space<vmem>>, vector<16xf32>,
        tpu.vector_store %arg11[%parallel_loop3A_296, %parallel_loop3A_297], %parallel_loop3A_294 {strides = array<i32>} : memref<32x768xf32, #tpu.memory_space<vmem>>, vector<16xf32>,
        %parallel_loop3A_299 = arith.index_cast %parallel_loop3A_98 : i32 to index
        %parallel_loop3A_300 = arith.constant 208 : index
        %parallel_loop3A_301 = tpu.vector_load %arg11[%parallel_loop3A_299, %parallel_loop3A_300] {strides = array<i32>} : memref<32x768xf32, #tpu.memory_space<vmem>>, vector<16xf32>,
        tpu.vector_store %arg11[%parallel_loop3A_299, %parallel_loop3A_300], %parallel_loop3A_295 {strides = array<i32>} : memref<32x768xf32, #tpu.memory_space<vmem>>, vector<16xf32>,
        %parallel_loop3A_302 = arith.mulf %parallel_loop3A_202, %parallel_loop3A_112 : vector<32xbf16>
        %parallel_loop3A_303 = arith.mulf %parallel_loop3A_206, %parallel_loop3A_113 : vector<32xbf16>
        %parallel_loop3A_304 = arith.addf %parallel_loop3A_302, %parallel_loop3A_303 : vector<32xbf16>
        %parallel_loop3A_305 = arith.mulf %parallel_loop3A_210, %parallel_loop3A_114 : vector<32xbf16>
        %parallel_loop3A_306 = arith.addf %parallel_loop3A_304, %parallel_loop3A_305 : vector<32xbf16>
        %parallel_loop3A_307 = tpu.unpack_subelements %parallel_loop3A_306, 0 {pack_format = #tpu.pack_format<interleaved>} : vector<32xbf16> -> vector<16xf32>
        %parallel_loop3A_308 = tpu.unpack_subelements %parallel_loop3A_306, 1 {pack_format = #tpu.pack_format<interleaved>} : vector<32xbf16> -> vector<16xf32>
        %parallel_loop3A_309 = arith.index_cast %parallel_loop3A_98 : i32 to index
        %parallel_loop3A_310 = arith.constant 224 : index
        %parallel_loop3A_311 = tpu.vector_load %arg11[%parallel_loop3A_309, %parallel_loop3A_310] {strides = array<i32>} : memref<32x768xf32, #tpu.memory_space<vmem>>, vector<16xf32>,
        tpu.vector_store %arg11[%parallel_loop3A_309, %parallel_loop3A_310], %parallel_loop3A_307 {strides = array<i32>} : memref<32x768xf32, #tpu.memory_space<vmem>>, vector<16xf32>,
        %parallel_loop3A_312 = arith.index_cast %parallel_loop3A_98 : i32 to index
        %parallel_loop3A_313 = arith.constant 240 : index
        %parallel_loop3A_314 = tpu.vector_load %arg11[%parallel_loop3A_312, %parallel_loop3A_313] {strides = array<i32>} : memref<32x768xf32, #tpu.memory_space<vmem>>, vector<16xf32>,
        tpu.vector_store %arg11[%parallel_loop3A_312, %parallel_loop3A_313], %parallel_loop3A_308 {strides = array<i32>} : memref<32x768xf32, #tpu.memory_space<vmem>>, vector<16xf32>,
        %parallel_loop3A_315 = arith.index_cast %parallel_loop3A_98 : i32 to index
        %parallel_loop3A_316 = arith.constant 128 : index
        %parallel_loop3A_317 = tpu.vector_load %arg9[%parallel_loop3A_315, %parallel_loop3A_316] {strides = array<i32>} : memref<32x1152xi32, #tpu.memory_space<vmem>>, vector<16xi32>,
        %parallel_loop3A_318 = vector.bitcast %parallel_loop3A_317 : vector<16xi32> to vector<32xbf16>
        %parallel_loop3A_319 = arith.index_cast %parallel_loop3A_98 : i32 to index
        %parallel_loop3A_320 = arith.constant 512 : index
        %parallel_loop3A_321 = tpu.vector_load %arg9[%parallel_loop3A_319, %parallel_loop3A_320] {strides = array<i32>} : memref<32x1152xi32, #tpu.memory_space<vmem>>, vector<16xi32>,
        %parallel_loop3A_322 = vector.bitcast %parallel_loop3A_321 : vector<16xi32> to vector<32xbf16>
        %parallel_loop3A_323 = arith.index_cast %parallel_loop3A_98 : i32 to index
        %parallel_loop3A_324 = arith.constant 896 : index
        %parallel_loop3A_325 = tpu.vector_load %arg9[%parallel_loop3A_323, %parallel_loop3A_324] {strides = array<i32>} : memref<32x1152xi32, #tpu.memory_space<vmem>>, vector<16xi32>,
        %parallel_loop3A_326 = vector.bitcast %parallel_loop3A_325 : vector<16xi32> to vector<32xbf16>
        %parallel_loop3A_327 = arith.index_cast %parallel_loop3A_98 : i32 to index
        %parallel_loop3A_328 = arith.constant 144 : index
        %parallel_loop3A_329 = tpu.vector_load %arg9[%parallel_loop3A_327, %parallel_loop3A_328] {strides = array<i32>} : memref<32x1152xi32, #tpu.memory_space<vmem>>, vector<16xi32>,
        %parallel_loop3A_330 = vector.bitcast %parallel_loop3A_329 : vector<16xi32> to vector<32xbf16>
        %parallel_loop3A_331 = arith.index_cast %parallel_loop3A_98 : i32 to index
        %parallel_loop3A_332 = arith.constant 528 : index
        %parallel_loop3A_333 = tpu.vector_load %arg9[%parallel_loop3A_331, %parallel_loop3A_332] {strides = array<i32>} : memref<32x1152xi32, #tpu.memory_space<vmem>>, vector<16xi32>,
        %parallel_loop3A_334 = vector.bitcast %parallel_loop3A_333 : vector<16xi32> to vector<32xbf16>
        %parallel_loop3A_335 = arith.index_cast %parallel_loop3A_98 : i32 to index
        %parallel_loop3A_336 = arith.constant 912 : index
        %parallel_loop3A_337 = tpu.vector_load %arg9[%parallel_loop3A_335, %parallel_loop3A_336] {strides = array<i32>} : memref<32x1152xi32, #tpu.memory_space<vmem>>, vector<16xi32>,
        %parallel_loop3A_338 = vector.bitcast %parallel_loop3A_337 : vector<16xi32> to vector<32xbf16>
        %parallel_loop3A_339 = arith.index_cast %parallel_loop3A_98 : i32 to index
        %parallel_loop3A_340 = arith.constant 160 : index
        %parallel_loop3A_341 = tpu.vector_load %arg9[%parallel_loop3A_339, %parallel_loop3A_340] {strides = array<i32>} : memref<32x1152xi32, #tpu.memory_space<vmem>>, vector<16xi32>,
        %parallel_loop3A_342 = vector.bitcast %parallel_loop3A_341 : vector<16xi32> to vector<32xbf16>
        %parallel_loop3A_343 = arith.index_cast %parallel_loop3A_98 : i32 to index
        %parallel_loop3A_344 = arith.constant 544 : index
        %parallel_loop3A_345 = tpu.vector_load %arg9[%parallel_loop3A_343, %parallel_loop3A_344] {strides = array<i32>} : memref<32x1152xi32, #tpu.memory_space<vmem>>, vector<16xi32>,
        %parallel_loop3A_346 = vector.bitcast %parallel_loop3A_345 : vector<16xi32> to vector<32xbf16>
        %parallel_loop3A_347 = arith.index_cast %parallel_loop3A_98 : i32 to index
        %parallel_loop3A_348 = arith.constant 928 : index
        %parallel_loop3A_349 = tpu.vector_load %arg9[%parallel_loop3A_347, %parallel_loop3A_348] {strides = array<i32>} : memref<32x1152xi32, #tpu.memory_space<vmem>>, vector<16xi32>,
        %parallel_loop3A_350 = vector.bitcast %parallel_loop3A_349 : vector<16xi32> to vector<32xbf16>
        %parallel_loop3A_351 = arith.index_cast %parallel_loop3A_98 : i32 to index
        %parallel_loop3A_352 = arith.constant 176 : index
        %parallel_loop3A_353 = tpu.vector_load %arg9[%parallel_loop3A_351, %parallel_loop3A_352] {strides = array<i32>} : memref<32x1152xi32, #tpu.memory_space<vmem>>, vector<16xi32>,
        %parallel_loop3A_354 = vector.bitcast %parallel_loop3A_353 : vector<16xi32> to vector<32xbf16>
        %parallel_loop3A_355 = arith.index_cast %parallel_loop3A_98 : i32 to index
        %parallel_loop3A_356 = arith.constant 560 : index
        %parallel_loop3A_357 = tpu.vector_load %arg9[%parallel_loop3A_355, %parallel_loop3A_356] {strides = array<i32>} : memref<32x1152xi32, #tpu.memory_space<vmem>>, vector<16xi32>,
        %parallel_loop3A_358 = vector.bitcast %parallel_loop3A_357 : vector<16xi32> to vector<32xbf16>
        %parallel_loop3A_359 = arith.index_cast %parallel_loop3A_98 : i32 to index
        %parallel_loop3A_360 = arith.constant 944 : index
        %parallel_loop3A_361 = tpu.vector_load %arg9[%parallel_loop3A_359, %parallel_loop3A_360] {strides = array<i32>} : memref<32x1152xi32, #tpu.memory_space<vmem>>, vector<16xi32>,
        %parallel_loop3A_362 = vector.bitcast %parallel_loop3A_361 : vector<16xi32> to vector<32xbf16>
        %parallel_loop3A_363 = arith.index_cast %parallel_loop3A_98 : i32 to index
        %parallel_loop3A_364 = arith.constant 192 : index
        %parallel_loop3A_365 = tpu.vector_load %arg9[%parallel_loop3A_363, %parallel_loop3A_364] {strides = array<i32>} : memref<32x1152xi32, #tpu.memory_space<vmem>>, vector<16xi32>,
        %parallel_loop3A_366 = vector.bitcast %parallel_loop3A_365 : vector<16xi32> to vector<32xbf16>
        %parallel_loop3A_367 = arith.index_cast %parallel_loop3A_98 : i32 to index
        %parallel_loop3A_368 = arith.constant 576 : index
        %parallel_loop3A_369 = tpu.vector_load %arg9[%parallel_loop3A_367, %parallel_loop3A_368] {strides = array<i32>} : memref<32x1152xi32, #tpu.memory_space<vmem>>, vector<16xi32>,
        %parallel_loop3A_370 = vector.bitcast %parallel_loop3A_369 : vector<16xi32> to vector<32xbf16>
        %parallel_loop3A_371 = arith.index_cast %parallel_loop3A_98 : i32 to index
        %parallel_loop3A_372 = arith.constant 960 : index
        %parallel_loop3A_373 = tpu.vector_load %arg9[%parallel_loop3A_371, %parallel_loop3A_372] {strides = array<i32>} : memref<32x1152xi32, #tpu.memory_space<vmem>>, vector<16xi32>,
        %parallel_loop3A_374 = vector.bitcast %parallel_loop3A_373 : vector<16xi32> to vector<32xbf16>
        %parallel_loop3A_375 = arith.index_cast %parallel_loop3A_98 : i32 to index
        %parallel_loop3A_376 = arith.constant 208 : index
        %parallel_loop3A_377 = tpu.vector_load %arg9[%parallel_loop3A_375, %parallel_loop3A_376] {strides = array<i32>} : memref<32x1152xi32, #tpu.memory_space<vmem>>, vector<16xi32>,
        %parallel_loop3A_378 = vector.bitcast %parallel_loop3A_377 : vector<16xi32> to vector<32xbf16>
        %parallel_loop3A_379 = arith.index_cast %parallel_loop3A_98 : i32 to index
        %parallel_loop3A_380 = arith.constant 592 : index
        %parallel_loop3A_381 = tpu.vector_load %arg9[%parallel_loop3A_379, %parallel_loop3A_380] {strides = array<i32>} : memref<32x1152xi32, #tpu.memory_space<vmem>>, vector<16xi32>,
        %parallel_loop3A_382 = vector.bitcast %parallel_loop3A_381 : vector<16xi32> to vector<32xbf16>
        %parallel_loop3A_383 = arith.index_cast %parallel_loop3A_98 : i32 to index
        %parallel_loop3A_384 = arith.constant 976 : index
        %parallel_loop3A_385 = tpu.vector_load %arg9[%parallel_loop3A_383, %parallel_loop3A_384] {strides = array<i32>} : memref<32x1152xi32, #tpu.memory_space<vmem>>, vector<16xi32>,
        %parallel_loop3A_386 = vector.bitcast %parallel_loop3A_385 : vector<16xi32> to vector<32xbf16>
        %parallel_loop3A_387 = arith.index_cast %parallel_loop3A_98 : i32 to index
        %parallel_loop3A_388 = arith.constant 224 : index
        %parallel_loop3A_389 = tpu.vector_load %arg9[%parallel_loop3A_387, %parallel_loop3A_388] {strides = array<i32>} : memref<32x1152xi32, #tpu.memory_space<vmem>>, vector<16xi32>,
        %parallel_loop3A_390 = vector.bitcast %parallel_loop3A_389 : vector<16xi32> to vector<32xbf16>
        %parallel_loop3A_391 = arith.index_cast %parallel_loop3A_98 : i32 to index
        %parallel_loop3A_392 = arith.constant 608 : index
        %parallel_loop3A_393 = tpu.vector_load %arg9[%parallel_loop3A_391, %parallel_loop3A_392] {strides = array<i32>} : memref<32x1152xi32, #tpu.memory_space<vmem>>, vector<16xi32>,
        %parallel_loop3A_394 = vector.bitcast %parallel_loop3A_393 : vector<16xi32> to vector<32xbf16>
        %parallel_loop3A_395 = arith.index_cast %parallel_loop3A_98 : i32 to index
        %parallel_loop3A_396 = arith.constant 992 : index
        %parallel_loop3A_397 = tpu.vector_load %arg9[%parallel_loop3A_395, %parallel_loop3A_396] {strides = array<i32>} : memref<32x1152xi32, #tpu.memory_space<vmem>>, vector<16xi32>,
        %parallel_loop3A_398 = vector.bitcast %parallel_loop3A_397 : vector<16xi32> to vector<32xbf16>
        %parallel_loop3A_399 = arith.index_cast %parallel_loop3A_98 : i32 to index
        %parallel_loop3A_400 = arith.constant 240 : index
        %parallel_loop3A_401 = tpu.vector_load %arg9[%parallel_loop3A_399, %parallel_loop3A_400] {strides = array<i32>} : memref<32x1152xi32, #tpu.memory_space<vmem>>, vector<16xi32>,
        %parallel_loop3A_402 = vector.bitcast %parallel_loop3A_401 : vector<16xi32> to vector<32xbf16>
        %parallel_loop3A_403 = arith.index_cast %parallel_loop3A_98 : i32 to index
        %parallel_loop3A_404 = arith.constant 624 : index
        %parallel_loop3A_405 = tpu.vector_load %arg9[%parallel_loop3A_403, %parallel_loop3A_404] {strides = array<i32>} : memref<32x1152xi32, #tpu.memory_space<vmem>>, vector<16xi32>,
        %parallel_loop3A_406 = vector.bitcast %parallel_loop3A_405 : vector<16xi32> to vector<32xbf16>
        %parallel_loop3A_407 = arith.index_cast %parallel_loop3A_98 : i32 to index
        %parallel_loop3A_408 = arith.constant 1008 : index
        %parallel_loop3A_409 = tpu.vector_load %arg9[%parallel_loop3A_407, %parallel_loop3A_408] {strides = array<i32>} : memref<32x1152xi32, #tpu.memory_space<vmem>>, vector<16xi32>,
        %parallel_loop3A_410 = vector.bitcast %parallel_loop3A_409 : vector<16xi32> to vector<32xbf16>
        %parallel_loop3A_411 = arith.mulf %parallel_loop3A_318, %parallel_loop3A_112 : vector<32xbf16>
        %parallel_loop3A_412 = arith.mulf %parallel_loop3A_322, %parallel_loop3A_113 : vector<32xbf16>
        %parallel_loop3A_413 = arith.addf %parallel_loop3A_411, %parallel_loop3A_412 : vector<32xbf16>
        %parallel_loop3A_414 = arith.mulf %parallel_loop3A_326, %parallel_loop3A_114 : vector<32xbf16>
        %parallel_loop3A_415 = arith.addf %parallel_loop3A_413, %parallel_loop3A_414 : vector<32xbf16>
        %parallel_loop3A_416 = tpu.unpack_subelements %parallel_loop3A_415, 0 {pack_format = #tpu.pack_format<interleaved>} : vector<32xbf16> -> vector<16xf32>
        %parallel_loop3A_417 = tpu.unpack_subelements %parallel_loop3A_415, 1 {pack_format = #tpu.pack_format<interleaved>} : vector<32xbf16> -> vector<16xf32>
        %parallel_loop3A_418 = arith.index_cast %parallel_loop3A_98 : i32 to index
        %parallel_loop3A_419 = arith.constant 256 : index
        %parallel_loop3A_420 = tpu.vector_load %arg11[%parallel_loop3A_418, %parallel_loop3A_419] {strides = array<i32>} : memref<32x768xf32, #tpu.memory_space<vmem>>, vector<16xf32>,
        tpu.vector_store %arg11[%parallel_loop3A_418, %parallel_loop3A_419], %parallel_loop3A_416 {strides = array<i32>} : memref<32x768xf32, #tpu.memory_space<vmem>>, vector<16xf32>,
        %parallel_loop3A_421 = arith.index_cast %parallel_loop3A_98 : i32 to index
        %parallel_loop3A_422 = arith.constant 272 : index
        %parallel_loop3A_423 = tpu.vector_load %arg11[%parallel_loop3A_421, %parallel_loop3A_422] {strides = array<i32>} : memref<32x768xf32, #tpu.memory_space<vmem>>, vector<16xf32>,
        tpu.vector_store %arg11[%parallel_loop3A_421, %parallel_loop3A_422], %parallel_loop3A_417 {strides = array<i32>} : memref<32x768xf32, #tpu.memory_space<vmem>>, vector<16xf32>,
        %parallel_loop3A_424 = arith.mulf %parallel_loop3A_330, %parallel_loop3A_112 : vector<32xbf16>
        %parallel_loop3A_425 = arith.mulf %parallel_loop3A_334, %parallel_loop3A_113 : vector<32xbf16>
        %parallel_loop3A_426 = arith.addf %parallel_loop3A_424, %parallel_loop3A_425 : vector<32xbf16>
        %parallel_loop3A_427 = arith.mulf %parallel_loop3A_338, %parallel_loop3A_114 : vector<32xbf16>
        %parallel_loop3A_428 = arith.addf %parallel_loop3A_426, %parallel_loop3A_427 : vector<32xbf16>
        %parallel_loop3A_429 = tpu.unpack_subelements %parallel_loop3A_428, 0 {pack_format = #tpu.pack_format<interleaved>} : vector<32xbf16> -> vector<16xf32>
        %parallel_loop3A_430 = tpu.unpack_subelements %parallel_loop3A_428, 1 {pack_format = #tpu.pack_format<interleaved>} : vector<32xbf16> -> vector<16xf32>
        %parallel_loop3A_431 = arith.index_cast %parallel_loop3A_98 : i32 to index
        %parallel_loop3A_432 = arith.constant 288 : index
        %parallel_loop3A_433 = tpu.vector_load %arg11[%parallel_loop3A_431, %parallel_loop3A_432] {strides = array<i32>} : memref<32x768xf32, #tpu.memory_space<vmem>>, vector<16xf32>,
        tpu.vector_store %arg11[%parallel_loop3A_431, %parallel_loop3A_432], %parallel_loop3A_429 {strides = array<i32>} : memref<32x768xf32, #tpu.memory_space<vmem>>, vector<16xf32>,
        %parallel_loop3A_434 = arith.index_cast %parallel_loop3A_98 : i32 to index
        %parallel_loop3A_435 = arith.constant 304 : index
        %parallel_loop3A_436 = tpu.vector_load %arg11[%parallel_loop3A_434, %parallel_loop3A_435] {strides = array<i32>} : memref<32x768xf32, #tpu.memory_space<vmem>>, vector<16xf32>,
        tpu.vector_store %arg11[%parallel_loop3A_434, %parallel_loop3A_435], %parallel_loop3A_430 {strides = array<i32>} : memref<32x768xf32, #tpu.memory_space<vmem>>, vector<16xf32>,
        %parallel_loop3A_437 = arith.mulf %parallel_loop3A_342, %parallel_loop3A_112 : vector<32xbf16>
        %parallel_loop3A_438 = arith.mulf %parallel_loop3A_346, %parallel_loop3A_113 : vector<32xbf16>
        %parallel_loop3A_439 = arith.addf %parallel_loop3A_437, %parallel_loop3A_438 : vector<32xbf16>
        %parallel_loop3A_440 = arith.mulf %parallel_loop3A_350, %parallel_loop3A_114 : vector<32xbf16>
        %parallel_loop3A_441 = arith.addf %parallel_loop3A_439, %parallel_loop3A_440 : vector<32xbf16>
        %parallel_loop3A_442 = tpu.unpack_subelements %parallel_loop3A_441, 0 {pack_format = #tpu.pack_format<interleaved>} : vector<32xbf16> -> vector<16xf32>
        %parallel_loop3A_443 = tpu.unpack_subelements %parallel_loop3A_441, 1 {pack_format = #tpu.pack_format<interleaved>} : vector<32xbf16> -> vector<16xf32>
        %parallel_loop3A_444 = arith.index_cast %parallel_loop3A_98 : i32 to index
        %parallel_loop3A_445 = arith.constant 320 : index
        %parallel_loop3A_446 = tpu.vector_load %arg11[%parallel_loop3A_444, %parallel_loop3A_445] {strides = array<i32>} : memref<32x768xf32, #tpu.memory_space<vmem>>, vector<16xf32>,
        tpu.vector_store %arg11[%parallel_loop3A_444, %parallel_loop3A_445], %parallel_loop3A_442 {strides = array<i32>} : memref<32x768xf32, #tpu.memory_space<vmem>>, vector<16xf32>,
        %parallel_loop3A_447 = arith.index_cast %parallel_loop3A_98 : i32 to index
        %parallel_loop3A_448 = arith.constant 336 : index
        %parallel_loop3A_449 = tpu.vector_load %arg11[%parallel_loop3A_447, %parallel_loop3A_448] {strides = array<i32>} : memref<32x768xf32, #tpu.memory_space<vmem>>, vector<16xf32>,
        tpu.vector_store %arg11[%parallel_loop3A_447, %parallel_loop3A_448], %parallel_loop3A_443 {strides = array<i32>} : memref<32x768xf32, #tpu.memory_space<vmem>>, vector<16xf32>,
        %parallel_loop3A_450 = arith.mulf %parallel_loop3A_354, %parallel_loop3A_112 : vector<32xbf16>
        %parallel_loop3A_451 = arith.mulf %parallel_loop3A_358, %parallel_loop3A_113 : vector<32xbf16>
        %parallel_loop3A_452 = arith.addf %parallel_loop3A_450, %parallel_loop3A_451 : vector<32xbf16>
        %parallel_loop3A_453 = arith.mulf %parallel_loop3A_362, %parallel_loop3A_114 : vector<32xbf16>
        %parallel_loop3A_454 = arith.addf %parallel_loop3A_452, %parallel_loop3A_453 : vector<32xbf16>
        %parallel_loop3A_455 = tpu.unpack_subelements %parallel_loop3A_454, 0 {pack_format = #tpu.pack_format<interleaved>} : vector<32xbf16> -> vector<16xf32>
        %parallel_loop3A_456 = tpu.unpack_subelements %parallel_loop3A_454, 1 {pack_format = #tpu.pack_format<interleaved>} : vector<32xbf16> -> vector<16xf32>
        %parallel_loop3A_457 = arith.index_cast %parallel_loop3A_98 : i32 to index
        %parallel_loop3A_458 = arith.constant 352 : index
        %parallel_loop3A_459 = tpu.vector_load %arg11[%parallel_loop3A_457, %parallel_loop3A_458] {strides = array<i32>} : memref<32x768xf32, #tpu.memory_space<vmem>>, vector<16xf32>,
        tpu.vector_store %arg11[%parallel_loop3A_457, %parallel_loop3A_458], %parallel_loop3A_455 {strides = array<i32>} : memref<32x768xf32, #tpu.memory_space<vmem>>, vector<16xf32>,
        %parallel_loop3A_460 = arith.index_cast %parallel_loop3A_98 : i32 to index
        %parallel_loop3A_461 = arith.constant 368 : index
        %parallel_loop3A_462 = tpu.vector_load %arg11[%parallel_loop3A_460, %parallel_loop3A_461] {strides = array<i32>} : memref<32x768xf32, #tpu.memory_space<vmem>>, vector<16xf32>,
        tpu.vector_store %arg11[%parallel_loop3A_460, %parallel_loop3A_461], %parallel_loop3A_456 {strides = array<i32>} : memref<32x768xf32, #tpu.memory_space<vmem>>, vector<16xf32>,
        %parallel_loop3A_463 = arith.mulf %parallel_loop3A_366, %parallel_loop3A_112 : vector<32xbf16>
        %parallel_loop3A_464 = arith.mulf %parallel_loop3A_370, %parallel_loop3A_113 : vector<32xbf16>
        %parallel_loop3A_465 = arith.addf %parallel_loop3A_463, %parallel_loop3A_464 : vector<32xbf16>
        %parallel_loop3A_466 = arith.mulf %parallel_loop3A_374, %parallel_loop3A_114 : vector<32xbf16>
        %parallel_loop3A_467 = arith.addf %parallel_loop3A_465, %parallel_loop3A_466 : vector<32xbf16>
        %parallel_loop3A_468 = tpu.unpack_subelements %parallel_loop3A_467, 0 {pack_format = #tpu.pack_format<interleaved>} : vector<32xbf16> -> vector<16xf32>
        %parallel_loop3A_469 = tpu.unpack_subelements %parallel_loop3A_467, 1 {pack_format = #tpu.pack_format<interleaved>} : vector<32xbf16> -> vector<16xf32>
        %parallel_loop3A_470 = arith.index_cast %parallel_loop3A_98 : i32 to index
        %parallel_loop3A_471 = arith.constant 384 : index
        %parallel_loop3A_472 = tpu.vector_load %arg11[%parallel_loop3A_470, %parallel_loop3A_471] {strides = array<i32>} : memref<32x768xf32, #tpu.memory_space<vmem>>, vector<16xf32>,
        tpu.vector_store %arg11[%parallel_loop3A_470, %parallel_loop3A_471], %parallel_loop3A_468 {strides = array<i32>} : memref<32x768xf32, #tpu.memory_space<vmem>>, vector<16xf32>,
        %parallel_loop3A_473 = arith.index_cast %parallel_loop3A_98 : i32 to index
        %parallel_loop3A_474 = arith.constant 400 : index
        %parallel_loop3A_475 = tpu.vector_load %arg11[%parallel_loop3A_473, %parallel_loop3A_474] {strides = array<i32>} : memref<32x768xf32, #tpu.memory_space<vmem>>, vector<16xf32>,
        tpu.vector_store %arg11[%parallel_loop3A_473, %parallel_loop3A_474], %parallel_loop3A_469 {strides = array<i32>} : memref<32x768xf32, #tpu.memory_space<vmem>>, vector<16xf32>,
        %parallel_loop3A_476 = arith.mulf %parallel_loop3A_378, %parallel_loop3A_112 : vector<32xbf16>
        %parallel_loop3A_477 = arith.mulf %parallel_loop3A_382, %parallel_loop3A_113 : vector<32xbf16>
        %parallel_loop3A_478 = arith.addf %parallel_loop3A_476, %parallel_loop3A_477 : vector<32xbf16>
        %parallel_loop3A_479 = arith.mulf %parallel_loop3A_386, %parallel_loop3A_114 : vector<32xbf16>
        %parallel_loop3A_480 = arith.addf %parallel_loop3A_478, %parallel_loop3A_479 : vector<32xbf16>
        %parallel_loop3A_481 = tpu.unpack_subelements %parallel_loop3A_480, 0 {pack_format = #tpu.pack_format<interleaved>} : vector<32xbf16> -> vector<16xf32>
        %parallel_loop3A_482 = tpu.unpack_subelements %parallel_loop3A_480, 1 {pack_format = #tpu.pack_format<interleaved>} : vector<32xbf16> -> vector<16xf32>
        %parallel_loop3A_483 = arith.index_cast %parallel_loop3A_98 : i32 to index
        %parallel_loop3A_484 = arith.constant 416 : index
        %parallel_loop3A_485 = tpu.vector_load %arg11[%parallel_loop3A_483, %parallel_loop3A_484] {strides = array<i32>} : memref<32x768xf32, #tpu.memory_space<vmem>>, vector<16xf32>,
        tpu.vector_store %arg11[%parallel_loop3A_483, %parallel_loop3A_484], %parallel_loop3A_481 {strides = array<i32>} : memref<32x768xf32, #tpu.memory_space<vmem>>, vector<16xf32>,
        %parallel_loop3A_486 = arith.index_cast %parallel_loop3A_98 : i32 to index
        %parallel_loop3A_487 = arith.constant 432 : index
        %parallel_loop3A_488 = tpu.vector_load %arg11[%parallel_loop3A_486, %parallel_loop3A_487] {strides = array<i32>} : memref<32x768xf32, #tpu.memory_space<vmem>>, vector<16xf32>,
        tpu.vector_store %arg11[%parallel_loop3A_486, %parallel_loop3A_487], %parallel_loop3A_482 {strides = array<i32>} : memref<32x768xf32, #tpu.memory_space<vmem>>, vector<16xf32>,
        %parallel_loop3A_489 = arith.mulf %parallel_loop3A_390, %parallel_loop3A_112 : vector<32xbf16>
        %parallel_loop3A_490 = arith.mulf %parallel_loop3A_394, %parallel_loop3A_113 : vector<32xbf16>
        %parallel_loop3A_491 = arith.addf %parallel_loop3A_489, %parallel_loop3A_490 : vector<32xbf16>
        %parallel_loop3A_492 = arith.mulf %parallel_loop3A_398, %parallel_loop3A_114 : vector<32xbf16>
        %parallel_loop3A_493 = arith.addf %parallel_loop3A_491, %parallel_loop3A_492 : vector<32xbf16>
        %parallel_loop3A_494 = tpu.unpack_subelements %parallel_loop3A_493, 0 {pack_format = #tpu.pack_format<interleaved>} : vector<32xbf16> -> vector<16xf32>
        %parallel_loop3A_495 = tpu.unpack_subelements %parallel_loop3A_493, 1 {pack_format = #tpu.pack_format<interleaved>} : vector<32xbf16> -> vector<16xf32>
        %parallel_loop3A_496 = arith.index_cast %parallel_loop3A_98 : i32 to index
        %parallel_loop3A_497 = arith.constant 448 : index
        %parallel_loop3A_498 = tpu.vector_load %arg11[%parallel_loop3A_496, %parallel_loop3A_497] {strides = array<i32>} : memref<32x768xf32, #tpu.memory_space<vmem>>, vector<16xf32>,
        tpu.vector_store %arg11[%parallel_loop3A_496, %parallel_loop3A_497], %parallel_loop3A_494 {strides = array<i32>} : memref<32x768xf32, #tpu.memory_space<vmem>>, vector<16xf32>,
        %parallel_loop3A_499 = arith.index_cast %parallel_loop3A_98 : i32 to index
        %parallel_loop3A_500 = arith.constant 464 : index
        %parallel_loop3A_501 = tpu.vector_load %arg11[%parallel_loop3A_499, %parallel_loop3A_500] {strides = array<i32>} : memref<32x768xf32, #tpu.memory_space<vmem>>, vector<16xf32>,
        tpu.vector_store %arg11[%parallel_loop3A_499, %parallel_loop3A_500], %parallel_loop3A_495 {strides = array<i32>} : memref<32x768xf32, #tpu.memory_space<vmem>>, vector<16xf32>,
        %parallel_loop3A_502 = arith.mulf %parallel_loop3A_402, %parallel_loop3A_112 : vector<32xbf16>
        %parallel_loop3A_503 = arith.mulf %parallel_loop3A_406, %parallel_loop3A_113 : vector<32xbf16>
        %parallel_loop3A_504 = arith.addf %parallel_loop3A_502, %parallel_loop3A_503 : vector<32xbf16>
        %parallel_loop3A_505 = arith.mulf %parallel_loop3A_410, %parallel_loop3A_114 : vector<32xbf16>
        %parallel_loop3A_506 = arith.addf %parallel_loop3A_504, %parallel_loop3A_505 : vector<32xbf16>
        %parallel_loop3A_507 = tpu.unpack_subelements %parallel_loop3A_506, 0 {pack_format = #tpu.pack_format<interleaved>} : vector<32xbf16> -> vector<16xf32>
        %parallel_loop3A_508 = tpu.unpack_subelements %parallel_loop3A_506, 1 {pack_format = #tpu.pack_format<interleaved>} : vector<32xbf16> -> vector<16xf32>
        %parallel_loop3A_509 = arith.index_cast %parallel_loop3A_98 : i32 to index
        %parallel_loop3A_510 = arith.constant 480 : index
        %parallel_loop3A_511 = tpu.vector_load %arg11[%parallel_loop3A_509, %parallel_loop3A_510] {strides = array<i32>} : memref<32x768xf32, #tpu.memory_space<vmem>>, vector<16xf32>,
        tpu.vector_store %arg11[%parallel_loop3A_509, %parallel_loop3A_510], %parallel_loop3A_507 {strides = array<i32>} : memref<32x768xf32, #tpu.memory_space<vmem>>, vector<16xf32>,
        %parallel_loop3A_512 = arith.index_cast %parallel_loop3A_98 : i32 to index
        %parallel_loop3A_513 = arith.constant 496 : index
        %parallel_loop3A_514 = tpu.vector_load %arg11[%parallel_loop3A_512, %parallel_loop3A_513] {strides = array<i32>} : memref<32x768xf32, #tpu.memory_space<vmem>>, vector<16xf32>,
        tpu.vector_store %arg11[%parallel_loop3A_512, %parallel_loop3A_513], %parallel_loop3A_508 {strides = array<i32>} : memref<32x768xf32, #tpu.memory_space<vmem>>, vector<16xf32>,
        %parallel_loop3A_515 = arith.index_cast %parallel_loop3A_98 : i32 to index
        %parallel_loop3A_516 = arith.constant 256 : index
        %parallel_loop3A_517 = tpu.vector_load %arg9[%parallel_loop3A_515, %parallel_loop3A_516] {strides = array<i32>} : memref<32x1152xi32, #tpu.memory_space<vmem>>, vector<16xi32>,
        %parallel_loop3A_518 = vector.bitcast %parallel_loop3A_517 : vector<16xi32> to vector<32xbf16>
        %parallel_loop3A_519 = arith.index_cast %parallel_loop3A_98 : i32 to index
        %parallel_loop3A_520 = arith.constant 640 : index
        %parallel_loop3A_521 = tpu.vector_load %arg9[%parallel_loop3A_519, %parallel_loop3A_520] {strides = array<i32>} : memref<32x1152xi32, #tpu.memory_space<vmem>>, vector<16xi32>,
        %parallel_loop3A_522 = vector.bitcast %parallel_loop3A_521 : vector<16xi32> to vector<32xbf16>
        %parallel_loop3A_523 = arith.index_cast %parallel_loop3A_98 : i32 to index
        %parallel_loop3A_524 = arith.constant 1024 : index
        %parallel_loop3A_525 = tpu.vector_load %arg9[%parallel_loop3A_523, %parallel_loop3A_524] {strides = array<i32>} : memref<32x1152xi32, #tpu.memory_space<vmem>>, vector<16xi32>,
        %parallel_loop3A_526 = vector.bitcast %parallel_loop3A_525 : vector<16xi32> to vector<32xbf16>
        %parallel_loop3A_527 = arith.index_cast %parallel_loop3A_98 : i32 to index
        %parallel_loop3A_528 = arith.constant 272 : index
        %parallel_loop3A_529 = tpu.vector_load %arg9[%parallel_loop3A_527, %parallel_loop3A_528] {strides = array<i32>} : memref<32x1152xi32, #tpu.memory_space<vmem>>, vector<16xi32>,
        %parallel_loop3A_530 = vector.bitcast %parallel_loop3A_529 : vector<16xi32> to vector<32xbf16>
        %parallel_loop3A_531 = arith.index_cast %parallel_loop3A_98 : i32 to index
        %parallel_loop3A_532 = arith.constant 656 : index
        %parallel_loop3A_533 = tpu.vector_load %arg9[%parallel_loop3A_531, %parallel_loop3A_532] {strides = array<i32>} : memref<32x1152xi32, #tpu.memory_space<vmem>>, vector<16xi32>,
        %parallel_loop3A_534 = vector.bitcast %parallel_loop3A_533 : vector<16xi32> to vector<32xbf16>
        %parallel_loop3A_535 = arith.index_cast %parallel_loop3A_98 : i32 to index
        %parallel_loop3A_536 = arith.constant 1040 : index
        %parallel_loop3A_537 = tpu.vector_load %arg9[%parallel_loop3A_535, %parallel_loop3A_536] {strides = array<i32>} : memref<32x1152xi32, #tpu.memory_space<vmem>>, vector<16xi32>,
        %parallel_loop3A_538 = vector.bitcast %parallel_loop3A_537 : vector<16xi32> to vector<32xbf16>
        %parallel_loop3A_539 = arith.index_cast %parallel_loop3A_98 : i32 to index
        %parallel_loop3A_540 = arith.constant 288 : index
        %parallel_loop3A_541 = tpu.vector_load %arg9[%parallel_loop3A_539, %parallel_loop3A_540] {strides = array<i32>} : memref<32x1152xi32, #tpu.memory_space<vmem>>, vector<16xi32>,
        %parallel_loop3A_542 = vector.bitcast %parallel_loop3A_541 : vector<16xi32> to vector<32xbf16>
        %parallel_loop3A_543 = arith.index_cast %parallel_loop3A_98 : i32 to index
        %parallel_loop3A_544 = arith.constant 672 : index
        %parallel_loop3A_545 = tpu.vector_load %arg9[%parallel_loop3A_543, %parallel_loop3A_544] {strides = array<i32>} : memref<32x1152xi32, #tpu.memory_space<vmem>>, vector<16xi32>,
        %parallel_loop3A_546 = vector.bitcast %parallel_loop3A_545 : vector<16xi32> to vector<32xbf16>
        %parallel_loop3A_547 = arith.index_cast %parallel_loop3A_98 : i32 to index
        %parallel_loop3A_548 = arith.constant 1056 : index
        %parallel_loop3A_549 = tpu.vector_load %arg9[%parallel_loop3A_547, %parallel_loop3A_548] {strides = array<i32>} : memref<32x1152xi32, #tpu.memory_space<vmem>>, vector<16xi32>,
        %parallel_loop3A_550 = vector.bitcast %parallel_loop3A_549 : vector<16xi32> to vector<32xbf16>
        %parallel_loop3A_551 = arith.index_cast %parallel_loop3A_98 : i32 to index
        %parallel_loop3A_552 = arith.constant 304 : index
        %parallel_loop3A_553 = tpu.vector_load %arg9[%parallel_loop3A_551, %parallel_loop3A_552] {strides = array<i32>} : memref<32x1152xi32, #tpu.memory_space<vmem>>, vector<16xi32>,
        %parallel_loop3A_554 = vector.bitcast %parallel_loop3A_553 : vector<16xi32> to vector<32xbf16>
        %parallel_loop3A_555 = arith.index_cast %parallel_loop3A_98 : i32 to index
        %parallel_loop3A_556 = arith.constant 688 : index
        %parallel_loop3A_557 = tpu.vector_load %arg9[%parallel_loop3A_555, %parallel_loop3A_556] {strides = array<i32>} : memref<32x1152xi32, #tpu.memory_space<vmem>>, vector<16xi32>,
        %parallel_loop3A_558 = vector.bitcast %parallel_loop3A_557 : vector<16xi32> to vector<32xbf16>
        %parallel_loop3A_559 = arith.index_cast %parallel_loop3A_98 : i32 to index
        %parallel_loop3A_560 = arith.constant 1072 : index
        %parallel_loop3A_561 = tpu.vector_load %arg9[%parallel_loop3A_559, %parallel_loop3A_560] {strides = array<i32>} : memref<32x1152xi32, #tpu.memory_space<vmem>>, vector<16xi32>,
        %parallel_loop3A_562 = vector.bitcast %parallel_loop3A_561 : vector<16xi32> to vector<32xbf16>
        %parallel_loop3A_563 = arith.index_cast %parallel_loop3A_98 : i32 to index
        %parallel_loop3A_564 = arith.constant 320 : index
        %parallel_loop3A_565 = tpu.vector_load %arg9[%parallel_loop3A_563, %parallel_loop3A_564] {strides = array<i32>} : memref<32x1152xi32, #tpu.memory_space<vmem>>, vector<16xi32>,
        %parallel_loop3A_566 = vector.bitcast %parallel_loop3A_565 : vector<16xi32> to vector<32xbf16>
        %parallel_loop3A_567 = arith.index_cast %parallel_loop3A_98 : i32 to index
        %parallel_loop3A_568 = arith.constant 704 : index
        %parallel_loop3A_569 = tpu.vector_load %arg9[%parallel_loop3A_567, %parallel_loop3A_568] {strides = array<i32>} : memref<32x1152xi32, #tpu.memory_space<vmem>>, vector<16xi32>,
        %parallel_loop3A_570 = vector.bitcast %parallel_loop3A_569 : vector<16xi32> to vector<32xbf16>
        %parallel_loop3A_571 = arith.index_cast %parallel_loop3A_98 : i32 to index
        %parallel_loop3A_572 = arith.constant 1088 : index
        %parallel_loop3A_573 = tpu.vector_load %arg9[%parallel_loop3A_571, %parallel_loop3A_572] {strides = array<i32>} : memref<32x1152xi32, #tpu.memory_space<vmem>>, vector<16xi32>,
        %parallel_loop3A_574 = vector.bitcast %parallel_loop3A_573 : vector<16xi32> to vector<32xbf16>
        %parallel_loop3A_575 = arith.index_cast %parallel_loop3A_98 : i32 to index
        %parallel_loop3A_576 = arith.constant 336 : index
        %parallel_loop3A_577 = tpu.vector_load %arg9[%parallel_loop3A_575, %parallel_loop3A_576] {strides = array<i32>} : memref<32x1152xi32, #tpu.memory_space<vmem>>, vector<16xi32>,
        %parallel_loop3A_578 = vector.bitcast %parallel_loop3A_577 : vector<16xi32> to vector<32xbf16>
        %parallel_loop3A_579 = arith.index_cast %parallel_loop3A_98 : i32 to index
        %parallel_loop3A_580 = arith.constant 720 : index
        %parallel_loop3A_581 = tpu.vector_load %arg9[%parallel_loop3A_579, %parallel_loop3A_580] {strides = array<i32>} : memref<32x1152xi32, #tpu.memory_space<vmem>>, vector<16xi32>,
        %parallel_loop3A_582 = vector.bitcast %parallel_loop3A_581 : vector<16xi32> to vector<32xbf16>
        %parallel_loop3A_583 = arith.index_cast %parallel_loop3A_98 : i32 to index
        %parallel_loop3A_584 = arith.constant 1104 : index
        %parallel_loop3A_585 = tpu.vector_load %arg9[%parallel_loop3A_583, %parallel_loop3A_584] {strides = array<i32>} : memref<32x1152xi32, #tpu.memory_space<vmem>>, vector<16xi32>,
        %parallel_loop3A_586 = vector.bitcast %parallel_loop3A_585 : vector<16xi32> to vector<32xbf16>
        %parallel_loop3A_587 = arith.index_cast %parallel_loop3A_98 : i32 to index
        %parallel_loop3A_588 = arith.constant 352 : index
        %parallel_loop3A_589 = tpu.vector_load %arg9[%parallel_loop3A_587, %parallel_loop3A_588] {strides = array<i32>} : memref<32x1152xi32, #tpu.memory_space<vmem>>, vector<16xi32>,
        %parallel_loop3A_590 = vector.bitcast %parallel_loop3A_589 : vector<16xi32> to vector<32xbf16>
        %parallel_loop3A_591 = arith.index_cast %parallel_loop3A_98 : i32 to index
        %parallel_loop3A_592 = arith.constant 736 : index
        %parallel_loop3A_593 = tpu.vector_load %arg9[%parallel_loop3A_591, %parallel_loop3A_592] {strides = array<i32>} : memref<32x1152xi32, #tpu.memory_space<vmem>>, vector<16xi32>,
        %parallel_loop3A_594 = vector.bitcast %parallel_loop3A_593 : vector<16xi32> to vector<32xbf16>
        %parallel_loop3A_595 = arith.index_cast %parallel_loop3A_98 : i32 to index
        %parallel_loop3A_596 = arith.constant 1120 : index
        %parallel_loop3A_597 = tpu.vector_load %arg9[%parallel_loop3A_595, %parallel_loop3A_596] {strides = array<i32>} : memref<32x1152xi32, #tpu.memory_space<vmem>>, vector<16xi32>,
        %parallel_loop3A_598 = vector.bitcast %parallel_loop3A_597 : vector<16xi32> to vector<32xbf16>
        %parallel_loop3A_599 = arith.index_cast %parallel_loop3A_98 : i32 to index
        %parallel_loop3A_600 = arith.constant 368 : index
        %parallel_loop3A_601 = tpu.vector_load %arg9[%parallel_loop3A_599, %parallel_loop3A_600] {strides = array<i32>} : memref<32x1152xi32, #tpu.memory_space<vmem>>, vector<16xi32>,
        %parallel_loop3A_602 = vector.bitcast %parallel_loop3A_601 : vector<16xi32> to vector<32xbf16>
        %parallel_loop3A_603 = arith.index_cast %parallel_loop3A_98 : i32 to index
        %parallel_loop3A_604 = arith.constant 752 : index
        %parallel_loop3A_605 = tpu.vector_load %arg9[%parallel_loop3A_603, %parallel_loop3A_604] {strides = array<i32>} : memref<32x1152xi32, #tpu.memory_space<vmem>>, vector<16xi32>,
        %parallel_loop3A_606 = vector.bitcast %parallel_loop3A_605 : vector<16xi32> to vector<32xbf16>
        %parallel_loop3A_607 = arith.index_cast %parallel_loop3A_98 : i32 to index
        %parallel_loop3A_608 = arith.constant 1136 : index
        %parallel_loop3A_609 = tpu.vector_load %arg9[%parallel_loop3A_607, %parallel_loop3A_608] {strides = array<i32>} : memref<32x1152xi32, #tpu.memory_space<vmem>>, vector<16xi32>,
        %parallel_loop3A_610 = vector.bitcast %parallel_loop3A_609 : vector<16xi32> to vector<32xbf16>
        %parallel_loop3A_611 = arith.mulf %parallel_loop3A_518, %parallel_loop3A_112 : vector<32xbf16>
        %parallel_loop3A_612 = arith.mulf %parallel_loop3A_522, %parallel_loop3A_113 : vector<32xbf16>
        %parallel_loop3A_613 = arith.addf %parallel_loop3A_611, %parallel_loop3A_612 : vector<32xbf16>
        %parallel_loop3A_614 = arith.mulf %parallel_loop3A_526, %parallel_loop3A_114 : vector<32xbf16>
        %parallel_loop3A_615 = arith.addf %parallel_loop3A_613, %parallel_loop3A_614 : vector<32xbf16>
        %parallel_loop3A_616 = tpu.unpack_subelements %parallel_loop3A_615, 0 {pack_format = #tpu.pack_format<interleaved>} : vector<32xbf16> -> vector<16xf32>
        %parallel_loop3A_617 = tpu.unpack_subelements %parallel_loop3A_615, 1 {pack_format = #tpu.pack_format<interleaved>} : vector<32xbf16> -> vector<16xf32>
        %parallel_loop3A_618 = arith.index_cast %parallel_loop3A_98 : i32 to index
        %parallel_loop3A_619 = arith.constant 512 : index
        %parallel_loop3A_620 = tpu.vector_load %arg11[%parallel_loop3A_618, %parallel_loop3A_619] {strides = array<i32>} : memref<32x768xf32, #tpu.memory_space<vmem>>, vector<16xf32>,
        tpu.vector_store %arg11[%parallel_loop3A_618, %parallel_loop3A_619], %parallel_loop3A_616 {strides = array<i32>} : memref<32x768xf32, #tpu.memory_space<vmem>>, vector<16xf32>,
        %parallel_loop3A_621 = arith.index_cast %parallel_loop3A_98 : i32 to index
        %parallel_loop3A_622 = arith.constant 528 : index
        %parallel_loop3A_623 = tpu.vector_load %arg11[%parallel_loop3A_621, %parallel_loop3A_622] {strides = array<i32>} : memref<32x768xf32, #tpu.memory_space<vmem>>, vector<16xf32>,
        tpu.vector_store %arg11[%parallel_loop3A_621, %parallel_loop3A_622], %parallel_loop3A_617 {strides = array<i32>} : memref<32x768xf32, #tpu.memory_space<vmem>>, vector<16xf32>,
        %parallel_loop3A_624 = arith.mulf %parallel_loop3A_530, %parallel_loop3A_112 : vector<32xbf16>
        %parallel_loop3A_625 = arith.mulf %parallel_loop3A_534, %parallel_loop3A_113 : vector<32xbf16>
        %parallel_loop3A_626 = arith.addf %parallel_loop3A_624, %parallel_loop3A_625 : vector<32xbf16>
        %parallel_loop3A_627 = arith.mulf %parallel_loop3A_538, %parallel_loop3A_114 : vector<32xbf16>
        %parallel_loop3A_628 = arith.addf %parallel_loop3A_626, %parallel_loop3A_627 : vector<32xbf16>
        %parallel_loop3A_629 = tpu.unpack_subelements %parallel_loop3A_628, 0 {pack_format = #tpu.pack_format<interleaved>} : vector<32xbf16> -> vector<16xf32>
        %parallel_loop3A_630 = tpu.unpack_subelements %parallel_loop3A_628, 1 {pack_format = #tpu.pack_format<interleaved>} : vector<32xbf16> -> vector<16xf32>
        %parallel_loop3A_631 = arith.index_cast %parallel_loop3A_98 : i32 to index
        %parallel_loop3A_632 = arith.constant 544 : index
        %parallel_loop3A_633 = tpu.vector_load %arg11[%parallel_loop3A_631, %parallel_loop3A_632] {strides = array<i32>} : memref<32x768xf32, #tpu.memory_space<vmem>>, vector<16xf32>,
        tpu.vector_store %arg11[%parallel_loop3A_631, %parallel_loop3A_632], %parallel_loop3A_629 {strides = array<i32>} : memref<32x768xf32, #tpu.memory_space<vmem>>, vector<16xf32>,
        %parallel_loop3A_634 = arith.index_cast %parallel_loop3A_98 : i32 to index
        %parallel_loop3A_635 = arith.constant 560 : index
        %parallel_loop3A_636 = tpu.vector_load %arg11[%parallel_loop3A_634, %parallel_loop3A_635] {strides = array<i32>} : memref<32x768xf32, #tpu.memory_space<vmem>>, vector<16xf32>,
        tpu.vector_store %arg11[%parallel_loop3A_634, %parallel_loop3A_635], %parallel_loop3A_630 {strides = array<i32>} : memref<32x768xf32, #tpu.memory_space<vmem>>, vector<16xf32>,
        %parallel_loop3A_637 = arith.mulf %parallel_loop3A_542, %parallel_loop3A_112 : vector<32xbf16>
        %parallel_loop3A_638 = arith.mulf %parallel_loop3A_546, %parallel_loop3A_113 : vector<32xbf16>
        %parallel_loop3A_639 = arith.addf %parallel_loop3A_637, %parallel_loop3A_638 : vector<32xbf16>
        %parallel_loop3A_640 = arith.mulf %parallel_loop3A_550, %parallel_loop3A_114 : vector<32xbf16>
        %parallel_loop3A_641 = arith.addf %parallel_loop3A_639, %parallel_loop3A_640 : vector<32xbf16>
        %parallel_loop3A_642 = tpu.unpack_subelements %parallel_loop3A_641, 0 {pack_format = #tpu.pack_format<interleaved>} : vector<32xbf16> -> vector<16xf32>
        %parallel_loop3A_643 = tpu.unpack_subelements %parallel_loop3A_641, 1 {pack_format = #tpu.pack_format<interleaved>} : vector<32xbf16> -> vector<16xf32>
        %parallel_loop3A_644 = arith.index_cast %parallel_loop3A_98 : i32 to index
        %parallel_loop3A_645 = arith.constant 576 : index
        %parallel_loop3A_646 = tpu.vector_load %arg11[%parallel_loop3A_644, %parallel_loop3A_645] {strides = array<i32>} : memref<32x768xf32, #tpu.memory_space<vmem>>, vector<16xf32>,
        tpu.vector_store %arg11[%parallel_loop3A_644, %parallel_loop3A_645], %parallel_loop3A_642 {strides = array<i32>} : memref<32x768xf32, #tpu.memory_space<vmem>>, vector<16xf32>,
        %parallel_loop3A_647 = arith.index_cast %parallel_loop3A_98 : i32 to index
        %parallel_loop3A_648 = arith.constant 592 : index
        %parallel_loop3A_649 = tpu.vector_load %arg11[%parallel_loop3A_647, %parallel_loop3A_648] {strides = array<i32>} : memref<32x768xf32, #tpu.memory_space<vmem>>, vector<16xf32>,
        tpu.vector_store %arg11[%parallel_loop3A_647, %parallel_loop3A_648], %parallel_loop3A_643 {strides = array<i32>} : memref<32x768xf32, #tpu.memory_space<vmem>>, vector<16xf32>,
        %parallel_loop3A_650 = arith.mulf %parallel_loop3A_554, %parallel_loop3A_112 : vector<32xbf16>
        %parallel_loop3A_651 = arith.mulf %parallel_loop3A_558, %parallel_loop3A_113 : vector<32xbf16>
        %parallel_loop3A_652 = arith.addf %parallel_loop3A_650, %parallel_loop3A_651 : vector<32xbf16>
        %parallel_loop3A_653 = arith.mulf %parallel_loop3A_562, %parallel_loop3A_114 : vector<32xbf16>
        %parallel_loop3A_654 = arith.addf %parallel_loop3A_652, %parallel_loop3A_653 : vector<32xbf16>
        %parallel_loop3A_655 = tpu.unpack_subelements %parallel_loop3A_654, 0 {pack_format = #tpu.pack_format<interleaved>} : vector<32xbf16> -> vector<16xf32>
        %parallel_loop3A_656 = tpu.unpack_subelements %parallel_loop3A_654, 1 {pack_format = #tpu.pack_format<interleaved>} : vector<32xbf16> -> vector<16xf32>
        %parallel_loop3A_657 = arith.index_cast %parallel_loop3A_98 : i32 to index
        %parallel_loop3A_658 = arith.constant 608 : index
        %parallel_loop3A_659 = tpu.vector_load %arg11[%parallel_loop3A_657, %parallel_loop3A_658] {strides = array<i32>} : memref<32x768xf32, #tpu.memory_space<vmem>>, vector<16xf32>,
        tpu.vector_store %arg11[%parallel_loop3A_657, %parallel_loop3A_658], %parallel_loop3A_655 {strides = array<i32>} : memref<32x768xf32, #tpu.memory_space<vmem>>, vector<16xf32>,
        %parallel_loop3A_660 = arith.index_cast %parallel_loop3A_98 : i32 to index
        %parallel_loop3A_661 = arith.constant 624 : index
        %parallel_loop3A_662 = tpu.vector_load %arg11[%parallel_loop3A_660, %parallel_loop3A_661] {strides = array<i32>} : memref<32x768xf32, #tpu.memory_space<vmem>>, vector<16xf32>,
        tpu.vector_store %arg11[%parallel_loop3A_660, %parallel_loop3A_661], %parallel_loop3A_656 {strides = array<i32>} : memref<32x768xf32, #tpu.memory_space<vmem>>, vector<16xf32>,
        %parallel_loop3A_663 = arith.mulf %parallel_loop3A_566, %parallel_loop3A_112 : vector<32xbf16>
        %parallel_loop3A_664 = arith.mulf %parallel_loop3A_570, %parallel_loop3A_113 : vector<32xbf16>
        %parallel_loop3A_665 = arith.addf %parallel_loop3A_663, %parallel_loop3A_664 : vector<32xbf16>
        %parallel_loop3A_666 = arith.mulf %parallel_loop3A_574, %parallel_loop3A_114 : vector<32xbf16>
        %parallel_loop3A_667 = arith.addf %parallel_loop3A_665, %parallel_loop3A_666 : vector<32xbf16>
        %parallel_loop3A_668 = tpu.unpack_subelements %parallel_loop3A_667, 0 {pack_format = #tpu.pack_format<interleaved>} : vector<32xbf16> -> vector<16xf32>
        %parallel_loop3A_669 = tpu.unpack_subelements %parallel_loop3A_667, 1 {pack_format = #tpu.pack_format<interleaved>} : vector<32xbf16> -> vector<16xf32>
        %parallel_loop3A_670 = arith.index_cast %parallel_loop3A_98 : i32 to index
        %parallel_loop3A_671 = arith.constant 640 : index
        %parallel_loop3A_672 = tpu.vector_load %arg11[%parallel_loop3A_670, %parallel_loop3A_671] {strides = array<i32>} : memref<32x768xf32, #tpu.memory_space<vmem>>, vector<16xf32>,
        tpu.vector_store %arg11[%parallel_loop3A_670, %parallel_loop3A_671], %parallel_loop3A_668 {strides = array<i32>} : memref<32x768xf32, #tpu.memory_space<vmem>>, vector<16xf32>,
        %parallel_loop3A_673 = arith.index_cast %parallel_loop3A_98 : i32 to index
        %parallel_loop3A_674 = arith.constant 656 : index
        %parallel_loop3A_675 = tpu.vector_load %arg11[%parallel_loop3A_673, %parallel_loop3A_674] {strides = array<i32>} : memref<32x768xf32, #tpu.memory_space<vmem>>, vector<16xf32>,
        tpu.vector_store %arg11[%parallel_loop3A_673, %parallel_loop3A_674], %parallel_loop3A_669 {strides = array<i32>} : memref<32x768xf32, #tpu.memory_space<vmem>>, vector<16xf32>,
        %parallel_loop3A_676 = arith.mulf %parallel_loop3A_578, %parallel_loop3A_112 : vector<32xbf16>
        %parallel_loop3A_677 = arith.mulf %parallel_loop3A_582, %parallel_loop3A_113 : vector<32xbf16>
        %parallel_loop3A_678 = arith.addf %parallel_loop3A_676, %parallel_loop3A_677 : vector<32xbf16>
        %parallel_loop3A_679 = arith.mulf %parallel_loop3A_586, %parallel_loop3A_114 : vector<32xbf16>
        %parallel_loop3A_680 = arith.addf %parallel_loop3A_678, %parallel_loop3A_679 : vector<32xbf16>
        %parallel_loop3A_681 = tpu.unpack_subelements %parallel_loop3A_680, 0 {pack_format = #tpu.pack_format<interleaved>} : vector<32xbf16> -> vector<16xf32>
        %parallel_loop3A_682 = tpu.unpack_subelements %parallel_loop3A_680, 1 {pack_format = #tpu.pack_format<interleaved>} : vector<32xbf16> -> vector<16xf32>
        %parallel_loop3A_683 = arith.index_cast %parallel_loop3A_98 : i32 to index
        %parallel_loop3A_684 = arith.constant 672 : index
        %parallel_loop3A_685 = tpu.vector_load %arg11[%parallel_loop3A_683, %parallel_loop3A_684] {strides = array<i32>} : memref<32x768xf32, #tpu.memory_space<vmem>>, vector<16xf32>,
        tpu.vector_store %arg11[%parallel_loop3A_683, %parallel_loop3A_684], %parallel_loop3A_681 {strides = array<i32>} : memref<32x768xf32, #tpu.memory_space<vmem>>, vector<16xf32>,
        %parallel_loop3A_686 = arith.index_cast %parallel_loop3A_98 : i32 to index
        %parallel_loop3A_687 = arith.constant 688 : index
        %parallel_loop3A_688 = tpu.vector_load %arg11[%parallel_loop3A_686, %parallel_loop3A_687] {strides = array<i32>} : memref<32x768xf32, #tpu.memory_space<vmem>>, vector<16xf32>,
        tpu.vector_store %arg11[%parallel_loop3A_686, %parallel_loop3A_687], %parallel_loop3A_682 {strides = array<i32>} : memref<32x768xf32, #tpu.memory_space<vmem>>, vector<16xf32>,
        %parallel_loop3A_689 = arith.mulf %parallel_loop3A_590, %parallel_loop3A_112 : vector<32xbf16>
        %parallel_loop3A_690 = arith.mulf %parallel_loop3A_594, %parallel_loop3A_113 : vector<32xbf16>
        %parallel_loop3A_691 = arith.addf %parallel_loop3A_689, %parallel_loop3A_690 : vector<32xbf16>
        %parallel_loop3A_692 = arith.mulf %parallel_loop3A_598, %parallel_loop3A_114 : vector<32xbf16>
        %parallel_loop3A_693 = arith.addf %parallel_loop3A_691, %parallel_loop3A_692 : vector<32xbf16>
        %parallel_loop3A_694 = tpu.unpack_subelements %parallel_loop3A_693, 0 {pack_format = #tpu.pack_format<interleaved>} : vector<32xbf16> -> vector<16xf32>
        %parallel_loop3A_695 = tpu.unpack_subelements %parallel_loop3A_693, 1 {pack_format = #tpu.pack_format<interleaved>} : vector<32xbf16> -> vector<16xf32>
        %parallel_loop3A_696 = arith.index_cast %parallel_loop3A_98 : i32 to index
        %parallel_loop3A_697 = arith.constant 704 : index
        %parallel_loop3A_698 = tpu.vector_load %arg11[%parallel_loop3A_696, %parallel_loop3A_697] {strides = array<i32>} : memref<32x768xf32, #tpu.memory_space<vmem>>, vector<16xf32>,
        tpu.vector_store %arg11[%parallel_loop3A_696, %parallel_loop3A_697], %parallel_loop3A_694 {strides = array<i32>} : memref<32x768xf32, #tpu.memory_space<vmem>>, vector<16xf32>,
        %parallel_loop3A_699 = arith.index_cast %parallel_loop3A_98 : i32 to index
        %parallel_loop3A_700 = arith.constant 720 : index
        %parallel_loop3A_701 = tpu.vector_load %arg11[%parallel_loop3A_699, %parallel_loop3A_700] {strides = array<i32>} : memref<32x768xf32, #tpu.memory_space<vmem>>, vector<16xf32>,
        tpu.vector_store %arg11[%parallel_loop3A_699, %parallel_loop3A_700], %parallel_loop3A_695 {strides = array<i32>} : memref<32x768xf32, #tpu.memory_space<vmem>>, vector<16xf32>,
        %parallel_loop3A_702 = arith.mulf %parallel_loop3A_602, %parallel_loop3A_112 : vector<32xbf16>
        %parallel_loop3A_703 = arith.mulf %parallel_loop3A_606, %parallel_loop3A_113 : vector<32xbf16>
        %parallel_loop3A_704 = arith.addf %parallel_loop3A_702, %parallel_loop3A_703 : vector<32xbf16>
        %parallel_loop3A_705 = arith.mulf %parallel_loop3A_610, %parallel_loop3A_114 : vector<32xbf16>
        %parallel_loop3A_706 = arith.addf %parallel_loop3A_704, %parallel_loop3A_705 : vector<32xbf16>
        %parallel_loop3A_707 = tpu.unpack_subelements %parallel_loop3A_706, 0 {pack_format = #tpu.pack_format<interleaved>} : vector<32xbf16> -> vector<16xf32>
        %parallel_loop3A_708 = tpu.unpack_subelements %parallel_loop3A_706, 1 {pack_format = #tpu.pack_format<interleaved>} : vector<32xbf16> -> vector<16xf32>
        %parallel_loop3A_709 = arith.index_cast %parallel_loop3A_98 : i32 to index
        %parallel_loop3A_710 = arith.constant 736 : index
        %parallel_loop3A_711 = tpu.vector_load %arg11[%parallel_loop3A_709, %parallel_loop3A_710] {strides = array<i32>} : memref<32x768xf32, #tpu.memory_space<vmem>>, vector<16xf32>,
        tpu.vector_store %arg11[%parallel_loop3A_709, %parallel_loop3A_710], %parallel_loop3A_707 {strides = array<i32>} : memref<32x768xf32, #tpu.memory_space<vmem>>, vector<16xf32>,
        %parallel_loop3A_712 = arith.index_cast %parallel_loop3A_98 : i32 to index
        %parallel_loop3A_713 = arith.constant 752 : index
        %parallel_loop3A_714 = tpu.vector_load %arg11[%parallel_loop3A_712, %parallel_loop3A_713] {strides = array<i32>} : memref<32x768xf32, #tpu.memory_space<vmem>>, vector<16xf32>,
        tpu.vector_store %arg11[%parallel_loop3A_712, %parallel_loop3A_713], %parallel_loop3A_708 {strides = array<i32>} : memref<32x768xf32, #tpu.memory_space<vmem>>, vector<16xf32>,
      } {sc.loop_unroll_factor = 2 : i64, sc.parallel_access}
      %mul3A_91 = arith.constant 32 : i32
      %mul3A_92 = arith.muli %add3A_61, %mul3A_91 : i32
      %add3A_93 = arith.addi %mul3A_2, %mul3A_92 : i32
      %dma_start3A_94 = arith.constant 0 : i32
      %dma_start3A_95 = tpu.memref_slice %arg5[%add3A_93, %dma_start3A_94] : memref<16384x768xf32, #tpu.memory_space<hbm>> -> memref<32x768xf32, #tpu.memory_space<hbm>>
      %dma_start3A_96 = arith.constant 0 : i32
      %dma_start3A_97 = tpu.memref_slice %arg5[%add3A_93, %dma_start3A_96] : memref<16384x768xf32, #tpu.memory_space<hbm>> -> memref<32x768xf32, #tpu.memory_space<hbm>>
      tpu.enqueue_dma source(%arg11 : memref<32x768xf32, #tpu.memory_space<vmem>>) target(%dma_start3A_97 : memref<32x768xf32, #tpu.memory_space<hbm>>) target_semaphore(%arg15 : memref<!tpu.dma_semaphore, #tpu.memory_space<semaphore_mem>>)
    }
    %scan3A_13 = arith.constant 8 : i32
    %dma_wait3A = arith.constant 0 : i32
    %dma_wait3A_14 = tpu.memref_slice %arg6[%dma_wait3A] : memref<512xi32, #tpu.memory_space<vmem>> -> memref<32xi32, #tpu.memory_space<vmem>>
    %dma_wait3A_15 = arith.constant 0 : i32
    %dma_wait3A_16 = arith.constant 0 : i32
    %dma_wait3A_17 = tpu.memref_slice %arg2[%dma_wait3A_15, %dma_wait3A_16] : memref<1024x1152xi32, #tpu.memory_space<hbm>> -> memref<1024x1152xi32, #tpu.memory_space<hbm>>
    tpu.wait_indirect_dma semaphore(%arg12 : memref<!tpu.dma_semaphore, #tpu.memory_space<semaphore_mem>>) src(%dma_wait3A_17 : memref<1024x1152xi32, #tpu.memory_space<hbm>>) dst(%arg8 : memref<32x1152xi32, #tpu.memory_space<vmem>>)
    %add3A_18 = arith.constant 448 : i32
    %add3A_19 = arith.addi %mul3A_2, %add3A_18 : i32
    %dma_wait3A_20 = arith.constant 0 : i32
    %dma_wait3A_21 = tpu.memref_slice %arg5[%add3A_19, %dma_wait3A_20] : memref<16384x768xf32, #tpu.memory_space<hbm>> -> memref<32x768xf32, #tpu.memory_space<hbm>>
    %dma_wait3A_22 = arith.constant 0 : i32
    %dma_wait3A_23 = tpu.memref_slice %arg5[%add3A_19, %dma_wait3A_22] : memref<16384x768xf32, #tpu.memory_space<hbm>> -> memref<32x768xf32, #tpu.memory_space<hbm>>
    tpu.wait_dma2 semaphore(%arg14 : memref<!tpu.dma_semaphore, #tpu.memory_space<semaphore_mem>>) src(%arg10 : memref<32x768xf32, #tpu.memory_space<vmem>>) dst(%dma_wait3A_23 : memref<32x768xf32, #tpu.memory_space<hbm>>)
    %add3A_24 = arith.constant 480 : i32
    %add3A_25 = arith.addi %mul3A_2, %add3A_24 : i32
    %dma_wait3A_26 = arith.constant 0 : i32
    %dma_wait3A_27 = tpu.memref_slice %arg5[%add3A_25, %dma_wait3A_26] : memref<16384x768xf32, #tpu.memory_space<hbm>> -> memref<32x768xf32, #tpu.memory_space<hbm>>
    %dma_wait3A_28 = arith.constant 0 : i32
    %dma_wait3A_29 = tpu.memref_slice %arg5[%add3A_25, %dma_wait3A_28] : memref<16384x768xf32, #tpu.memory_space<hbm>> -> memref<32x768xf32, #tpu.memory_space<hbm>>
    tpu.wait_dma2 semaphore(%arg15 : memref<!tpu.dma_semaphore, #tpu.memory_space<semaphore_mem>>) src(%arg11 : memref<32x768xf32, #tpu.memory_space<vmem>>) dst(%dma_wait3A_29 : memref<32x768xf32, #tpu.memory_space<hbm>>)
    return
  }
}

</mosaic_0001>

<sc_bundles>
// kernel: _run.3.cloned.1.call-start
scs
__scs_entry_jumppad:
0x0: {  	(pc) =	sbr.rel $0x88, $3  }
0x1: {  	(tag) =	ssettag $0x0;
	lr =	simm.s32 $0x1  }
0x2: {  	[smem:$0x3F9E] =	sst lr;
	_ =	strace $0xD0000000  }
0x3: {  	_ = 	snop  }
0x4: {  	_ = 	snop  }
0x5: {  	_ = 	snop  }
0x6: {  	_ = 	snop  }
0x7: {  	_ = 	snop  }
__scs_overlays_trampoline_lowered:
0x8: {  	[smem:$0x3FAD] =	sst s0  }
0x9: {  	[smem:$0x3FAE] =	sst s1  }
0xa: {  	[smem:$0x3FAF] =	sst s2  }
0xb: {  	[smem:$0x3FB0] =	sst s3  }
0xc: {  	[smem:$0x3FB1] =	sst s4  }
0xd: {  	[smem:$0x3FB2] =	sst s5  }
0xe: {  	[smem:$0x3FB3] =	sst s6  }
0xf: {  	[smem:$0x3FB4] =	sst s7  }
0x10: {  	[smem:$0x3FB5] =	sst s8  }
0x11: {  	[smem:$0x3FB6] =	sst s9;
	s0 =	simm.s32 @!p0 $0x0  }
0x12: {  	s1 =	sld [smem:$0x3F9C];
	s0 =	simm.s32 @p0 $0x1  }
0x13: {  	[smem:$0x3FB7] =	sst s0;
	s0 =	simm.s32 @!p1 $0x0  }
0x14: {  	s2 =	sld [smem:$0x3F9B];
	s0 =	simm.s32 @p1 $0x1  }
0x15: {  	[smem:$0x3FB8] =	sst s0;
	s0 =	simm.s32 @!p2 $0x0  }
0x16: {  	s3 =	sld [smem:$0x3FDB];
	s0 =	simm.s32 @p2 $0x1  }
0x17: {  	s4 =	simm.s32 $0x1BF5;
	[smem:$0x3FBA] =	sst s0  }
0x18: {  	s0 =	sld [smem:$0x3F9D];
	_ =	swait.ge [sflag:s4], $0x0  }
0x19: {  	s7 =	sld [smem:$0x3F9E]  }
0x1a: {  	s8 =	sadd.s32 $0xFFFFE003, lr  }
0x1b: {  	s9 =	sadd.s32 $0xFFFFFEF7, lr;
	s5 =	simm.s32 $0xFFFFFFFF;
	p2 =	slt.u32 s8, $0xFFFFF086  }
0x1c: {  	p1 =	slt.u32 s9, $0xF7A;
	s5 =	simm.s32 @!p2 $0x0  }
0x1d: {  	s5 =	simm.s32 @p1 $0x1;
	p0 =	seq.s32 s7, s2  }
0x1e: {  	s7 =	smul.u32 @!p0 $0xF7A, s2;
	p2 =	seq.s32 @!p0 s5, $0x0  }
0x1f: {  	s9 =	smul.u32 $0xF7A, s1;
	s8 =	simm.s32 @!p0 $0x1BF5;
	p2 =	por !p2, p0  }
0x20: {  	[sflag:s8] =	ssyncset.s32 @!p0 $0xFFFFF086;
	s6 =	sadd.s32 @!p0 s3, s7;
	s7 =	simm.s32 @!p0 $0x108  }
0x21: {  	s3 =	sadd.s32 s3, s9;
	s6 =	sadd.s32 @!p0 $0x88, s6;
	s7 =	simm.s32 @p2 $0x1082  }
0x22: {  	[simem:s7], [sflag:s8] =	dma.local @!p0 [hbm:s6], $0xF7A  }
0x23: {  	s9 =	sor.u32 $0xD0000000, s2;
	s6 =	simm.s32 $0x108;
	_ =	swait.ge @!p0 [sflag:s8], $0x0  }
0x24: {  	s3 =	sadd.s32 $0x88, s3;
	s6 =	simm.s32 @!p1 $0x1082;
	[sflag:s4] =	ssyncset.s32 $0xFFFFF086  }
0x25: {  	[simem:s6], [sflag:s4] =	dma.local [hbm:s3], $0xF7A  }
0x26: {  	[smem:$0x3F9E] =	sst s1;
	(tag) =	ssettag s2;
	_ =	strace s9  }
0x27: {  	s1 =	sld [smem:$0x3FAE]  }
0x28: {  	s2 =	sld [smem:$0x3FAF]  }
0x29: {  	s4 =	sld [smem:$0x3FB1]  }
0x2a: {  	p0 =	seq.s32 s5, $0x0;
	s5 =	sld [smem:$0x3FB2]  }
0x2b: {  	s6 =	sld [smem:$0x3FB3]  }
0x2c: {  	s7 =	sld [smem:$0x3FB4]  }
0x2d: {  	s3 =	simm.s32 $0x108;
	s8 =	sld [smem:$0x3FB5]  }
0x2e: {  	s3 =	simm.s32 @!p0 $0x1082;
	s9 =	sld [smem:$0x3FB6]  }
0x2f: {  	lr =	sadd.s32 s0, s3;
	s0 =	sld [smem:$0x3FAD]  }
0x30: {  	s3 =	sld [smem:$0x3FB0]  }
0x31: {  	[smem:$0x3FB9] =	sst s10  }
0x32: {  	s10 =	sld [smem:$0x3FB7];
	_ =	sdelay $0x3  }
0x33: {  	p0 =	seq.s32 s10, $0x1;
	s10 =	sld [smem:$0x3FB9];
	_ =	sdelay $0x3  }
0x34: {  	[smem:$0x3FB9] =	sst s10  }
0x35: {  	s10 =	sld [smem:$0x3FB8];
	_ =	sdelay $0x3  }
0x36: {  	p1 =	seq.s32 s10, $0x1;
	s10 =	sld [smem:$0x3FB9];
	_ =	sdelay $0x3  }
0x37: {  	[smem:$0x3FB9] =	sst s10  }
0x38: {  	s10 =	sld [smem:$0x3FBA]  }
0x39: {  	_ = 	snop;
	(pc) =	sbr.ind lr, $3  }
0x3a: {  	_ = 	snop  }
0x3b: {  	_ = 	snop  }
0x3c: {  	p2 =	seq.s32 s10, $0x1;
	s10 =	sld [smem:$0x3FB9]  }
0x3d: {  	_ =	shalt  }
0x3e: {  	_ =	shalt  }
0x3f: {  	_ =	shalt  }
0x40: {  	_ =	shalt  }
0x41: {  	_ =	shalt  }
0x42: {  	_ =	shalt  }
0x43: {  	_ =	shalt  }
0x44: {  	_ =	shalt  }
0x45: {  	_ =	shalt  }
0x46: {  	_ =	shalt  }
0x47: {  	_ =	shalt  }
0x48: {  	_ =	shalt  }
0x49: {  	_ =	shalt  }
0x4a: {  	_ =	shalt  }
0x4b: {  	_ =	shalt  }
0x4c: {  	_ =	shalt  }
0x4d: {  	_ =	shalt  }
0x4e: {  	_ =	shalt  }
0x4f: {  	_ =	shalt  }
0x50: {  	_ =	shalt  }
0x51: {  	_ =	shalt  }
0x52: {  	_ =	shalt  }
0x53: {  	_ =	shalt  }
0x54: {  	_ =	shalt  }
0x55: {  	_ =	shalt  }
0x56: {  	_ =	shalt  }
0x57: {  	_ =	shalt  }
0x58: {  	_ =	shalt  }
0x59: {  	_ =	shalt  }
0x5a: {  	_ =	shalt  }
0x5b: {  	_ =	shalt  }
0x5c: {  	_ =	shalt  }
0x5d: {  	_ =	shalt  }
0x5e: {  	_ =	shalt  }
0x5f: {  	_ =	shalt  }
0x60: {  	_ =	shalt  }
0x61: {  	_ =	shalt  }
0x62: {  	_ =	shalt  }
0x63: {  	_ =	shalt  }
0x64: {  	_ =	shalt  }
0x65: {  	_ =	shalt  }
0x66: {  	_ =	shalt  }
0x67: {  	_ =	shalt  }
0x68: {  	_ =	shalt  }
0x69: {  	_ =	shalt  }
0x6a: {  	_ =	shalt  }
0x6b: {  	_ =	shalt  }
0x6c: {  	_ =	shalt  }
0x6d: {  	_ =	shalt  }
0x6e: {  	_ =	shalt  }
0x6f: {  	_ =	shalt  }
0x70: {  	_ =	shalt  }
0x71: {  	_ =	shalt  }
0x72: {  	_ =	shalt  }
0x73: {  	_ =	shalt  }
0x74: {  	_ =	shalt  }
0x75: {  	_ =	shalt  }
0x76: {  	_ =	shalt  }
0x77: {  	_ =	shalt  }
0x78: {  	_ =	shalt  }
0x79: {  	_ =	shalt  }
0x7a: {  	_ =	shalt  }
0x7b: {  	_ =	shalt  }
0x7c: {  	_ =	shalt  }
0x7d: {  	_ =	shalt  }
0x7e: {  	_ =	shalt  }
0x7f: {  	_ =	shalt  }
0x80: {  	_ =	shalt  }
0x81: {  	_ =	shalt  }
0x82: {  	_ =	shalt  }
0x83: {  	_ =	shalt  }
0x84: {  	_ =	shalt  }
0x85: {  	_ =	shalt  }
0x86: {  	_ =	shalt  }
0x87: {  	_ =	shalt  }
.Lfunc_end0:
.L_simem_size_0:
called_computation_lowered:
.L_overlay_start_0:
0x88: {  	s2 =	sld [smem:$0x3FD9]  }
0x89: {  	s3 =	sld [smem:$0x3FFE];
	_ =	sdelay $0x1  }
0x8a: {  	s1 =	srdreg.scid  }
0x8b: {  	s0 =	sand.u32 $0x1, s1  }
0x8c: {  	s18 =	sshll.u32 s0, $0xA;
	s2 =	sadd.s32 s3, s2  }
0x8d: {  	s2 =	sadd.s32 s2, s18  }
0x8e: {  	[smem:$0x3FC5] =	sst s2  }
0x8f: {  	_ = 	snop  }
0x90: {  	s2 =	sld [smem:$0x3FC9]  }
0x91: {  	s19 =	sld [smem:$0x3FC8]  }
0x92: {  	s4 =	sld [smem:$0x3FC7]  }
0x93: {  	s5 =	sld [smem:$0x3FD0];
	(tm) =	ssettm $0x1  }
0x94: {  	s6 =	sld [smem:$0x3FFB];
	_ =	sdelay $0x3  }
0x95: {  	_ =	strace s6  }
0x96: {  	s6 =	sld [smem:$0x3FFC];
	_ =	sdelay $0x3  }
0x97: {  	_ =	strace s6  }
0x98: {  	s6 =	sld [smem:$0x3FFD];
	_ =	sdelay $0x3  }
0x99: {  	_ =	strace s6  }
0x9a: {  	_ =	strace $0x8FFFFFFF  }
0x9b: {  	s20 =	sld [smem:$0x3FDB];
	_ =	sdelay $0x1  }
0x9c: {  	s7 =	simm.s32 $_scs_section_size  }
0x9d: {  	s8 =	simm.s32 $_size__tile_overlayer_lowered;
	s9 =	simm.s32 $_tile_overlayer_lowered  }
0x9e: {  	s23 =	simm.s32 $0x1BFF;
	s22 =	sshll.u32 s9, $0x1;
	s6 =	sadd.s32 s7, s20  }
0x9f: {  	s10 =	simm.s32 $0x0;
	s21 =	sshll.u32 s8, $0x1;
	s8 =	sadd.s32 s22, s6  }
0xa0: {  	[timem:s10], [sflag:s23] =	dma.local [hbm:s8], s21  }
0xa1: {  	_ =	swait.ge [sflag:s23], s21  }
0xa2: {  	s7 =	ssub.s32 $0x0, s21;
	[sflag:s23] =	ssyncset.done $0x0  }
0xa3: {  	[sflag:s23] =	ssyncadd.s32 s7;
	_ =	sdelay $0x1  }
0xa4: {  	s24 =	simm.s32 $0x1B8B  }
0xa5: {  	_ =	swait.ge [sflag:s24], $0x1  }
0xa6: {  	[sflag:s24] =	ssyncset.done $0x0  }
0xa7: {  	s25 =	simm.s32 $0x1B8E;
	[sflag:s24] =	ssyncadd.s32 $0xFFFFFFFF  }
0xa8: {  	s26 =	simm.s32 $execute0_lowered;
	[smem:$0x3FD2] =	sst s25  }
0xa9: {  	s7 =	sshll.u32 s26, $0x1;
	_ =	strace $0x80000046;
	[dreg:$0x1] =	wrdreg $0xFFFFFFFF  }
0xaa: {  	s28 =	simm.s32 $_size_execute0_lowered;
	s6 =	sadd.s32 s6, s7;
	[dreg:$0x0] =	wrdreg $0x0  }
0xab: {  	s7 =	sshll.u32 s28, $0x1;
	[dreg:$0x2] =	wrdreg s6  }
0xac: {  	[dreg:$0x3] =	wrdreg s7  }
0xad: {  	[dreg:$0x4] =	wrdreg $0xC0  }
0xae: {  	_ =	task [dreg:s10], $0x5FFFF  }
0xaf: {  	[dreg:$0x1] =	wrdreg $0xFFFFFFFF  }
0xb0: {  	[dreg:$0x0] =	wrdreg $0x60  }
0xb1: {  	[dreg:$0x2] =	wrdreg s2  }
0xb2: {  	[dreg:$0x3] =	wrdreg s19  }
0xb3: {  	[dreg:$0x4] =	wrdreg s4  }
0xb4: {  	[dreg:$0x5] =	wrdreg s5  }
0xb5: {  	[dreg:$0x6] =	wrdreg $0x9  }
0xb6: {  	_ =	task.clear_ibuf [dreg:s10], $0x7FFFF;
	_ =	strace $0x90000046  }
0xb7: {  	s29 =	simm.s32 $0x9;
	_ =	strace $0x80000048  }
0xb8: {  	_ =	swait.ge [sflag:s29], $0x1  }
0xb9: {  	[sflag:s29] =	ssyncadd.s32 $0xFFFFFFFF  }
0xba: {  	_ =	strace $0x90000048  }
0xbb: {  	_ =	sfence  }
0xbc: {  	s30 =	sld [smem:$0x0];
	_ =	sdelay $0x2  }
0xbd: {  	s31 =	sshll.u32 s1, $0xD;
	s1 =	sshrl.u32 s1, $0x2  }
0xbe: {  	s3 =	sand.u32 $0x4000, s31;
	s1 =	sadd.s32 s1, s30  }
0xbf: {  	s0 =	sor.u32 s3, s0;
	s1 =	sshll.u32 s1, $0x11  }
0xc0: {  	s0 =	sor.u32 s1, s0  }
0xc1: {  	s0 =	sadd.s32 $0x8F2B, s0  }
0xc2: {  	[sflag:s0] =	ssyncadd.remote.s32 $0x1  }
0xc3: {  	_ =	sfence.sel $0xFFFF  }
0xc4: {  	[dreg:$0x0] =	wrdreg $0xFFFFFFFF;
	(pc) =	sbr.abs _section_cstart, $3  }
0xc5: {  	[dreg:$0x1] =	wrdreg $0xFFFFFFFF  }
0xc6: {  	_ =	task.clear_ibuf [dreg:s10], $0x2FFFF;
	_ =	strace $0x9FFFFFFF  }
0xc7: {  	(tm) =	ssettm $0x7FFFFFFF  }
tec
execute0_lowered:
.L_overlay_start_1:
0x0: {  	(tag) =	ssettag $0x1  }
0x1: {  	s31 =	rddreg [dreg:$0x0]  }
0x2: {  	s0 =	rddreg [dreg:$0x1]  }
0x3: {  	s1 =	rddreg [dreg:$0x2]  }
0x4: {  	s2 =	srdreg.scid;
	s3 =	stileid.u32  }
0x5: {  	s4 =	simm.s32 $0x0;
	s14 =	simm.s32 $0x200;
	s2 =	sand.u32 $0x1, s2  }
0x6: {  	s3 =	sshll.u32 s3, $0x1;
	[smem:$0x7FF] =	sst s4;
	s28 =	sadd.s32 $0x100, s31  }
0x7: {  	s29 =	sadd.s32 $0x200, s31;
	_ =	strace $0x80000047;
	[dreg:$0x8] =	wrdreg s28  }
0x8: {  	s5 =	ssub.s32 $0x2, s2;
	s2 =	sor.u32 s2, s3;
	[dreg:$0x9] =	wrdreg s29  }
0x9: {  	s6 =	smul.u32 $0xC0, s2;
	s26 =	sshll.u32 s2, $0x6;
	s2 =	sshll.u32 s2, $0x9  }
0xa: {  	s25 =	sshrl.u32 s5, $0x1;
	[dreg:$0x5] =	wrdreg s2;
	s1 =	sadd.s32 s1, s26  }
0xb: {  	v2 =	vlaneseq.u32;
	s3 =	ssub.s32 s5, s25;
	[dreg:$0x6] =	wrdreg s1;
	s0 =	sadd.s32 s0, s6  }
0xc: {  	vm0 =	vmmov $0xffff;
	vm1 =	vmmov $0xff;
	s10 =	sadd.s32 $0x300, s31;
	v1 =	vshrl.u32 v2, $0x3;
	s30 =	smax.u32 s3, $0x1;
	[dreg:$0x7] =	wrdreg s0  }
0xd: {  	s11 =	sadd.s32 $0x400, s31;
	v0 =	vand.u32 $0x7, v2;
	v2 =	vor.u32 $0x8, v2;
	v1 =	vmul.u32 $0x8, v1;
	s2 =	simm.s32 $0x0;
	[dreg:$0xa] =	wrdreg s30  }
.LBB2_1:
0xe: {  	[dreg:$0xb] =	wrdreg s2  }
0xf: {  	s0 =	rddreg [dreg:$0x6];
	s1 =	simm.s32 $0x5  }
0x10: {  	[tilespmem:s4], [sflag:$0x5] =	stream.linear.gather [hbm4b:s0+s4], $0x200, $0x38;
	[tilespmem:$0x1E800] =	vst v63  }
0x11: {  	_ =	swait.ge [sflag:s1], $0x200  }
0x12: {  	[sflag:s1] =	ssyncset.done $0x0  }
0x13: {  	s3 =	rddreg [dreg:$0x7];
	[sflag:s1] =	ssyncadd.s32 $0xFFFFFE00  }
0x14: {  	[tilespmem:s14], [sflag:$0x5] =	stream.linear.gather [hbm4b:s3+s4], $0x600, $0x38;
	[tilespmem:$0x1E800] =	vst v63  }
0x15: {  	_ =	swait.ge [sflag:s1], $0x600  }
0x16: {  	[sflag:s1] =	ssyncset.done $0x0  }
0x17: {  	[sflag:s1] =	ssyncadd.s32 $0xFFFFFA00  }
0x18: {  	v3 =	vld [tilespmem:$0x0];
	_ =	sdelay $0x4  }
0x19: {  	v4 =	vshrl.u32 v3, $0x3  }
0x1a: {  	v4 =	vmul.u32 $0x48, v4  }
0x1b: {  	v3 =	vand.u32 $0x7, v3  }
0x1c: {  	v3 =	vor.u32 v3, v4  }
0x1d: {  	v4 =	vperm.xlane v3, v0;
	_ =	sdelay $0x1  }
0x1e: {  	v4 =	vadd.s32 v1, v4;
	_ =	sdelay $0x3  }
0x1f: {  	s5 =	simm.s32 $0x800  }
0x20: {  	[tilespmem:s5], [sflag:$0x1] =	stream.indirect_vreg.gather [hbm4b:s31+s4], $0x80, v4, vm0, $0xb8;
	[tilespmem:$0x1E800] =	vst v63  }
0x21: {  	s7 =	simm.s32 $0x1000;
	s6 =	rddreg [dreg:$0x8]  }
0x22: {  	[tilespmem:s7], [sflag:$0x1] =	stream.indirect_vreg.gather [hbm4b:s6+s4], $0x80, v4, vm0, $0xb8;
	[tilespmem:$0x1E800] =	vst v63  }
0x23: {  	s9 =	simm.s32 $0x1800;
	s8 =	rddreg [dreg:$0x9];
	v3 =	vperm.xlane v3, v2  }
0x24: {  	[tilespmem:s9], [sflag:$0x1] =	stream.indirect_vreg.gather [hbm4b:s8+s4], $0x80, v4, vm0, $0xb8;
	[tilespmem:$0x1E800] =	vst v63  }
0x25: {  	s12 =	simm.s32 $0x2000;
	v3 =	vadd.s32 v1, v3  }
0x26: {  	[tilespmem:s12], [sflag:$0x1] =	stream.indirect_vreg.gather [hbm4b:s10+s4], $0x80, v4, vm0, $0xb8;
	[tilespmem:$0x1E800] =	vst v63  }
0x27: {  	s13 =	simm.s32 $0x2800  }
0x28: {  	[tilespmem:s13], [sflag:$0x1] =	stream.indirect_vreg.gather [hbm4b:s11+s4], $0x80, v4, vm1, $0xb8;
	[tilespmem:$0x1E800] =	vst v63  }
0x29: {  	s15 =	simm.s32 $0x2C00  }
0x2a: {  	[tilespmem:s15], [sflag:$0x1] =	stream.indirect_vreg.gather [hbm4b:s31+s4], $0x80, v3, vm0, $0xb8;
	[tilespmem:$0x1E800] =	vst v63  }
0x2b: {  	s16 =	simm.s32 $0x3400  }
0x2c: {  	[tilespmem:s16], [sflag:$0x1] =	stream.indirect_vreg.gather [hbm4b:s6+s4], $0x80, v3, vm0, $0xb8;
	[tilespmem:$0x1E800] =	vst v63  }
0x2d: {  	s17 =	simm.s32 $0x3C00  }
0x2e: {  	[tilespmem:s17], [sflag:$0x1] =	stream.indirect_vreg.gather [hbm4b:s8+s4], $0x80, v3, vm0, $0xb8;
	[tilespmem:$0x1E800] =	vst v63  }
0x2f: {  	s18 =	simm.s32 $0x4400  }
0x30: {  	[tilespmem:s18], [sflag:$0x1] =	stream.indirect_vreg.gather [hbm4b:s10+s4], $0x80, v3, vm0, $0xb8;
	[tilespmem:$0x1E800] =	vst v63  }
0x31: {  	s19 =	simm.s32 $0x4C00  }
0x32: {  	[tilespmem:s19], [sflag:$0x1] =	stream.indirect_vreg.gather [hbm4b:s11+s4], $0x80, v3, vm1, $0xb8;
	[tilespmem:$0x1E800] =	vst v63  }
0x33: {  	v3 =	vld [tilespmem:$0x10];
	_ =	sdelay $0x4  }
0x34: {  	v63 =	vshrl.u32 v3, $0x3  }
0x35: {  	v4 =	vmul.u32 $0x48, v63  }
0x36: {  	v3 =	vand.u32 $0x7, v3  }
0x37: {  	v3 =	vor.u32 v3, v4  }
0x38: {  	v4 =	vperm.xlane v3, v0;
	_ =	sdelay $0x1  }
0x39: {  	v4 =	vadd.s32 v1, v4;
	_ =	sdelay $0x3  }
0x3a: {  	s20 =	simm.s32 $0x5000  }
0x3b: {  	[tilespmem:s20], [sflag:$0x1] =	stream.indirect_vreg.gather [hbm4b:s31+s4], $0x80, v4, vm0, $0xb8;
	[tilespmem:$0x1E800] =	vst v63  }
0x3c: {  	s21 =	simm.s32 $0x5800  }
0x3d: {  	[tilespmem:s21], [sflag:$0x1] =	stream.indirect_vreg.gather [hbm4b:s6+s4], $0x80, v4, vm0, $0xb8;
	[tilespmem:$0x1E800] =	vst v63  }
0x3e: {  	s22 =	simm.s32 $0x6000;
	v3 =	vperm.xlane v3, v2  }
0x3f: {  	[tilespmem:s22], [sflag:$0x1] =	stream.indirect_vreg.gather [hbm4b:s8+s4], $0x80, v4, vm0, $0xb8;
	[tilespmem:$0x1E800] =	vst v63  }
0x40: {  	s23 =	simm.s32 $0x6800;
	v3 =	vadd.s32 v1, v3  }
0x41: {  	[tilespmem:s23], [sflag:$0x1] =	stream.indirect_vreg.gather [hbm4b:s10+s4], $0x80, v4, vm0, $0xb8;
	[tilespmem:$0x1E800] =	vst v63  }
0x42: {  	s24 =	simm.s32 $0x7000  }
0x43: {  	[tilespmem:s24], [sflag:$0x1] =	stream.indirect_vreg.gather [hbm4b:s11+s4], $0x80, v4, vm1, $0xb8;
	[tilespmem:$0x1E800] =	vst v63  }
0x44: {  	s25 =	simm.s32 $0x7400  }
0x45: {  	[tilespmem:s25], [sflag:$0x1] =	stream.indirect_vreg.gather [hbm4b:s31+s4], $0x80, v3, vm0, $0xb8;
	[tilespmem:$0x1E800] =	vst v63  }
0x46: {  	s26 =	simm.s32 $0x7C00  }
0x47: {  	[tilespmem:s26], [sflag:$0x1] =	stream.indirect_vreg.gather [hbm4b:s6+s4], $0x80, v3, vm0, $0xb8;
	[tilespmem:$0x1E800] =	vst v63  }
0x48: {  	s28 =	simm.s32 $0x8400  }
0x49: {  	[tilespmem:s28], [sflag:$0x1] =	stream.indirect_vreg.gather [hbm4b:s8+s4], $0x80, v3, vm0, $0xb8;
	[tilespmem:$0x1E800] =	vst v63  }
0x4a: {  	s29 =	simm.s32 $0x8C00;
	s30 =	simm.s32 $0x9400  }
0x4b: {  	[tilespmem:s29], [sflag:$0x1] =	stream.indirect_vreg.gather [hbm4b:s10+s4], $0x80, v3, vm0, $0xb8;
	[tilespmem:$0x1E800] =	vst v63  }
0x4c: {  	s15 =	simm.s32 $0x63;
	s16 =	simm.s32 $0x3;
	s17 =	simm.s32 $0x0  }
0x4d: {  	[tilespmem:s30], [sflag:$0x1] =	stream.indirect_vreg.gather [hbm4b:s11+s4], $0x80, v3, vm1, $0xb8;
	[tilespmem:$0x1E800] =	vst v63  }
.LBB2_2:
0x4e: {  	p0 =	seq.s32 s17, $0x0  }
0x4f: {  	s0 =	simm.s32 @!p0 $0x3  }
0x50: {  	_ =	swait.ge @!p0 [sflag:s0], $0x6000  }
0x51: {  	[sflag:s0] =	ssyncset.done @!p0 $0x0  }
0x52: {  	[sflag:s0] =	ssyncadd.s32 @!p0 $0xFFFFA000;
	s0 =	simm.s32 @!p0 $0x4  }
0x53: {  	_ =	swait.ge @!p0 [sflag:s0], $0x6000  }
0x54: {  	[sflag:s0] =	ssyncset.done @!p0 $0x0  }
0x55: {  	s7 =	simm.s32 $0x1;
	[sflag:s0] =	ssyncadd.s32 @!p0 $0xFFFFA000  }
0x56: {  	_ =	swait.ge [sflag:s7], $0x9000  }
0x57: {  	s19 =	sshll.u32 s17, $0x6;
	[sflag:s7] =	ssyncset.done $0x0  }
0x58: {  	s8 =	sor.u32 $0x20, s19;
	[sflag:s7] =	ssyncadd.s32 $0xFFFF7000  }
0x59: {  	v3 =	vld [tilespmem:s8+$0x0];
	_ =	sdelay $0x4  }
0x5a: {  	v4 =	vshrl.u32 v3, $0x3  }
0x5b: {  	v4 =	vmul.u32 $0x48, v4  }
0x5c: {  	v3 =	vand.u32 $0x7, v3  }
0x5d: {  	v3 =	vor.u32 v3, v4  }
0x5e: {  	v4 =	vperm.xlane v3, v0;
	_ =	sdelay $0x1  }
0x5f: {  	v4 =	vadd.s32 v1, v4;
	_ =	sdelay $0x3  }
0x60: {  	s9 =	simm.s32 $0x9800  }
0x61: {  	[tilespmem:s9], [sflag:$0x2] =	stream.indirect_vreg.gather [hbm4b:s31+s4], $0x80, v4, vm0, $0xb8;
	[tilespmem:$0x1E800] =	vst v63  }
0x62: {  	s1 =	simm.s32 $0xA000;
	s12 =	rddreg [dreg:$0x8]  }
0x63: {  	[tilespmem:s1], [sflag:$0x2] =	stream.indirect_vreg.gather [hbm4b:s12+s4], $0x80, v4, vm0, $0xb8;
	[tilespmem:$0x1E800] =	vst v63  }
0x64: {  	s2 =	simm.s32 $0xA800;
	s13 =	rddreg [dreg:$0x9];
	v3 =	vperm.xlane v3, v2  }
0x65: {  	[tilespmem:s2], [sflag:$0x2] =	stream.indirect_vreg.gather [hbm4b:s13+s4], $0x80, v4, vm0, $0xb8;
	[tilespmem:$0x1E800] =	vst v63  }
0x66: {  	s18 =	simm.s32 $0xB000;
	v3 =	vadd.s32 v1, v3  }
0x67: {  	[tilespmem:s18], [sflag:$0x2] =	stream.indirect_vreg.gather [hbm4b:s10+s4], $0x80, v4, vm0, $0xb8;
	[tilespmem:$0x1E800] =	vst v63  }
0x68: {  	s20 =	simm.s32 $0xB800  }
0x69: {  	[tilespmem:s20], [sflag:$0x2] =	stream.indirect_vreg.gather [hbm4b:s11+s4], $0x80, v4, vm1, $0xb8;
	[tilespmem:$0x1E800] =	vst v63  }
0x6a: {  	s21 =	simm.s32 $0xBC00  }
0x6b: {  	[tilespmem:s21], [sflag:$0x2] =	stream.indirect_vreg.gather [hbm4b:s31+s4], $0x80, v3, vm0, $0xb8;
	[tilespmem:$0x1E800] =	vst v63  }
0x6c: {  	s22 =	simm.s32 $0xC400  }
0x6d: {  	[tilespmem:s22], [sflag:$0x2] =	stream.indirect_vreg.gather [hbm4b:s12+s4], $0x80, v3, vm0, $0xb8;
	[tilespmem:$0x1E800] =	vst v63  }
0x6e: {  	s23 =	simm.s32 $0xCC00  }
0x6f: {  	[tilespmem:s23], [sflag:$0x2] =	stream.indirect_vreg.gather [hbm4b:s13+s4], $0x80, v3, vm0, $0xb8;
	[tilespmem:$0x1E800] =	vst v63  }
0x70: {  	s24 =	simm.s32 $0xD400  }
0x71: {  	[tilespmem:s24], [sflag:$0x2] =	stream.indirect_vreg.gather [hbm4b:s10+s4], $0x80, v3, vm0, $0xb8;
	[tilespmem:$0x1E800] =	vst v63  }
0x72: {  	s25 =	simm.s32 $0xDC00  }
0x73: {  	[tilespmem:s25], [sflag:$0x2] =	stream.indirect_vreg.gather [hbm4b:s11+s4], $0x80, v3, vm1, $0xb8;
	[tilespmem:$0x1E800] =	vst v63  }
0x74: {  	v3 =	vld [tilespmem:s19+$0x30];
	_ =	sdelay $0x4  }
0x75: {  	v4 =	vshrl.u32 v3, $0x3  }
0x76: {  	v4 =	vmul.u32 $0x48, v4  }
0x77: {  	v3 =	vand.u32 $0x7, v3  }
0x78: {  	v3 =	vor.u32 v3, v4  }
0x79: {  	v4 =	vperm.xlane v3, v0;
	_ =	sdelay $0x1  }
0x7a: {  	v4 =	vadd.s32 v1, v4;
	_ =	sdelay $0x3  }
0x7b: {  	s26 =	simm.s32 $0xE000  }
0x7c: {  	[tilespmem:s26], [sflag:$0x2] =	stream.indirect_vreg.gather [hbm4b:s31+s4], $0x80, v4, vm0, $0xb8;
	[tilespmem:$0x1E800] =	vst v63  }
0x7d: {  	s29 =	simm.s32 $0xE800  }
0x7e: {  	[tilespmem:s29], [sflag:$0x2] =	stream.indirect_vreg.gather [hbm4b:s12+s4], $0x80, v4, vm0, $0xb8;
	[tilespmem:$0x1E800] =	vst v63  }
0x7f: {  	s30 =	simm.s32 $0xF000;
	v3 =	vperm.xlane v3, v2  }
0x80: {  	[tilespmem:s30], [sflag:$0x2] =	stream.indirect_vreg.gather [hbm4b:s13+s4], $0x80, v4, vm0, $0xb8;
	[tilespmem:$0x1E800] =	vst v63  }
0x81: {  	s3 =	simm.s32 $0xF800;
	v3 =	vadd.s32 v1, v3  }
0x82: {  	[tilespmem:s3], [sflag:$0x2] =	stream.indirect_vreg.gather [hbm4b:s10+s4], $0x80, v4, vm0, $0xb8;
	[tilespmem:$0x1E800] =	vst v63  }
0x83: {  	s5 =	simm.s32 $0x10000  }
0x84: {  	[tilespmem:s5], [sflag:$0x2] =	stream.indirect_vreg.gather [hbm4b:s11+s4], $0x80, v4, vm1, $0xb8;
	[tilespmem:$0x1E800] =	vst v63  }
0x85: {  	s6 =	simm.s32 $0x10400  }
0x86: {  	[tilespmem:s6], [sflag:$0x2] =	stream.indirect_vreg.gather [hbm4b:s31+s4], $0x80, v3, vm0, $0xb8;
	[tilespmem:$0x1E800] =	vst v63  }
0x87: {  	s7 =	simm.s32 $0x10C00;
	s5 =	simm.s32 $0x0  }
0x88: {  	[tilespmem:s7], [sflag:$0x2] =	stream.indirect_vreg.gather [hbm4b:s12+s4], $0x80, v3, vm0, $0xb8;
	[tilespmem:$0x1E800] =	vst v63  }
0x89: {  	[dreg:$0xc] =	wrdreg s8;
	s8 =	simm.s32 $0x11400;
	s12 =	smul.u32 $0x9000, s5  }
0x8a: {  	[tilespmem:s8], [sflag:$0x2] =	stream.indirect_vreg.gather [hbm4b:s13+s4], $0x80, v3, vm0, $0xb8;
	[tilespmem:$0x1E800] =	vst v63  }
0x8b: {  	s18 =	simm.s32 $0x0;
	s0 =	sshra.s32 s12, $0x2  }
0x8c: {  	s9 =	simm.s32 $0x11C00;
	s23 =	sand.u32 $0x300, s18;
	s3 =	sadd.s32 $0x2000, s0  }
0x8d: {  	[tilespmem:s9], [sflag:$0x2] =	stream.indirect_vreg.gather [hbm4b:s10+s4], $0x80, v3, vm0, $0xb8;
	[tilespmem:$0x1E800] =	vst v63  }
0x8e: {  	s13 =	simm.s32 $0x12400;
	s6 =	sor.u32 s23, s3  }
0x8f: {  	[tilespmem:s13], [sflag:$0x2] =	stream.indirect_vreg.gather [hbm4b:s11+s4], $0x80, v3, vm1, $0xb8;
	[tilespmem:$0x1E800] =	vst v63  }
0x90: {  	v3 =	vld [tilespmem:s6+$0x0]  }
0x91: {  	v4 =	vld [tilespmem:s6+$0x10]  }
0x92: {  	v7 =	vld [tilespmem:s6+$0x20]  }
0x93: {  	s20 =	sadd.s32 $0x800, s0;
	v9 =	vld [tilespmem:s6+$0x30]  }
0x94: {  	s7 =	sadd.s32 $0xFFFFFFFD, s16;
	s21 =	sadd.s32 $0x1400, s0;
	s8 =	sor.u32 s23, s20;
	v10 =	vld [tilespmem:s6+$0x40]  }
0x95: {  	v5 =	vmov s7;
	s22 =	sor.u32 s23, s21;
	v8 =	vld [tilespmem:s8+$0x0]  }
0x96: {  	v11 =	vld [tilespmem:s22+$0x0]  }
0x97: {  	v6 =	vor.u32 $0x1, v5;
	v12 =	vld [tilespmem:s8+$0x10]  }
0x98: {  	v13 =	vld [tilespmem:s8+$0x20]  }
0x99: {  	v14 =	vadd.s32 $0x2, v5;
	v15 =	vld [tilespmem:s8+$0x30]  }
0x9a: {  	v5 =	vld.idx.msk [tilespmem:v5+s14+$0x0], $0xffff  }
0x9b: {  	v16 =	vld [tilespmem:s8+$0x40]  }
0x9c: {  	v17 =	vld.idx.msk [tilespmem:v6+s14+$0x0], $0xffff  }
0x9d: {  	v18 =	vld [tilespmem:s8+$0x50]  }
0x9e: {  	v14 =	vld.idx.msk [tilespmem:v14+s14+$0x0], $0xffff  }
0x9f: {  	v19 =	vld [tilespmem:s8+$0x60];
	v6 =	vpack.i.f32.bf16 v5, v5  }
0xa0: {  	v20 =	vld [tilespmem:s22+$0x10];
	v22 =	vmul.bf16 v8, v6  }
0xa1: {  	v21 =	vld [tilespmem:s8+$0x70];
	v12 =	vmul.bf16 v12, v6;
	v13 =	vmul.bf16 v13, v6  }
0xa2: {  	v23 =	vld [tilespmem:s22+$0x20];
	v8 =	vpack.i.f32.bf16 v17, v17;
	v15 =	vmul.bf16 v15, v6;
	v16 =	vmul.bf16 v16, v6  }
0xa3: {  	v5 =	vpack.i.f32.bf16 v14, v14;
	v17 =	vld [tilespmem:s22+$0x30];
	v14 =	vmul.bf16 v18, v6;
	v11 =	vmul.bf16 v11, v8  }
0xa4: {  	v24 =	vld [tilespmem:s6+$0x50];
	v18 =	vmul.bf16 v19, v6;
	v3 =	vmul.bf16 v3, v5  }
0xa5: {  	s5 =	smul.u32 $0x6000, s5;
	v19 =	vld [tilespmem:s22+$0x40];
	v4 =	vmul.bf16 v4, v5;
	v20 =	vmul.bf16 v20, v8;
	v11 =	vadd.bf16 v11, v22  }
0xa6: {  	v26 =	vld [tilespmem:s22+$0x50];
	v21 =	vmul.bf16 v21, v6;
	v7 =	vmul.bf16 v7, v5  }
0xa7: {  	s24 =	sshra.s32 s5, $0x2;
	v27 =	vld [tilespmem:s22+$0x60];
	v3 =	vadd.bf16 v3, v11;
	v11 =	vadd.bf16 v20, v12;
	v12 =	vmul.bf16 v23, v8  }
0xa8: {  	v25 =	vmov s16;
	s5 =	sadd.s32 $0x12800, s24;
	v9 =	vmul.bf16 v9, v5;
	v22 =	vld [tilespmem:s6+$0x60];
	v17 =	vmul.bf16 v17, v8  }
0xa9: {  	s25 =	sor.u32 s23, s5;
	v20 =	vld [tilespmem:s6+$0x70];
	v28 =	vunpack.i.l.bf16.f32 v3;
	v4 =	vadd.bf16 v4, v11;
	v11 =	vadd.bf16 v12, v13  }
0xaa: {  	v23 =	vadd.s32 $0x1, v25;
	v12 =	vld [tilespmem:s22+$0x70];
	v3 =	vunpack.i.u.bf16.f32 v3;
	v13 =	vmul.bf16 v19, v8;
	[tilespmem:s25+$0x0] =	vst v28  }
0xab: {  	s26 =	simm.s32 $0x80;
	[tilespmem:s25+$0x10] =	vst v3;
	v3 =	vunpack.i.l.bf16.f32 v4;
	v7 =	vadd.bf16 v7, v11;
	v11 =	vadd.bf16 v17, v15  }
0xac: {  	s22 =	sand.u32 $0x380, s26;
	v4 =	vunpack.i.u.bf16.f32 v4;
	[tilespmem:s25+$0x20] =	vst v3;
	v3 =	vmul.bf16 v10, v5;
	v10 =	vmul.bf16 v26, v8  }
0xad: {  	s13 =	sor.u32 s22, s20;
	[tilespmem:s25+$0x30] =	vst v4;
	v4 =	vunpack.i.l.bf16.f32 v7;
	v9 =	vadd.bf16 v9, v11;
	v11 =	vadd.bf16 v13, v16  }
0xae: {  	s1 =	sor.u32 s22, s21;
	v17 =	vld [tilespmem:s13+$0x20];
	v7 =	vunpack.i.u.bf16.f32 v7;
	v13 =	vmul.bf16 v27, v8;
	[tilespmem:s25+$0x40] =	vst v4;
	v4 =	vmul.bf16 v24, v5  }
0xaf: {  	v19 =	vld [tilespmem:s1+$0x30];
	[tilespmem:s25+$0x50] =	vst v7;
	v10 =	vadd.bf16 v10, v14;
	v7 =	vunpack.i.l.bf16.f32 v9;
	v3 =	vadd.bf16 v3, v11  }
0xb0: {  	v47 =	vld [tilespmem:s13+$0x50];
	v12 =	vmul.bf16 v12, v8;
	v9 =	vunpack.i.u.bf16.f32 v9;
	[tilespmem:s25+$0x60] =	vst v7;
	v7 =	vmul.bf16 v22, v5  }
0xb1: {  	v48 =	vld [tilespmem:s13+$0x60];
	[tilespmem:s25+$0x70] =	vst v9;
	v4 =	vadd.bf16 v4, v10;
	v10 =	vadd.bf16 v13, v18;
	v9 =	vunpack.i.l.bf16.f32 v3  }
0xb2: {  	v15 =	vld.idx.msk [tilespmem:v23+s14+$0x0], $0xffff;
	v3 =	vunpack.i.u.bf16.f32 v3;
	[tilespmem:s25+$0x400] =	vst v9;
	v9 =	vmul.bf16 v20, v5  }
0xb3: {  	v16 =	vld [tilespmem:s13+$0x10];
	[tilespmem:s25+$0x410] =	vst v3;
	v3 =	vunpack.i.l.bf16.f32 v4;
	v7 =	vadd.bf16 v7, v10;
	v10 =	vadd.bf16 v12, v21  }
0xb4: {  	v14 =	vld [tilespmem:s13+$0x0];
	v4 =	vunpack.i.u.bf16.f32 v4;
	[tilespmem:s25+$0x420] =	vst v3  }
0xb5: {  	v11 =	vld.idx.msk [tilespmem:v25+s14+$0x0], $0xffff;
	[tilespmem:s25+$0x430] =	vst v4;
	v3 =	vunpack.i.l.bf16.f32 v7;
	v4 =	vadd.bf16 v9, v10  }
0xb6: {  	v13 =	vld [tilespmem:s1+$0x0];
	v7 =	vunpack.i.u.bf16.f32 v7;
	[tilespmem:s25+$0x440] =	vst v3  }
0xb7: {  	v18 =	vld [tilespmem:s13+$0x30];
	[tilespmem:s25+$0x450] =	vst v7;
	v3 =	vunpack.i.l.bf16.f32 v4  }
0xb8: {  	s2 =	sadd.s32 $0x2400, s0;
	v12 =	vld [tilespmem:s1+$0x10];
	v4 =	vunpack.i.u.bf16.f32 v4;
	[tilespmem:s25+$0x460] =	vst v3  }
0xb9: {  	s29 =	sor.u32 s23, s2;
	v10 =	vld [tilespmem:s1+$0x20];
	[tilespmem:s25+$0x470] =	vst v4  }
0xba: {  	v4 =	vld [tilespmem:s29+$0x0]  }
0xbb: {  	v20 =	vld [tilespmem:s29+$0x10]  }
0xbc: {  	v21 =	vld [tilespmem:s29+$0x20]  }
0xbd: {  	v22 =	vld [tilespmem:s29+$0x30]  }
0xbe: {  	v23 =	vld [tilespmem:s29+$0x40]  }
0xbf: {  	v24 =	vld [tilespmem:s29+$0x50]  }
0xc0: {  	s6 =	sadd.s32 $0xC00, s0;
	v26 =	vld [tilespmem:s29+$0x60]  }
0xc1: {  	s7 =	sadd.s32 $0x1800, s0;
	s18 =	sor.u32 s23, s6;
	v27 =	vld [tilespmem:s29+$0x70]  }
0xc2: {  	s30 =	sor.u32 s23, s7;
	v28 =	vld [tilespmem:s18+$0x0]  }
0xc3: {  	v7 =	vpack.i.f32.bf16 v11, v11;
	v29 =	vld [tilespmem:s30+$0x0]  }
0xc4: {  	v14 =	vmul.bf16 v14, v7;
	v3 =	vpack.i.f32.bf16 v15, v15;
	v15 =	vld [tilespmem:s18+$0x10]  }
0xc5: {  	v16 =	vmul.bf16 v16, v7;
	v11 =	vmul.bf16 v13, v3;
	v13 =	vld [tilespmem:s30+$0x10]  }
0xc6: {  	v17 =	vmul.bf16 v17, v7;
	v18 =	vmul.bf16 v18, v7;
	v30 =	vld [tilespmem:s18+$0x20]  }
0xc7: {  	v12 =	vmul.bf16 v12, v3;
	v31 =	vld [tilespmem:s30+$0x20];
	v10 =	vmul.bf16 v10, v3  }
0xc8: {  	v32 =	vld [tilespmem:s18+$0x30];
	v4 =	vmul.bf16 v4, v5;
	v20 =	vmul.bf16 v20, v5  }
0xc9: {  	v33 =	vld [tilespmem:s30+$0x30];
	v21 =	vmul.bf16 v21, v5;
	v22 =	vmul.bf16 v22, v5  }
0xca: {  	v25 =	vadd.s32 $0x2, v25;
	v34 =	vld [tilespmem:s18+$0x40];
	v28 =	vmul.bf16 v28, v6;
	v29 =	vmul.bf16 v29, v8  }
0xcb: {  	v35 =	vld [tilespmem:s30+$0x40];
	v11 =	vadd.bf16 v11, v14;
	v23 =	vmul.bf16 v23, v5;
	v24 =	vmul.bf16 v24, v5  }
0xcc: {  	v36 =	vld [tilespmem:s18+$0x50];
	v15 =	vmul.bf16 v15, v6;
	v13 =	vmul.bf16 v13, v8;
	v28 =	vadd.bf16 v29, v28  }
0xcd: {  	v41 =	vld [tilespmem:s18+$0x60];
	v12 =	vadd.bf16 v12, v16;
	v14 =	vmul.bf16 v30, v6;
	v16 =	vmul.bf16 v32, v6  }
0xce: {  	v43 =	vld [tilespmem:s18+$0x70];
	v13 =	vadd.bf16 v13, v15;
	v15 =	vmul.bf16 v31, v8;
	v4 =	vadd.bf16 v4, v28  }
0xcf: {  	s12 =	sadd.s32 $0x13000, s24;
	v10 =	vadd.bf16 v10, v17;
	v42 =	vmul.bf16 v33, v8;
	v45 =	vmul.bf16 v34, v6;
	v29 =	vld [tilespmem:s30+$0x50]  }
0xd0: {  	s9 =	sor.u32 s23, s12;
	v28 =	vld [tilespmem:s30+$0x60];
	v13 =	vadd.bf16 v20, v13;
	v14 =	vadd.bf16 v15, v14;
	v44 =	vunpack.i.l.bf16.f32 v4  }
0xd1: {  	v46 =	vmul.bf16 v35, v8;
	v16 =	vadd.bf16 v42, v16;
	v15 =	vld [tilespmem:s30+$0x70];
	v4 =	vunpack.i.u.bf16.f32 v4;
	[tilespmem:s9+$0x0] =	vst v44  }
0xd2: {  	v49 =	vld [tilespmem:s1+$0x60];
	v26 =	vmul.bf16 v26, v5;
	v14 =	vadd.bf16 v21, v14;
	[tilespmem:s9+$0x10] =	vst v4;
	v4 =	vunpack.i.l.bf16.f32 v13  }
0xd3: {  	v9 =	vld [tilespmem:s13+$0x40];
	v16 =	vadd.bf16 v22, v16;
	v22 =	vadd.bf16 v46, v45;
	v13 =	vunpack.i.u.bf16.f32 v13;
	[tilespmem:s9+$0x20] =	vst v4  }
0xd4: {  	s20 =	sor.u32 s22, s3;
	v25 =	vld.idx.msk [tilespmem:v25+s14+$0x0], $0xffff;
	v29 =	vmul.bf16 v29, v8;
	v4 =	vmul.bf16 v36, v6;
	[tilespmem:s9+$0x30] =	vst v13;
	v13 =	vunpack.i.l.bf16.f32 v14  }
0xd5: {  	v17 =	vld [tilespmem:s20+$0x10];
	v22 =	vadd.bf16 v23, v22;
	v14 =	vunpack.i.u.bf16.f32 v14;
	[tilespmem:s9+$0x40] =	vst v13;
	v13 =	vmul.bf16 v41, v6  }
0xd6: {  	v20 =	vld [tilespmem:s1+$0x40];
	v28 =	vmul.bf16 v28, v8;
	[tilespmem:s9+$0x50] =	vst v14;
	v14 =	vunpack.i.l.bf16.f32 v16;
	v4 =	vadd.bf16 v29, v4  }
0xd7: {  	s21 =	sadd.s32 $0x13400, s24;
	v21 =	vld [tilespmem:s1+$0x50];
	v16 =	vunpack.i.u.bf16.f32 v16;
	v15 =	vmul.bf16 v15, v8;
	[tilespmem:s9+$0x60] =	vst v14;
	v14 =	vmul.bf16 v43, v6  }
0xd8: {  	s26 =	sor.u32 s23, s21;
	v23 =	vld [tilespmem:s20+$0x0];
	[tilespmem:s9+$0x70] =	vst v16;
	v16 =	vunpack.i.l.bf16.f32 v22;
	v13 =	vadd.bf16 v28, v13;
	v4 =	vadd.bf16 v24, v4  }
0xd9: {  	v29 =	vld [tilespmem:s13+$0x70];
	v22 =	vunpack.i.u.bf16.f32 v22;
	[tilespmem:s26+$0x0] =	vst v16;
	v16 =	vmul.bf16 v27, v5;
	v14 =	vadd.bf16 v15, v14  }
0xda: {  	[tilespmem:s26+$0x10] =	vst v22;
	v24 =	vld [tilespmem:s1+$0x70];
	v15 =	vmul.bf16 v19, v3;
	v13 =	vadd.bf16 v26, v13;
	v22 =	vunpack.i.l.bf16.f32 v4  }
0xdb: {  	v19 =	vld [tilespmem:s20+$0x20];
	v26 =	vunpack.i.u.bf16.f32 v4;
	v4 =	vpack.i.f32.bf16 v25, v25;
	[tilespmem:s26+$0x20] =	vst v22  }
0xdc: {  	v14 =	vadd.bf16 v16, v14;
	v15 =	vadd.bf16 v15, v18;
	v18 =	vld [tilespmem:s20+$0x40];
	[tilespmem:s26+$0x30] =	vst v26;
	v25 =	vunpack.i.l.bf16.f32 v13  }
0xdd: {  	v22 =	vld [tilespmem:s20+$0x30];
	v16 =	vmul.bf16 v23, v4;
	v13 =	vunpack.i.u.bf16.f32 v13;
	[tilespmem:s26+$0x40] =	vst v25  }
0xde: {  	v9 =	vmul.bf16 v9, v7;
	v23 =	vld [tilespmem:s20+$0x50];
	[tilespmem:s26+$0x50] =	vst v13;
	v13 =	vunpack.i.l.bf16.f32 v14  }
0xdf: {  	s8 =	sadd.s32 $0x1000, s0;
	s25 =	sadd.s32 $0x2800, s0;
	s0 =	sadd.s32 $0x1C00, s0;
	v17 =	vmul.bf16 v17, v4;
	v25 =	vld [tilespmem:s20+$0x60];
	v14 =	vunpack.i.u.bf16.f32 v14;
	v11 =	vadd.bf16 v16, v11;
	[tilespmem:s26+$0x60] =	vst v13  }
0xe0: {  	s13 =	sor.u32 s23, s0;
	v16 =	vmul.bf16 v20, v3;
	v20 =	vmul.bf16 v47, v7;
	v13 =	vld [tilespmem:s20+$0x70];
	[tilespmem:s26+$0x70] =	vst v14  }
0xe1: {  	s29 =	sor.u32 s22, s5;
	v19 =	vmul.bf16 v19, v4;
	v12 =	vadd.bf16 v17, v12;
	v31 =	vld [tilespmem:s13+$0x10];
	v14 =	vunpack.i.u.bf16.f32 v11  }
0xe2: {  	s9 =	sor.u32 s22, s12;
	s12 =	sor.u32 s23, s8;
	v30 =	vld [tilespmem:s13+$0x20];
	v9 =	vadd.bf16 v16, v9;
	v16 =	vmul.bf16 v21, v3;
	v11 =	vunpack.i.l.bf16.f32 v11;
	[tilespmem:s29+$0x10] =	vst v14  }
0xe3: {  	v32 =	vld [tilespmem:s12+$0x30];
	v10 =	vadd.bf16 v19, v10;
	v14 =	vmul.bf16 v22, v4;
	[tilespmem:s29+$0x0] =	vst v11;
	v11 =	vunpack.i.l.bf16.f32 v12  }
0xe4: {  	v17 =	vmul.bf16 v48, v7;
	v36 =	vld [tilespmem:s13+$0x30];
	v12 =	vunpack.i.u.bf16.f32 v12;
	v16 =	vadd.bf16 v16, v20;
	[tilespmem:s29+$0x20] =	vst v11  }
0xe5: {  	v34 =	vld [tilespmem:s12+$0x70];
	v11 =	vmul.bf16 v18, v4;
	[tilespmem:s29+$0x30] =	vst v12;
	v14 =	vadd.bf16 v14, v15;
	v15 =	vunpack.i.l.bf16.f32 v10  }
0xe6: {  	v39 =	vld [tilespmem:s13+$0x70];
	v12 =	vmul.bf16 v49, v3;
	v18 =	vmul.bf16 v29, v7;
	v10 =	vunpack.i.u.bf16.f32 v10;
	[tilespmem:s29+$0x40] =	vst v15  }
0xe7: {  	v33 =	vld [tilespmem:s13+$0x40];
	v15 =	vmul.bf16 v23, v4;
	v9 =	vadd.bf16 v11, v9;
	[tilespmem:s29+$0x50] =	vst v10;
	v11 =	vunpack.i.l.bf16.f32 v14  }
0xe8: {  	v37 =	vld [tilespmem:s13+$0x50];
	v10 =	vmul.bf16 v24, v3;
	v12 =	vadd.bf16 v12, v17;
	v14 =	vunpack.i.u.bf16.f32 v14;
	[tilespmem:s29+$0x60] =	vst v11  }
0xe9: {  	s30 =	sor.u32 s23, s25;
	v38 =	vld [tilespmem:s12+$0x60];
	v11 =	vmul.bf16 v25, v4;
	v15 =	vadd.bf16 v15, v16;
	v16 =	vunpack.i.l.bf16.f32 v9;
	[tilespmem:s29+$0x70] =	vst v14  }
0xea: {  	v19 =	vld [tilespmem:s30+$0x30];
	v13 =	vmul.bf16 v13, v4;
	v9 =	vunpack.i.u.bf16.f32 v9;
	[tilespmem:s29+$0x400] =	vst v16  }
0xeb: {  	v21 =	vld [tilespmem:s30+$0x50];
	v10 =	vadd.bf16 v10, v18;
	[tilespmem:s29+$0x410] =	vst v9;
	v11 =	vadd.bf16 v11, v12;
	v12 =	vunpack.i.l.bf16.f32 v15  }
0xec: {  	v22 =	vld [tilespmem:s30+$0x40];
	v9 =	vunpack.i.u.bf16.f32 v15;
	[tilespmem:s29+$0x420] =	vst v12  }
0xed: {  	v20 =	vld [tilespmem:s30+$0x20];
	v10 =	vadd.bf16 v13, v10;
	[tilespmem:s29+$0x430] =	vst v9;
	v12 =	vunpack.i.l.bf16.f32 v11  }
0xee: {  	v17 =	vld [tilespmem:s30+$0x0];
	v9 =	vunpack.i.u.bf16.f32 v11;
	[tilespmem:s29+$0x440] =	vst v12  }
0xef: {  	v23 =	vld [tilespmem:s30+$0x60];
	v11 =	vunpack.i.l.bf16.f32 v10;
	[tilespmem:s29+$0x450] =	vst v9  }
0xf0: {  	v18 =	vld [tilespmem:s30+$0x10];
	v10 =	vunpack.i.u.bf16.f32 v10;
	[tilespmem:s29+$0x460] =	vst v11  }
0xf1: {  	s6 =	sor.u32 s22, s6;
	v9 =	vld [tilespmem:s30+$0x70];
	[tilespmem:s29+$0x470] =	vst v10  }
0xf2: {  	s5 =	sor.u32 s22, s7;
	v10 =	vld [tilespmem:s6+$0x0]  }
0xf3: {  	v11 =	vld [tilespmem:s5+$0x0]  }
0xf4: {  	v12 =	vld [tilespmem:s6+$0x10]  }
0xf5: {  	v13 =	vld [tilespmem:s5+$0x10]  }
0xf6: {  	v14 =	vld [tilespmem:s6+$0x20]  }
0xf7: {  	v15 =	vld [tilespmem:s5+$0x20]  }
0xf8: {  	v16 =	vld [tilespmem:s6+$0x30]  }
0xf9: {  	v24 =	vld [tilespmem:s5+$0x30]  }
0xfa: {  	v25 =	vld [tilespmem:s6+$0x40]  }
0xfb: {  	v26 =	vld [tilespmem:s5+$0x40]  }
0xfc: {  	v27 =	vld [tilespmem:s6+$0x50]  }
0xfd: {  	v28 =	vld [tilespmem:s5+$0x50]  }
0xfe: {  	v29 =	vld [tilespmem:s6+$0x60]  }
0xff: {  	s7 =	sor.u32 s22, s2;
	v50 =	vld [tilespmem:s5+$0x60]  }
0x100: {  	v51 =	vld [tilespmem:s7+$0x0]  }
0x101: {  	v52 =	vld [tilespmem:s6+$0x70]  }
0x102: {  	v53 =	vld [tilespmem:s7+$0x10]  }
0x103: {  	v54 =	vld [tilespmem:s5+$0x70];
	s6 =	simm.s32 $0x0  }
0x104: {  	v55 =	vld [tilespmem:s7+$0x20];
	s18 =	smul.u32 $0x9000, s6;
	v10 =	vmul.bf16 v10, v7;
	v11 =	vmul.bf16 v11, v3  }
0x105: {  	v57 =	vld [tilespmem:s7+$0x50];
	v12 =	vmul.bf16 v12, v7;
	v13 =	vmul.bf16 v13, v3  }
0x106: {  	s20 =	simm.s32 $0x100;
	v58 =	vld [tilespmem:s7+$0x70];
	s2 =	sshra.s32 s18, $0x2;
	v14 =	vmul.bf16 v14, v7;
	v15 =	vmul.bf16 v15, v3  }
0x107: {  	s30 =	sand.u32 $0x300, s20;
	s1 =	sadd.s32 $0x800, s2;
	v16 =	vmul.bf16 v16, v7;
	v59 =	vmul.bf16 v28, v3;
	v28 =	vld [tilespmem:s12+$0x10]  }
0x108: {  	v56 =	vmul.bf16 v25, v7;
	v60 =	vmul.bf16 v29, v7;
	v29 =	vld [tilespmem:s12+$0x20];
	s5 =	sor.u32 s30, s1  }
0x109: {  	v44 =	vld [tilespmem:s5+$0x10];
	v10 =	vadd.bf16 v11, v10;
	v11 =	vadd.bf16 v13, v12;
	v13 =	vmul.bf16 v51, v4  }
0x10a: {  	v25 =	vmul.bf16 v53, v4;
	v12 =	vld [tilespmem:s7+$0x30];
	v14 =	vadd.bf16 v15, v14;
	v15 =	vmul.bf16 v24, v3  }
0x10b: {  	v24 =	vld [tilespmem:s7+$0x40];
	v10 =	vadd.bf16 v13, v10  }
0x10c: {  	v35 =	vmul.bf16 v55, v4;
	v45 =	vld [tilespmem:s5+$0x20];
	v13 =	vadd.bf16 v15, v16;
	v11 =	vadd.bf16 v25, v11  }
0x10d: {  	v46 =	vld [tilespmem:s5+$0x30];
	v15 =	vmul.bf16 v26, v3;
	v26 =	vunpack.i.u.bf16.f32 v10;
	v10 =	vunpack.i.l.bf16.f32 v10  }
0x10e: {  	v16 =	vmul.bf16 v27, v7;
	v27 =	vld [tilespmem:s7+$0x60];
	v14 =	vadd.bf16 v35, v14;
	[tilespmem:s9+$0x0] =	vst v10;
	v10 =	vunpack.i.u.bf16.f32 v11  }
0x10f: {  	v47 =	vld [tilespmem:s5+$0x40];
	v15 =	vadd.bf16 v15, v56;
	v12 =	vmul.bf16 v12, v4;
	v11 =	vunpack.i.l.bf16.f32 v11;
	[tilespmem:s9+$0x30] =	vst v10  }
0x110: {  	v48 =	vld [tilespmem:s5+$0x50];
	v10 =	vmul.bf16 v24, v4;
	[tilespmem:s9+$0x20] =	vst v11;
	v11 =	vunpack.i.l.bf16.f32 v14;
	v24 =	vmul.bf16 v52, v7  }
0x111: {  	v53 =	vld [tilespmem:s5+$0x70];
	v14 =	vunpack.i.u.bf16.f32 v14;
	v12 =	vadd.bf16 v12, v13;
	v13 =	vmul.bf16 v50, v3;
	[tilespmem:s9+$0x40] =	vst v11  }
0x112: {  	v25 =	vld [tilespmem:s12+$0x0];
	v16 =	vadd.bf16 v59, v16;
	v11 =	vmul.bf16 v57, v4;
	[tilespmem:s9+$0x50] =	vst v14;
	v14 =	vmul.bf16 v54, v3  }
0x113: {  	v35 =	vld [tilespmem:s12+$0x50];
	[tilespmem:s9+$0x10] =	vst v26;
	v10 =	vadd.bf16 v10, v15;
	v15 =	vunpack.i.l.bf16.f32 v12;
	v13 =	vadd.bf16 v13, v60  }
0x114: {  	v26 =	vld [tilespmem:s13+$0x0];
	v12 =	vunpack.i.u.bf16.f32 v12;
	v11 =	vadd.bf16 v11, v16;
	[tilespmem:s9+$0x60] =	vst v15;
	v15 =	vmul.bf16 v27, v4  }
0x115: {  	s3 =	sor.u32 s22, s21;
	v50 =	vld [tilespmem:s5+$0x60];
	v16 =	vunpack.i.l.bf16.f32 v10;
	[tilespmem:s9+$0x70] =	vst v12;
	v12 =	vadd.bf16 v14, v24;
	v14 =	vmul.bf16 v58, v4  }
0x116: {  	v27 =	vld [tilespmem:s12+$0x40];
	v10 =	vunpack.i.u.bf16.f32 v10;
	s9 =	sadd.s32 $0x1400, s2;
	[tilespmem:s3+$0x0] =	vst v16;
	v13 =	vadd.bf16 v15, v13  }
0x117: {  	[tilespmem:s3+$0x10] =	vst v10;
	v10 =	vunpack.i.u.bf16.f32 v11;
	v16 =	vld [tilespmem:s13+$0x60];
	s13 =	sor.u32 s30, s9;
	v15 =	vunpack.i.l.bf16.f32 v11;
	v11 =	vadd.bf16 v14, v12  }
0x118: {  	s20 =	sadd.s32 $0x6, s16;
	v14 =	vld [tilespmem:s13+$0x0];
	v12 =	vunpack.i.l.bf16.f32 v13  }
0x119: {  	s29 =	sadd.s32 $0xFFFFFFFD, s20;
	v51 =	vld [tilespmem:s13+$0x10];
	[tilespmem:s3+$0x40] =	vst v12;
	v12 =	vunpack.i.l.bf16.f32 v11  }
0x11a: {  	v52 =	vld [tilespmem:s13+$0x20];
	[tilespmem:s3+$0x60] =	vst v12;
	v12 =	vmov s29  }
0x11b: {  	v62 =	vld [tilespmem:s13+$0x30]  }
0x11c: {  	[tilespmem:s3+$0x30] =	vst v10;
	v56 =	vld [tilespmem:s13+$0x40];
	v42 =	vor.u32 $0x1, v12  }
0x11d: {  	v58 =	vld [tilespmem:s13+$0x50];
	[tilespmem:s3+$0x20] =	vst v15;
	v10 =	vunpack.i.u.bf16.f32 v13  }
0x11e: {  	v13 =	vld [tilespmem:s5+$0x0];
	[tilespmem:s3+$0x50] =	vst v10;
	v10 =	vunpack.i.u.bf16.f32 v11;
	v43 =	vadd.s32 $0x2, v12  }
0x11f: {  	s26 =	sor.u32 s22, s8;
	[tilespmem:s3+$0x70] =	vst v10;
	v12 =	vld.idx.msk [tilespmem:v12+s14+$0x0], $0xffff  }
0x120: {  	s3 =	sadd.s32 $0x2000, s2;
	v10 =	vld [tilespmem:s26+$0x0]  }
0x121: {  	s21 =	sor.u32 s30, s3;
	v42 =	vld.idx.msk [tilespmem:v42+s14+$0x0], $0xffff  }
0x122: {  	v11 =	vld [tilespmem:s21+$0x0]  }
0x123: {  	v49 =	vld.idx.msk [tilespmem:v43+s14+$0x0], $0xffff  }
0x124: {  	v15 =	vld [tilespmem:s21+$0x10];
	v43 =	vmov s20;
	v12 =	vpack.i.f32.bf16 v12, v12  }
0x125: {  	v24 =	vld [tilespmem:s21+$0x20];
	v63 =	vadd.s32 $0x1, v43;
	v54 =	vmul.bf16 v13, v12;
	v61 =	vmul.bf16 v44, v12  }
0x126: {  	v40 =	vld [tilespmem:s21+$0x30];
	v13 =	vpack.i.f32.bf16 v42, v42;
	v45 =	vmul.bf16 v45, v12;
	v46 =	vmul.bf16 v46, v12  }
0x127: {  	v41 =	vld [tilespmem:s21+$0x40];
	v47 =	vmul.bf16 v47, v12;
	v55 =	vmul.bf16 v14, v13  }
0x128: {  	v57 =	vld [tilespmem:s21+$0x60];
	v48 =	vmul.bf16 v48, v12;
	v14 =	vpack.i.f32.bf16 v49, v49;
	v52 =	vmul.bf16 v52, v13  }
0x129: {  	s6 =	smul.u32 $0x6000, s6;
	v42 =	vld [tilespmem:s21+$0x70];
	v51 =	vmul.bf16 v51, v13;
	v11 =	vmul.bf16 v11, v14;
	v54 =	vadd.bf16 v55, v54  }
0x12a: {  	v49 =	vld [tilespmem:s21+$0x50];
	v44 =	vmul.bf16 v62, v13;
	v15 =	vmul.bf16 v15, v14;
	v45 =	vadd.bf16 v52, v45  }
0x12b: {  	s31 =	sshra.s32 s6, $0x2;
	v24 =	vmul.bf16 v24, v14;
	v55 =	vld.idx.msk [tilespmem:v63+s14+$0x0], $0xffff;
	v54 =	vadd.bf16 v11, v54;
	v11 =	vadd.bf16 v51, v61  }
0x12c: {  	s12 =	sadd.s32 $0x12800, s31;
	v50 =	vmul.bf16 v50, v12;
	s21 =	simm.s32 $0x180;
	v40 =	vmul.bf16 v40, v14;
	v44 =	vadd.bf16 v44, v46;
	v51 =	vld [tilespmem:s13+$0x60]  }
0x12d: {  	s18 =	sor.u32 s30, s12;
	s28 =	sand.u32 $0x380, s21;
	v24 =	vadd.bf16 v24, v45;
	v45 =	vld [tilespmem:s13+$0x70];
	v60 =	vadd.bf16 v15, v11;
	v11 =	vunpack.i.l.bf16.f32 v54  }
0x12e: {  	v53 =	vmul.bf16 v53, v12;
	s1 =	sor.u32 s28, s1;
	v61 =	vmul.bf16 v56, v13;
	v56 =	vld.idx.msk [tilespmem:v43+s14+$0x0], $0xffff;
	v15 =	vunpack.i.u.bf16.f32 v54;
	[tilespmem:s18+$0x0] =	vst v11  }
0x12f: {  	v63 =	vmul.bf16 v58, v13;
	v40 =	vadd.bf16 v40, v44;
	v44 =	vld [tilespmem:s1+$0x30];
	v58 =	vunpack.i.l.bf16.f32 v24;
	[tilespmem:s18+$0x10] =	vst v15  }
0x130: {  	v41 =	vmul.bf16 v41, v14;
	s6 =	sor.u32 s28, s9;
	v59 =	vadd.bf16 v61, v47;
	v47 =	vld [tilespmem:s1+$0x0];
	v24 =	vunpack.i.u.bf16.f32 v24;
	[tilespmem:s18+$0x40] =	vst v58  }
0x131: {  	s29 =	sor.u32 s22, s0;
	v43 =	vadd.s32 $0x2, v43;
	v49 =	vmul.bf16 v49, v14;
	v54 =	vld [tilespmem:s6+$0x10];
	[tilespmem:s18+$0x50] =	vst v24;
	v24 =	vunpack.i.l.bf16.f32 v40  }
0x132: {  	v11 =	vld [tilespmem:s29+$0x0];
	v40 =	vunpack.i.u.bf16.f32 v40;
	v62 =	vunpack.i.l.bf16.f32 v60;
	v52 =	vunpack.i.u.bf16.f32 v60;
	[tilespmem:s18+$0x60] =	vst v24  }
0x133: {  	v15 =	vld [tilespmem:s26+$0x10];
	v41 =	vadd.bf16 v41, v59;
	v60 =	vadd.bf16 v63, v48;
	[tilespmem:s18+$0x70] =	vst v40;
	v51 =	vmul.bf16 v51, v13  }
0x134: {  	v48 =	vld [tilespmem:s1+$0x10];
	v24 =	vmul.bf16 v57, v14;
	[tilespmem:s18+$0x20] =	vst v62;
	v45 =	vmul.bf16 v45, v13  }
0x135: {  	v40 =	vld [tilespmem:s1+$0x50];
	[tilespmem:s18+$0x30] =	vst v52;
	v61 =	vunpack.i.l.bf16.f32 v41;
	v46 =	vadd.bf16 v49, v60;
	v62 =	vadd.bf16 v51, v50  }
0x136: {  	v63 =	vmul.bf16 v42, v14;
	v52 =	vld [tilespmem:s6+$0x0];
	v41 =	vunpack.i.u.bf16.f32 v41;
	[tilespmem:s18+$0x400] =	vst v61  }
0x137: {  	v43 =	vld.idx.msk [tilespmem:v43+s14+$0x0], $0xffff;
	[tilespmem:s18+$0x410] =	vst v41;
	v57 =	vadd.bf16 v45, v53;
	v51 =	vunpack.i.l.bf16.f32 v46;
	v24 =	vadd.bf16 v24, v62  }
0x138: {  	v49 =	vld [tilespmem:s1+$0x20];
	v46 =	vunpack.i.u.bf16.f32 v46;
	[tilespmem:s18+$0x420] =	vst v51  }
0x139: {  	v50 =	vld [tilespmem:s6+$0x20];
	[tilespmem:s18+$0x430] =	vst v46;
	v42 =	vadd.bf16 v63, v57;
	v58 =	vunpack.i.l.bf16.f32 v24  }
0x13a: {  	v45 =	vld [tilespmem:s6+$0x30];
	v24 =	vunpack.i.u.bf16.f32 v24;
	[tilespmem:s18+$0x440] =	vst v58  }
0x13b: {  	v21 =	vmul.bf16 v21, v5;
	v41 =	vld [tilespmem:s6+$0x40];
	v59 =	vunpack.i.u.bf16.f32 v42;
	[tilespmem:s18+$0x450] =	vst v24  }
0x13c: {  	v19 =	vmul.bf16 v19, v5;
	v20 =	vmul.bf16 v20, v5;
	s0 =	sadd.s32 $0x2400, s2;
	v46 =	vld [tilespmem:s1+$0x40];
	v24 =	vunpack.i.l.bf16.f32 v42;
	[tilespmem:s18+$0x470] =	vst v59  }
0x13d: {  	v17 =	vmul.bf16 v17, v5;
	v18 =	vmul.bf16 v18, v5;
	s8 =	sor.u32 s30, s0;
	v42 =	vld [tilespmem:s6+$0x50];
	[tilespmem:s18+$0x460] =	vst v24  }
0x13e: {  	v24 =	vmul.bf16 v22, v5;
	v22 =	vmul.bf16 v23, v5;
	v51 =	vld [tilespmem:s8+$0x0]  }
0x13f: {  	v23 =	vmul.bf16 v25, v6;
	v25 =	vmul.bf16 v26, v8;
	v53 =	vld [tilespmem:s8+$0x10]  }
0x140: {  	v26 =	vmul.bf16 v28, v6;
	v28 =	vmul.bf16 v31, v8;
	v31 =	vld [tilespmem:s8+$0x20]  }
0x141: {  	v9 =	vmul.bf16 v9, v5;
	v27 =	vmul.bf16 v27, v6;
	v57 =	vld [tilespmem:s8+$0x30]  }
0x142: {  	v60 =	vmul.bf16 v36, v8;
	v61 =	vmul.bf16 v35, v6;
	v58 =	vld [tilespmem:s8+$0x40];
	v23 =	vadd.bf16 v25, v23  }
0x143: {  	s13 =	sadd.s32 $0x1800, s2;
	v62 =	vmul.bf16 v37, v8;
	v5 =	vpack.i.f32.bf16 v55, v55;
	v36 =	vld [tilespmem:s8+$0x60];
	v25 =	vmul.bf16 v29, v6  }
0x144: {  	s7 =	sadd.s32 $0xC00, s2;
	s18 =	sor.u32 s30, s13;
	v59 =	vld [tilespmem:s8+$0x70];
	v26 =	vadd.bf16 v28, v26;
	v17 =	vadd.bf16 v17, v23;
	v23 =	vmul.bf16 v30, v8  }
0x145: {  	s9 =	sor.u32 s30, s7;
	v37 =	vld [tilespmem:s18+$0x10];
	v63 =	vmul.bf16 v52, v5;
	v28 =	vmul.bf16 v32, v6  }
0x146: {  	v35 =	vld [tilespmem:s9+$0x60];
	v29 =	vadd.bf16 v18, v26;
	v26 =	vmul.bf16 v39, v8;
	v23 =	vadd.bf16 v23, v25  }
0x147: {  	v32 =	vadd.bf16 v60, v28;
	v39 =	vld [tilespmem:s18+$0x0];
	v25 =	vmul.bf16 v34, v6;
	v31 =	vmul.bf16 v31, v14  }
0x148: {  	v30 =	vld [tilespmem:s8+$0x50];
	v55 =	vmul.bf16 v57, v14;
	v36 =	vmul.bf16 v36, v14;
	v28 =	vadd.bf16 v20, v23  }
0x149: {  	v34 =	vld [tilespmem:s9+$0x0];
	v23 =	vadd.bf16 v19, v32;
	v19 =	vadd.bf16 v26, v25;
	v25 =	vmul.bf16 v33, v8  }
0x14a: {  	v60 =	vld [tilespmem:s9+$0x20];
	v20 =	vmul.bf16 v38, v6;
	v6 =	vpack.i.f32.bf16 v56, v56;
	v33 =	vmul.bf16 v50, v5  }
0x14b: {  	v32 =	vld [tilespmem:s9+$0x10];
	v56 =	vmul.bf16 v58, v14;
	v47 =	vmul.bf16 v47, v6  }
0x14c: {  	v39 =	vmul.bf16 v39, v13;
	v19 =	vadd.bf16 v9, v19;
	v9 =	vmul.bf16 v54, v5;
	v54 =	vld [tilespmem:s18+$0x20]  }
0x14d: {  	v26 =	vadd.bf16 v25, v27;
	v27 =	vmul.bf16 v48, v6;
	v48 =	vmul.bf16 v49, v6;
	v49 =	vld [tilespmem:s9+$0x30]  }
0x14e: {  	v25 =	vadd.bf16 v62, v61;
	v61 =	vmul.bf16 v51, v14;
	v62 =	vld [tilespmem:s18+$0x30];
	v34 =	vmul.bf16 v34, v12  }
0x14f: {  	v51 =	vld [tilespmem:s9+$0x40];
	v38 =	vadd.bf16 v63, v47;
	v63 =	vmul.bf16 v53, v14;
	v57 =	vadd.bf16 v9, v27  }
0x150: {  	v53 =	vld [tilespmem:s18+$0x40];
	v27 =	vmul.bf16 v37, v13;
	v34 =	vadd.bf16 v39, v34;
	v9 =	vmul.bf16 v32, v12  }
0x151: {  	v30 =	vmul.bf16 v30, v14;
	v60 =	vmul.bf16 v60, v12;
	v39 =	vld [tilespmem:s9+$0x50]  }
0x152: {  	v32 =	vld [tilespmem:s18+$0x50];
	v34 =	vadd.bf16 v61, v34;
	v9 =	vadd.bf16 v27, v9;
	v27 =	vmul.bf16 v54, v13  }
0x153: {  	s5 =	sadd.s32 $0x13000, s31;
	v52 =	vld [tilespmem:s18+$0x60];
	v33 =	vadd.bf16 v33, v48;
	v61 =	vmul.bf16 v49, v12;
	v62 =	vmul.bf16 v62, v13  }
0x154: {  	v50 =	vld [tilespmem:s9+$0x70];
	s9 =	sor.u32 s30, s5;
	v9 =	vadd.bf16 v63, v9;
	v63 =	vunpack.i.l.bf16.f32 v34;
	v27 =	vadd.bf16 v27, v60  }
0x155: {  	v37 =	vld [tilespmem:s18+$0x70];
	v51 =	vmul.bf16 v51, v12;
	v53 =	vmul.bf16 v53, v13;
	v34 =	vunpack.i.u.bf16.f32 v34;
	[tilespmem:s9+$0x0] =	vst v63  }
0x156: {  	v47 =	vld [tilespmem:s1+$0x60];
	v58 =	vadd.bf16 v62, v61;
	[tilespmem:s9+$0x10] =	vst v34;
	v27 =	vadd.bf16 v31, v27;
	v54 =	vunpack.i.l.bf16.f32 v9  }
0x157: {  	v48 =	vld [tilespmem:s6+$0x60];
	v60 =	vmul.bf16 v39, v12;
	v32 =	vmul.bf16 v32, v13;
	v9 =	vunpack.i.u.bf16.f32 v9;
	[tilespmem:s9+$0x20] =	vst v54  }
0x158: {  	v39 =	vld [tilespmem:s1+$0x70];
	v62 =	vadd.bf16 v53, v51;
	[tilespmem:s9+$0x30] =	vst v9;
	v9 =	vadd.bf16 v55, v58;
	v61 =	vunpack.i.l.bf16.f32 v27  }
0x159: {  	v51 =	vld [tilespmem:s6+$0x70];
	s6 =	sor.u32 s28, s3;
	v63 =	vmul.bf16 v35, v12;
	v58 =	vmul.bf16 v52, v13;
	v27 =	vunpack.i.u.bf16.f32 v27;
	[tilespmem:s9+$0x40] =	vst v61  }
0x15a: {  	v34 =	vld [tilespmem:s6+$0x20];
	v49 =	vadd.bf16 v56, v62;
	v31 =	vadd.bf16 v32, v60;
	[tilespmem:s9+$0x50] =	vst v27;
	v27 =	vunpack.i.l.bf16.f32 v9  }
0x15b: {  	v50 =	vmul.bf16 v50, v12;
	v37 =	vmul.bf16 v37, v13;
	s3 =	sadd.s32 $0x13400, s31;
	v53 =	vld [tilespmem:s6+$0x40];
	v9 =	vunpack.i.u.bf16.f32 v9;
	[tilespmem:s9+$0x60] =	vst v27  }
0x15c: {  	v32 =	vld [tilespmem:s6+$0x0];
	v30 =	vadd.bf16 v30, v31;
	v60 =	vadd.bf16 v58, v63;
	[tilespmem:s9+$0x70] =	vst v9;
	v9 =	vunpack.i.l.bf16.f32 v49;
	s9 =	sor.u32 s30, s3  }
0x15d: {  	v50 =	vadd.bf16 v37, v50;
	v52 =	vld [tilespmem:s6+$0x10];
	v61 =	vunpack.i.u.bf16.f32 v49;
	[tilespmem:s9+$0x0] =	vst v9  }
0x15e: {  	v62 =	vld [tilespmem:s6+$0x30];
	v9 =	vmul.bf16 v59, v14;
	[tilespmem:s9+$0x10] =	vst v61;
	v31 =	vadd.bf16 v36, v60;
	v63 =	vunpack.i.l.bf16.f32 v30  }
0x15f: {  	v45 =	vmul.bf16 v45, v5;
	v41 =	vmul.bf16 v41, v5;
	v54 =	vld [tilespmem:s6+$0x50];
	v30 =	vunpack.i.u.bf16.f32 v30;
	[tilespmem:s9+$0x20] =	vst v63  }
0x160: {  	v56 =	vld [tilespmem:s6+$0x60];
	[tilespmem:s9+$0x30] =	vst v30;
	v55 =	vunpack.i.l.bf16.f32 v31;
	v36 =	vadd.bf16 v9, v50;
	v9 =	vpack.i.f32.bf16 v43, v43  }
0x161: {  	v42 =	vmul.bf16 v42, v5;
	v58 =	vld [tilespmem:s6+$0x70];
	v31 =	vunpack.i.u.bf16.f32 v31;
	[tilespmem:s9+$0x40] =	vst v55;
	v32 =	vmul.bf16 v32, v9  }
0x162: {  	v8 =	vmul.bf16 v16, v8;
	v46 =	vmul.bf16 v46, v6;
	v43 =	vld [tilespmem:s29+$0x10];
	[tilespmem:s9+$0x50] =	vst v31;
	v59 =	vunpack.i.l.bf16.f32 v36  }
0x163: {  	s6 =	sadd.s32 $0x2800, s2;
	v31 =	vld [tilespmem:s26+$0x20];
	v60 =	vmul.bf16 v52, v9;
	v36 =	vunpack.i.u.bf16.f32 v36;
	[tilespmem:s9+$0x60] =	vst v59;
	v32 =	vadd.bf16 v32, v38  }
0x164: {  	v44 =	vmul.bf16 v44, v6;
	v40 =	vmul.bf16 v40, v6;
	v16 =	vadd.bf16 v41, v46;
	s18 =	sor.u32 s30, s6;
	[tilespmem:s9+$0x70] =	vst v36;
	v38 =	vld [tilespmem:s29+$0x20]  }
0x165: {  	s1 =	sor.u32 s28, s12;
	v34 =	vmul.bf16 v34, v9;
	v36 =	vadd.bf16 v60, v57;
	v41 =	vld [tilespmem:s18+$0x0];
	v61 =	vunpack.i.u.bf16.f32 v32  }
0x166: {  	v44 =	vadd.bf16 v45, v44;
	v40 =	vadd.bf16 v42, v40;
	v42 =	vld [tilespmem:s18+$0x10];
	v32 =	vunpack.i.l.bf16.f32 v32;
	[tilespmem:s1+$0x10] =	vst v61  }
0x167: {  	v49 =	vmul.bf16 v62, v9;
	v33 =	vadd.bf16 v34, v33;
	v45 =	vld [tilespmem:s18+$0x20];
	v62 =	vunpack.i.l.bf16.f32 v36;
	[tilespmem:s1+$0x0] =	vst v32  }
0x168: {  	v47 =	vmul.bf16 v47, v6;
	v48 =	vmul.bf16 v48, v5;
	v34 =	vld [tilespmem:s18+$0x30];
	v36 =	vunpack.i.u.bf16.f32 v36;
	[tilespmem:s1+$0x20] =	vst v62  }
0x169: {  	s12 =	sadd.s32 $0x1000, s2;
	v37 =	vmul.bf16 v53, v9;
	v44 =	vadd.bf16 v49, v44;
	v63 =	vld [tilespmem:s18+$0x40];
	v53 =	vunpack.i.l.bf16.f32 v33;
	[tilespmem:s1+$0x30] =	vst v36  }
0x16a: {  	s2 =	sadd.s32 $0x1C00, s2;
	v39 =	vmul.bf16 v39, v6;
	v51 =	vmul.bf16 v51, v5;
	s9 =	sor.u32 s30, s12;
	v49 =	vld [tilespmem:s18+$0x60];
	v33 =	vunpack.i.u.bf16.f32 v33;
	[tilespmem:s1+$0x40] =	vst v53  }
0x16b: {  	s8 =	sor.u32 s30, s2;
	v35 =	vmul.bf16 v54, v9;
	v16 =	vadd.bf16 v37, v16;
	v37 =	vld [tilespmem:s9+$0x0];
	v54 =	vunpack.i.l.bf16.f32 v44;
	[tilespmem:s1+$0x50] =	vst v33  }
0x16c: {  	v47 =	vadd.bf16 v48, v47;
	v50 =	vmul.bf16 v56, v9;
	v56 =	vld [tilespmem:s8+$0x0];
	v44 =	vunpack.i.u.bf16.f32 v44;
	[tilespmem:s1+$0x60] =	vst v54  }
0x16d: {  	v39 =	vadd.bf16 v51, v39;
	v35 =	vadd.bf16 v35, v40;
	v51 =	vld [tilespmem:s9+$0x10];
	v55 =	vunpack.i.l.bf16.f32 v16;
	[tilespmem:s1+$0x70] =	vst v44  }
0x16e: {  	v21 =	vadd.bf16 v21, v25;
	v59 =	vld [tilespmem:s9+$0x20];
	v16 =	vunpack.i.u.bf16.f32 v16;
	[tilespmem:s1+$0x400] =	vst v55  }
0x16f: {  	v30 =	vmul.bf16 v58, v9;
	v57 =	vadd.bf16 v50, v47;
	v25 =	vld [tilespmem:s9+$0x70];
	v58 =	vunpack.i.l.bf16.f32 v35;
	[tilespmem:s1+$0x410] =	vst v16  }
0x170: {  	v8 =	vadd.bf16 v8, v20;
	v40 =	vld [tilespmem:s9+$0x60];
	v20 =	vunpack.i.u.bf16.f32 v35;
	[tilespmem:s1+$0x420] =	vst v58  }
0x171: {  	v24 =	vadd.bf16 v24, v26;
	v26 =	vadd.bf16 v30, v39;
	v35 =	vld [tilespmem:s9+$0x30];
	v60 =	vunpack.i.l.bf16.f32 v57;
	[tilespmem:s1+$0x430] =	vst v20  }
0x172: {  	v8 =	vadd.bf16 v22, v8;
	v22 =	vunpack.i.u.bf16.f32 v57;
	v36 =	vld [tilespmem:s18+$0x50];
	[tilespmem:s1+$0x440] =	vst v60  }
0x173: {  	v10 =	vmul.bf16 v10, v7;
	v11 =	vmul.bf16 v11, v3;
	v39 =	vunpack.i.l.bf16.f32 v26;
	v33 =	vld [tilespmem:s18+$0x70];
	[tilespmem:s1+$0x450] =	vst v22  }
0x174: {  	v15 =	vmul.bf16 v15, v7;
	v18 =	vunpack.i.l.bf16.f32 v17;
	v26 =	vunpack.i.u.bf16.f32 v26;
	v20 =	vld [tilespmem:s9+$0x40];
	s18 =	sadd.s32 $0x13800, s24;
	[tilespmem:s1+$0x460] =	vst v39  }
0x175: {  	v17 =	vunpack.i.u.bf16.f32 v17;
	v46 =	vunpack.i.l.bf16.f32 v28;
	v28 =	vunpack.i.u.bf16.f32 v28;
	v22 =	vld [tilespmem:s9+$0x50];
	[tilespmem:s1+$0x470] =	vst v26;
	s9 =	sor.u32 s23, s18  }
0x176: {  	v48 =	vunpack.i.l.bf16.f32 v23;
	v23 =	vunpack.i.u.bf16.f32 v23;
	v27 =	vunpack.i.l.bf16.f32 v29;
	[tilespmem:s9+$0x0] =	vst v18  }
0x177: {  	v29 =	vunpack.i.u.bf16.f32 v29;
	v61 =	vmul.bf16 v43, v3;
	v31 =	vmul.bf16 v31, v7;
	[tilespmem:s9+$0x10] =	vst v17  }
0x178: {  	v26 =	vld [tilespmem:s8+$0x10];
	v18 =	vunpack.i.u.bf16.f32 v8;
	v17 =	vunpack.i.l.bf16.f32 v8;
	v38 =	vmul.bf16 v38, v3;
	[tilespmem:s9+$0x20] =	vst v27  }
0x179: {  	v62 =	vld [tilespmem:s8+$0x20];
	v8 =	vadd.bf16 v11, v10;
	[tilespmem:s9+$0x30] =	vst v29;
	v32 =	vmul.bf16 v63, v14;
	v11 =	vmul.bf16 v37, v12  }
0x17a: {  	v53 =	vld [tilespmem:s8+$0x40];
	v10 =	vadd.bf16 v61, v15;
	[tilespmem:s9+$0x40] =	vst v46;
	v27 =	vmul.bf16 v56, v13;
	v15 =	vmul.bf16 v49, v14  }
0x17b: {  	v30 =	vunpack.i.u.bf16.f32 v24;
	[tilespmem:s9+$0x50] =	vst v28;
	v63 =	vld [tilespmem:s8+$0x30];
	v54 =	vmul.bf16 v41, v14;
	v55 =	vmul.bf16 v42, v14  }
0x17c: {  	v24 =	vunpack.i.l.bf16.f32 v24;
	s1 =	sadd.s32 $0x13C00, s24;
	[tilespmem:s9+$0x60] =	vst v48;
	v37 =	vld [tilespmem:s8+$0x70];
	v28 =	vmul.bf16 v51, v12;
	v57 =	vmul.bf16 v45, v14  }
0x17d: {  	v16 =	vunpack.i.u.bf16.f32 v19;
	s23 =	sor.u32 s23, s1;
	[tilespmem:s9+$0x70] =	vst v23;
	v56 =	vld [tilespmem:s8+$0x60];
	v58 =	vmul.bf16 v59, v12;
	v23 =	vmul.bf16 v34, v14  }
0x17e: {  	[tilespmem:s23+$0x70] =	vst v16;
	v25 =	vmul.bf16 v25, v12;
	v16 =	vmul.bf16 v35, v12;
	v11 =	vadd.bf16 v27, v11;
	v27 =	vld [tilespmem:s8+$0x50];
	s8 =	sor.u32 s28, s7  }
0x17f: {  	v47 =	vunpack.i.u.bf16.f32 v21;
	v29 =	vmul.bf16 v36, v14;
	v26 =	vmul.bf16 v26, v13;
	s7 =	sor.u32 s28, s13;
	v59 =	vld [tilespmem:s8+$0x0]  }
0x180: {  	v21 =	vunpack.i.l.bf16.f32 v21;
	v20 =	vmul.bf16 v20, v12;
	v14 =	vmul.bf16 v33, v14;
	v60 =	vld [tilespmem:s7+$0x0]  }
0x181: {  	v19 =	vunpack.i.l.bf16.f32 v19;
	v22 =	vmul.bf16 v22, v12;
	v12 =	vmul.bf16 v40, v12;
	v48 =	vld [tilespmem:s8+$0x20]  }
0x182: {  	[tilespmem:s23+$0x0] =	vst v24;
	v50 =	vld [tilespmem:s8+$0x40];
	v39 =	vadd.bf16 v54, v11;
	v26 =	vadd.bf16 v26, v28;
	v28 =	vmul.bf16 v62, v13  }
0x183: {  	[tilespmem:s23+$0x10] =	vst v30;
	v49 =	vld [tilespmem:s8+$0x30];
	v11 =	vadd.bf16 v38, v31;
	v61 =	vmul.bf16 v63, v13;
	v37 =	vmul.bf16 v37, v13  }
0x184: {  	[tilespmem:s23+$0x20] =	vst v21;
	v51 =	vld [tilespmem:s8+$0x60];
	v24 =	vadd.bf16 v55, v26;
	v26 =	vunpack.i.l.bf16.f32 v39;
	v28 =	vadd.bf16 v28, v58  }
0x185: {  	[tilespmem:s23+$0x40] =	vst v17;
	v63 =	vld [tilespmem:s7+$0x10];
	v45 =	vunpack.i.u.bf16.f32 v39;
	v16 =	vadd.bf16 v61, v16;
	v27 =	vmul.bf16 v27, v13  }
0x186: {  	[tilespmem:s23+$0x60] =	vst v19;
	s13 =	sadd.s32 $0x13800, s31;
	v19 =	vld [tilespmem:s8+$0x70];
	v21 =	vadd.bf16 v57, v28;
	v28 =	vunpack.i.l.bf16.f32 v24;
	v52 =	vmul.bf16 v59, v6  }
0x187: {  	[tilespmem:s23+$0x50] =	vst v18;
	s24 =	sor.u32 s30, s13;
	v62 =	vld [tilespmem:s8+$0x10];
	v24 =	vunpack.i.u.bf16.f32 v24;
	v34 =	vmul.bf16 v60, v5;
	v57 =	vmul.bf16 v50, v6  }
0x188: {  	[tilespmem:s24+$0x0] =	vst v26;
	v26 =	vld [tilespmem:s7+$0x20];
	v16 =	vadd.bf16 v23, v16;
	v23 =	vadd.bf16 v37, v25;
	v17 =	vunpack.i.l.bf16.f32 v21  }
0x189: {  	v54 =	vld [tilespmem:s7+$0x30];
	[tilespmem:s24+$0x20] =	vst v28;
	v18 =	vunpack.i.u.bf16.f32 v21;
	v21 =	vmul.bf16 v53, v13;
	v13 =	vmul.bf16 v56, v13  }
0x18a: {  	v55 =	vld [tilespmem:s7+$0x70];
	[tilespmem:s24+$0x30] =	vst v24;
	v24 =	vmul.bf16 v63, v5;
	v14 =	vadd.bf16 v14, v23;
	v23 =	vunpack.i.l.bf16.f32 v16  }
0x18b: {  	v25 =	vld [tilespmem:s8+$0x50];
	v16 =	vunpack.i.u.bf16.f32 v16;
	[tilespmem:s24+$0x40] =	vst v17;
	v20 =	vadd.bf16 v21, v20;
	v21 =	vadd.bf16 v27, v22  }
0x18c: {  	v28 =	vld [tilespmem:s7+$0x50];
	[tilespmem:s24+$0x50] =	vst v18;
	v22 =	vmul.bf16 v62, v6;
	v12 =	vadd.bf16 v13, v12;
	v13 =	vadd.bf16 v34, v52  }
0x18d: {  	s0 =	sor.u32 s28, s0;
	v27 =	vld [tilespmem:s7+$0x40];
	v18 =	vmul.bf16 v26, v5;
	[tilespmem:s24+$0x60] =	vst v23;
	v23 =	vmul.bf16 v49, v6;
	v17 =	vadd.bf16 v32, v20  }
0x18e: {  	[tilespmem:s23+$0x30] =	vst v47;
	v53 =	vunpack.i.u.bf16.f32 v14;
	v12 =	vadd.bf16 v15, v12;
	v15 =	vadd.bf16 v24, v22;
	v24 =	vld [tilespmem:s0+$0x0]  }
0x18f: {  	s9 =	sadd.s32 $0x13C00, s31;
	v58 =	vld [tilespmem:s0+$0x20];
	[tilespmem:s24+$0x10] =	vst v45;
	v14 =	vunpack.i.l.bf16.f32 v14;
	v20 =	vadd.bf16 v29, v21;
	v21 =	vmul.bf16 v48, v6  }
0x190: {  	s30 =	sor.u32 s30, s9;
	[tilespmem:s24+$0x70] =	vst v16;
	v26 =	vld [tilespmem:s0+$0x10];
	v25 =	vmul.bf16 v25, v6;
	v22 =	vunpack.i.u.bf16.f32 v17;
	v17 =	vunpack.i.l.bf16.f32 v17  }
0x191: {  	v29 =	vld [tilespmem:s7+$0x60];
	[tilespmem:s30+$0x70] =	vst v53;
	v16 =	vunpack.i.u.bf16.f32 v20;
	v18 =	vadd.bf16 v18, v21;
	v21 =	vmul.bf16 v54, v5  }
0x192: {  	v59 =	vld [tilespmem:s0+$0x60];
	v20 =	vunpack.i.l.bf16.f32 v20;
	v56 =	vunpack.i.u.bf16.f32 v12;
	[tilespmem:s30+$0x0] =	vst v17;
	v17 =	vmul.bf16 v27, v5  }
0x193: {  	v12 =	vunpack.i.l.bf16.f32 v12;
	v27 =	vld [tilespmem:s0+$0x30];
	[tilespmem:s30+$0x10] =	vst v22;
	v22 =	vmul.bf16 v28, v5;
	v24 =	vmul.bf16 v24, v9  }
0x194: {  	v28 =	vld [tilespmem:s0+$0x40];
	[tilespmem:s30+$0x30] =	vst v16;
	v16 =	vadd.bf16 v17, v57;
	v17 =	vmul.bf16 v19, v6;
	v19 =	vmul.bf16 v55, v5  }
0x195: {  	v60 =	vld [tilespmem:s0+$0x70];
	[tilespmem:s30+$0x40] =	vst v12;
	v12 =	vadd.bf16 v22, v25;
	v22 =	vmul.bf16 v26, v9;
	v13 =	vadd.bf16 v24, v13  }
0x196: {  	[tilespmem:s30+$0x20] =	vst v20;
	v21 =	vadd.bf16 v21, v23;
	v20 =	vmul.bf16 v29, v5;
	v29 =	vld [tilespmem:s0+$0x50];
	v17 =	vadd.bf16 v19, v17  }
0x197: {  	s5 =	sor.u32 s28, s5;
	v62 =	vld [tilespmem:s29+$0x60];
	[tilespmem:s30+$0x60] =	vst v14;
	v19 =	vmul.bf16 v58, v9;
	v14 =	vadd.bf16 v22, v15;
	v22 =	vunpack.i.u.bf16.f32 v13  }
0x198: {  	v23 =	vmul.bf16 v51, v6;
	v25 =	vld [tilespmem:s26+$0x40];
	v15 =	vmul.bf16 v27, v9;
	v13 =	vunpack.i.l.bf16.f32 v13;
	[tilespmem:s5+$0x10] =	vst v22  }
0x199: {  	v26 =	vld [tilespmem:s29+$0x30];
	v18 =	vadd.bf16 v19, v18;
	v19 =	vmul.bf16 v28, v9;
	[tilespmem:s5+$0x0] =	vst v13;
	v13 =	vunpack.i.u.bf16.f32 v14  }
0x19a: {  	v20 =	vadd.bf16 v20, v23;
	v23 =	vld [tilespmem:s26+$0x30];
	v15 =	vadd.bf16 v15, v21;
	v14 =	vunpack.i.l.bf16.f32 v14;
	[tilespmem:s5+$0x30] =	vst v13  }
0x19b: {  	v27 =	vld [tilespmem:s26+$0x60];
	v21 =	vmul.bf16 v29, v9;
	v16 =	vadd.bf16 v19, v16;
	[tilespmem:s5+$0x20] =	vst v14;
	v14 =	vunpack.i.l.bf16.f32 v18  }
0x19c: {  	v22 =	vld [tilespmem:s26+$0x50];
	v19 =	vmul.bf16 v59, v9;
	v13 =	vmul.bf16 v60, v9;
	v18 =	vunpack.i.u.bf16.f32 v18;
	[tilespmem:s5+$0x40] =	vst v14  }
0x19d: {  	v29 =	vld [tilespmem:s29+$0x40];
	v12 =	vadd.bf16 v21, v12;
	v14 =	vunpack.i.u.bf16.f32 v15;
	v15 =	vunpack.i.l.bf16.f32 v15;
	[tilespmem:s5+$0x50] =	vst v18  }
0x19e: {  	v63 =	vmul.bf16 v25, v7;
	v19 =	vadd.bf16 v19, v20;
	v20 =	vld [tilespmem:s29+$0x50];
	v17 =	vadd.bf16 v13, v17;
	[tilespmem:s5+$0x60] =	vst v15  }
0x19f: {  	s7 =	sor.u32 s28, s3;
	v28 =	vld [tilespmem:s26+$0x70];
	v18 =	vunpack.i.u.bf16.f32 v16;
	v24 =	vunpack.i.l.bf16.f32 v16;
	[tilespmem:s5+$0x70] =	vst v14;
	v14 =	vmul.bf16 v23, v7  }
0x1a0: {  	s26 =	sor.u32 s22, s25;
	v13 =	vld [tilespmem:s29+$0x70];
	v23 =	vmul.bf16 v26, v3;
	v61 =	vunpack.i.u.bf16.f32 v12;
	v12 =	vunpack.i.l.bf16.f32 v12;
	[tilespmem:s7+$0x0] =	vst v24  }
0x1a1: {  	v24 =	vld [tilespmem:s26+$0x0];
	[tilespmem:s7+$0x10] =	vst v18;
	v18 =	vmul.bf16 v27, v7;
	v16 =	vunpack.i.u.bf16.f32 v19;
	v21 =	vunpack.i.l.bf16.f32 v19  }
0x1a2: {  	s23 =	sor.u32 s28, s2;
	s2 =	sor.u32 s28, s9;
	[tilespmem:s30+$0x50] =	vst v56;
	v26 =	vld [tilespmem:s26+$0x10];
	v15 =	vunpack.i.u.bf16.f32 v17;
	v19 =	vunpack.i.l.bf16.f32 v17;
	v29 =	vmul.bf16 v29, v3  }
0x1a3: {  	s31 =	sor.u32 s28, s6;
	s6 =	sor.u32 s28, s13;
	s24 =	sor.u32 s22, s18;
	v25 =	vld [tilespmem:s26+$0x20];
	v17 =	vmul.bf16 v22, v7;
	[tilespmem:s7+$0x20] =	vst v12;
	v14 =	vadd.bf16 v23, v14;
	v22 =	vmul.bf16 v20, v3  }
0x1a4: {  	s22 =	sor.u32 s22, s1;
	s25 =	sor.u32 s28, s12;
	s28 =	simm.s32 $0x2;
	v27 =	vld [tilespmem:s26+$0x30];
	[tilespmem:s7+$0x30] =	vst v61;
	v23 =	vmul.bf16 v62, v3;
	v12 =	vadd.bf16 v29, v63;
	v20 =	vmul.bf16 v28, v7  }
.LBB2_3:
0x1a5: {  	s28 =	sadd.s32 $0x2, s28;
	[tilespmem:s7+$0x40] =	vst v21;
	v21 =	vld [tilespmem:s26+$0x40];
	v17 =	vadd.bf16 v22, v17;
	v13 =	vmul.bf16 v13, v3;
	v3 =	vmovc v5;
	v7 =	vmov v6  }
0x1a6: {  	s1 =	sshrl.u32 s28, $0x3;
	p0 =	slt.u32 s28, $0x1E;
	[tilespmem:s7+$0x50] =	vst v16;
	v5 =	vld [tilespmem:s26+$0x50];
	v6 =	vmul.bf16 v24, v4;
	v16 =	vadd.bf16 v23, v18  }
0x1a7: {  	s0 =	smul.u32 $0x9000, s1;
	[tilespmem:s7+$0x60] =	vst v19;
	v18 =	vld [tilespmem:s26+$0x60];
	v19 =	vmul.bf16 v26, v4;
	v13 =	vadd.bf16 v13, v20  }
0x1a8: {  	s21 =	sadd.s32 $0x100, s21;
	[tilespmem:s7+$0x70] =	vst v15;
	v15 =	vld [tilespmem:s26+$0x70];
	v6 =	vadd.bf16 v6, v8;
	v8 =	vmul.bf16 v25, v4;
	s26 =	smov.u32 s31  }
0x1a9: {  	s3 =	sadd.s32 $0xFFFFFF80, s21;
	s29 =	sand.u32 $0x380, s21;
	s0 =	sshra.s32 s0, $0x2;
	v20 =	vld [tilespmem:s25+$0x0];
	v10 =	vadd.bf16 v19, v10;
	v19 =	vmul.bf16 v27, v4  }
0x1aa: {  	s30 =	sand.u32 $0x300, s3;
	s5 =	sadd.s32 $0x2000, s0;
	v22 =	vld [tilespmem:s23+$0x0];
	v23 =	vunpack.i.u.bf16.f32 v6;
	v8 =	vadd.bf16 v8, v11;
	v11 =	vmul.bf16 v21, v4  }
0x1ab: {  	v6 =	vunpack.i.l.bf16.f32 v6;
	s3 =	sor.u32 s30, s5;
	s31 =	sor.u32 s29, s5;
	v21 =	vld [tilespmem:s25+$0x10];
	[tilespmem:s24+$0x10] =	vst v23;
	v14 =	vadd.bf16 v19, v14;
	v5 =	vmul.bf16 v5, v4  }
0x1ac: {  	v19 =	vld [tilespmem:s3+$0x0];
	[tilespmem:s24+$0x0] =	vst v6;
	v6 =	vunpack.i.u.bf16.f32 v10;
	v11 =	vadd.bf16 v11, v12;
	v12 =	vmul.bf16 v18, v4  }
0x1ad: {  	v10 =	vunpack.i.l.bf16.f32 v10;
	v18 =	vld [tilespmem:s3+$0x10];
	[tilespmem:s24+$0x30] =	vst v6;
	v5 =	vadd.bf16 v5, v17;
	v6 =	vmul.bf16 v15, v4;
	v4 =	vmovc v9  }
0x1ae: {  	v9 =	vunpack.i.u.bf16.f32 v8;
	v15 =	vld [tilespmem:s3+$0x20];
	v17 =	vmul.bf16 v20, v7;
	[tilespmem:s24+$0x20] =	vst v10;
	v12 =	vadd.bf16 v12, v16  }
0x1af: {  	s20 =	sadd.s32 $0x6, s20;
	s7 =	sadd.s32 $0x800, s0;
	v8 =	vunpack.i.l.bf16.f32 v8;
	v16 =	vld [tilespmem:s3+$0x30];
	v20 =	vmul.bf16 v22, v3;
	[tilespmem:s24+$0x50] =	vst v9;
	v6 =	vadd.bf16 v6, v13  }
0x1b0: {  	s9 =	sadd.s32 $0x1400, s0;
	s5 =	sadd.s32 $0xFFFFFFFD, s20;
	s8 =	sor.u32 s30, s7;
	v23 =	vmov s20;
	v22 =	vld [tilespmem:s3+$0x40];
	v10 =	vmul.bf16 v21, v7;
	[tilespmem:s24+$0x40] =	vst v8;
	v8 =	vunpack.i.u.bf16.f32 v14  }
0x1b1: {  	s18 =	sor.u32 s29, s7;
	s7 =	sor.u32 s29, s9;
	v24 =	vadd.s32 $0x1, v23;
	v13 =	vmov s5;
	s5 =	sor.u32 s30, s9;
	v9 =	vadd.s32 $0x2, v23;
	v21 =	vld [tilespmem:s8+$0x0];
	[tilespmem:s24+$0x70] =	vst v8  }
0x1b2: {  	v14 =	vunpack.i.l.bf16.f32 v14;
	v8 =	vadd.bf16 v20, v17;
	v17 =	vunpack.i.u.bf16.f32 v11;
	v25 =	vld [tilespmem:s5+$0x0]  }
0x1b3: {  	v20 =	vor.u32 $0x1, v13;
	v11 =	vunpack.i.l.bf16.f32 v11;
	v26 =	vld [tilespmem:s8+$0x10];
	[tilespmem:s24+$0x60] =	vst v14;
	v14 =	vunpack.i.u.bf16.f32 v5;
	s24 =	smov.u32 s6  }
0x1b4: {  	v5 =	vunpack.i.l.bf16.f32 v5;
	v27 =	vld [tilespmem:s8+$0x20];
	[tilespmem:s22+$0x0] =	vst v11;
	v11 =	vunpack.i.u.bf16.f32 v12;
	v12 =	vunpack.i.l.bf16.f32 v12  }
0x1b5: {  	v28 =	vadd.s32 $0x2, v13;
	v29 =	vld [tilespmem:s8+$0x30];
	[tilespmem:s22+$0x10] =	vst v17;
	v17 =	vunpack.i.u.bf16.f32 v6;
	v6 =	vunpack.i.l.bf16.f32 v6  }
0x1b6: {  	v13 =	vld.idx.msk [tilespmem:v13+s14+$0x0], $0xffff;
	[tilespmem:s22+$0x20] =	vst v5  }
0x1b7: {  	v5 =	vld [tilespmem:s8+$0x40];
	[tilespmem:s22+$0x30] =	vst v14  }
0x1b8: {  	v14 =	vld.idx.msk [tilespmem:v20+s14+$0x0], $0xffff;
	[tilespmem:s22+$0x40] =	vst v12  }
0x1b9: {  	v20 =	vld [tilespmem:s8+$0x50];
	[tilespmem:s22+$0x50] =	vst v11  }
0x1ba: {  	v11 =	vld.idx.msk [tilespmem:v28+s14+$0x0], $0xffff;
	[tilespmem:s22+$0x60] =	vst v6  }
0x1bb: {  	v6 =	vld [tilespmem:s8+$0x60];
	[tilespmem:s22+$0x70] =	vst v17;
	s22 =	smov.u32 s2  }
0x1bc: {  	v12 =	vpack.i.f32.bf16 v13, v13;
	v17 =	vld [tilespmem:s5+$0x10]  }
0x1bd: {  	v21 =	vmul.bf16 v21, v12;
	v26 =	vmul.bf16 v26, v12;
	v28 =	vld [tilespmem:s8+$0x70]  }
0x1be: {  	v27 =	vmul.bf16 v27, v12;
	v29 =	vmul.bf16 v29, v12;
	v13 =	vpack.i.f32.bf16 v14, v14;
	v30 =	vld [tilespmem:s5+$0x20]  }
0x1bf: {  	v5 =	vmul.bf16 v5, v12;
	v25 =	vmul.bf16 v25, v13;
	v31 =	vld [tilespmem:s5+$0x30]  }
0x1c0: {  	v20 =	vmul.bf16 v20, v12;
	v14 =	vpack.i.f32.bf16 v11, v11;
	v11 =	vld [tilespmem:s3+$0x50];
	v6 =	vmul.bf16 v6, v12  }
0x1c1: {  	s1 =	smul.u32 $0x6000, s1;
	v21 =	vadd.bf16 v25, v21;
	v19 =	vmul.bf16 v19, v14;
	v32 =	vld [tilespmem:s5+$0x40];
	v17 =	vmul.bf16 v17, v13  }
0x1c2: {  	v18 =	vmul.bf16 v18, v14;
	v25 =	vld [tilespmem:s3+$0x60];
	v28 =	vmul.bf16 v28, v12  }
0x1c3: {  	s2 =	sshra.s32 s1, $0x2;
	v19 =	vadd.bf16 v19, v21;
	v33 =	vld [tilespmem:s5+$0x50];
	v17 =	vadd.bf16 v17, v26;
	v21 =	vmul.bf16 v30, v13  }
0x1c4: {  	v15 =	vmul.bf16 v15, v14;
	v26 =	vld [tilespmem:s3+$0x70];
	s3 =	sadd.s32 $0x12800, s2;
	v30 =	vmul.bf16 v31, v13  }
0x1c5: {  	v34 =	vunpack.i.l.bf16.f32 v19;
	v31 =	vld [tilespmem:s5+$0x60];
	s1 =	sor.u32 s30, s3;
	v17 =	vadd.bf16 v18, v17;
	v18 =	vadd.bf16 v21, v27;
	s6 =	sor.u32 s29, s3  }
0x1c6: {  	v16 =	vmul.bf16 v16, v14;
	v19 =	vunpack.i.u.bf16.f32 v19;
	v21 =	vld [tilespmem:s5+$0x70];
	[tilespmem:s1+$0x0] =	vst v34;
	v27 =	vmul.bf16 v32, v13  }
0x1c7: {  	[tilespmem:s1+$0x10] =	vst v19;
	v19 =	vunpack.i.l.bf16.f32 v17;
	v15 =	vadd.bf16 v15, v18;
	v18 =	vadd.bf16 v30, v29;
	v24 =	vld.idx.msk [tilespmem:v24+s14+$0x0], $0xffff  }
0x1c8: {  	v17 =	vunpack.i.u.bf16.f32 v17;
	[tilespmem:s1+$0x20] =	vst v19;
	v19 =	vmul.bf16 v22, v14;
	v22 =	vmul.bf16 v33, v13;
	v23 =	vld.idx.msk [tilespmem:v23+s14+$0x0], $0xffff  }
0x1c9: {  	v5 =	vadd.bf16 v27, v5;
	[tilespmem:s1+$0x30] =	vst v17;
	v17 =	vunpack.i.l.bf16.f32 v15;
	v16 =	vadd.bf16 v16, v18;
	v18 =	vld [tilespmem:s18+$0x0]  }
0x1ca: {  	v11 =	vmul.bf16 v11, v14;
	v15 =	vunpack.i.u.bf16.f32 v15;
	[tilespmem:s1+$0x40] =	vst v17;
	v17 =	vmul.bf16 v31, v13;
	v27 =	vld [tilespmem:s7+$0x0]  }
0x1cb: {  	v5 =	vadd.bf16 v19, v5;
	v19 =	vadd.bf16 v22, v20;
	[tilespmem:s1+$0x50] =	vst v15;
	v15 =	vunpack.i.l.bf16.f32 v16;
	v20 =	vld [tilespmem:s18+$0x10]  }
0x1cc: {  	v16 =	vunpack.i.u.bf16.f32 v16;
	v21 =	vmul.bf16 v21, v13;
	[tilespmem:s1+$0x60] =	vst v15;
	v15 =	vmul.bf16 v25, v14;
	v22 =	vld [tilespmem:s7+$0x10]  }
0x1cd: {  	v11 =	vadd.bf16 v11, v19;
	v6 =	vadd.bf16 v17, v6;
	[tilespmem:s1+$0x70] =	vst v16;
	v16 =	vunpack.i.l.bf16.f32 v5;
	v17 =	vld [tilespmem:s18+$0x20]  }
0x1ce: {  	v19 =	vunpack.i.u.bf16.f32 v5;
	v5 =	vpack.i.f32.bf16 v24, v24;
	[tilespmem:s1+$0x400] =	vst v16;
	v16 =	vmul.bf16 v26, v14;
	v24 =	vld [tilespmem:s7+$0x20]  }
0x1cf: {  	v21 =	vadd.bf16 v21, v28;
	v15 =	vadd.bf16 v15, v6;
	[tilespmem:s1+$0x410] =	vst v19;
	v19 =	vunpack.i.l.bf16.f32 v11;
	v25 =	vld [tilespmem:s18+$0x30]  }
0x1d0: {  	v6 =	vpack.i.f32.bf16 v23, v23;
	v11 =	vunpack.i.u.bf16.f32 v11;
	v23 =	vmul.bf16 v27, v5;
	[tilespmem:s1+$0x420] =	vst v19;
	v19 =	vld [tilespmem:s7+$0x30]  }
0x1d1: {  	v16 =	vadd.bf16 v16, v21;
	[tilespmem:s1+$0x430] =	vst v11;
	v11 =	vunpack.i.l.bf16.f32 v15;
	v21 =	vld [tilespmem:s18+$0x40];
	v22 =	vmul.bf16 v22, v5  }
0x1d2: {  	v15 =	vunpack.i.u.bf16.f32 v15;
	[tilespmem:s1+$0x440] =	vst v11;
	v26 =	vld [tilespmem:s7+$0x40];
	v11 =	vmul.bf16 v18, v6;
	v18 =	vmul.bf16 v20, v6  }
0x1d3: {  	v17 =	vmul.bf16 v17, v6;
	[tilespmem:s1+$0x450] =	vst v15;
	v15 =	vunpack.i.l.bf16.f32 v16;
	v20 =	vld [tilespmem:s18+$0x50];
	v24 =	vmul.bf16 v24, v5  }
0x1d4: {  	s3 =	sadd.s32 $0x2400, s0;
	v27 =	vunpack.i.u.bf16.f32 v16;
	[tilespmem:s1+$0x460] =	vst v15;
	v28 =	vld [tilespmem:s7+$0x50];
	v16 =	vadd.bf16 v23, v11;
	v23 =	vmul.bf16 v25, v6  }
0x1d5: {  	v11 =	vadd.bf16 v22, v18;
	[tilespmem:s1+$0x470] =	vst v27;
	s1 =	sor.u32 s30, s3;
	v25 =	vld [tilespmem:s18+$0x60];
	v15 =	vadd.bf16 v24, v17;
	v17 =	vmul.bf16 v19, v5;
	s3 =	sor.u32 s29, s3  }
0x1d6: {  	v22 =	vld [tilespmem:s1+$0x0];
	v18 =	vmul.bf16 v21, v6  }
0x1d7: {  	v21 =	vld [tilespmem:s1+$0x10];
	v17 =	vadd.bf16 v17, v23;
	v19 =	vmul.bf16 v26, v5  }
0x1d8: {  	v23 =	vld [tilespmem:s1+$0x20];
	v24 =	vmul.bf16 v20, v6  }
0x1d9: {  	v26 =	vld [tilespmem:s1+$0x30];
	v18 =	vadd.bf16 v19, v18;
	v19 =	vmul.bf16 v28, v5  }
0x1da: {  	v27 =	vld [tilespmem:s1+$0x40];
	v20 =	vmul.bf16 v25, v6  }
0x1db: {  	v25 =	vld [tilespmem:s1+$0x50];
	v19 =	vadd.bf16 v19, v24  }
0x1dc: {  	s5 =	sadd.s32 $0xC00, s0;
	v24 =	vld [tilespmem:s1+$0x60]  }
0x1dd: {  	s9 =	sadd.s32 $0x1800, s0;
	s8 =	sor.u32 s30, s5;
	s5 =	sor.u32 s29, s5;
	v28 =	vld [tilespmem:s1+$0x70]  }
0x1de: {  	s12 =	sor.u32 s29, s9;
	s1 =	sor.u32 s30, s9;
	v29 =	vld [tilespmem:s8+$0x0]  }
0x1df: {  	v30 =	vld [tilespmem:s1+$0x0]  }
0x1e0: {  	v31 =	vld [tilespmem:s8+$0x10]  }
0x1e1: {  	v32 =	vld [tilespmem:s1+$0x10]  }
0x1e2: {  	v33 =	vld [tilespmem:s8+$0x20]  }
0x1e3: {  	v34 =	vld [tilespmem:s1+$0x20]  }
0x1e4: {  	v22 =	vmul.bf16 v22, v14;
	v21 =	vmul.bf16 v21, v14;
	v35 =	vld [tilespmem:s8+$0x30]  }
0x1e5: {  	v23 =	vmul.bf16 v23, v14;
	v26 =	vmul.bf16 v26, v14;
	v36 =	vld [tilespmem:s1+$0x30]  }
0x1e6: {  	v29 =	vmul.bf16 v29, v12;
	v30 =	vmul.bf16 v30, v13;
	v37 =	vld [tilespmem:s8+$0x40]  }
0x1e7: {  	v27 =	vmul.bf16 v27, v14;
	v25 =	vmul.bf16 v25, v14;
	v38 =	vld [tilespmem:s1+$0x40]  }
0x1e8: {  	v29 =	vadd.bf16 v30, v29;
	v30 =	vmul.bf16 v31, v12;
	v31 =	vmul.bf16 v32, v13;
	v39 =	vld [tilespmem:s8+$0x50]  }
0x1e9: {  	v24 =	vmul.bf16 v24, v14;
	v33 =	vmul.bf16 v33, v12;
	v32 =	vld [tilespmem:s1+$0x50]  }
0x1ea: {  	v22 =	vadd.bf16 v22, v29;
	v29 =	vadd.bf16 v31, v30;
	v30 =	vmul.bf16 v34, v13;
	v40 =	vld [tilespmem:s8+$0x60]  }
0x1eb: {  	s9 =	sadd.s32 $0x13000, s2;
	v34 =	vmul.bf16 v35, v12;
	v35 =	vmul.bf16 v36, v13;
	v31 =	vld [tilespmem:s1+$0x60]  }
0x1ec: {  	s13 =	sor.u32 s29, s9;
	v41 =	vunpack.i.l.bf16.f32 v22;
	v21 =	vadd.bf16 v21, v29;
	v29 =	vadd.bf16 v30, v33;
	v36 =	vld [tilespmem:s8+$0x70];
	s8 =	sor.u32 s30, s9  }
0x1ed: {  	v22 =	vunpack.i.u.bf16.f32 v22;
	v33 =	vmul.bf16 v37, v12;
	v37 =	vmul.bf16 v38, v13;
	v30 =	vld [tilespmem:s1+$0x70];
	[tilespmem:s8+$0x0] =	vst v41  }
0x1ee: {  	v23 =	vadd.bf16 v23, v29;
	v29 =	vadd.bf16 v35, v34;
	[tilespmem:s8+$0x10] =	vst v22;
	v22 =	vunpack.i.l.bf16.f32 v21;
	v34 =	vld [tilespmem:s7+$0x60]  }
0x1ef: {  	v21 =	vunpack.i.u.bf16.f32 v21;
	v32 =	vmul.bf16 v32, v13;
	[tilespmem:s8+$0x20] =	vst v22;
	v22 =	vmul.bf16 v39, v12;
	v35 =	vld [tilespmem:s18+$0x70]  }
0x1f0: {  	v26 =	vadd.bf16 v26, v29;
	v29 =	vadd.bf16 v37, v33;
	[tilespmem:s8+$0x30] =	vst v21;
	v21 =	vunpack.i.l.bf16.f32 v23;
	v33 =	vld [tilespmem:s7+$0x70]  }
0x1f1: {  	v23 =	vunpack.i.u.bf16.f32 v23;
	v31 =	vmul.bf16 v31, v13;
	[tilespmem:s8+$0x40] =	vst v21;
	v21 =	vmul.bf16 v40, v12;
	v9 =	vld.idx.msk [tilespmem:v9+s14+$0x0], $0xffff  }
0x1f2: {  	v27 =	vadd.bf16 v27, v29;
	v22 =	vadd.bf16 v32, v22;
	[tilespmem:s8+$0x50] =	vst v23;
	v23 =	vunpack.i.l.bf16.f32 v26;
	v29 =	vld [tilespmem:s31+$0x0]  }
0x1f3: {  	s1 =	sadd.s32 $0x13400, s2;
	v26 =	vunpack.i.u.bf16.f32 v26;
	v30 =	vmul.bf16 v30, v13;
	[tilespmem:s8+$0x60] =	vst v23;
	v23 =	vmul.bf16 v36, v12;
	v32 =	vld [tilespmem:s31+$0x10]  }
0x1f4: {  	s7 =	sor.u32 s29, s1;
	v22 =	vadd.bf16 v25, v22;
	v21 =	vadd.bf16 v31, v21;
	[tilespmem:s8+$0x70] =	vst v26;
	v26 =	vunpack.i.l.bf16.f32 v27;
	s8 =	sor.u32 s30, s1;
	v25 =	vld [tilespmem:s31+$0x20]  }
0x1f5: {  	v31 =	vmul.bf16 v34, v5;
	v27 =	vunpack.i.u.bf16.f32 v27;
	[tilespmem:s8+$0x0] =	vst v26;
	v26 =	vmul.bf16 v28, v14;
	v28 =	vld [tilespmem:s31+$0x30]  }
0x1f6: {  	v21 =	vadd.bf16 v24, v21;
	v23 =	vadd.bf16 v30, v23;
	[tilespmem:s8+$0x10] =	vst v27;
	v27 =	vunpack.i.l.bf16.f32 v22;
	v24 =	vld [tilespmem:s31+$0x40]  }
0x1f7: {  	v30 =	vmul.bf16 v35, v6;
	v33 =	vmul.bf16 v33, v5;
	v22 =	vunpack.i.u.bf16.f32 v22;
	[tilespmem:s8+$0x20] =	vst v27;
	v27 =	vld [tilespmem:s31+$0x50]  }
0x1f8: {  	v9 =	vpack.i.f32.bf16 v9, v9;
	v23 =	vadd.bf16 v26, v23;
	[tilespmem:s8+$0x30] =	vst v22;
	v22 =	vunpack.i.l.bf16.f32 v21;
	v26 =	vld [tilespmem:s31+$0x60]  }
0x1f9: {  	v20 =	vadd.bf16 v31, v20;
	v30 =	vadd.bf16 v33, v30;
	v21 =	vunpack.i.u.bf16.f32 v21;
	[tilespmem:s8+$0x40] =	vst v22;
	v22 =	vld [tilespmem:s31+$0x70]  }
0x1fa: {  	v29 =	vmul.bf16 v29, v9;
	v31 =	vmul.bf16 v32, v9;
	[tilespmem:s8+$0x50] =	vst v21;
	v21 =	vunpack.i.l.bf16.f32 v23;
	v32 =	vld [tilespmem:s23+$0x10]  }
0x1fb: {  	s1 =	sadd.s32 $0x2800, s0;
	v23 =	vunpack.i.u.bf16.f32 v23;
	[tilespmem:s8+$0x60] =	vst v21;
	v21 =	vmul.bf16 v25, v9;
	v25 =	vmul.bf16 v28, v9;
	v28 =	vld [tilespmem:s25+$0x20]  }
0x1fc: {  	v16 =	vadd.bf16 v29, v16;
	s31 =	sor.u32 s29, s1;
	[tilespmem:s8+$0x70] =	vst v23;
	s8 =	sor.u32 s30, s1;
	v23 =	vmul.bf16 v24, v9;
	v24 =	vmul.bf16 v27, v9;
	v27 =	vld [tilespmem:s23+$0x20]  }
0x1fd: {  	v11 =	vadd.bf16 v31, v11;
	v29 =	vld [tilespmem:s8+$0x0];
	v15 =	vadd.bf16 v21, v15;
	v21 =	vmul.bf16 v26, v9  }
0x1fe: {  	v17 =	vadd.bf16 v25, v17;
	v26 =	vld [tilespmem:s8+$0x10];
	v18 =	vadd.bf16 v23, v18;
	v22 =	vmul.bf16 v22, v9  }
0x1ff: {  	v25 =	vunpack.i.u.bf16.f32 v16;
	v19 =	vadd.bf16 v24, v19;
	v23 =	vld [tilespmem:s8+$0x20];
	v20 =	vadd.bf16 v21, v20  }
0x200: {  	v16 =	vunpack.i.l.bf16.f32 v16;
	v24 =	vunpack.i.u.bf16.f32 v11;
	v21 =	vld [tilespmem:s8+$0x30];
	[tilespmem:s6+$0x10] =	vst v25;
	v22 =	vadd.bf16 v22, v30  }
0x201: {  	v11 =	vunpack.i.l.bf16.f32 v11;
	v25 =	vld [tilespmem:s8+$0x40];
	[tilespmem:s6+$0x0] =	vst v16;
	v16 =	vunpack.i.u.bf16.f32 v15;
	v15 =	vunpack.i.l.bf16.f32 v15  }
0x202: {  	v31 =	vunpack.i.u.bf16.f32 v18;
	v30 =	vld [tilespmem:s8+$0x50];
	[tilespmem:s6+$0x20] =	vst v11;
	v11 =	vunpack.i.u.bf16.f32 v17;
	v17 =	vunpack.i.l.bf16.f32 v17  }
0x203: {  	s9 =	sadd.s32 $0x1000, s0;
	v18 =	vunpack.i.l.bf16.f32 v18;
	v33 =	vld [tilespmem:s8+$0x60];
	[tilespmem:s6+$0x30] =	vst v24;
	v24 =	vunpack.i.u.bf16.f32 v19;
	v19 =	vunpack.i.l.bf16.f32 v19  }
0x204: {  	s18 =	sor.u32 s29, s9;
	s0 =	sadd.s32 $0x1C00, s0;
	s1 =	sor.u32 s30, s9;
	v35 =	vunpack.i.u.bf16.f32 v22;
	v34 =	vld [tilespmem:s8+$0x70];
	[tilespmem:s6+$0x40] =	vst v15;
	v15 =	vunpack.i.u.bf16.f32 v20;
	v20 =	vunpack.i.l.bf16.f32 v20  }
0x205: {  	v28 =	vmul.bf16 v28, v7;
	s8 =	sor.u32 s30, s0;
	s0 =	sor.u32 s29, s0;
	v36 =	vld [tilespmem:s1+$0x0];
	[tilespmem:s6+$0x50] =	vst v16;
	v16 =	vunpack.i.l.bf16.f32 v22;
	v22 =	vmul.bf16 v32, v3  }
0x206: {  	v32 =	vld [tilespmem:s8+$0x0];
	v25 =	vmul.bf16 v25, v14;
	[tilespmem:s6+$0x60] =	vst v17;
	v17 =	vmul.bf16 v27, v3  }
0x207: {  	v27 =	vld [tilespmem:s1+$0x10];
	v30 =	vmul.bf16 v30, v14;
	[tilespmem:s6+$0x70] =	vst v11;
	v10 =	vadd.bf16 v22, v10  }
0x208: {  	v22 =	vld [tilespmem:s8+$0x10];
	v33 =	vmul.bf16 v33, v14;
	[tilespmem:s6+$0x400] =	vst v18;
	v11 =	vadd.bf16 v17, v28  }
0x209: {  	v17 =	vld [tilespmem:s1+$0x20];
	[tilespmem:s6+$0x410] =	vst v31  }
0x20a: {  	v18 =	vld [tilespmem:s8+$0x20];
	[tilespmem:s6+$0x420] =	vst v19  }
0x20b: {  	v19 =	vld [tilespmem:s1+$0x30];
	[tilespmem:s6+$0x430] =	vst v24  }
0x20c: {  	v28 =	vmul.bf16 v29, v14;
	v24 =	vld [tilespmem:s8+$0x30];
	[tilespmem:s6+$0x440] =	vst v20  }
0x20d: {  	v29 =	vmul.bf16 v36, v12;
	v31 =	vmul.bf16 v32, v13;
	v20 =	vld [tilespmem:s1+$0x40];
	[tilespmem:s6+$0x450] =	vst v15  }
0x20e: {  	v26 =	vmul.bf16 v26, v14;
	v23 =	vmul.bf16 v23, v14;
	v15 =	vld [tilespmem:s1+$0x70];
	[tilespmem:s6+$0x460] =	vst v16  }
0x20f: {  	v27 =	vmul.bf16 v27, v12;
	v29 =	vadd.bf16 v31, v29;
	v22 =	vmul.bf16 v22, v13;
	v16 =	vld [tilespmem:s8+$0x70];
	[tilespmem:s6+$0x470] =	vst v35  }
0x210: {  	v21 =	vmul.bf16 v21, v14;
	v17 =	vmul.bf16 v17, v12;
	v31 =	vld [tilespmem:s8+$0x40]  }
0x211: {  	v28 =	vadd.bf16 v28, v29;
	v22 =	vadd.bf16 v22, v27;
	v18 =	vmul.bf16 v18, v13;
	v32 =	vld [tilespmem:s1+$0x50]  }
0x212: {  	s6 =	sadd.s32 $0x13800, s2;
	v19 =	vmul.bf16 v19, v12;
	v24 =	vmul.bf16 v24, v13;
	v27 =	vld [tilespmem:s8+$0x50]  }
0x213: {  	v35 =	vunpack.i.l.bf16.f32 v28;
	v22 =	vadd.bf16 v26, v22;
	v17 =	vadd.bf16 v18, v17;
	v29 =	vld [tilespmem:s1+$0x60];
	s1 =	sor.u32 s30, s6;
	s6 =	sor.u32 s29, s6  }
0x214: {  	v26 =	vunpack.i.u.bf16.f32 v28;
	v15 =	vmul.bf16 v15, v12;
	v18 =	vld [tilespmem:s8+$0x60];
	[tilespmem:s1+$0x0] =	vst v35;
	v16 =	vmul.bf16 v16, v13  }
0x215: {  	v17 =	vadd.bf16 v23, v17;
	v19 =	vadd.bf16 v24, v19;
	[tilespmem:s1+$0x10] =	vst v26;
	v26 =	vunpack.i.l.bf16.f32 v22;
	v23 =	vld [tilespmem:s5+$0x0]  }
0x216: {  	v14 =	vmul.bf16 v34, v14;
	v20 =	vmul.bf16 v20, v12;
	v22 =	vunpack.i.u.bf16.f32 v22;
	[tilespmem:s1+$0x20] =	vst v26;
	v24 =	vld [tilespmem:s12+$0x0]  }
0x217: {  	v19 =	vadd.bf16 v21, v19;
	v15 =	vadd.bf16 v16, v15;
	[tilespmem:s1+$0x30] =	vst v22;
	v22 =	vunpack.i.l.bf16.f32 v17;
	v16 =	vld [tilespmem:s5+$0x10]  }
0x218: {  	v21 =	vmul.bf16 v31, v13;
	v17 =	vunpack.i.u.bf16.f32 v17;
	[tilespmem:s1+$0x40] =	vst v22;
	v22 =	vmul.bf16 v32, v12;
	v26 =	vld [tilespmem:s12+$0x10]  }
0x219: {  	v27 =	vmul.bf16 v27, v13;
	v14 =	vadd.bf16 v14, v15;
	[tilespmem:s1+$0x50] =	vst v17;
	v17 =	vunpack.i.l.bf16.f32 v19;
	v15 =	vld [tilespmem:s5+$0x20]  }
0x21a: {  	s2 =	sadd.s32 $0x13C00, s2;
	v12 =	vmul.bf16 v29, v12;
	v19 =	vunpack.i.u.bf16.f32 v19;
	[tilespmem:s1+$0x60] =	vst v17;
	v17 =	vld [tilespmem:s12+$0x20];
	v23 =	vmul.bf16 v23, v6  }
0x21b: {  	v13 =	vmul.bf16 v18, v13;
	v18 =	vunpack.i.u.bf16.f32 v14;
	[tilespmem:s1+$0x70] =	vst v19;
	s1 =	sor.u32 s30, s2;
	v19 =	vld [tilespmem:s5+$0x30];
	v24 =	vmul.bf16 v24, v5;
	s2 =	sor.u32 s29, s2  }
0x21c: {  	v20 =	vadd.bf16 v21, v20;
	v21 =	vadd.bf16 v27, v22;
	[tilespmem:s1+$0x70] =	vst v18;
	v18 =	vld [tilespmem:s12+$0x30];
	v16 =	vmul.bf16 v16, v6  }
0x21d: {  	v12 =	vadd.bf16 v13, v12;
	v13 =	vld [tilespmem:s5+$0x40];
	v22 =	vadd.bf16 v24, v23;
	v23 =	vmul.bf16 v26, v5  }
0x21e: {  	v20 =	vadd.bf16 v25, v20;
	v21 =	vadd.bf16 v30, v21;
	v24 =	vld [tilespmem:s12+$0x40];
	v15 =	vmul.bf16 v15, v6  }
0x21f: {  	v12 =	vadd.bf16 v33, v12;
	v25 =	vld [tilespmem:s5+$0x50];
	v16 =	vadd.bf16 v23, v16;
	v17 =	vmul.bf16 v17, v5  }
0x220: {  	v23 =	vunpack.i.u.bf16.f32 v20;
	v20 =	vunpack.i.l.bf16.f32 v20;
	v26 =	vld [tilespmem:s12+$0x50];
	v19 =	vmul.bf16 v19, v6  }
0x221: {  	[tilespmem:s1+$0x0] =	vst v20;
	v20 =	vunpack.i.u.bf16.f32 v21;
	v27 =	vld [tilespmem:s5+$0x60];
	v15 =	vadd.bf16 v17, v15;
	v17 =	vmul.bf16 v18, v5  }
0x222: {  	v18 =	vunpack.i.l.bf16.f32 v21;
	v21 =	vunpack.i.u.bf16.f32 v12;
	[tilespmem:s1+$0x10] =	vst v23;
	v23 =	vld [tilespmem:s12+$0x60];
	v13 =	vmul.bf16 v13, v6  }
0x223: {  	v12 =	vunpack.i.l.bf16.f32 v12;
	[tilespmem:s1+$0x20] =	vst v18;
	v18 =	vld [tilespmem:s5+$0x70];
	v17 =	vadd.bf16 v17, v19;
	v19 =	vmul.bf16 v24, v5  }
0x224: {  	v14 =	vunpack.i.l.bf16.f32 v14;
	[tilespmem:s1+$0x30] =	vst v20;
	v20 =	vld [tilespmem:s12+$0x70];
	v24 =	vmul.bf16 v25, v6  }
0x225: {  	[tilespmem:s1+$0x40] =	vst v12;
	v12 =	vld [tilespmem:s3+$0x0];
	v13 =	vadd.bf16 v19, v13;
	v19 =	vmul.bf16 v26, v5  }
0x226: {  	[tilespmem:s1+$0x50] =	vst v21;
	v21 =	vld [tilespmem:s3+$0x10];
	v25 =	vmul.bf16 v27, v6  }
0x227: {  	[tilespmem:s1+$0x60] =	vst v14;
	v14 =	vld [tilespmem:s3+$0x20];
	v19 =	vadd.bf16 v19, v24;
	v23 =	vmul.bf16 v23, v5  }
0x228: {  	v24 =	vld [tilespmem:s3+$0x30];
	v18 =	vmul.bf16 v18, v6  }
0x229: {  	v26 =	vld [tilespmem:s3+$0x40];
	v23 =	vadd.bf16 v23, v25;
	v20 =	vmul.bf16 v20, v5  }
0x22a: {  	v25 =	vld [tilespmem:s3+$0x50];
	v12 =	vmul.bf16 v12, v9  }
0x22b: {  	v27 =	vld [tilespmem:s3+$0x60];
	v21 =	vmul.bf16 v21, v9;
	v18 =	vadd.bf16 v20, v18  }
0x22c: {  	v20 =	vld [tilespmem:s3+$0x70];
	v12 =	vadd.bf16 v12, v22;
	v14 =	vmul.bf16 v14, v9  }
0x22d: {  	v16 =	vadd.bf16 v21, v16;
	v21 =	vmul.bf16 v24, v9;
	v22 =	vld [tilespmem:s25+$0x30]  }
0x22e: {  	v24 =	vunpack.i.u.bf16.f32 v12;
	v14 =	vadd.bf16 v14, v15;
	v15 =	vmul.bf16 v26, v9;
	v26 =	vld [tilespmem:s23+$0x30]  }
0x22f: {  	v12 =	vunpack.i.l.bf16.f32 v12;
	[tilespmem:s13+$0x10] =	vst v24;
	v17 =	vadd.bf16 v21, v17;
	v21 =	vmul.bf16 v25, v9;
	v25 =	vld [tilespmem:s25+$0x40]  }
0x230: {  	[tilespmem:s13+$0x0] =	vst v12;
	v12 =	vunpack.i.u.bf16.f32 v16;
	v13 =	vadd.bf16 v15, v13;
	v15 =	vmul.bf16 v27, v9;
	v27 =	vld [tilespmem:s23+$0x40]  }
0x231: {  	v16 =	vunpack.i.l.bf16.f32 v16;
	[tilespmem:s13+$0x30] =	vst v12;
	v12 =	vadd.bf16 v21, v19;
	v19 =	vmul.bf16 v20, v9;
	v20 =	vld [tilespmem:s25+$0x50]  }
0x232: {  	[tilespmem:s13+$0x20] =	vst v16;
	v16 =	vunpack.i.u.bf16.f32 v14;
	v14 =	vunpack.i.l.bf16.f32 v14;
	v15 =	vadd.bf16 v15, v23;
	v23 =	vld [tilespmem:s23+$0x50]  }
0x233: {  	[tilespmem:s13+$0x40] =	vst v14;
	v14 =	vunpack.i.u.bf16.f32 v17;
	v17 =	vunpack.i.l.bf16.f32 v17;
	v18 =	vadd.bf16 v19, v18;
	v28 =	vld [tilespmem:s25+$0x60]  }
0x234: {  	v29 =	vunpack.i.u.bf16.f32 v13;
	v24 =	vunpack.i.l.bf16.f32 v13;
	v30 =	vunpack.i.u.bf16.f32 v12;
	[tilespmem:s13+$0x50] =	vst v16;
	v31 =	vld [tilespmem:s23+$0x60]  }
0x235: {  	v12 =	vunpack.i.l.bf16.f32 v12;
	v16 =	vunpack.i.u.bf16.f32 v15;
	v21 =	vunpack.i.l.bf16.f32 v15;
	[tilespmem:s13+$0x60] =	vst v17;
	v32 =	vld [tilespmem:s25+$0x70];
	s25 =	smov.u32 s18  }
.Ltmp0:
0x236: {  	v15 =	vunpack.i.u.bf16.f32 v18;
	v19 =	vunpack.i.l.bf16.f32 v18;
	[tilespmem:s13+$0x70] =	vst v14;
	v13 =	vld [tilespmem:s23+$0x70];
	v14 =	vmul.bf16 v22, v7;
	s23 =	smov.u32 s0;
	(pc) =	sbr.rel @p0 .LBB2_3-.Ltmp0, $4  }
0x237: {  	v33 =	vmul.bf16 v25, v7;
	v18 =	vmul.bf16 v26, v3;
	[tilespmem:s7+$0x0] =	vst v24;
	v24 =	vld [tilespmem:s26+$0x0]  }
0x238: {  	v17 =	vmul.bf16 v20, v7;
	[tilespmem:s7+$0x10] =	vst v29;
	v26 =	vld [tilespmem:s26+$0x10];
	v29 =	vmul.bf16 v27, v3  }
0x239: {  	v22 =	vmul.bf16 v23, v3;
	v14 =	vadd.bf16 v18, v14;
	v18 =	vmul.bf16 v28, v7;
	[tilespmem:s7+$0x20] =	vst v12;
	v25 =	vld [tilespmem:s26+$0x20]  }
0x23a: {  	v23 =	vmul.bf16 v31, v3;
	[tilespmem:s7+$0x30] =	vst v30;
	v27 =	vld [tilespmem:s26+$0x30];
	v12 =	vadd.bf16 v29, v33;
	v20 =	vmul.bf16 v32, v7  }
0x23b: {  	_ = 	snop  }
0x23c: {  	[tilespmem:s7+$0x40] =	vst v21;
	v7 =	vmul.bf16 v24, v4  }
0x23d: {  	v21 =	vld [tilespmem:s26+$0x40];
	[tilespmem:s7+$0x50] =	vst v16  }
0x23e: {  	v16 =	vld [tilespmem:s26+$0x50];
	[tilespmem:s7+$0x60] =	vst v19;
	v24 =	vmul.bf16 v26, v4;
	v7 =	vadd.bf16 v7, v8  }
0x23f: {  	[tilespmem:s7+$0x70] =	vst v15;
	v15 =	vld [tilespmem:s26+$0x70]  }
0x240: {  	v26 =	vld [tilespmem:s25+$0x30];
	v19 =	vmul.bf16 v25, v4;
	v10 =	vadd.bf16 v24, v10;
	v24 =	vunpack.i.u.bf16.f32 v7  }
0x241: {  	v8 =	vld [tilespmem:s26+$0x60];
	v7 =	vunpack.i.l.bf16.f32 v7;
	[tilespmem:s24+$0x10] =	vst v24  }
0x242: {  	v25 =	vld [tilespmem:s23+$0x20];
	v11 =	vadd.bf16 v19, v11;
	v24 =	vmul.bf16 v27, v4;
	[tilespmem:s24+$0x0] =	vst v7;
	v7 =	vunpack.i.u.bf16.f32 v10  }
0x243: {  	v19 =	vld [tilespmem:s23+$0x0];
	v10 =	vunpack.i.l.bf16.f32 v10;
	[tilespmem:s24+$0x30] =	vst v7  }
0x244: {  	v7 =	vld [tilespmem:s25+$0x0];
	[tilespmem:s24+$0x20] =	vst v10;
	v10 =	vunpack.i.u.bf16.f32 v11;
	v14 =	vadd.bf16 v24, v14  }
0x245: {  	v11 =	vunpack.i.l.bf16.f32 v11;
	[tilespmem:s24+$0x50] =	vst v10;
	v10 =	vld [tilespmem:s25+$0x10]  }
0x246: {  	[tilespmem:s24+$0x40] =	vst v11;
	v24 =	vld [tilespmem:s25+$0x20];
	v11 =	vunpack.i.u.bf16.f32 v14  }
0x247: {  	[tilespmem:s24+$0x70] =	vst v11;
	v11 =	vld [tilespmem:s23+$0x10]  }
0x248: {  	v27 =	vld [tilespmem:s23+$0x30]  }
0x249: {  	v3 =	vmul.bf16 v13, v3;
	v28 =	vld [tilespmem:s25+$0x40]  }
0x24a: {  	v17 =	vadd.bf16 v22, v17;
	v21 =	vmul.bf16 v21, v4;
	v16 =	vmul.bf16 v16, v4;
	v13 =	vld [tilespmem:s23+$0x40]  }
0x24b: {  	v3 =	vadd.bf16 v3, v20;
	v8 =	vmul.bf16 v8, v4;
	v4 =	vmul.bf16 v15, v4;
	v22 =	vld [tilespmem:s25+$0x50]  }
0x24c: {  	v18 =	vadd.bf16 v23, v18;
	v12 =	vadd.bf16 v21, v12;
	v20 =	vld [tilespmem:s23+$0x50]  }
0x24d: {  	v16 =	vadd.bf16 v16, v17;
	v3 =	vadd.bf16 v4, v3;
	v4 =	vunpack.i.l.bf16.f32 v14;
	v15 =	vld [tilespmem:s25+$0x60]  }
0x24e: {  	v17 =	vmul.bf16 v19, v5;
	v8 =	vadd.bf16 v8, v18;
	v14 =	vld [tilespmem:s31+$0x0];
	[tilespmem:s24+$0x60] =	vst v4;
	v4 =	vunpack.i.l.bf16.f32 v12  }
0x24f: {  	v18 =	vunpack.i.u.bf16.f32 v16;
	v7 =	vmul.bf16 v7, v6;
	v19 =	vld [tilespmem:s23+$0x60];
	v12 =	vunpack.i.u.bf16.f32 v12;
	[tilespmem:s22+$0x0] =	vst v4  }
0x250: {  	v21 =	vunpack.i.u.bf16.f32 v8;
	v8 =	vunpack.i.l.bf16.f32 v8;
	v4 =	vunpack.i.l.bf16.f32 v16;
	v16 =	vld [tilespmem:s31+$0x10];
	[tilespmem:s22+$0x10] =	vst v12  }
0x251: {  	v23 =	vunpack.i.u.bf16.f32 v3;
	v10 =	vmul.bf16 v10, v6;
	v12 =	vld [tilespmem:s23+$0x70];
	[tilespmem:s22+$0x20] =	vst v4;
	v4 =	vmul.bf16 v24, v6  }
0x252: {  	v3 =	vunpack.i.l.bf16.f32 v3;
	[tilespmem:s22+$0x30] =	vst v18;
	v24 =	vmul.bf16 v25, v5;
	v25 =	vld [tilespmem:s31+$0x20];
	v11 =	vmul.bf16 v11, v5  }
0x253: {  	[tilespmem:s22+$0x40] =	vst v8;
	v8 =	vmul.bf16 v26, v6;
	v26 =	vld [tilespmem:s31+$0x50];
	v7 =	vadd.bf16 v17, v7;
	v14 =	vmul.bf16 v14, v9  }
0x254: {  	[tilespmem:s22+$0x50] =	vst v21;
	v18 =	vmul.bf16 v27, v5;
	v21 =	vmul.bf16 v28, v6;
	v10 =	vadd.bf16 v11, v10;
	v11 =	vld [tilespmem:s31+$0x30]  }
0x255: {  	[tilespmem:s22+$0x60] =	vst v3;
	v17 =	vld [tilespmem:s25+$0x70];
	v3 =	vmul.bf16 v13, v5;
	v16 =	vmul.bf16 v16, v9;
	v7 =	vadd.bf16 v14, v7  }
0x256: {  	v4 =	vadd.bf16 v24, v4;
	v24 =	vld [tilespmem:s31+$0x40];
	v13 =	vmul.bf16 v22, v6;
	v20 =	vmul.bf16 v20, v5  }
0x257: {  	[tilespmem:s22+$0x70] =	vst v23;
	v14 =	vld [tilespmem:s31+$0x60];
	v22 =	vmul.bf16 v25, v9;
	v10 =	vadd.bf16 v16, v10;
	v16 =	vunpack.i.u.bf16.f32 v7  }
0x258: {  	v15 =	vmul.bf16 v15, v6;
	v8 =	vadd.bf16 v18, v8;
	v18 =	vld [tilespmem:s31+$0x70];
	v7 =	vunpack.i.l.bf16.f32 v7;
	[tilespmem:s6+$0x10] =	vst v16  }
0x259: {  	v4 =	vadd.bf16 v22, v4;
	[tilespmem:s6+$0x0] =	vst v7;
	v7 =	vunpack.i.u.bf16.f32 v10;
	v11 =	vmul.bf16 v11, v9  }
0x25a: {  	v3 =	vadd.bf16 v3, v21;
	v6 =	vmul.bf16 v17, v6;
	v10 =	vunpack.i.l.bf16.f32 v10;
	[tilespmem:s6+$0x30] =	vst v7  }
0x25b: {  	v7 =	vmul.bf16 v24, v9;
	[tilespmem:s6+$0x20] =	vst v10;
	v10 =	vunpack.i.u.bf16.f32 v4;
	v8 =	vadd.bf16 v11, v8  }
0x25c: {  	v16 =	vmul.bf16 v19, v5;
	v4 =	vunpack.i.l.bf16.f32 v4;
	[tilespmem:s6+$0x50] =	vst v10;
	v10 =	vmul.bf16 v26, v9  }
0x25d: {  	[tilespmem:s6+$0x40] =	vst v4;
	v11 =	vadd.bf16 v20, v13;
	v3 =	vadd.bf16 v7, v3;
	v4 =	vunpack.i.u.bf16.f32 v8  }
0x25e: {  	v5 =	vmul.bf16 v12, v5;
	v7 =	vadd.bf16 v16, v15;
	[tilespmem:s6+$0x70] =	vst v4;
	v4 =	vunpack.i.l.bf16.f32 v8  }
0x25f: {  	v10 =	vadd.bf16 v10, v11;
	v8 =	vmul.bf16 v14, v9;
	[tilespmem:s6+$0x60] =	vst v4;
	v4 =	vunpack.i.l.bf16.f32 v3  }
0x260: {  	v3 =	vunpack.i.u.bf16.f32 v3;
	[tilespmem:s2+$0x0] =	vst v4  }
0x261: {  	v5 =	vadd.bf16 v5, v6;
	v6 =	vadd.bf16 v8, v7;
	v7 =	vunpack.i.l.bf16.f32 v10;
	[tilespmem:s2+$0x10] =	vst v3  }
0x262: {  	v3 =	vunpack.i.u.bf16.f32 v10;
	[tilespmem:s2+$0x20] =	vst v7  }
0x263: {  	v4 =	vmul.bf16 v18, v9;
	[tilespmem:s2+$0x30] =	vst v3  }
0x264: {  	s0 =	rddreg [dreg:$0x5]  }
0x265: {  	v4 =	vadd.bf16 v4, v5;
	v5 =	vunpack.i.l.bf16.f32 v6;
	s0 =	sor.u32 s0, s19  }
0x266: {  	v3 =	vunpack.i.u.bf16.f32 v6;
	[tilespmem:s2+$0x40] =	vst v5;
	s0 =	sshrl.u32 s0, $0x3  }
0x267: {  	[tilespmem:s2+$0x50] =	vst v3;
	v5 =	vunpack.i.l.bf16.f32 v4;
	s0 =	smul.u32 $0x300, s0  }
0x268: {  	s1 =	rddreg [dreg:$0x3];
	v3 =	vunpack.i.u.bf16.f32 v4;
	[tilespmem:s2+$0x60] =	vst v5  }
0x269: {  	s7 =	simm.s32 $0x2;
	s6 =	simm.s32 $0x12800;
	[tilespmem:s2+$0x70] =	vst v3;
	s0 =	sadd.s32 s1, s0  }
0x26a: {  	[hbm4b:s0+s4] =	stream.linear.scatter [tilespmem:s6], [sflag:$0x3], $0x6000, $0x38;
	[tilespmem:$0x1E800] =	vst v63  }
0x26b: {  	_ =	swait.ge [sflag:s7], $0x9000  }
0x26c: {  	s8 =	sadd.s32 $0x40, s19;
	[sflag:s7] =	ssyncset.done $0x0  }
0x26d: {  	s0 =	sand.u32 $0x1C0, s8;
	[sflag:s7] =	ssyncadd.s32 $0xFFFF7000  }
0x26e: {  	v3 =	vld [tilespmem:s0+$0x0];
	_ =	sdelay $0x4  }
0x26f: {  	v4 =	vshrl.u32 v3, $0x3  }
0x270: {  	v4 =	vmul.u32 $0x48, v4  }
0x271: {  	v3 =	vand.u32 $0x7, v3  }
0x272: {  	v3 =	vor.u32 v3, v4  }
0x273: {  	v4 =	vperm.xlane v3, v0;
	_ =	sdelay $0x1  }
0x274: {  	v4 =	vadd.s32 v1, v4;
	_ =	sdelay $0x3  }
0x275: {  	s9 =	simm.s32 $0x800;
	s31 =	rddreg [dreg:$0x0]  }
0x276: {  	[tilespmem:s9], [sflag:$0x1] =	stream.indirect_vreg.gather [hbm4b:s31+s4], $0x80, v4, vm0, $0xb8;
	[tilespmem:$0x1E800] =	vst v63  }
0x277: {  	s13 =	simm.s32 $0x1000;
	s12 =	rddreg [dreg:$0x8]  }
0x278: {  	[tilespmem:s13], [sflag:$0x1] =	stream.indirect_vreg.gather [hbm4b:s12+s4], $0x80, v4, vm0, $0xb8;
	[tilespmem:$0x1E800] =	vst v63  }
0x279: {  	s3 =	simm.s32 $0x1800;
	s18 =	rddreg [dreg:$0x9];
	v3 =	vperm.xlane v3, v2  }
0x27a: {  	[tilespmem:s3], [sflag:$0x1] =	stream.indirect_vreg.gather [hbm4b:s18+s4], $0x80, v4, vm0, $0xb8;
	[tilespmem:$0x1E800] =	vst v63  }
0x27b: {  	s19 =	simm.s32 $0x2000;
	v3 =	vadd.s32 v1, v3  }
0x27c: {  	[tilespmem:s19], [sflag:$0x1] =	stream.indirect_vreg.gather [hbm4b:s10+s4], $0x80, v4, vm0, $0xb8;
	[tilespmem:$0x1E800] =	vst v63  }
0x27d: {  	s20 =	simm.s32 $0x2800  }
0x27e: {  	[tilespmem:s20], [sflag:$0x1] =	stream.indirect_vreg.gather [hbm4b:s11+s4], $0x80, v4, vm1, $0xb8;
	[tilespmem:$0x1E800] =	vst v63  }
0x27f: {  	s21 =	simm.s32 $0x2C00  }
0x280: {  	[tilespmem:s21], [sflag:$0x1] =	stream.indirect_vreg.gather [hbm4b:s31+s4], $0x80, v3, vm0, $0xb8;
	[tilespmem:$0x1E800] =	vst v63  }
0x281: {  	s22 =	simm.s32 $0x3400  }
0x282: {  	[tilespmem:s22], [sflag:$0x1] =	stream.indirect_vreg.gather [hbm4b:s12+s4], $0x80, v3, vm0, $0xb8;
	[tilespmem:$0x1E800] =	vst v63  }
0x283: {  	s23 =	simm.s32 $0x3C00  }
0x284: {  	[tilespmem:s23], [sflag:$0x1] =	stream.indirect_vreg.gather [hbm4b:s18+s4], $0x80, v3, vm0, $0xb8;
	[tilespmem:$0x1E800] =	vst v63  }
0x285: {  	s24 =	simm.s32 $0x4400  }
0x286: {  	[tilespmem:s24], [sflag:$0x1] =	stream.indirect_vreg.gather [hbm4b:s10+s4], $0x80, v3, vm0, $0xb8;
	[tilespmem:$0x1E800] =	vst v63  }
0x287: {  	s25 =	simm.s32 $0x4C00  }
0x288: {  	[tilespmem:s25], [sflag:$0x1] =	stream.indirect_vreg.gather [hbm4b:s11+s4], $0x80, v3, vm1, $0xb8;
	[tilespmem:$0x1E800] =	vst v63  }
0x289: {  	v3 =	vld [tilespmem:s0+$0x10];
	_ =	sdelay $0x4  }
0x28a: {  	v4 =	vshrl.u32 v3, $0x3  }
0x28b: {  	v4 =	vmul.u32 $0x48, v4  }
0x28c: {  	v3 =	vand.u32 $0x7, v3  }
0x28d: {  	v3 =	vor.u32 v3, v4  }
0x28e: {  	v4 =	vperm.xlane v3, v0;
	_ =	sdelay $0x1  }
0x28f: {  	v4 =	vadd.s32 v1, v4;
	_ =	sdelay $0x3  }
0x290: {  	s26 =	simm.s32 $0x5000  }
0x291: {  	[tilespmem:s26], [sflag:$0x1] =	stream.indirect_vreg.gather [hbm4b:s31+s4], $0x80, v4, vm0, $0xb8;
	[tilespmem:$0x1E800] =	vst v63  }
0x292: {  	s28 =	simm.s32 $0x5800  }
0x293: {  	[tilespmem:s28], [sflag:$0x1] =	stream.indirect_vreg.gather [hbm4b:s12+s4], $0x80, v4, vm0, $0xb8;
	[tilespmem:$0x1E800] =	vst v63  }
0x294: {  	s29 =	simm.s32 $0x6000;
	v3 =	vperm.xlane v3, v2  }
0x295: {  	[tilespmem:s29], [sflag:$0x1] =	stream.indirect_vreg.gather [hbm4b:s18+s4], $0x80, v4, vm0, $0xb8;
	[tilespmem:$0x1E800] =	vst v63  }
0x296: {  	s3 =	simm.s32 $0x6800;
	v3 =	vadd.s32 v1, v3  }
0x297: {  	[tilespmem:s3], [sflag:$0x1] =	stream.indirect_vreg.gather [hbm4b:s10+s4], $0x80, v4, vm0, $0xb8;
	[tilespmem:$0x1E800] =	vst v63  }
0x298: {  	s5 =	simm.s32 $0x7000  }
0x299: {  	[tilespmem:s5], [sflag:$0x1] =	stream.indirect_vreg.gather [hbm4b:s11+s4], $0x80, v4, vm1, $0xb8;
	[tilespmem:$0x1E800] =	vst v63  }
0x29a: {  	s6 =	simm.s32 $0x7400  }
0x29b: {  	[tilespmem:s6], [sflag:$0x1] =	stream.indirect_vreg.gather [hbm4b:s31+s4], $0x80, v3, vm0, $0xb8;
	[tilespmem:$0x1E800] =	vst v63  }
0x29c: {  	s7 =	simm.s32 $0x7C00;
	s5 =	simm.s32 $0x0  }
0x29d: {  	[tilespmem:s7], [sflag:$0x1] =	stream.indirect_vreg.gather [hbm4b:s12+s4], $0x80, v3, vm0, $0xb8;
	[tilespmem:$0x1E800] =	vst v63  }
0x29e: {  	s8 =	simm.s32 $0x8400;
	s12 =	smul.u32 $0x9000, s5  }
0x29f: {  	[tilespmem:s8], [sflag:$0x1] =	stream.indirect_vreg.gather [hbm4b:s18+s4], $0x80, v3, vm0, $0xb8;
	[tilespmem:$0x1E800] =	vst v63  }
0x2a0: {  	s18 =	simm.s32 $0x0;
	s0 =	sshra.s32 s12, $0x2  }
0x2a1: {  	s9 =	simm.s32 $0x8C00;
	s22 =	sand.u32 $0x300, s18;
	s3 =	sadd.s32 $0xB000, s0  }
0x2a2: {  	[tilespmem:s9], [sflag:$0x1] =	stream.indirect_vreg.gather [hbm4b:s10+s4], $0x80, v3, vm0, $0xb8;
	[tilespmem:$0x1E800] =	vst v63  }
0x2a3: {  	s13 =	simm.s32 $0x9400;
	s19 =	sor.u32 s22, s3  }
0x2a4: {  	[tilespmem:s13], [sflag:$0x1] =	stream.indirect_vreg.gather [hbm4b:s11+s4], $0x80, v3, vm1, $0xb8;
	[tilespmem:$0x1E800] =	vst v63  }
0x2a5: {  	v3 =	vld [tilespmem:s19+$0x0]  }
0x2a6: {  	v4 =	vld [tilespmem:s19+$0x10]  }
0x2a7: {  	v8 =	vld [tilespmem:s19+$0x20]  }
0x2a8: {  	s20 =	sadd.s32 $0x9800, s0;
	v9 =	vld [tilespmem:s19+$0x30]  }
0x2a9: {  	s24 =	sadd.s32 $0xFFFFFFFD, s15;
	s25 =	sadd.s32 $0xA400, s0;
	s8 =	sor.u32 s22, s20;
	v10 =	vld [tilespmem:s19+$0x40]  }
0x2aa: {  	v5 =	vmov s24;
	s26 =	sor.u32 s22, s25;
	v7 =	vld [tilespmem:s8+$0x0]  }
0x2ab: {  	v11 =	vld [tilespmem:s26+$0x0]  }
0x2ac: {  	v6 =	vor.u32 $0x1, v5;
	v12 =	vld [tilespmem:s8+$0x10]  }
0x2ad: {  	v13 =	vld [tilespmem:s8+$0x20]  }
0x2ae: {  	v14 =	vadd.s32 $0x2, v5;
	v15 =	vld [tilespmem:s8+$0x30]  }
0x2af: {  	v5 =	vld.idx.msk [tilespmem:v5+s14+$0x0], $0xffff  }
0x2b0: {  	v16 =	vld [tilespmem:s8+$0x40]  }
0x2b1: {  	v17 =	vld.idx.msk [tilespmem:v6+s14+$0x0], $0xffff  }
0x2b2: {  	v18 =	vld [tilespmem:s8+$0x50]  }
0x2b3: {  	v14 =	vld.idx.msk [tilespmem:v14+s14+$0x0], $0xffff  }
0x2b4: {  	v19 =	vld [tilespmem:s8+$0x60];
	v6 =	vpack.i.f32.bf16 v5, v5  }
0x2b5: {  	v20 =	vld [tilespmem:s26+$0x10];
	v22 =	vmul.bf16 v7, v6  }
0x2b6: {  	v21 =	vld [tilespmem:s8+$0x70];
	v12 =	vmul.bf16 v12, v6;
	v13 =	vmul.bf16 v13, v6  }
0x2b7: {  	v23 =	vld [tilespmem:s26+$0x20];
	v7 =	vpack.i.f32.bf16 v17, v17;
	v15 =	vmul.bf16 v15, v6;
	v16 =	vmul.bf16 v16, v6  }
0x2b8: {  	v5 =	vpack.i.f32.bf16 v14, v14;
	v17 =	vld [tilespmem:s26+$0x30];
	v14 =	vmul.bf16 v18, v6;
	v11 =	vmul.bf16 v11, v7  }
0x2b9: {  	v24 =	vld [tilespmem:s19+$0x50];
	v18 =	vmul.bf16 v19, v6;
	v3 =	vmul.bf16 v3, v5  }
0x2ba: {  	s5 =	smul.u32 $0x6000, s5;
	v19 =	vld [tilespmem:s26+$0x40];
	v4 =	vmul.bf16 v4, v5;
	v20 =	vmul.bf16 v20, v7;
	v11 =	vadd.bf16 v11, v22  }
0x2bb: {  	v26 =	vld [tilespmem:s26+$0x50];
	v21 =	vmul.bf16 v21, v6;
	v8 =	vmul.bf16 v8, v5  }
0x2bc: {  	s23 =	sshra.s32 s5, $0x2;
	v27 =	vld [tilespmem:s26+$0x60];
	v3 =	vadd.bf16 v3, v11;
	v11 =	vadd.bf16 v20, v12;
	v12 =	vmul.bf16 v23, v7  }
0x2bd: {  	v25 =	vmov s15;
	s5 =	sadd.s32 $0x18800, s23;
	v9 =	vmul.bf16 v9, v5;
	v22 =	vld [tilespmem:s19+$0x60];
	v17 =	vmul.bf16 v17, v7  }
0x2be: {  	s28 =	sor.u32 s22, s5;
	v20 =	vld [tilespmem:s19+$0x70];
	v28 =	vunpack.i.l.bf16.f32 v3;
	v4 =	vadd.bf16 v4, v11;
	v11 =	vadd.bf16 v12, v13  }
0x2bf: {  	v23 =	vadd.s32 $0x1, v25;
	v12 =	vld [tilespmem:s26+$0x70];
	v3 =	vunpack.i.u.bf16.f32 v3;
	v13 =	vmul.bf16 v19, v7;
	[tilespmem:s28+$0x0] =	vst v28  }
0x2c0: {  	s29 =	simm.s32 $0x80;
	[tilespmem:s28+$0x10] =	vst v3;
	v3 =	vunpack.i.l.bf16.f32 v4;
	v8 =	vadd.bf16 v8, v11;
	v11 =	vadd.bf16 v17, v15  }
0x2c1: {  	s21 =	sand.u32 $0x380, s29;
	v4 =	vunpack.i.u.bf16.f32 v4;
	[tilespmem:s28+$0x20] =	vst v3;
	v3 =	vmul.bf16 v10, v5;
	v10 =	vmul.bf16 v26, v7  }
0x2c2: {  	s13 =	sor.u32 s21, s20;
	[tilespmem:s28+$0x30] =	vst v4;
	v4 =	vunpack.i.l.bf16.f32 v8;
	v9 =	vadd.bf16 v9, v11;
	v11 =	vadd.bf16 v13, v16  }
0x2c3: {  	v47 =	vld [tilespmem:s13+$0x50];
	v8 =	vunpack.i.u.bf16.f32 v8;
	v13 =	vmul.bf16 v27, v7;
	[tilespmem:s28+$0x40] =	vst v4;
	v4 =	vmul.bf16 v24, v5  }
0x2c4: {  	s1 =	sor.u32 s21, s25;
	v48 =	vld [tilespmem:s13+$0x60];
	[tilespmem:s28+$0x50] =	vst v8;
	v10 =	vadd.bf16 v10, v14;
	v8 =	vunpack.i.l.bf16.f32 v9;
	v3 =	vadd.bf16 v3, v11  }
0x2c5: {  	v49 =	vld [tilespmem:s1+$0x60];
	v12 =	vmul.bf16 v12, v7;
	v9 =	vunpack.i.u.bf16.f32 v9;
	[tilespmem:s28+$0x60] =	vst v8;
	v8 =	vmul.bf16 v22, v5  }
0x2c6: {  	v17 =	vld [tilespmem:s13+$0x20];
	[tilespmem:s28+$0x70] =	vst v9;
	v4 =	vadd.bf16 v4, v10;
	v10 =	vadd.bf16 v13, v18;
	v9 =	vunpack.i.l.bf16.f32 v3  }
0x2c7: {  	v15 =	vld.idx.msk [tilespmem:v23+s14+$0x0], $0xffff;
	v3 =	vunpack.i.u.bf16.f32 v3;
	[tilespmem:s28+$0x400] =	vst v9;
	v9 =	vmul.bf16 v20, v5  }
0x2c8: {  	v16 =	vld [tilespmem:s13+$0x10];
	[tilespmem:s28+$0x410] =	vst v3;
	v3 =	vunpack.i.l.bf16.f32 v4;
	v8 =	vadd.bf16 v8, v10;
	v10 =	vadd.bf16 v12, v21  }
0x2c9: {  	v14 =	vld [tilespmem:s13+$0x0];
	v4 =	vunpack.i.u.bf16.f32 v4;
	[tilespmem:s28+$0x420] =	vst v3  }
0x2ca: {  	v11 =	vld.idx.msk [tilespmem:v25+s14+$0x0], $0xffff;
	[tilespmem:s28+$0x430] =	vst v4;
	v3 =	vunpack.i.l.bf16.f32 v8;
	v4 =	vadd.bf16 v9, v10  }
0x2cb: {  	v13 =	vld [tilespmem:s1+$0x0];
	v8 =	vunpack.i.u.bf16.f32 v8;
	[tilespmem:s28+$0x440] =	vst v3  }
0x2cc: {  	v18 =	vld [tilespmem:s13+$0x30];
	[tilespmem:s28+$0x450] =	vst v8;
	v3 =	vunpack.i.l.bf16.f32 v4  }
0x2cd: {  	s2 =	sadd.s32 $0xB400, s0;
	v12 =	vld [tilespmem:s1+$0x10];
	v4 =	vunpack.i.u.bf16.f32 v4;
	[tilespmem:s28+$0x460] =	vst v3  }
0x2ce: {  	s6 =	sor.u32 s22, s2;
	v10 =	vld [tilespmem:s1+$0x20];
	[tilespmem:s28+$0x470] =	vst v4  }
0x2cf: {  	v4 =	vld [tilespmem:s6+$0x0]  }
0x2d0: {  	v20 =	vld [tilespmem:s6+$0x10]  }
0x2d1: {  	v21 =	vld [tilespmem:s6+$0x20]  }
0x2d2: {  	v22 =	vld [tilespmem:s6+$0x30]  }
0x2d3: {  	v23 =	vld [tilespmem:s6+$0x40]  }
0x2d4: {  	v24 =	vld [tilespmem:s6+$0x50]  }
0x2d5: {  	s7 =	sadd.s32 $0x9C00, s0;
	v26 =	vld [tilespmem:s6+$0x60]  }
0x2d6: {  	s18 =	sadd.s32 $0xA800, s0;
	s9 =	sor.u32 s22, s7;
	v27 =	vld [tilespmem:s6+$0x70]  }
0x2d7: {  	s19 =	sor.u32 s22, s18;
	v28 =	vld [tilespmem:s9+$0x0]  }
0x2d8: {  	v8 =	vpack.i.f32.bf16 v11, v11;
	v29 =	vld [tilespmem:s19+$0x0]  }
0x2d9: {  	v14 =	vmul.bf16 v14, v8;
	v3 =	vpack.i.f32.bf16 v15, v15;
	v15 =	vld [tilespmem:s9+$0x10]  }
0x2da: {  	v16 =	vmul.bf16 v16, v8;
	v11 =	vmul.bf16 v13, v3;
	v13 =	vld [tilespmem:s19+$0x10]  }
0x2db: {  	v17 =	vmul.bf16 v17, v8;
	v18 =	vmul.bf16 v18, v8;
	v30 =	vld [tilespmem:s9+$0x20]  }
0x2dc: {  	v12 =	vmul.bf16 v12, v3;
	v31 =	vld [tilespmem:s19+$0x20];
	v10 =	vmul.bf16 v10, v3  }
0x2dd: {  	v32 =	vld [tilespmem:s9+$0x30];
	v4 =	vmul.bf16 v4, v5;
	v20 =	vmul.bf16 v20, v5  }
0x2de: {  	v33 =	vld [tilespmem:s19+$0x30];
	v21 =	vmul.bf16 v21, v5;
	v22 =	vmul.bf16 v22, v5  }
0x2df: {  	v25 =	vadd.s32 $0x2, v25;
	v34 =	vld [tilespmem:s9+$0x40];
	v28 =	vmul.bf16 v28, v6;
	v29 =	vmul.bf16 v29, v7  }
0x2e0: {  	v35 =	vld [tilespmem:s19+$0x40];
	v11 =	vadd.bf16 v11, v14;
	v23 =	vmul.bf16 v23, v5;
	v24 =	vmul.bf16 v24, v5  }
0x2e1: {  	v36 =	vld [tilespmem:s9+$0x50];
	v15 =	vmul.bf16 v15, v6;
	v13 =	vmul.bf16 v13, v7;
	v28 =	vadd.bf16 v29, v28  }
0x2e2: {  	v41 =	vld [tilespmem:s9+$0x60];
	v12 =	vadd.bf16 v12, v16;
	v14 =	vmul.bf16 v30, v6;
	v16 =	vmul.bf16 v32, v6  }
0x2e3: {  	v43 =	vld [tilespmem:s9+$0x70];
	v13 =	vadd.bf16 v13, v15;
	v15 =	vmul.bf16 v31, v7;
	v4 =	vadd.bf16 v4, v28  }
0x2e4: {  	s12 =	sadd.s32 $0x19000, s23;
	v10 =	vadd.bf16 v10, v17;
	v42 =	vmul.bf16 v33, v7;
	v45 =	vmul.bf16 v34, v6;
	v29 =	vld [tilespmem:s19+$0x50]  }
0x2e5: {  	s20 =	sor.u32 s22, s12;
	v28 =	vld [tilespmem:s19+$0x60];
	v13 =	vadd.bf16 v20, v13;
	v14 =	vadd.bf16 v15, v14;
	v44 =	vunpack.i.l.bf16.f32 v4  }
0x2e6: {  	v46 =	vmul.bf16 v35, v7;
	v16 =	vadd.bf16 v42, v16;
	v15 =	vld [tilespmem:s19+$0x70];
	v4 =	vunpack.i.u.bf16.f32 v4;
	[tilespmem:s20+$0x0] =	vst v44  }
0x2e7: {  	v19 =	vld [tilespmem:s1+$0x30];
	v26 =	vmul.bf16 v26, v5;
	v14 =	vadd.bf16 v21, v14;
	[tilespmem:s20+$0x10] =	vst v4;
	v4 =	vunpack.i.l.bf16.f32 v13  }
0x2e8: {  	v9 =	vld [tilespmem:s13+$0x40];
	v16 =	vadd.bf16 v22, v16;
	v22 =	vadd.bf16 v46, v45;
	v13 =	vunpack.i.u.bf16.f32 v13;
	[tilespmem:s20+$0x20] =	vst v4  }
0x2e9: {  	s24 =	sor.u32 s21, s3;
	v25 =	vld.idx.msk [tilespmem:v25+s14+$0x0], $0xffff;
	v29 =	vmul.bf16 v29, v7;
	v4 =	vmul.bf16 v36, v6;
	[tilespmem:s20+$0x30] =	vst v13;
	v13 =	vunpack.i.l.bf16.f32 v14  }
0x2ea: {  	v17 =	vld [tilespmem:s24+$0x10];
	v22 =	vadd.bf16 v23, v22;
	v14 =	vunpack.i.u.bf16.f32 v14;
	[tilespmem:s20+$0x40] =	vst v13;
	v13 =	vmul.bf16 v41, v6  }
0x2eb: {  	v20 =	vld [tilespmem:s1+$0x40];
	v28 =	vmul.bf16 v28, v7;
	[tilespmem:s20+$0x50] =	vst v14;
	v14 =	vunpack.i.l.bf16.f32 v16;
	v4 =	vadd.bf16 v29, v4  }
0x2ec: {  	s25 =	sadd.s32 $0x19400, s23;
	v21 =	vld [tilespmem:s1+$0x50];
	v16 =	vunpack.i.u.bf16.f32 v16;
	v15 =	vmul.bf16 v15, v7;
	[tilespmem:s20+$0x60] =	vst v14;
	v14 =	vmul.bf16 v43, v6  }
0x2ed: {  	s26 =	sor.u32 s22, s25;
	v23 =	vld [tilespmem:s24+$0x0];
	[tilespmem:s20+$0x70] =	vst v16;
	v16 =	vunpack.i.l.bf16.f32 v22;
	v13 =	vadd.bf16 v28, v13;
	v4 =	vadd.bf16 v24, v4  }
0x2ee: {  	v29 =	vld [tilespmem:s13+$0x70];
	v22 =	vunpack.i.u.bf16.f32 v22;
	[tilespmem:s26+$0x0] =	vst v16;
	v16 =	vmul.bf16 v27, v5;
	v14 =	vadd.bf16 v15, v14  }
0x2ef: {  	[tilespmem:s26+$0x10] =	vst v22;
	v24 =	vld [tilespmem:s1+$0x70];
	v15 =	vmul.bf16 v19, v3;
	v13 =	vadd.bf16 v26, v13;
	v22 =	vunpack.i.l.bf16.f32 v4  }
0x2f0: {  	v19 =	vld [tilespmem:s24+$0x20];
	v26 =	vunpack.i.u.bf16.f32 v4;
	v4 =	vpack.i.f32.bf16 v25, v25;
	[tilespmem:s26+$0x20] =	vst v22  }
0x2f1: {  	v14 =	vadd.bf16 v16, v14;
	v15 =	vadd.bf16 v15, v18;
	v18 =	vld [tilespmem:s24+$0x40];
	[tilespmem:s26+$0x30] =	vst v26;
	v25 =	vunpack.i.l.bf16.f32 v13  }
0x2f2: {  	v22 =	vld [tilespmem:s24+$0x30];
	v16 =	vmul.bf16 v23, v4;
	v13 =	vunpack.i.u.bf16.f32 v13;
	[tilespmem:s26+$0x40] =	vst v25  }
0x2f3: {  	v9 =	vmul.bf16 v9, v8;
	v23 =	vld [tilespmem:s24+$0x50];
	[tilespmem:s26+$0x50] =	vst v13;
	v13 =	vunpack.i.l.bf16.f32 v14  }
0x2f4: {  	s9 =	sadd.s32 $0xA000, s0;
	v17 =	vmul.bf16 v17, v4;
	v25 =	vld [tilespmem:s24+$0x60];
	v14 =	vunpack.i.u.bf16.f32 v14;
	v11 =	vadd.bf16 v16, v11;
	[tilespmem:s26+$0x60] =	vst v13  }
0x2f5: {  	s6 =	sor.u32 s21, s7;
	s7 =	sor.u32 s21, s18;
	s18 =	sor.u32 s22, s9;
	v16 =	vmul.bf16 v20, v3;
	v20 =	vmul.bf16 v47, v8;
	v13 =	vld [tilespmem:s24+$0x70];
	[tilespmem:s26+$0x70] =	vst v14  }
0x2f6: {  	s28 =	sor.u32 s21, s5;
	v19 =	vmul.bf16 v19, v4;
	v12 =	vadd.bf16 v17, v12;
	v32 =	vld [tilespmem:s18+$0x30];
	v14 =	vunpack.i.u.bf16.f32 v11  }
0x2f7: {  	s24 =	sadd.s32 $0xB800, s0;
	v34 =	vld [tilespmem:s18+$0x70];
	v9 =	vadd.bf16 v16, v9;
	v16 =	vmul.bf16 v21, v3;
	v11 =	vunpack.i.l.bf16.f32 v11;
	[tilespmem:s28+$0x10] =	vst v14  }
0x2f8: {  	s29 =	sor.u32 s22, s24;
	v38 =	vld [tilespmem:s18+$0x60];
	v10 =	vadd.bf16 v19, v10;
	v14 =	vmul.bf16 v22, v4;
	[tilespmem:s28+$0x0] =	vst v11;
	v11 =	vunpack.i.l.bf16.f32 v12  }
0x2f9: {  	v17 =	vmul.bf16 v48, v8;
	s0 =	sadd.s32 $0xAC00, s0;
	v19 =	vld [tilespmem:s29+$0x30];
	v12 =	vunpack.i.u.bf16.f32 v12;
	v16 =	vadd.bf16 v16, v20;
	[tilespmem:s28+$0x20] =	vst v11  }
0x2fa: {  	s19 =	sor.u32 s22, s0;
	v21 =	vld [tilespmem:s29+$0x50];
	v11 =	vmul.bf16 v18, v4;
	[tilespmem:s28+$0x30] =	vst v12;
	v14 =	vadd.bf16 v14, v15;
	v15 =	vunpack.i.l.bf16.f32 v10  }
0x2fb: {  	v31 =	vld [tilespmem:s19+$0x10];
	v12 =	vmul.bf16 v49, v3;
	v18 =	vmul.bf16 v29, v8;
	v10 =	vunpack.i.u.bf16.f32 v10;
	[tilespmem:s28+$0x40] =	vst v15  }
0x2fc: {  	v30 =	vld [tilespmem:s19+$0x20];
	v15 =	vmul.bf16 v23, v4;
	v9 =	vadd.bf16 v11, v9;
	[tilespmem:s28+$0x50] =	vst v10;
	v11 =	vunpack.i.l.bf16.f32 v14  }
0x2fd: {  	v36 =	vld [tilespmem:s19+$0x30];
	v10 =	vmul.bf16 v24, v3;
	v12 =	vadd.bf16 v12, v17;
	v14 =	vunpack.i.u.bf16.f32 v14;
	[tilespmem:s28+$0x60] =	vst v11  }
0x2fe: {  	v39 =	vld [tilespmem:s19+$0x70];
	v11 =	vmul.bf16 v25, v4;
	v15 =	vadd.bf16 v15, v16;
	v16 =	vunpack.i.l.bf16.f32 v9;
	[tilespmem:s28+$0x70] =	vst v14  }
0x2ff: {  	v33 =	vld [tilespmem:s19+$0x40];
	v13 =	vmul.bf16 v13, v4;
	v9 =	vunpack.i.u.bf16.f32 v9;
	[tilespmem:s28+$0x400] =	vst v16  }
0x300: {  	v37 =	vld [tilespmem:s19+$0x50];
	v10 =	vadd.bf16 v10, v18;
	[tilespmem:s28+$0x410] =	vst v9;
	v11 =	vadd.bf16 v11, v12;
	v12 =	vunpack.i.l.bf16.f32 v15  }
0x301: {  	v22 =	vld [tilespmem:s29+$0x40];
	v9 =	vunpack.i.u.bf16.f32 v15;
	[tilespmem:s28+$0x420] =	vst v12  }
0x302: {  	v20 =	vld [tilespmem:s29+$0x20];
	v10 =	vadd.bf16 v13, v10;
	[tilespmem:s28+$0x430] =	vst v9;
	v12 =	vunpack.i.l.bf16.f32 v11  }
0x303: {  	v17 =	vld [tilespmem:s29+$0x0];
	v9 =	vunpack.i.u.bf16.f32 v11;
	[tilespmem:s28+$0x440] =	vst v12  }
0x304: {  	v23 =	vld [tilespmem:s29+$0x60];
	v11 =	vunpack.i.l.bf16.f32 v10;
	[tilespmem:s28+$0x450] =	vst v9  }
0x305: {  	v18 =	vld [tilespmem:s29+$0x10];
	v10 =	vunpack.i.u.bf16.f32 v10;
	[tilespmem:s28+$0x460] =	vst v11  }
0x306: {  	v9 =	vld [tilespmem:s29+$0x70];
	[tilespmem:s28+$0x470] =	vst v10  }
0x307: {  	v10 =	vld [tilespmem:s6+$0x0]  }
0x308: {  	v11 =	vld [tilespmem:s7+$0x0]  }
0x309: {  	v12 =	vld [tilespmem:s6+$0x10]  }
0x30a: {  	v13 =	vld [tilespmem:s7+$0x10]  }
0x30b: {  	v14 =	vld [tilespmem:s6+$0x20]  }
0x30c: {  	v15 =	vld [tilespmem:s7+$0x20]  }
0x30d: {  	v16 =	vld [tilespmem:s6+$0x30]  }
0x30e: {  	v24 =	vld [tilespmem:s7+$0x30]  }
0x30f: {  	v25 =	vld [tilespmem:s6+$0x40]  }
0x310: {  	v26 =	vld [tilespmem:s7+$0x40]  }
0x311: {  	v27 =	vld [tilespmem:s6+$0x50]  }
0x312: {  	v28 =	vld [tilespmem:s7+$0x50]  }
0x313: {  	v29 =	vld [tilespmem:s6+$0x60]  }
0x314: {  	s8 =	sor.u32 s21, s2;
	v50 =	vld [tilespmem:s7+$0x60]  }
0x315: {  	v51 =	vld [tilespmem:s8+$0x0]  }
0x316: {  	s20 =	simm.s32 $0x0;
	v52 =	vld [tilespmem:s6+$0x70]  }
0x317: {  	s3 =	sor.u32 s21, s25;
	s25 =	smul.u32 $0x9000, s20;
	v53 =	vld [tilespmem:s8+$0x10]  }
0x318: {  	v54 =	vld [tilespmem:s7+$0x70]  }
0x319: {  	s2 =	sshra.s32 s25, $0x2;
	s26 =	simm.s32 $0x100;
	v55 =	vld [tilespmem:s8+$0x20];
	v10 =	vmul.bf16 v10, v8  }
0x31a: {  	s1 =	sadd.s32 $0x9800, s2;
	s29 =	sand.u32 $0x300, s26;
	v57 =	vld [tilespmem:s8+$0x50];
	v11 =	vmul.bf16 v11, v3;
	v12 =	vmul.bf16 v12, v8  }
0x31b: {  	s13 =	sor.u32 s21, s12;
	v58 =	vld [tilespmem:s8+$0x70];
	s12 =	sor.u32 s29, s1;
	v13 =	vmul.bf16 v13, v3;
	v14 =	vmul.bf16 v14, v8  }
0x31c: {  	v44 =	vld [tilespmem:s12+$0x10];
	v15 =	vmul.bf16 v15, v3;
	v16 =	vmul.bf16 v16, v8  }
0x31d: {  	v45 =	vld [tilespmem:s12+$0x20];
	v10 =	vadd.bf16 v11, v10;
	v11 =	vadd.bf16 v13, v12;
	v13 =	vmul.bf16 v51, v4  }
0x31e: {  	v56 =	vmul.bf16 v25, v8;
	v12 =	vld [tilespmem:s8+$0x30];
	v14 =	vadd.bf16 v15, v14;
	v15 =	vmul.bf16 v24, v3  }
0x31f: {  	v25 =	vmul.bf16 v53, v4;
	v35 =	vmul.bf16 v55, v4;
	v24 =	vld [tilespmem:s8+$0x40];
	v10 =	vadd.bf16 v13, v10  }
0x320: {  	v46 =	vld [tilespmem:s12+$0x30];
	v59 =	vmul.bf16 v28, v3;
	v60 =	vmul.bf16 v29, v8;
	v13 =	vadd.bf16 v15, v16  }
0x321: {  	v47 =	vld [tilespmem:s12+$0x40];
	v15 =	vmul.bf16 v26, v3;
	v11 =	vadd.bf16 v25, v11;
	v26 =	vunpack.i.u.bf16.f32 v10  }
0x322: {  	v16 =	vmul.bf16 v27, v8;
	v27 =	vld [tilespmem:s8+$0x60];
	v14 =	vadd.bf16 v35, v14;
	v10 =	vunpack.i.l.bf16.f32 v10;
	[tilespmem:s13+$0x10] =	vst v26  }
0x323: {  	v48 =	vld [tilespmem:s12+$0x50];
	v15 =	vadd.bf16 v15, v56;
	v12 =	vmul.bf16 v12, v4;
	[tilespmem:s13+$0x0] =	vst v10;
	v10 =	vunpack.i.u.bf16.f32 v11  }
0x324: {  	v28 =	vld [tilespmem:s18+$0x10];
	v16 =	vadd.bf16 v59, v16;
	v11 =	vunpack.i.l.bf16.f32 v11;
	[tilespmem:s13+$0x30] =	vst v10;
	v10 =	vmul.bf16 v24, v4  }
0x325: {  	v29 =	vld [tilespmem:s18+$0x20];
	[tilespmem:s13+$0x20] =	vst v11;
	v11 =	vunpack.i.l.bf16.f32 v14;
	v24 =	vmul.bf16 v52, v8;
	v12 =	vadd.bf16 v12, v13  }
0x326: {  	v53 =	vld [tilespmem:s12+$0x70];
	v14 =	vunpack.i.u.bf16.f32 v14;
	v13 =	vmul.bf16 v50, v3;
	[tilespmem:s13+$0x40] =	vst v11;
	v11 =	vmul.bf16 v57, v4  }
0x327: {  	v25 =	vld [tilespmem:s18+$0x0];
	[tilespmem:s13+$0x50] =	vst v14;
	v14 =	vmul.bf16 v54, v3;
	v10 =	vadd.bf16 v10, v15;
	v15 =	vunpack.i.l.bf16.f32 v12  }
0x328: {  	v35 =	vld [tilespmem:s18+$0x50];
	v13 =	vadd.bf16 v13, v60;
	v12 =	vunpack.i.u.bf16.f32 v12;
	[tilespmem:s13+$0x60] =	vst v15;
	v15 =	vmul.bf16 v27, v4  }
0x329: {  	v26 =	vld [tilespmem:s19+$0x0];
	v11 =	vadd.bf16 v11, v16;
	[tilespmem:s13+$0x70] =	vst v12;
	v12 =	vadd.bf16 v14, v24;
	v14 =	vmul.bf16 v58, v4  }
0x32a: {  	v50 =	vld [tilespmem:s12+$0x60];
	v16 =	vunpack.i.l.bf16.f32 v10;
	v10 =	vunpack.i.u.bf16.f32 v10;
	v13 =	vadd.bf16 v15, v13  }
0x32b: {  	s5 =	sadd.s32 $0xA400, s2;
	v27 =	vld [tilespmem:s18+$0x40];
	[tilespmem:s3+$0x10] =	vst v10;
	v10 =	vunpack.i.u.bf16.f32 v11;
	v15 =	vunpack.i.l.bf16.f32 v11;
	v11 =	vadd.bf16 v14, v12  }
0x32c: {  	s13 =	sor.u32 s29, s5;
	[tilespmem:s3+$0x0] =	vst v16;
	v16 =	vld [tilespmem:s19+$0x60];
	s19 =	sadd.s32 $0x6, s15;
	v12 =	vunpack.i.l.bf16.f32 v13  }
0x32d: {  	s25 =	sor.u32 s21, s9;
	v51 =	vld [tilespmem:s13+$0x10];
	s9 =	sadd.s32 $0xFFFFFFFD, s19;
	[tilespmem:s3+$0x40] =	vst v12;
	v12 =	vunpack.i.l.bf16.f32 v11  }
0x32e: {  	v52 =	vld [tilespmem:s13+$0x20];
	[tilespmem:s3+$0x60] =	vst v12;
	v12 =	vmov s9  }
0x32f: {  	v62 =	vld [tilespmem:s13+$0x30]  }
0x330: {  	v56 =	vld [tilespmem:s13+$0x40];
	v42 =	vor.u32 $0x1, v12  }
0x331: {  	v58 =	vld [tilespmem:s13+$0x50]  }
0x332: {  	[tilespmem:s3+$0x30] =	vst v10;
	v14 =	vld [tilespmem:s13+$0x0];
	v43 =	vadd.s32 $0x2, v12  }
0x333: {  	[tilespmem:s3+$0x20] =	vst v15;
	v10 =	vunpack.i.u.bf16.f32 v13;
	v12 =	vld.idx.msk [tilespmem:v12+s14+$0x0], $0xffff  }
0x334: {  	v13 =	vld [tilespmem:s12+$0x0];
	[tilespmem:s3+$0x50] =	vst v10;
	v10 =	vunpack.i.u.bf16.f32 v11  }
0x335: {  	[tilespmem:s3+$0x70] =	vst v10;
	v42 =	vld.idx.msk [tilespmem:v42+s14+$0x0], $0xffff  }
0x336: {  	s3 =	sadd.s32 $0xB000, s2;
	v10 =	vld [tilespmem:s25+$0x0]  }
0x337: {  	s28 =	sor.u32 s29, s3;
	v49 =	vld.idx.msk [tilespmem:v43+s14+$0x0], $0xffff  }
0x338: {  	v11 =	vld [tilespmem:s28+$0x0];
	v12 =	vpack.i.f32.bf16 v12, v12  }
0x339: {  	v15 =	vld [tilespmem:s28+$0x10];
	v43 =	vmov s19;
	v54 =	vmul.bf16 v13, v12;
	v61 =	vmul.bf16 v44, v12  }
0x33a: {  	v24 =	vld [tilespmem:s28+$0x20];
	v13 =	vpack.i.f32.bf16 v42, v42;
	v45 =	vmul.bf16 v45, v12;
	v46 =	vmul.bf16 v46, v12  }
0x33b: {  	v40 =	vld [tilespmem:s28+$0x30];
	v63 =	vadd.s32 $0x1, v43;
	v47 =	vmul.bf16 v47, v12;
	v55 =	vmul.bf16 v14, v13  }
0x33c: {  	v41 =	vld [tilespmem:s28+$0x40];
	v48 =	vmul.bf16 v48, v12;
	v14 =	vpack.i.f32.bf16 v49, v49;
	v52 =	vmul.bf16 v52, v13  }
0x33d: {  	s6 =	smul.u32 $0x6000, s20;
	v57 =	vld [tilespmem:s28+$0x60];
	v51 =	vmul.bf16 v51, v13;
	v11 =	vmul.bf16 v11, v14;
	v54 =	vadd.bf16 v55, v54  }
0x33e: {  	v42 =	vld [tilespmem:s28+$0x70];
	v44 =	vmul.bf16 v62, v13;
	v15 =	vmul.bf16 v15, v14;
	v45 =	vadd.bf16 v52, v45  }
0x33f: {  	s30 =	sshra.s32 s6, $0x2;
	v49 =	vld [tilespmem:s28+$0x50];
	v24 =	vmul.bf16 v24, v14;
	v54 =	vadd.bf16 v11, v54;
	v11 =	vadd.bf16 v51, v61  }
0x340: {  	s12 =	sadd.s32 $0x18800, s30;
	v50 =	vmul.bf16 v50, v12;
	v40 =	vmul.bf16 v40, v14;
	v44 =	vadd.bf16 v44, v46;
	v55 =	vld.idx.msk [tilespmem:v63+s14+$0x0], $0xffff  }
0x341: {  	s20 =	simm.s32 $0x180;
	s18 =	sor.u32 s29, s12;
	v51 =	vld [tilespmem:s13+$0x60];
	v24 =	vadd.bf16 v24, v45;
	v60 =	vadd.bf16 v15, v11;
	v11 =	vunpack.i.l.bf16.f32 v54  }
0x342: {  	s26 =	sand.u32 $0x380, s20;
	v53 =	vmul.bf16 v53, v12;
	v63 =	vmul.bf16 v58, v13;
	v45 =	vld [tilespmem:s13+$0x70];
	v15 =	vunpack.i.u.bf16.f32 v54;
	[tilespmem:s18+$0x0] =	vst v11  }
0x343: {  	s1 =	sor.u32 s26, s1;
	v61 =	vmul.bf16 v56, v13;
	v56 =	vld.idx.msk [tilespmem:v43+s14+$0x0], $0xffff;
	v40 =	vadd.bf16 v40, v44;
	v58 =	vunpack.i.l.bf16.f32 v24;
	[tilespmem:s18+$0x10] =	vst v15  }
0x344: {  	v41 =	vmul.bf16 v41, v14;
	v44 =	vld [tilespmem:s1+$0x30];
	v43 =	vadd.s32 $0x2, v43;
	v24 =	vunpack.i.u.bf16.f32 v24;
	[tilespmem:s18+$0x40] =	vst v58  }
0x345: {  	s6 =	sor.u32 s26, s5;
	v49 =	vmul.bf16 v49, v14;
	v59 =	vadd.bf16 v61, v47;
	v47 =	vld [tilespmem:s1+$0x0];
	[tilespmem:s18+$0x50] =	vst v24;
	v24 =	vunpack.i.l.bf16.f32 v40  }
0x346: {  	s28 =	sor.u32 s21, s0;
	v54 =	vld [tilespmem:s6+$0x10];
	v40 =	vunpack.i.u.bf16.f32 v40;
	v62 =	vunpack.i.l.bf16.f32 v60;
	v52 =	vunpack.i.u.bf16.f32 v60;
	[tilespmem:s18+$0x60] =	vst v24  }
0x347: {  	v11 =	vld [tilespmem:s28+$0x0];
	v41 =	vadd.bf16 v41, v59;
	v60 =	vadd.bf16 v63, v48;
	[tilespmem:s18+$0x70] =	vst v40;
	v51 =	vmul.bf16 v51, v13  }
0x348: {  	v15 =	vld [tilespmem:s25+$0x10];
	v24 =	vmul.bf16 v57, v14;
	[tilespmem:s18+$0x20] =	vst v62;
	v45 =	vmul.bf16 v45, v13  }
0x349: {  	v48 =	vld [tilespmem:s1+$0x10];
	[tilespmem:s18+$0x30] =	vst v52;
	v61 =	vunpack.i.l.bf16.f32 v41;
	v46 =	vadd.bf16 v49, v60;
	v62 =	vadd.bf16 v51, v50  }
0x34a: {  	v63 =	vmul.bf16 v42, v14;
	v40 =	vld [tilespmem:s1+$0x50];
	v41 =	vunpack.i.u.bf16.f32 v41;
	[tilespmem:s18+$0x400] =	vst v61  }
0x34b: {  	v52 =	vld [tilespmem:s6+$0x0];
	[tilespmem:s18+$0x410] =	vst v41;
	v57 =	vadd.bf16 v45, v53;
	v51 =	vunpack.i.l.bf16.f32 v46;
	v24 =	vadd.bf16 v24, v62  }
0x34c: {  	v43 =	vld.idx.msk [tilespmem:v43+s14+$0x0], $0xffff;
	v46 =	vunpack.i.u.bf16.f32 v46;
	[tilespmem:s18+$0x420] =	vst v51  }
0x34d: {  	v49 =	vld [tilespmem:s1+$0x20];
	[tilespmem:s18+$0x430] =	vst v46;
	v42 =	vadd.bf16 v63, v57;
	v58 =	vunpack.i.l.bf16.f32 v24  }
0x34e: {  	v50 =	vld [tilespmem:s6+$0x20];
	v24 =	vunpack.i.u.bf16.f32 v24;
	[tilespmem:s18+$0x440] =	vst v58  }
0x34f: {  	v21 =	vmul.bf16 v21, v5;
	v45 =	vld [tilespmem:s6+$0x30];
	v59 =	vunpack.i.u.bf16.f32 v42;
	[tilespmem:s18+$0x450] =	vst v24  }
0x350: {  	v19 =	vmul.bf16 v19, v5;
	v20 =	vmul.bf16 v20, v5;
	s0 =	sadd.s32 $0xB400, s2;
	v41 =	vld [tilespmem:s6+$0x40];
	v24 =	vunpack.i.l.bf16.f32 v42;
	[tilespmem:s18+$0x470] =	vst v59  }
0x351: {  	v17 =	vmul.bf16 v17, v5;
	v18 =	vmul.bf16 v18, v5;
	s9 =	sor.u32 s29, s0;
	v46 =	vld [tilespmem:s1+$0x40];
	[tilespmem:s18+$0x460] =	vst v24  }
0x352: {  	v24 =	vmul.bf16 v22, v5;
	v22 =	vmul.bf16 v23, v5;
	v51 =	vld [tilespmem:s9+$0x0]  }
0x353: {  	v23 =	vmul.bf16 v25, v6;
	v25 =	vmul.bf16 v26, v7;
	v53 =	vld [tilespmem:s9+$0x10]  }
0x354: {  	v26 =	vmul.bf16 v28, v6;
	v28 =	vmul.bf16 v31, v7;
	v31 =	vld [tilespmem:s9+$0x20]  }
0x355: {  	v9 =	vmul.bf16 v9, v5;
	v27 =	vmul.bf16 v27, v6;
	v57 =	vld [tilespmem:s9+$0x30]  }
0x356: {  	v60 =	vmul.bf16 v36, v7;
	v61 =	vmul.bf16 v35, v6;
	v58 =	vld [tilespmem:s9+$0x40];
	v23 =	vadd.bf16 v25, v23  }
0x357: {  	s7 =	sadd.s32 $0x9C00, s2;
	v62 =	vmul.bf16 v37, v7;
	v5 =	vpack.i.f32.bf16 v55, v55;
	v36 =	vld [tilespmem:s9+$0x60];
	v25 =	vmul.bf16 v29, v6  }
0x358: {  	s18 =	sor.u32 s29, s7;
	v59 =	vld [tilespmem:s9+$0x70];
	v26 =	vadd.bf16 v28, v26;
	v17 =	vadd.bf16 v17, v23;
	v23 =	vmul.bf16 v30, v7  }
0x359: {  	v63 =	vmul.bf16 v52, v5;
	v35 =	vld [tilespmem:s18+$0x60];
	v28 =	vmul.bf16 v32, v6  }
0x35a: {  	s13 =	sadd.s32 $0xA800, s2;
	v30 =	vld [tilespmem:s9+$0x50];
	v29 =	vadd.bf16 v18, v26;
	v26 =	vmul.bf16 v39, v7;
	v23 =	vadd.bf16 v23, v25  }
0x35b: {  	v32 =	vadd.bf16 v60, v28;
	s9 =	sor.u32 s29, s13;
	v60 =	vld [tilespmem:s18+$0x20];
	v25 =	vmul.bf16 v34, v6;
	v31 =	vmul.bf16 v31, v14  }
0x35c: {  	v39 =	vld [tilespmem:s9+$0x0];
	v55 =	vmul.bf16 v57, v14;
	v36 =	vmul.bf16 v36, v14;
	v28 =	vadd.bf16 v20, v23  }
0x35d: {  	v34 =	vld [tilespmem:s18+$0x0];
	v23 =	vadd.bf16 v19, v32;
	v19 =	vadd.bf16 v26, v25;
	v25 =	vmul.bf16 v33, v7  }
0x35e: {  	v37 =	vld [tilespmem:s9+$0x10];
	v20 =	vmul.bf16 v38, v6;
	v6 =	vpack.i.f32.bf16 v56, v56;
	v33 =	vmul.bf16 v50, v5  }
0x35f: {  	v32 =	vld [tilespmem:s18+$0x10];
	v56 =	vmul.bf16 v58, v14;
	v47 =	vmul.bf16 v47, v6;
	v19 =	vadd.bf16 v9, v19  }
0x360: {  	v9 =	vmul.bf16 v54, v5;
	v54 =	vld [tilespmem:s9+$0x20];
	v26 =	vadd.bf16 v25, v27;
	v27 =	vmul.bf16 v48, v6  }
0x361: {  	v48 =	vmul.bf16 v49, v6;
	v49 =	vld [tilespmem:s18+$0x30];
	v25 =	vadd.bf16 v62, v61;
	v61 =	vmul.bf16 v51, v14  }
0x362: {  	v62 =	vld [tilespmem:s9+$0x30];
	v39 =	vmul.bf16 v39, v13;
	v34 =	vmul.bf16 v34, v12  }
0x363: {  	v51 =	vld [tilespmem:s18+$0x40];
	v38 =	vadd.bf16 v63, v47;
	v63 =	vmul.bf16 v53, v14;
	v57 =	vadd.bf16 v9, v27  }
0x364: {  	v53 =	vld [tilespmem:s9+$0x40];
	v27 =	vmul.bf16 v37, v13;
	v34 =	vadd.bf16 v39, v34;
	v9 =	vmul.bf16 v32, v12  }
0x365: {  	v30 =	vmul.bf16 v30, v14;
	v60 =	vmul.bf16 v60, v12;
	v39 =	vld [tilespmem:s18+$0x50]  }
0x366: {  	v32 =	vld [tilespmem:s9+$0x50];
	v34 =	vadd.bf16 v61, v34;
	v9 =	vadd.bf16 v27, v9;
	v27 =	vmul.bf16 v54, v13  }
0x367: {  	s5 =	sadd.s32 $0x19000, s30;
	v52 =	vld [tilespmem:s9+$0x60];
	v33 =	vadd.bf16 v33, v48;
	v61 =	vmul.bf16 v49, v12;
	v62 =	vmul.bf16 v62, v13  }
0x368: {  	v50 =	vld [tilespmem:s18+$0x70];
	s18 =	sor.u32 s29, s5;
	v9 =	vadd.bf16 v63, v9;
	v63 =	vunpack.i.l.bf16.f32 v34;
	v27 =	vadd.bf16 v27, v60  }
0x369: {  	v37 =	vld [tilespmem:s9+$0x70];
	v51 =	vmul.bf16 v51, v12;
	v53 =	vmul.bf16 v53, v13;
	v34 =	vunpack.i.u.bf16.f32 v34;
	[tilespmem:s18+$0x0] =	vst v63  }
0x36a: {  	v42 =	vld [tilespmem:s6+$0x50];
	v58 =	vadd.bf16 v62, v61;
	[tilespmem:s18+$0x10] =	vst v34;
	v27 =	vadd.bf16 v31, v27;
	v54 =	vunpack.i.l.bf16.f32 v9  }
0x36b: {  	v47 =	vld [tilespmem:s1+$0x60];
	v60 =	vmul.bf16 v39, v12;
	v32 =	vmul.bf16 v32, v13;
	v9 =	vunpack.i.u.bf16.f32 v9;
	[tilespmem:s18+$0x20] =	vst v54  }
0x36c: {  	v48 =	vld [tilespmem:s6+$0x60];
	v62 =	vadd.bf16 v53, v51;
	[tilespmem:s18+$0x30] =	vst v9;
	v9 =	vadd.bf16 v55, v58;
	v61 =	vunpack.i.l.bf16.f32 v27  }
0x36d: {  	v39 =	vld [tilespmem:s1+$0x70];
	v63 =	vmul.bf16 v35, v12;
	v58 =	vmul.bf16 v52, v13;
	v27 =	vunpack.i.u.bf16.f32 v27;
	[tilespmem:s18+$0x40] =	vst v61  }
0x36e: {  	s9 =	sor.u32 s26, s3;
	v51 =	vld [tilespmem:s6+$0x70];
	v49 =	vadd.bf16 v56, v62;
	v31 =	vadd.bf16 v32, v60;
	[tilespmem:s18+$0x50] =	vst v27;
	v27 =	vunpack.i.l.bf16.f32 v9  }
0x36f: {  	s3 =	sadd.s32 $0x19400, s30;
	v50 =	vmul.bf16 v50, v12;
	v37 =	vmul.bf16 v37, v13;
	v34 =	vld [tilespmem:s9+$0x20];
	v9 =	vunpack.i.u.bf16.f32 v9;
	[tilespmem:s18+$0x60] =	vst v27  }
0x370: {  	v32 =	vld [tilespmem:s9+$0x0];
	v30 =	vadd.bf16 v30, v31;
	v60 =	vadd.bf16 v58, v63;
	[tilespmem:s18+$0x70] =	vst v9;
	v9 =	vunpack.i.l.bf16.f32 v49;
	s18 =	sor.u32 s29, s3  }
0x371: {  	v53 =	vld [tilespmem:s9+$0x40];
	v50 =	vadd.bf16 v37, v50;
	v61 =	vunpack.i.u.bf16.f32 v49;
	[tilespmem:s18+$0x0] =	vst v9  }
0x372: {  	v52 =	vld [tilespmem:s9+$0x10];
	v9 =	vmul.bf16 v59, v14;
	[tilespmem:s18+$0x10] =	vst v61;
	v31 =	vadd.bf16 v36, v60;
	v63 =	vunpack.i.l.bf16.f32 v30  }
0x373: {  	v45 =	vmul.bf16 v45, v5;
	v41 =	vmul.bf16 v41, v5;
	v62 =	vld [tilespmem:s9+$0x30];
	v30 =	vunpack.i.u.bf16.f32 v30;
	[tilespmem:s18+$0x20] =	vst v63  }
0x374: {  	v54 =	vld [tilespmem:s9+$0x50];
	[tilespmem:s18+$0x30] =	vst v30;
	v55 =	vunpack.i.l.bf16.f32 v31;
	v36 =	vadd.bf16 v9, v50;
	v9 =	vpack.i.f32.bf16 v43, v43  }
0x375: {  	v42 =	vmul.bf16 v42, v5;
	v56 =	vld [tilespmem:s9+$0x60];
	v31 =	vunpack.i.u.bf16.f32 v31;
	[tilespmem:s18+$0x40] =	vst v55;
	v32 =	vmul.bf16 v32, v9  }
0x376: {  	v7 =	vmul.bf16 v16, v7;
	v46 =	vmul.bf16 v46, v6;
	v58 =	vld [tilespmem:s9+$0x70];
	[tilespmem:s18+$0x50] =	vst v31;
	v59 =	vunpack.i.l.bf16.f32 v36  }
0x377: {  	s6 =	sadd.s32 $0xB800, s2;
	v43 =	vld [tilespmem:s28+$0x10];
	v60 =	vmul.bf16 v52, v9;
	v36 =	vunpack.i.u.bf16.f32 v36;
	[tilespmem:s18+$0x60] =	vst v59;
	v32 =	vadd.bf16 v32, v38  }
0x378: {  	v44 =	vmul.bf16 v44, v6;
	v40 =	vmul.bf16 v40, v6;
	v16 =	vadd.bf16 v41, v46;
	s9 =	sor.u32 s29, s6;
	v31 =	vld [tilespmem:s25+$0x20];
	[tilespmem:s18+$0x70] =	vst v36  }
0x379: {  	s1 =	sor.u32 s26, s12;
	v34 =	vmul.bf16 v34, v9;
	v36 =	vadd.bf16 v60, v57;
	v41 =	vld [tilespmem:s9+$0x0];
	v61 =	vunpack.i.u.bf16.f32 v32  }
0x37a: {  	v44 =	vadd.bf16 v45, v44;
	v40 =	vadd.bf16 v42, v40;
	v42 =	vld [tilespmem:s9+$0x10];
	v32 =	vunpack.i.l.bf16.f32 v32;
	[tilespmem:s1+$0x10] =	vst v61  }
0x37b: {  	v49 =	vmul.bf16 v62, v9;
	v33 =	vadd.bf16 v34, v33;
	v45 =	vld [tilespmem:s9+$0x20];
	v62 =	vunpack.i.l.bf16.f32 v36;
	[tilespmem:s1+$0x0] =	vst v32  }
0x37c: {  	v47 =	vmul.bf16 v47, v6;
	v48 =	vmul.bf16 v48, v5;
	v34 =	vld [tilespmem:s9+$0x30];
	v36 =	vunpack.i.u.bf16.f32 v36;
	[tilespmem:s1+$0x20] =	vst v62  }
0x37d: {  	s12 =	sadd.s32 $0xA000, s2;
	v37 =	vmul.bf16 v53, v9;
	v44 =	vadd.bf16 v49, v44;
	v63 =	vld [tilespmem:s9+$0x40];
	v53 =	vunpack.i.l.bf16.f32 v33;
	[tilespmem:s1+$0x30] =	vst v36  }
0x37e: {  	s2 =	sadd.s32 $0xAC00, s2;
	v39 =	vmul.bf16 v39, v6;
	v51 =	vmul.bf16 v51, v5;
	s18 =	sor.u32 s29, s12;
	v49 =	vld [tilespmem:s9+$0x60];
	v33 =	vunpack.i.u.bf16.f32 v33;
	[tilespmem:s1+$0x40] =	vst v53  }
0x37f: {  	s8 =	sor.u32 s29, s2;
	v35 =	vmul.bf16 v54, v9;
	v16 =	vadd.bf16 v37, v16;
	v37 =	vld [tilespmem:s18+$0x0];
	v54 =	vunpack.i.l.bf16.f32 v44;
	[tilespmem:s1+$0x50] =	vst v33  }
0x380: {  	v47 =	vadd.bf16 v48, v47;
	v50 =	vmul.bf16 v56, v9;
	v56 =	vld [tilespmem:s8+$0x0];
	v44 =	vunpack.i.u.bf16.f32 v44;
	[tilespmem:s1+$0x60] =	vst v54  }
0x381: {  	v39 =	vadd.bf16 v51, v39;
	v35 =	vadd.bf16 v35, v40;
	v51 =	vld [tilespmem:s18+$0x10];
	v55 =	vunpack.i.l.bf16.f32 v16;
	[tilespmem:s1+$0x70] =	vst v44  }
0x382: {  	v21 =	vadd.bf16 v21, v25;
	v59 =	vld [tilespmem:s18+$0x20];
	v16 =	vunpack.i.u.bf16.f32 v16;
	[tilespmem:s1+$0x400] =	vst v55  }
0x383: {  	v30 =	vmul.bf16 v58, v9;
	v57 =	vadd.bf16 v50, v47;
	v25 =	vld [tilespmem:s18+$0x70];
	v58 =	vunpack.i.l.bf16.f32 v35;
	[tilespmem:s1+$0x410] =	vst v16  }
0x384: {  	v7 =	vadd.bf16 v7, v20;
	v40 =	vld [tilespmem:s18+$0x60];
	v20 =	vunpack.i.u.bf16.f32 v35;
	[tilespmem:s1+$0x420] =	vst v58  }
0x385: {  	v24 =	vadd.bf16 v24, v26;
	v26 =	vadd.bf16 v30, v39;
	v35 =	vld [tilespmem:s18+$0x30];
	v60 =	vunpack.i.l.bf16.f32 v57;
	[tilespmem:s1+$0x430] =	vst v20  }
0x386: {  	v7 =	vadd.bf16 v22, v7;
	v22 =	vunpack.i.u.bf16.f32 v57;
	v36 =	vld [tilespmem:s9+$0x50];
	[tilespmem:s1+$0x440] =	vst v60  }
0x387: {  	v10 =	vmul.bf16 v10, v8;
	v11 =	vmul.bf16 v11, v3;
	v39 =	vunpack.i.l.bf16.f32 v26;
	v20 =	vld [tilespmem:s18+$0x40];
	[tilespmem:s1+$0x450] =	vst v22  }
0x388: {  	v15 =	vmul.bf16 v15, v8;
	v18 =	vunpack.i.l.bf16.f32 v17;
	v26 =	vunpack.i.u.bf16.f32 v26;
	v22 =	vld [tilespmem:s18+$0x50];
	s18 =	sadd.s32 $0x19800, s23;
	[tilespmem:s1+$0x460] =	vst v39  }
0x389: {  	v17 =	vunpack.i.u.bf16.f32 v17;
	v46 =	vunpack.i.l.bf16.f32 v28;
	v28 =	vunpack.i.u.bf16.f32 v28;
	v33 =	vld [tilespmem:s9+$0x70];
	[tilespmem:s1+$0x470] =	vst v26;
	s9 =	sor.u32 s22, s18  }
0x38a: {  	v48 =	vunpack.i.l.bf16.f32 v23;
	v23 =	vunpack.i.u.bf16.f32 v23;
	v27 =	vunpack.i.l.bf16.f32 v29;
	v38 =	vld [tilespmem:s28+$0x20];
	[tilespmem:s9+$0x0] =	vst v18  }
0x38b: {  	v29 =	vunpack.i.u.bf16.f32 v29;
	v30 =	vunpack.i.u.bf16.f32 v24;
	v26 =	vld [tilespmem:s8+$0x10];
	v61 =	vmul.bf16 v43, v3;
	[tilespmem:s9+$0x10] =	vst v17  }
0x38c: {  	v31 =	vmul.bf16 v31, v8;
	v62 =	vld [tilespmem:s8+$0x20];
	v18 =	vunpack.i.u.bf16.f32 v7;
	v17 =	vunpack.i.l.bf16.f32 v7;
	[tilespmem:s9+$0x20] =	vst v27  }
0x38d: {  	v53 =	vld [tilespmem:s8+$0x40];
	v7 =	vadd.bf16 v11, v10;
	[tilespmem:s9+$0x30] =	vst v29;
	v32 =	vmul.bf16 v63, v14;
	v11 =	vmul.bf16 v37, v12  }
0x38e: {  	v10 =	vadd.bf16 v61, v15;
	[tilespmem:s9+$0x40] =	vst v46;
	v63 =	vld [tilespmem:s8+$0x30];
	v27 =	vmul.bf16 v56, v13;
	v15 =	vmul.bf16 v49, v14  }
0x38f: {  	v24 =	vunpack.i.l.bf16.f32 v24;
	[tilespmem:s9+$0x50] =	vst v28;
	v37 =	vld [tilespmem:s8+$0x70];
	v54 =	vmul.bf16 v41, v14;
	v55 =	vmul.bf16 v42, v14  }
0x390: {  	v16 =	vunpack.i.u.bf16.f32 v19;
	s1 =	sadd.s32 $0x19C00, s23;
	[tilespmem:s9+$0x60] =	vst v48;
	v56 =	vld [tilespmem:s8+$0x60];
	v28 =	vmul.bf16 v51, v12;
	v57 =	vmul.bf16 v45, v14  }
0x391: {  	s22 =	sor.u32 s22, s1;
	[tilespmem:s9+$0x70] =	vst v23;
	v58 =	vmul.bf16 v59, v12;
	v23 =	vmul.bf16 v34, v14;
	v11 =	vadd.bf16 v27, v11;
	v27 =	vld [tilespmem:s8+$0x50];
	s8 =	sor.u32 s26, s7  }
0x392: {  	v47 =	vunpack.i.u.bf16.f32 v21;
	[tilespmem:s22+$0x70] =	vst v16;
	v25 =	vmul.bf16 v25, v12;
	v16 =	vmul.bf16 v35, v12;
	s7 =	sor.u32 s26, s13;
	v59 =	vld [tilespmem:s8+$0x0]  }
0x393: {  	v21 =	vunpack.i.l.bf16.f32 v21;
	v29 =	vmul.bf16 v36, v14;
	v26 =	vmul.bf16 v26, v13;
	v60 =	vld [tilespmem:s7+$0x0]  }
0x394: {  	v19 =	vunpack.i.l.bf16.f32 v19;
	v20 =	vmul.bf16 v20, v12;
	v14 =	vmul.bf16 v33, v14;
	v45 =	vld [tilespmem:s8+$0x20]  }
0x395: {  	v22 =	vmul.bf16 v22, v12;
	v48 =	vld [tilespmem:s8+$0x30];
	v26 =	vadd.bf16 v26, v28;
	v28 =	vmul.bf16 v62, v13  }
0x396: {  	[tilespmem:s22+$0x0] =	vst v24;
	v12 =	vmul.bf16 v40, v12;
	v49 =	vld [tilespmem:s8+$0x40];
	v39 =	vadd.bf16 v54, v11;
	v61 =	vmul.bf16 v63, v13  }
0x397: {  	[tilespmem:s22+$0x10] =	vst v30;
	v50 =	vld [tilespmem:s8+$0x60];
	v37 =	vmul.bf16 v37, v13;
	v24 =	vadd.bf16 v55, v26;
	v28 =	vadd.bf16 v28, v58  }
0x398: {  	[tilespmem:s22+$0x20] =	vst v21;
	v63 =	vld [tilespmem:s7+$0x10];
	v26 =	vunpack.i.l.bf16.f32 v39;
	v43 =	vunpack.i.u.bf16.f32 v39;
	v16 =	vadd.bf16 v61, v16  }
0x399: {  	[tilespmem:s22+$0x60] =	vst v19;
	s13 =	sadd.s32 $0x19800, s30;
	v19 =	vld [tilespmem:s8+$0x70];
	v27 =	vmul.bf16 v27, v13;
	v21 =	vadd.bf16 v57, v28;
	v28 =	vunpack.i.l.bf16.f32 v24  }
0x39a: {  	[tilespmem:s22+$0x40] =	vst v17;
	s23 =	sor.u32 s29, s13;
	v62 =	vld [tilespmem:s8+$0x10];
	v24 =	vunpack.i.u.bf16.f32 v24;
	v51 =	vmul.bf16 v59, v6;
	v34 =	vmul.bf16 v60, v5  }
0x39b: {  	[tilespmem:s23+$0x0] =	vst v26;
	v26 =	vld [tilespmem:s7+$0x20];
	v16 =	vadd.bf16 v23, v16;
	v23 =	vadd.bf16 v37, v25;
	v17 =	vunpack.i.l.bf16.f32 v21  }
0x39c: {  	s0 =	sor.u32 s26, s0;
	[tilespmem:s22+$0x50] =	vst v18;
	v54 =	vld [tilespmem:s7+$0x70];
	v18 =	vunpack.i.u.bf16.f32 v21;
	v21 =	vmul.bf16 v53, v13;
	v13 =	vmul.bf16 v56, v13  }
0x39d: {  	v58 =	vld [tilespmem:s0+$0x60];
	[tilespmem:s23+$0x30] =	vst v24;
	v24 =	vmul.bf16 v63, v5;
	v56 =	vmul.bf16 v49, v6;
	v14 =	vadd.bf16 v14, v23  }
0x39e: {  	v25 =	vld [tilespmem:s8+$0x50];
	[tilespmem:s23+$0x20] =	vst v28;
	v23 =	vunpack.i.l.bf16.f32 v16;
	v16 =	vunpack.i.u.bf16.f32 v16;
	v20 =	vadd.bf16 v21, v20  }
0x39f: {  	v28 =	vld [tilespmem:s7+$0x50];
	[tilespmem:s23+$0x50] =	vst v18;
	v21 =	vadd.bf16 v27, v22;
	v22 =	vmul.bf16 v62, v6;
	v12 =	vadd.bf16 v13, v12  }
0x3a0: {  	v53 =	vld [tilespmem:s7+$0x30];
	v13 =	vadd.bf16 v34, v51;
	v18 =	vmul.bf16 v26, v5;
	[tilespmem:s23+$0x60] =	vst v23;
	v23 =	vmul.bf16 v48, v6  }
0x3a1: {  	[tilespmem:s23+$0x40] =	vst v17;
	v27 =	vld [tilespmem:s7+$0x40];
	v52 =	vunpack.i.u.bf16.f32 v14;
	v17 =	vadd.bf16 v32, v20;
	v20 =	vadd.bf16 v29, v21  }
0x3a2: {  	[tilespmem:s22+$0x30] =	vst v47;
	v21 =	vmul.bf16 v45, v6;
	v12 =	vadd.bf16 v15, v12;
	v15 =	vadd.bf16 v24, v22;
	v24 =	vld [tilespmem:s0+$0x0]  }
0x3a3: {  	s9 =	sadd.s32 $0x19C00, s30;
	[tilespmem:s23+$0x10] =	vst v43;
	v26 =	vld [tilespmem:s0+$0x10];
	v14 =	vunpack.i.l.bf16.f32 v14;
	v25 =	vmul.bf16 v25, v6;
	v22 =	vunpack.i.u.bf16.f32 v17  }
0x3a4: {  	s29 =	sor.u32 s29, s9;
	[tilespmem:s23+$0x70] =	vst v16;
	v29 =	vld [tilespmem:s7+$0x60];
	v17 =	vunpack.i.l.bf16.f32 v17;
	v16 =	vunpack.i.u.bf16.f32 v20;
	v18 =	vadd.bf16 v18, v21  }
0x3a5: {  	v57 =	vld [tilespmem:s0+$0x20];
	v21 =	vmul.bf16 v53, v5;
	v20 =	vunpack.i.l.bf16.f32 v20;
	v55 =	vunpack.i.u.bf16.f32 v12;
	[tilespmem:s29+$0x0] =	vst v17  }
0x3a6: {  	v12 =	vunpack.i.l.bf16.f32 v12;
	v17 =	vmul.bf16 v27, v5;
	v27 =	vld [tilespmem:s0+$0x30];
	[tilespmem:s29+$0x10] =	vst v22;
	v22 =	vmul.bf16 v28, v5  }
0x3a7: {  	v59 =	vld [tilespmem:s0+$0x70];
	[tilespmem:s29+$0x20] =	vst v20;
	v21 =	vadd.bf16 v21, v23;
	v23 =	vmul.bf16 v50, v6;
	v24 =	vmul.bf16 v24, v9  }
0x3a8: {  	v28 =	vld [tilespmem:s0+$0x40];
	[tilespmem:s29+$0x30] =	vst v16;
	v16 =	vadd.bf16 v17, v56;
	v17 =	vmul.bf16 v19, v6;
	v19 =	vmul.bf16 v54, v5  }
0x3a9: {  	[tilespmem:s29+$0x40] =	vst v12;
	v20 =	vmul.bf16 v29, v5;
	v29 =	vld [tilespmem:s0+$0x50];
	v12 =	vadd.bf16 v22, v25;
	v22 =	vmul.bf16 v26, v9  }
0x3aa: {  	[tilespmem:s29+$0x70] =	vst v52;
	v26 =	vld [tilespmem:s28+$0x40];
	v13 =	vadd.bf16 v24, v13;
	v17 =	vadd.bf16 v19, v17;
	v19 =	vmul.bf16 v57, v9  }
0x3ab: {  	v38 =	vmul.bf16 v38, v3;
	[tilespmem:s29+$0x60] =	vst v14;
	v25 =	vld [tilespmem:s25+$0x50];
	v14 =	vadd.bf16 v22, v15;
	v15 =	vmul.bf16 v27, v9  }
0x3ac: {  	s5 =	sor.u32 s26, s5;
	[tilespmem:s29+$0x50] =	vst v55;
	v20 =	vadd.bf16 v20, v23;
	v23 =	vld [tilespmem:s25+$0x30];
	v22 =	vunpack.i.u.bf16.f32 v13;
	v18 =	vadd.bf16 v19, v18  }
0x3ad: {  	v24 =	vld [tilespmem:s25+$0x40];
	v19 =	vmul.bf16 v28, v9;
	v13 =	vunpack.i.l.bf16.f32 v13;
	[tilespmem:s5+$0x10] =	vst v22;
	v15 =	vadd.bf16 v15, v21  }
0x3ae: {  	v27 =	vld [tilespmem:s25+$0x60];
	v21 =	vmul.bf16 v29, v9;
	[tilespmem:s5+$0x0] =	vst v13;
	v13 =	vunpack.i.u.bf16.f32 v14;
	v14 =	vunpack.i.l.bf16.f32 v14  }
0x3af: {  	v63 =	vmul.bf16 v26, v3;
	v16 =	vadd.bf16 v19, v16;
	v19 =	vmul.bf16 v58, v9;
	[tilespmem:s5+$0x30] =	vst v13  }
0x3b0: {  	v60 =	vld [tilespmem:s28+$0x60];
	[tilespmem:s5+$0x20] =	vst v14;
	v14 =	vunpack.i.l.bf16.f32 v18;
	v18 =	vunpack.i.u.bf16.f32 v18;
	v12 =	vadd.bf16 v21, v12  }
0x3b1: {  	v13 =	vld [tilespmem:s28+$0x30];
	v21 =	vmul.bf16 v59, v9;
	[tilespmem:s5+$0x40] =	vst v14;
	v14 =	vunpack.i.u.bf16.f32 v15;
	v15 =	vunpack.i.l.bf16.f32 v15  }
0x3b2: {  	[tilespmem:s5+$0x50] =	vst v18;
	v61 =	vmul.bf16 v23, v8;
	v62 =	vmul.bf16 v24, v8;
	v19 =	vadd.bf16 v19, v20;
	v20 =	vld [tilespmem:s28+$0x50]  }
0x3b3: {  	v28 =	vld [tilespmem:s25+$0x70];
	v23 =	vmul.bf16 v25, v8;
	v18 =	vunpack.i.u.bf16.f32 v16;
	[tilespmem:s5+$0x60] =	vst v15;
	v24 =	vmul.bf16 v27, v8  }
0x3b4: {  	s7 =	sor.u32 s26, s3;
	s25 =	sor.u32 s21, s24;
	[tilespmem:s5+$0x70] =	vst v14;
	v15 =	vld [tilespmem:s28+$0x70];
	v21 =	vadd.bf16 v21, v17;
	v17 =	vunpack.i.l.bf16.f32 v16;
	v29 =	vunpack.i.u.bf16.f32 v12  }
0x3b5: {  	v12 =	vunpack.i.l.bf16.f32 v12;
	v16 =	vunpack.i.u.bf16.f32 v19;
	v22 =	vunpack.i.l.bf16.f32 v19;
	[tilespmem:s7+$0x0] =	vst v17;
	v17 =	vld [tilespmem:s25+$0x0]  }
0x3b6: {  	s22 =	sor.u32 s26, s2;
	s2 =	sor.u32 s26, s9;
	[tilespmem:s7+$0x10] =	vst v18;
	v14 =	vunpack.i.u.bf16.f32 v21;
	v13 =	vmul.bf16 v13, v3;
	v19 =	vunpack.i.l.bf16.f32 v21;
	v21 =	vld [tilespmem:s25+$0x10]  }
0x3b7: {  	s30 =	sor.u32 s26, s6;
	s6 =	sor.u32 s26, s13;
	v11 =	vadd.bf16 v38, v31;
	s23 =	sor.u32 s21, s18;
	v27 =	vmul.bf16 v60, v3;
	v18 =	vld [tilespmem:s25+$0x20];
	[tilespmem:s7+$0x20] =	vst v12;
	v26 =	vmul.bf16 v20, v3  }
0x3b8: {  	s21 =	sor.u32 s21, s1;
	s24 =	sor.u32 s26, s12;
	s26 =	simm.s32 $0x2;
	v25 =	vmul.bf16 v28, v8;
	[tilespmem:s7+$0x30] =	vst v29;
	v12 =	vadd.bf16 v13, v61;
	v20 =	vld [tilespmem:s25+$0x30];
	v13 =	vadd.bf16 v63, v62  }
.LBB2_5:
0x3b9: {  	s26 =	sadd.s32 $0x2, s26;
	[tilespmem:s7+$0x40] =	vst v22;
	v22 =	vld [tilespmem:s25+$0x40];
	v23 =	vadd.bf16 v26, v23;
	v15 =	vmul.bf16 v15, v3;
	v3 =	vmovc v5;
	v8 =	vmov v6  }
0x3ba: {  	s1 =	sshrl.u32 s26, $0x3;
	p0 =	slt.u32 s26, $0x1E;
	[tilespmem:s7+$0x50] =	vst v16;
	v5 =	vld [tilespmem:s25+$0x50];
	v6 =	vmul.bf16 v17, v4;
	v16 =	vadd.bf16 v27, v24  }
0x3bb: {  	s0 =	smul.u32 $0x9000, s1;
	[tilespmem:s7+$0x60] =	vst v19;
	v17 =	vld [tilespmem:s25+$0x60];
	v19 =	vmul.bf16 v21, v4;
	v15 =	vadd.bf16 v15, v25  }
0x3bc: {  	s20 =	sadd.s32 $0x100, s20;
	[tilespmem:s7+$0x70] =	vst v14;
	v14 =	vld [tilespmem:s25+$0x70];
	v6 =	vadd.bf16 v6, v7;
	v7 =	vmul.bf16 v18, v4;
	s25 =	smov.u32 s30  }
0x3bd: {  	s3 =	sadd.s32 $0xFFFFFF80, s20;
	s28 =	sand.u32 $0x380, s20;
	s0 =	sshra.s32 s0, $0x2;
	v18 =	vld [tilespmem:s24+$0x0];
	v10 =	vadd.bf16 v19, v10;
	v19 =	vmul.bf16 v20, v4  }
0x3be: {  	s29 =	sand.u32 $0x300, s3;
	s5 =	sadd.s32 $0xB000, s0;
	v20 =	vld [tilespmem:s22+$0x0];
	v21 =	vunpack.i.u.bf16.f32 v6;
	v7 =	vadd.bf16 v7, v11;
	v11 =	vmul.bf16 v22, v4  }
0x3bf: {  	v6 =	vunpack.i.l.bf16.f32 v6;
	s3 =	sor.u32 s29, s5;
	s30 =	sor.u32 s28, s5;
	v22 =	vld [tilespmem:s24+$0x10];
	[tilespmem:s23+$0x10] =	vst v21;
	v12 =	vadd.bf16 v19, v12;
	v5 =	vmul.bf16 v5, v4  }
0x3c0: {  	v19 =	vld [tilespmem:s3+$0x0];
	[tilespmem:s23+$0x0] =	vst v6;
	v6 =	vunpack.i.u.bf16.f32 v10;
	v11 =	vadd.bf16 v11, v13;
	v13 =	vmul.bf16 v17, v4  }
0x3c1: {  	v10 =	vunpack.i.l.bf16.f32 v10;
	v17 =	vld [tilespmem:s3+$0x10];
	[tilespmem:s23+$0x30] =	vst v6;
	v5 =	vadd.bf16 v5, v23;
	v6 =	vmul.bf16 v14, v4;
	v4 =	vmovc v9  }
0x3c2: {  	v9 =	vunpack.i.u.bf16.f32 v7;
	v21 =	vld [tilespmem:s3+$0x20];
	v14 =	vmul.bf16 v18, v8;
	[tilespmem:s23+$0x20] =	vst v10;
	v13 =	vadd.bf16 v13, v16  }
0x3c3: {  	s19 =	sadd.s32 $0x6, s19;
	s7 =	sadd.s32 $0x9800, s0;
	v7 =	vunpack.i.l.bf16.f32 v7;
	v16 =	vld [tilespmem:s3+$0x30];
	v18 =	vmul.bf16 v20, v3;
	[tilespmem:s23+$0x50] =	vst v9;
	v6 =	vadd.bf16 v6, v15  }
0x3c4: {  	s9 =	sadd.s32 $0xA400, s0;
	s5 =	sadd.s32 $0xFFFFFFFD, s19;
	s8 =	sor.u32 s29, s7;
	v20 =	vmov s19;
	v15 =	vld [tilespmem:s3+$0x40];
	v10 =	vmul.bf16 v22, v8;
	[tilespmem:s23+$0x40] =	vst v7;
	v7 =	vunpack.i.u.bf16.f32 v12  }
0x3c5: {  	s18 =	sor.u32 s28, s7;
	s7 =	sor.u32 s28, s9;
	v22 =	vmov s5;
	s5 =	sor.u32 s29, s9;
	v24 =	vadd.s32 $0x1, v20;
	v9 =	vadd.s32 $0x2, v20;
	v23 =	vld [tilespmem:s8+$0x0];
	[tilespmem:s23+$0x70] =	vst v7  }
0x3c6: {  	v12 =	vunpack.i.l.bf16.f32 v12;
	v7 =	vadd.bf16 v18, v14;
	v14 =	vunpack.i.u.bf16.f32 v11;
	v25 =	vld [tilespmem:s5+$0x0]  }
0x3c7: {  	v18 =	vor.u32 $0x1, v22;
	v11 =	vunpack.i.l.bf16.f32 v11;
	v26 =	vld [tilespmem:s8+$0x10];
	[tilespmem:s23+$0x60] =	vst v12;
	v12 =	vunpack.i.u.bf16.f32 v5;
	s23 =	smov.u32 s6  }
0x3c8: {  	v5 =	vunpack.i.l.bf16.f32 v5;
	v27 =	vld [tilespmem:s8+$0x20];
	[tilespmem:s21+$0x0] =	vst v11;
	v11 =	vunpack.i.u.bf16.f32 v13;
	v13 =	vunpack.i.l.bf16.f32 v13  }
0x3c9: {  	v28 =	vadd.s32 $0x2, v22;
	v29 =	vld [tilespmem:s8+$0x30];
	[tilespmem:s21+$0x10] =	vst v14;
	v14 =	vunpack.i.u.bf16.f32 v6;
	v6 =	vunpack.i.l.bf16.f32 v6  }
0x3ca: {  	v22 =	vld.idx.msk [tilespmem:v22+s14+$0x0], $0xffff;
	[tilespmem:s21+$0x20] =	vst v5  }
0x3cb: {  	v5 =	vld [tilespmem:s8+$0x40];
	[tilespmem:s21+$0x30] =	vst v12  }
0x3cc: {  	v18 =	vld.idx.msk [tilespmem:v18+s14+$0x0], $0xffff;
	[tilespmem:s21+$0x40] =	vst v13  }
0x3cd: {  	v30 =	vld [tilespmem:s8+$0x50];
	[tilespmem:s21+$0x50] =	vst v11  }
0x3ce: {  	v11 =	vld.idx.msk [tilespmem:v28+s14+$0x0], $0xffff;
	[tilespmem:s21+$0x60] =	vst v6  }
0x3cf: {  	v6 =	vld [tilespmem:s8+$0x60];
	[tilespmem:s21+$0x70] =	vst v14;
	s21 =	smov.u32 s2  }
0x3d0: {  	v12 =	vpack.i.f32.bf16 v22, v22;
	v22 =	vld [tilespmem:s5+$0x10]  }
0x3d1: {  	v23 =	vmul.bf16 v23, v12;
	v26 =	vmul.bf16 v26, v12;
	v28 =	vld [tilespmem:s8+$0x70]  }
0x3d2: {  	v27 =	vmul.bf16 v27, v12;
	v29 =	vmul.bf16 v29, v12;
	v13 =	vpack.i.f32.bf16 v18, v18;
	v18 =	vld [tilespmem:s5+$0x20]  }
0x3d3: {  	v5 =	vmul.bf16 v5, v12;
	v25 =	vmul.bf16 v25, v13;
	v31 =	vld [tilespmem:s5+$0x30]  }
0x3d4: {  	v30 =	vmul.bf16 v30, v12;
	v14 =	vpack.i.f32.bf16 v11, v11;
	v11 =	vld [tilespmem:s3+$0x50];
	v6 =	vmul.bf16 v6, v12  }
0x3d5: {  	s1 =	smul.u32 $0x6000, s1;
	v23 =	vadd.bf16 v25, v23;
	v19 =	vmul.bf16 v19, v14;
	v32 =	vld [tilespmem:s5+$0x40];
	v22 =	vmul.bf16 v22, v13  }
0x3d6: {  	v17 =	vmul.bf16 v17, v14;
	v25 =	vld [tilespmem:s3+$0x60];
	v28 =	vmul.bf16 v28, v12  }
0x3d7: {  	s2 =	sshra.s32 s1, $0x2;
	v19 =	vadd.bf16 v19, v23;
	v33 =	vld [tilespmem:s5+$0x50];
	v22 =	vadd.bf16 v22, v26;
	v18 =	vmul.bf16 v18, v13  }
0x3d8: {  	v21 =	vmul.bf16 v21, v14;
	v23 =	vld [tilespmem:s3+$0x70];
	s3 =	sadd.s32 $0x18800, s2;
	v26 =	vmul.bf16 v31, v13  }
0x3d9: {  	v34 =	vunpack.i.l.bf16.f32 v19;
	v31 =	vld [tilespmem:s5+$0x60];
	s1 =	sor.u32 s29, s3;
	v17 =	vadd.bf16 v17, v22;
	v18 =	vadd.bf16 v18, v27;
	s6 =	sor.u32 s28, s3  }
0x3da: {  	v16 =	vmul.bf16 v16, v14;
	v19 =	vunpack.i.u.bf16.f32 v19;
	v22 =	vld [tilespmem:s5+$0x70];
	[tilespmem:s1+$0x0] =	vst v34;
	v27 =	vmul.bf16 v32, v13  }
0x3db: {  	[tilespmem:s1+$0x10] =	vst v19;
	v19 =	vunpack.i.l.bf16.f32 v17;
	v18 =	vadd.bf16 v21, v18;
	v21 =	vadd.bf16 v26, v29;
	v24 =	vld.idx.msk [tilespmem:v24+s14+$0x0], $0xffff  }
0x3dc: {  	v15 =	vmul.bf16 v15, v14;
	v17 =	vunpack.i.u.bf16.f32 v17;
	[tilespmem:s1+$0x20] =	vst v19;
	v19 =	vmul.bf16 v33, v13;
	v20 =	vld.idx.msk [tilespmem:v20+s14+$0x0], $0xffff  }
0x3dd: {  	v5 =	vadd.bf16 v27, v5;
	[tilespmem:s1+$0x30] =	vst v17;
	v17 =	vunpack.i.l.bf16.f32 v18;
	v16 =	vadd.bf16 v16, v21;
	v21 =	vld [tilespmem:s18+$0x0]  }
0x3de: {  	v11 =	vmul.bf16 v11, v14;
	v18 =	vunpack.i.u.bf16.f32 v18;
	[tilespmem:s1+$0x40] =	vst v17;
	v17 =	vmul.bf16 v31, v13;
	v26 =	vld [tilespmem:s7+$0x0]  }
0x3df: {  	v5 =	vadd.bf16 v15, v5;
	v15 =	vadd.bf16 v19, v30;
	[tilespmem:s1+$0x50] =	vst v18;
	v18 =	vunpack.i.l.bf16.f32 v16;
	v19 =	vld [tilespmem:s18+$0x10]  }
0x3e0: {  	v16 =	vunpack.i.u.bf16.f32 v16;
	v22 =	vmul.bf16 v22, v13;
	[tilespmem:s1+$0x60] =	vst v18;
	v18 =	vmul.bf16 v25, v14;
	v25 =	vld [tilespmem:s7+$0x10]  }
0x3e1: {  	v11 =	vadd.bf16 v11, v15;
	v6 =	vadd.bf16 v17, v6;
	[tilespmem:s1+$0x70] =	vst v16;
	v16 =	vunpack.i.l.bf16.f32 v5;
	v15 =	vld [tilespmem:s18+$0x20]  }
0x3e2: {  	v17 =	vunpack.i.u.bf16.f32 v5;
	v5 =	vpack.i.f32.bf16 v24, v24;
	[tilespmem:s1+$0x400] =	vst v16;
	v16 =	vmul.bf16 v23, v14;
	v23 =	vld [tilespmem:s7+$0x20]  }
0x3e3: {  	v22 =	vadd.bf16 v22, v28;
	v18 =	vadd.bf16 v18, v6;
	[tilespmem:s1+$0x410] =	vst v17;
	v17 =	vunpack.i.l.bf16.f32 v11;
	v24 =	vld [tilespmem:s18+$0x30]  }
0x3e4: {  	v6 =	vpack.i.f32.bf16 v20, v20;
	v11 =	vunpack.i.u.bf16.f32 v11;
	v20 =	vmul.bf16 v26, v5;
	[tilespmem:s1+$0x420] =	vst v17;
	v17 =	vld [tilespmem:s7+$0x30]  }
0x3e5: {  	v16 =	vadd.bf16 v16, v22;
	[tilespmem:s1+$0x430] =	vst v11;
	v11 =	vunpack.i.l.bf16.f32 v18;
	v22 =	vld [tilespmem:s18+$0x40];
	v25 =	vmul.bf16 v25, v5  }
0x3e6: {  	v19 =	vmul.bf16 v19, v6;
	v18 =	vunpack.i.u.bf16.f32 v18;
	[tilespmem:s1+$0x440] =	vst v11;
	v26 =	vld [tilespmem:s7+$0x40];
	v11 =	vmul.bf16 v21, v6  }
0x3e7: {  	v15 =	vmul.bf16 v15, v6;
	[tilespmem:s1+$0x450] =	vst v18;
	v18 =	vunpack.i.l.bf16.f32 v16;
	v21 =	vld [tilespmem:s18+$0x50];
	v23 =	vmul.bf16 v23, v5  }
0x3e8: {  	s3 =	sadd.s32 $0xB400, s0;
	v27 =	vunpack.i.u.bf16.f32 v16;
	[tilespmem:s1+$0x460] =	vst v18;
	v28 =	vld [tilespmem:s7+$0x50];
	v16 =	vadd.bf16 v20, v11;
	v18 =	vmul.bf16 v24, v6  }
0x3e9: {  	v11 =	vadd.bf16 v25, v19;
	[tilespmem:s1+$0x470] =	vst v27;
	s1 =	sor.u32 s29, s3;
	v20 =	vld [tilespmem:s18+$0x60];
	v15 =	vadd.bf16 v23, v15;
	v17 =	vmul.bf16 v17, v5;
	s3 =	sor.u32 s28, s3  }
0x3ea: {  	v23 =	vld [tilespmem:s1+$0x0];
	v19 =	vmul.bf16 v22, v6  }
0x3eb: {  	v22 =	vld [tilespmem:s1+$0x10];
	v17 =	vadd.bf16 v17, v18;
	v18 =	vmul.bf16 v26, v5  }
0x3ec: {  	v24 =	vld [tilespmem:s1+$0x20];
	v21 =	vmul.bf16 v21, v6  }
0x3ed: {  	v25 =	vld [tilespmem:s1+$0x30];
	v18 =	vadd.bf16 v18, v19;
	v19 =	vmul.bf16 v28, v5  }
0x3ee: {  	v26 =	vld [tilespmem:s1+$0x40];
	v20 =	vmul.bf16 v20, v6  }
0x3ef: {  	v27 =	vld [tilespmem:s1+$0x50];
	v19 =	vadd.bf16 v19, v21  }
0x3f0: {  	s5 =	sadd.s32 $0x9C00, s0;
	v21 =	vld [tilespmem:s1+$0x60]  }
0x3f1: {  	s9 =	sadd.s32 $0xA800, s0;
	s8 =	sor.u32 s29, s5;
	s5 =	sor.u32 s28, s5;
	v28 =	vld [tilespmem:s1+$0x70]  }
0x3f2: {  	s12 =	sor.u32 s28, s9;
	s1 =	sor.u32 s29, s9;
	v29 =	vld [tilespmem:s8+$0x0]  }
0x3f3: {  	v30 =	vld [tilespmem:s1+$0x0]  }
0x3f4: {  	v31 =	vld [tilespmem:s8+$0x10]  }
0x3f5: {  	v32 =	vld [tilespmem:s1+$0x10]  }
0x3f6: {  	v33 =	vld [tilespmem:s8+$0x20]  }
0x3f7: {  	v34 =	vld [tilespmem:s1+$0x20]  }
0x3f8: {  	v23 =	vmul.bf16 v23, v14;
	v22 =	vmul.bf16 v22, v14;
	v35 =	vld [tilespmem:s8+$0x30]  }
0x3f9: {  	v24 =	vmul.bf16 v24, v14;
	v25 =	vmul.bf16 v25, v14;
	v36 =	vld [tilespmem:s1+$0x30]  }
0x3fa: {  	v29 =	vmul.bf16 v29, v12;
	v30 =	vmul.bf16 v30, v13;
	v37 =	vld [tilespmem:s8+$0x40]  }
0x3fb: {  	v26 =	vmul.bf16 v26, v14;
	v27 =	vmul.bf16 v27, v14;
	v38 =	vld [tilespmem:s1+$0x40]  }
0x3fc: {  	v29 =	vadd.bf16 v30, v29;
	v30 =	vmul.bf16 v31, v12;
	v31 =	vmul.bf16 v32, v13;
	v39 =	vld [tilespmem:s8+$0x50]  }
0x3fd: {  	v21 =	vmul.bf16 v21, v14;
	v33 =	vmul.bf16 v33, v12;
	v32 =	vld [tilespmem:s1+$0x50]  }
0x3fe: {  	v23 =	vadd.bf16 v23, v29;
	v29 =	vadd.bf16 v31, v30;
	v30 =	vmul.bf16 v34, v13;
	v40 =	vld [tilespmem:s8+$0x60]  }
0x3ff: {  	s9 =	sadd.s32 $0x19000, s2;
	v34 =	vmul.bf16 v35, v12;
	v35 =	vmul.bf16 v36, v13;
	v31 =	vld [tilespmem:s1+$0x60]  }
0x400: {  	s13 =	sor.u32 s28, s9;
	v41 =	vunpack.i.l.bf16.f32 v23;
	v22 =	vadd.bf16 v22, v29;
	v29 =	vadd.bf16 v30, v33;
	v36 =	vld [tilespmem:s8+$0x70];
	s8 =	sor.u32 s29, s9  }
0x401: {  	v23 =	vunpack.i.u.bf16.f32 v23;
	v33 =	vmul.bf16 v37, v12;
	v37 =	vmul.bf16 v38, v13;
	v30 =	vld [tilespmem:s1+$0x70];
	[tilespmem:s8+$0x0] =	vst v41  }
0x402: {  	v24 =	vadd.bf16 v24, v29;
	v29 =	vadd.bf16 v35, v34;
	[tilespmem:s8+$0x10] =	vst v23;
	v23 =	vunpack.i.l.bf16.f32 v22;
	v34 =	vld [tilespmem:s7+$0x60]  }
0x403: {  	v22 =	vunpack.i.u.bf16.f32 v22;
	v32 =	vmul.bf16 v32, v13;
	[tilespmem:s8+$0x20] =	vst v23;
	v23 =	vmul.bf16 v39, v12;
	v35 =	vld [tilespmem:s18+$0x70]  }
0x404: {  	v25 =	vadd.bf16 v25, v29;
	v29 =	vadd.bf16 v37, v33;
	[tilespmem:s8+$0x30] =	vst v22;
	v22 =	vunpack.i.l.bf16.f32 v24;
	v33 =	vld [tilespmem:s7+$0x70]  }
0x405: {  	v24 =	vunpack.i.u.bf16.f32 v24;
	v31 =	vmul.bf16 v31, v13;
	[tilespmem:s8+$0x40] =	vst v22;
	v22 =	vmul.bf16 v40, v12;
	v9 =	vld.idx.msk [tilespmem:v9+s14+$0x0], $0xffff  }
0x406: {  	v26 =	vadd.bf16 v26, v29;
	v23 =	vadd.bf16 v32, v23;
	[tilespmem:s8+$0x50] =	vst v24;
	v24 =	vunpack.i.l.bf16.f32 v25;
	v29 =	vld [tilespmem:s30+$0x0]  }
0x407: {  	s1 =	sadd.s32 $0x19400, s2;
	v25 =	vunpack.i.u.bf16.f32 v25;
	v30 =	vmul.bf16 v30, v13;
	[tilespmem:s8+$0x60] =	vst v24;
	v24 =	vmul.bf16 v36, v12;
	v32 =	vld [tilespmem:s30+$0x10]  }
0x408: {  	s7 =	sor.u32 s28, s1;
	v23 =	vadd.bf16 v27, v23;
	v22 =	vadd.bf16 v31, v22;
	[tilespmem:s8+$0x70] =	vst v25;
	v25 =	vunpack.i.l.bf16.f32 v26;
	s8 =	sor.u32 s29, s1;
	v27 =	vld [tilespmem:s30+$0x20]  }
0x409: {  	v31 =	vmul.bf16 v34, v5;
	v26 =	vunpack.i.u.bf16.f32 v26;
	[tilespmem:s8+$0x0] =	vst v25;
	v25 =	vmul.bf16 v28, v14;
	v28 =	vld [tilespmem:s30+$0x30]  }
0x40a: {  	v21 =	vadd.bf16 v21, v22;
	v22 =	vadd.bf16 v30, v24;
	[tilespmem:s8+$0x10] =	vst v26;
	v26 =	vunpack.i.l.bf16.f32 v23;
	v24 =	vld [tilespmem:s30+$0x40]  }
0x40b: {  	v30 =	vmul.bf16 v35, v6;
	v33 =	vmul.bf16 v33, v5;
	v23 =	vunpack.i.u.bf16.f32 v23;
	[tilespmem:s8+$0x20] =	vst v26;
	v26 =	vld [tilespmem:s30+$0x50]  }
0x40c: {  	v9 =	vpack.i.f32.bf16 v9, v9;
	v22 =	vadd.bf16 v25, v22;
	[tilespmem:s8+$0x30] =	vst v23;
	v23 =	vunpack.i.l.bf16.f32 v21;
	v25 =	vld [tilespmem:s30+$0x60]  }
0x40d: {  	v20 =	vadd.bf16 v31, v20;
	v30 =	vadd.bf16 v33, v30;
	v21 =	vunpack.i.u.bf16.f32 v21;
	[tilespmem:s8+$0x40] =	vst v23;
	v23 =	vld [tilespmem:s30+$0x70]  }
0x40e: {  	v29 =	vmul.bf16 v29, v9;
	v31 =	vmul.bf16 v32, v9;
	[tilespmem:s8+$0x50] =	vst v21;
	v21 =	vunpack.i.l.bf16.f32 v22;
	v32 =	vld [tilespmem:s22+$0x10]  }
0x40f: {  	s1 =	sadd.s32 $0xB800, s0;
	v22 =	vunpack.i.u.bf16.f32 v22;
	[tilespmem:s8+$0x60] =	vst v21;
	v21 =	vmul.bf16 v27, v9;
	v27 =	vmul.bf16 v28, v9;
	v28 =	vld [tilespmem:s24+$0x20]  }
0x410: {  	v16 =	vadd.bf16 v29, v16;
	s30 =	sor.u32 s28, s1;
	[tilespmem:s8+$0x70] =	vst v22;
	s8 =	sor.u32 s29, s1;
	v22 =	vmul.bf16 v24, v9;
	v24 =	vmul.bf16 v26, v9;
	v26 =	vld [tilespmem:s22+$0x20]  }
0x411: {  	v11 =	vadd.bf16 v31, v11;
	v29 =	vld [tilespmem:s8+$0x0];
	v15 =	vadd.bf16 v21, v15;
	v21 =	vmul.bf16 v25, v9  }
0x412: {  	v17 =	vadd.bf16 v27, v17;
	v25 =	vld [tilespmem:s8+$0x10];
	v18 =	vadd.bf16 v22, v18;
	v22 =	vmul.bf16 v23, v9  }
0x413: {  	v27 =	vunpack.i.u.bf16.f32 v16;
	v19 =	vadd.bf16 v24, v19;
	v23 =	vld [tilespmem:s8+$0x20];
	v20 =	vadd.bf16 v21, v20  }
0x414: {  	v16 =	vunpack.i.l.bf16.f32 v16;
	v24 =	vunpack.i.u.bf16.f32 v11;
	v21 =	vld [tilespmem:s8+$0x30];
	[tilespmem:s6+$0x10] =	vst v27;
	v22 =	vadd.bf16 v22, v30  }
0x415: {  	v11 =	vunpack.i.l.bf16.f32 v11;
	v27 =	vld [tilespmem:s8+$0x40];
	[tilespmem:s6+$0x0] =	vst v16;
	v16 =	vunpack.i.u.bf16.f32 v15;
	v15 =	vunpack.i.l.bf16.f32 v15  }
0x416: {  	v31 =	vunpack.i.u.bf16.f32 v18;
	v30 =	vld [tilespmem:s8+$0x50];
	[tilespmem:s6+$0x20] =	vst v11;
	v11 =	vunpack.i.u.bf16.f32 v17;
	v17 =	vunpack.i.l.bf16.f32 v17  }
0x417: {  	s9 =	sadd.s32 $0xA000, s0;
	v18 =	vunpack.i.l.bf16.f32 v18;
	v33 =	vld [tilespmem:s8+$0x60];
	[tilespmem:s6+$0x30] =	vst v24;
	v24 =	vunpack.i.u.bf16.f32 v19;
	v19 =	vunpack.i.l.bf16.f32 v19  }
0x418: {  	s18 =	sor.u32 s28, s9;
	s0 =	sadd.s32 $0xAC00, s0;
	s1 =	sor.u32 s29, s9;
	v35 =	vunpack.i.u.bf16.f32 v22;
	v34 =	vld [tilespmem:s8+$0x70];
	[tilespmem:s6+$0x40] =	vst v15;
	v15 =	vunpack.i.u.bf16.f32 v20;
	v20 =	vunpack.i.l.bf16.f32 v20  }
0x419: {  	v28 =	vmul.bf16 v28, v8;
	s8 =	sor.u32 s29, s0;
	s0 =	sor.u32 s28, s0;
	v36 =	vld [tilespmem:s1+$0x0];
	[tilespmem:s6+$0x50] =	vst v16;
	v16 =	vunpack.i.l.bf16.f32 v22;
	v22 =	vmul.bf16 v32, v3  }
0x41a: {  	v32 =	vld [tilespmem:s8+$0x0];
	v27 =	vmul.bf16 v27, v14;
	[tilespmem:s6+$0x60] =	vst v17;
	v17 =	vmul.bf16 v26, v3  }
0x41b: {  	v26 =	vld [tilespmem:s1+$0x10];
	v30 =	vmul.bf16 v30, v14;
	[tilespmem:s6+$0x70] =	vst v11;
	v10 =	vadd.bf16 v22, v10  }
0x41c: {  	v22 =	vld [tilespmem:s8+$0x10];
	v33 =	vmul.bf16 v33, v14;
	[tilespmem:s6+$0x400] =	vst v18;
	v11 =	vadd.bf16 v17, v28  }
0x41d: {  	v17 =	vld [tilespmem:s1+$0x20];
	[tilespmem:s6+$0x410] =	vst v31  }
0x41e: {  	v18 =	vld [tilespmem:s8+$0x20];
	[tilespmem:s6+$0x420] =	vst v19  }
0x41f: {  	v19 =	vld [tilespmem:s1+$0x30];
	[tilespmem:s6+$0x430] =	vst v24  }
0x420: {  	v28 =	vmul.bf16 v29, v14;
	v24 =	vld [tilespmem:s8+$0x30];
	[tilespmem:s6+$0x440] =	vst v20  }
0x421: {  	v29 =	vmul.bf16 v36, v12;
	v31 =	vmul.bf16 v32, v13;
	v20 =	vld [tilespmem:s1+$0x40];
	[tilespmem:s6+$0x450] =	vst v15  }
0x422: {  	v25 =	vmul.bf16 v25, v14;
	v23 =	vmul.bf16 v23, v14;
	v15 =	vld [tilespmem:s1+$0x70];
	[tilespmem:s6+$0x460] =	vst v16  }
0x423: {  	v26 =	vmul.bf16 v26, v12;
	v29 =	vadd.bf16 v31, v29;
	v22 =	vmul.bf16 v22, v13;
	v16 =	vld [tilespmem:s8+$0x70];
	[tilespmem:s6+$0x470] =	vst v35  }
0x424: {  	v21 =	vmul.bf16 v21, v14;
	v17 =	vmul.bf16 v17, v12;
	v31 =	vld [tilespmem:s8+$0x40]  }
0x425: {  	v28 =	vadd.bf16 v28, v29;
	v22 =	vadd.bf16 v22, v26;
	v18 =	vmul.bf16 v18, v13;
	v32 =	vld [tilespmem:s1+$0x50]  }
0x426: {  	s6 =	sadd.s32 $0x19800, s2;
	v19 =	vmul.bf16 v19, v12;
	v24 =	vmul.bf16 v24, v13;
	v26 =	vld [tilespmem:s8+$0x50]  }
0x427: {  	v35 =	vunpack.i.l.bf16.f32 v28;
	v22 =	vadd.bf16 v25, v22;
	v17 =	vadd.bf16 v18, v17;
	v29 =	vld [tilespmem:s1+$0x60];
	s1 =	sor.u32 s29, s6;
	s6 =	sor.u32 s28, s6  }
0x428: {  	v25 =	vunpack.i.u.bf16.f32 v28;
	v15 =	vmul.bf16 v15, v12;
	v18 =	vld [tilespmem:s8+$0x60];
	[tilespmem:s1+$0x0] =	vst v35;
	v16 =	vmul.bf16 v16, v13  }
0x429: {  	v17 =	vadd.bf16 v23, v17;
	v19 =	vadd.bf16 v24, v19;
	[tilespmem:s1+$0x10] =	vst v25;
	v25 =	vunpack.i.l.bf16.f32 v22;
	v23 =	vld [tilespmem:s5+$0x0]  }
0x42a: {  	v14 =	vmul.bf16 v34, v14;
	v20 =	vmul.bf16 v20, v12;
	v22 =	vunpack.i.u.bf16.f32 v22;
	[tilespmem:s1+$0x20] =	vst v25;
	v24 =	vld [tilespmem:s12+$0x0]  }
0x42b: {  	v19 =	vadd.bf16 v21, v19;
	v15 =	vadd.bf16 v16, v15;
	[tilespmem:s1+$0x30] =	vst v22;
	v22 =	vunpack.i.l.bf16.f32 v17;
	v16 =	vld [tilespmem:s5+$0x10]  }
0x42c: {  	v21 =	vmul.bf16 v31, v13;
	v17 =	vunpack.i.u.bf16.f32 v17;
	[tilespmem:s1+$0x40] =	vst v22;
	v22 =	vmul.bf16 v32, v12;
	v25 =	vld [tilespmem:s12+$0x10]  }
0x42d: {  	v26 =	vmul.bf16 v26, v13;
	v14 =	vadd.bf16 v14, v15;
	[tilespmem:s1+$0x50] =	vst v17;
	v17 =	vunpack.i.l.bf16.f32 v19;
	v15 =	vld [tilespmem:s5+$0x20]  }
0x42e: {  	s2 =	sadd.s32 $0x19C00, s2;
	v12 =	vmul.bf16 v29, v12;
	v19 =	vunpack.i.u.bf16.f32 v19;
	[tilespmem:s1+$0x60] =	vst v17;
	v17 =	vld [tilespmem:s12+$0x20];
	v23 =	vmul.bf16 v23, v6  }
0x42f: {  	v13 =	vmul.bf16 v18, v13;
	v18 =	vunpack.i.u.bf16.f32 v14;
	[tilespmem:s1+$0x70] =	vst v19;
	s1 =	sor.u32 s29, s2;
	v19 =	vld [tilespmem:s5+$0x30];
	v24 =	vmul.bf16 v24, v5;
	s2 =	sor.u32 s28, s2  }
0x430: {  	v20 =	vadd.bf16 v21, v20;
	v21 =	vadd.bf16 v26, v22;
	[tilespmem:s1+$0x70] =	vst v18;
	v18 =	vld [tilespmem:s12+$0x30];
	v16 =	vmul.bf16 v16, v6  }
0x431: {  	v12 =	vadd.bf16 v13, v12;
	v13 =	vld [tilespmem:s5+$0x40];
	v22 =	vadd.bf16 v24, v23;
	v23 =	vmul.bf16 v25, v5  }
0x432: {  	v20 =	vadd.bf16 v27, v20;
	v21 =	vadd.bf16 v30, v21;
	v24 =	vld [tilespmem:s12+$0x40];
	v15 =	vmul.bf16 v15, v6  }
0x433: {  	v12 =	vadd.bf16 v33, v12;
	v25 =	vld [tilespmem:s5+$0x50];
	v16 =	vadd.bf16 v23, v16;
	v17 =	vmul.bf16 v17, v5  }
0x434: {  	v23 =	vunpack.i.u.bf16.f32 v20;
	v20 =	vunpack.i.l.bf16.f32 v20;
	v26 =	vld [tilespmem:s12+$0x50];
	v19 =	vmul.bf16 v19, v6  }
0x435: {  	[tilespmem:s1+$0x0] =	vst v20;
	v20 =	vunpack.i.u.bf16.f32 v21;
	v27 =	vld [tilespmem:s5+$0x60];
	v15 =	vadd.bf16 v17, v15;
	v17 =	vmul.bf16 v18, v5  }
0x436: {  	v18 =	vunpack.i.l.bf16.f32 v21;
	v21 =	vunpack.i.u.bf16.f32 v12;
	[tilespmem:s1+$0x10] =	vst v23;
	v23 =	vld [tilespmem:s12+$0x60];
	v13 =	vmul.bf16 v13, v6  }
0x437: {  	v12 =	vunpack.i.l.bf16.f32 v12;
	[tilespmem:s1+$0x20] =	vst v18;
	v18 =	vld [tilespmem:s5+$0x70];
	v17 =	vadd.bf16 v17, v19;
	v19 =	vmul.bf16 v24, v5  }
0x438: {  	v14 =	vunpack.i.l.bf16.f32 v14;
	[tilespmem:s1+$0x30] =	vst v20;
	v20 =	vld [tilespmem:s12+$0x70];
	v24 =	vmul.bf16 v25, v6  }
0x439: {  	[tilespmem:s1+$0x40] =	vst v12;
	v12 =	vld [tilespmem:s3+$0x0];
	v13 =	vadd.bf16 v19, v13;
	v19 =	vmul.bf16 v26, v5  }
0x43a: {  	[tilespmem:s1+$0x50] =	vst v21;
	v21 =	vld [tilespmem:s3+$0x10];
	v25 =	vmul.bf16 v27, v6  }
0x43b: {  	[tilespmem:s1+$0x60] =	vst v14;
	v14 =	vld [tilespmem:s3+$0x20];
	v19 =	vadd.bf16 v19, v24;
	v23 =	vmul.bf16 v23, v5  }
0x43c: {  	v24 =	vld [tilespmem:s3+$0x30];
	v18 =	vmul.bf16 v18, v6  }
0x43d: {  	v26 =	vld [tilespmem:s3+$0x40];
	v23 =	vadd.bf16 v23, v25;
	v20 =	vmul.bf16 v20, v5  }
0x43e: {  	v25 =	vld [tilespmem:s3+$0x50];
	v12 =	vmul.bf16 v12, v9  }
0x43f: {  	v27 =	vld [tilespmem:s3+$0x60];
	v21 =	vmul.bf16 v21, v9;
	v18 =	vadd.bf16 v20, v18  }
0x440: {  	v20 =	vld [tilespmem:s3+$0x70];
	v12 =	vadd.bf16 v12, v22;
	v14 =	vmul.bf16 v14, v9  }
0x441: {  	v16 =	vadd.bf16 v21, v16;
	v21 =	vmul.bf16 v24, v9;
	v24 =	vld [tilespmem:s24+$0x30]  }
0x442: {  	v22 =	vunpack.i.u.bf16.f32 v12;
	v14 =	vadd.bf16 v14, v15;
	v15 =	vmul.bf16 v26, v9;
	v26 =	vld [tilespmem:s22+$0x30]  }
0x443: {  	v12 =	vunpack.i.l.bf16.f32 v12;
	[tilespmem:s13+$0x10] =	vst v22;
	v17 =	vadd.bf16 v21, v17;
	v21 =	vmul.bf16 v25, v9;
	v25 =	vld [tilespmem:s24+$0x40]  }
0x444: {  	[tilespmem:s13+$0x0] =	vst v12;
	v12 =	vunpack.i.u.bf16.f32 v16;
	v13 =	vadd.bf16 v15, v13;
	v15 =	vmul.bf16 v27, v9;
	v27 =	vld [tilespmem:s22+$0x40]  }
0x445: {  	v16 =	vunpack.i.l.bf16.f32 v16;
	[tilespmem:s13+$0x30] =	vst v12;
	v12 =	vadd.bf16 v21, v19;
	v19 =	vmul.bf16 v20, v9;
	v20 =	vld [tilespmem:s24+$0x50]  }
0x446: {  	[tilespmem:s13+$0x20] =	vst v16;
	v16 =	vunpack.i.u.bf16.f32 v14;
	v14 =	vunpack.i.l.bf16.f32 v14;
	v15 =	vadd.bf16 v15, v23;
	v28 =	vld [tilespmem:s22+$0x50]  }
0x447: {  	[tilespmem:s13+$0x40] =	vst v14;
	v14 =	vunpack.i.u.bf16.f32 v17;
	v17 =	vunpack.i.l.bf16.f32 v17;
	v18 =	vadd.bf16 v19, v18;
	v29 =	vld [tilespmem:s24+$0x60]  }
0x448: {  	v21 =	vunpack.i.u.bf16.f32 v13;
	v13 =	vunpack.i.l.bf16.f32 v13;
	v30 =	vunpack.i.u.bf16.f32 v12;
	[tilespmem:s13+$0x50] =	vst v16;
	v31 =	vld [tilespmem:s22+$0x60]  }
0x449: {  	v12 =	vunpack.i.l.bf16.f32 v12;
	v16 =	vunpack.i.u.bf16.f32 v15;
	v22 =	vunpack.i.l.bf16.f32 v15;
	[tilespmem:s13+$0x60] =	vst v17;
	v32 =	vld [tilespmem:s24+$0x70];
	s24 =	smov.u32 s18  }
.Ltmp1:
0x44a: {  	v24 =	vmul.bf16 v24, v8;
	v19 =	vunpack.i.l.bf16.f32 v18;
	[tilespmem:s13+$0x70] =	vst v14;
	v14 =	vunpack.i.u.bf16.f32 v18;
	v15 =	vld [tilespmem:s22+$0x70];
	s22 =	smov.u32 s0;
	(pc) =	sbr.rel @p0 .LBB2_5-.Ltmp1, $4  }
0x44b: {  	v25 =	vmul.bf16 v25, v8;
	[tilespmem:s7+$0x0] =	vst v13;
	v17 =	vld [tilespmem:s25+$0x0];
	v13 =	vmul.bf16 v26, v3  }
0x44c: {  	v27 =	vmul.bf16 v27, v3;
	v23 =	vmul.bf16 v20, v8;
	[tilespmem:s7+$0x10] =	vst v21;
	v21 =	vld [tilespmem:s25+$0x10]  }
0x44d: {  	v26 =	vmul.bf16 v28, v3;
	[tilespmem:s7+$0x20] =	vst v12;
	v18 =	vld [tilespmem:s25+$0x20];
	v12 =	vadd.bf16 v13, v24;
	v24 =	vmul.bf16 v29, v8  }
0x44e: {  	v13 =	vadd.bf16 v27, v25;
	v27 =	vmul.bf16 v31, v3;
	[tilespmem:s7+$0x30] =	vst v30;
	v20 =	vld [tilespmem:s25+$0x30];
	v25 =	vmul.bf16 v32, v8  }
0x44f: {  	[tilespmem:s7+$0x40] =	vst v22;
	v8 =	vld [tilespmem:s25+$0x40]  }
0x450: {  	[tilespmem:s7+$0x50] =	vst v16;
	v37 =	vld [tilespmem:s25+$0x50]  }
0x451: {  	[tilespmem:s7+$0x60] =	vst v19;
	v38 =	vld [tilespmem:s25+$0x60]  }
0x452: {  	[tilespmem:s7+$0x70] =	vst v14;
	v39 =	vld [tilespmem:s25+$0x70]  }
0x453: {  	v22 =	vld [tilespmem:s24+$0x0]  }
0x454: {  	v28 =	vld [tilespmem:s22+$0x0]  }
0x455: {  	v29 =	vld [tilespmem:s24+$0x10];
	v17 =	vmul.bf16 v17, v4  }
0x456: {  	v30 =	vld [tilespmem:s22+$0x10]  }
0x457: {  	v31 =	vld [tilespmem:s24+$0x20];
	v21 =	vmul.bf16 v21, v4;
	v7 =	vadd.bf16 v17, v7  }
0x458: {  	v23 =	vadd.bf16 v26, v23;
	v3 =	vmul.bf16 v15, v3;
	v40 =	vld [tilespmem:s22+$0x20]  }
0x459: {  	v42 =	vld [tilespmem:s24+$0x30];
	v18 =	vmul.bf16 v18, v4;
	v10 =	vadd.bf16 v21, v10;
	v43 =	vunpack.i.u.bf16.f32 v7  }
0x45a: {  	v41 =	vadd.bf16 v27, v24;
	v44 =	vld [tilespmem:s22+$0x30];
	v3 =	vadd.bf16 v3, v25;
	v7 =	vunpack.i.l.bf16.f32 v7;
	[tilespmem:s23+$0x10] =	vst v43  }
0x45b: {  	v45 =	vld [tilespmem:s24+$0x40];
	v20 =	vmul.bf16 v20, v4;
	v11 =	vadd.bf16 v18, v11;
	[tilespmem:s23+$0x0] =	vst v7;
	v46 =	vunpack.i.u.bf16.f32 v10  }
0x45c: {  	v47 =	vld [tilespmem:s22+$0x40];
	v8 =	vmul.bf16 v8, v4;
	v16 =	vmul.bf16 v37, v4;
	v10 =	vunpack.i.l.bf16.f32 v10;
	[tilespmem:s23+$0x30] =	vst v46  }
0x45d: {  	v48 =	vld [tilespmem:s24+$0x50];
	v49 =	vmul.bf16 v38, v4;
	v12 =	vadd.bf16 v20, v12;
	[tilespmem:s23+$0x20] =	vst v10;
	v50 =	vunpack.i.u.bf16.f32 v11  }
0x45e: {  	v51 =	vld [tilespmem:s22+$0x50];
	v52 =	vmul.bf16 v39, v4;
	v54 =	vmul.bf16 v22, v6;
	v11 =	vunpack.i.l.bf16.f32 v11;
	[tilespmem:s23+$0x50] =	vst v50  }
0x45f: {  	v53 =	vld [tilespmem:s24+$0x60];
	v55 =	vmul.bf16 v28, v5;
	v8 =	vadd.bf16 v8, v13;
	[tilespmem:s23+$0x40] =	vst v11;
	v56 =	vunpack.i.u.bf16.f32 v12  }
0x460: {  	v59 =	vld [tilespmem:s30+$0x0];
	v60 =	vmul.bf16 v29, v6;
	v35 =	vmul.bf16 v30, v5;
	v58 =	vunpack.i.l.bf16.f32 v12;
	[tilespmem:s23+$0x70] =	vst v56  }
0x461: {  	v57 =	vld [tilespmem:s22+$0x60];
	v38 =	vmul.bf16 v31, v6;
	v16 =	vadd.bf16 v16, v23;
	[tilespmem:s23+$0x60] =	vst v58;
	v61 =	vunpack.i.l.bf16.f32 v8  }
0x462: {  	v33 =	vld [tilespmem:s30+$0x10];
	v17 =	vmul.bf16 v40, v5;
	v21 =	vmul.bf16 v45, v6;
	v8 =	vunpack.i.u.bf16.f32 v8;
	[tilespmem:s21+$0x0] =	vst v61  }
0x463: {  	v62 =	vld [tilespmem:s24+$0x70];
	v7 =	vmul.bf16 v48, v6;
	v13 =	vadd.bf16 v49, v41;
	v32 =	vunpack.i.l.bf16.f32 v16;
	[tilespmem:s21+$0x10] =	vst v8  }
0x464: {  	v39 =	vld [tilespmem:s30+$0x20];
	v3 =	vadd.bf16 v52, v3;
	v14 =	vadd.bf16 v55, v54;
	v63 =	vunpack.i.u.bf16.f32 v16;
	[tilespmem:s21+$0x20] =	vst v32  }
0x465: {  	v36 =	vld [tilespmem:s22+$0x70];
	v11 =	vmul.bf16 v59, v9;
	v34 =	vunpack.i.u.bf16.f32 v13;
	v13 =	vunpack.i.l.bf16.f32 v13;
	[tilespmem:s21+$0x30] =	vst v63  }
0x466: {  	v40 =	vld [tilespmem:s30+$0x30];
	v41 =	vmul.bf16 v42, v6;
	v37 =	vunpack.i.u.bf16.f32 v3;
	v3 =	vunpack.i.l.bf16.f32 v3;
	[tilespmem:s21+$0x40] =	vst v13  }
0x467: {  	v43 =	vld [tilespmem:s30+$0x40];
	v16 =	vmul.bf16 v33, v9;
	v8 =	vadd.bf16 v35, v60;
	[tilespmem:s21+$0x50] =	vst v34;
	v11 =	vadd.bf16 v11, v14  }
0x468: {  	v45 =	vld [tilespmem:s30+$0x60];
	v42 =	vmul.bf16 v44, v5;
	v4 =	vadd.bf16 v17, v38;
	[tilespmem:s21+$0x60] =	vst v3;
	v3 =	vmul.bf16 v47, v5  }
0x469: {  	v44 =	vld [tilespmem:s30+$0x50];
	[tilespmem:s21+$0x70] =	vst v37;
	v47 =	vmul.bf16 v39, v9;
	v8 =	vadd.bf16 v16, v8;
	v48 =	vunpack.i.u.bf16.f32 v11  }
0x46a: {  	v46 =	vld [tilespmem:s30+$0x70];
	v13 =	vadd.bf16 v42, v41;
	v11 =	vunpack.i.l.bf16.f32 v11;
	[tilespmem:s6+$0x10] =	vst v48  }
0x46b: {  	v12 =	vmul.bf16 v40, v9;
	v4 =	vadd.bf16 v47, v4;
	[tilespmem:s6+$0x0] =	vst v11;
	v49 =	vunpack.i.u.bf16.f32 v8  }
0x46c: {  	v19 =	vmul.bf16 v51, v5;
	v51 =	vmul.bf16 v43, v9;
	v8 =	vunpack.i.l.bf16.f32 v8;
	[tilespmem:s6+$0x30] =	vst v49  }
0x46d: {  	v3 =	vadd.bf16 v3, v21;
	v12 =	vadd.bf16 v12, v13;
	v52 =	vunpack.i.u.bf16.f32 v4;
	[tilespmem:s6+$0x20] =	vst v8  }
0x46e: {  	v7 =	vadd.bf16 v19, v7;
	v4 =	vunpack.i.l.bf16.f32 v4;
	[tilespmem:s6+$0x50] =	vst v52  }
0x46f: {  	v54 =	vmul.bf16 v44, v9;
	v3 =	vadd.bf16 v51, v3;
	[tilespmem:s6+$0x40] =	vst v4;
	v55 =	vunpack.i.u.bf16.f32 v12  }
0x470: {  	v50 =	vmul.bf16 v57, v5;
	v57 =	vunpack.i.l.bf16.f32 v12;
	[tilespmem:s6+$0x70] =	vst v55  }
0x471: {  	v7 =	vadd.bf16 v54, v7;
	[tilespmem:s6+$0x60] =	vst v57;
	v59 =	vunpack.i.l.bf16.f32 v3  }
0x472: {  	v10 =	vmul.bf16 v53, v6;
	v3 =	vunpack.i.u.bf16.f32 v3;
	[tilespmem:s2+$0x0] =	vst v59  }
0x473: {  	v53 =	vmul.bf16 v62, v6;
	v56 =	vmul.bf16 v36, v5;
	v8 =	vunpack.i.l.bf16.f32 v7;
	[tilespmem:s2+$0x10] =	vst v3  }
0x474: {  	v10 =	vadd.bf16 v50, v10;
	v58 =	vmul.bf16 v45, v9;
	v3 =	vunpack.i.u.bf16.f32 v7;
	[tilespmem:s2+$0x20] =	vst v8  }
0x475: {  	[tilespmem:s2+$0x30] =	vst v3  }
0x476: {  	v5 =	vadd.bf16 v56, v53;
	v60 =	vmul.bf16 v46, v9;
	v61 =	vadd.bf16 v58, v10;
	s0 =	rddreg [dreg:$0x5]  }
0x477: {  	s17 =	sadd.s32 $0x1, s17;
	s1 =	rddreg [dreg:$0xc]  }
0x478: {  	p0 =	sne.s32 s17, $0x8;
	v4 =	vadd.bf16 v60, v5;
	v62 =	vunpack.i.l.bf16.f32 v61;
	s0 =	sor.u32 s0, s1  }
.Ltmp2:
0x479: {  	v3 =	vunpack.i.u.bf16.f32 v61;
	[tilespmem:s2+$0x40] =	vst v62;
	s0 =	sshrl.u32 s0, $0x3;
	(pc) =	sbr.rel @p0 .LBB2_2-.Ltmp2, $4  }
0x47a: {  	v63 =	vunpack.i.l.bf16.f32 v4;
	[tilespmem:s2+$0x50] =	vst v3;
	s0 =	smul.u32 $0x300, s0  }
0x47b: {  	s29 =	rddreg [dreg:$0x3];
	s16 =	sadd.s32 $0xC0, s16;
	v3 =	vunpack.i.u.bf16.f32 v4;
	[tilespmem:s2+$0x60] =	vst v63  }
0x47c: {  	s15 =	sadd.s32 $0xC0, s15;
	s30 =	simm.s32 $0x18800;
	[tilespmem:s2+$0x70] =	vst v3;
	s0 =	sadd.s32 s29, s0  }
0x47d: {  	[hbm4b:s0+s4] =	stream.linear.scatter [tilespmem:s30], [sflag:$0x4], $0x6000, $0x38;
	[tilespmem:$0x1E800] =	vst v63  }
0x47e: {  	s0 =	simm.s32 $0x1  }
0x47f: {  	_ =	swait.ge [sflag:s0], $0x9000  }
0x480: {  	[sflag:s0] =	ssyncset.done $0x0  }
0x481: {  	s29 =	simm.s32 $0x3;
	[sflag:s0] =	ssyncadd.s32 $0xFFFF7000  }
0x482: {  	_ =	swait.ge [sflag:s29], $0x6000  }
0x483: {  	[sflag:s29] =	ssyncset.done $0x0  }
0x484: {  	s1 =	simm.s32 $0x4;
	[sflag:s29] =	ssyncadd.s32 $0xFFFFA000  }
0x485: {  	_ =	swait.ge [sflag:s1], $0x6000  }
0x486: {  	s2 =	rddreg [dreg:$0xb]  }
0x487: {  	s30 =	rddreg [dreg:$0xa];
	s2 =	sadd.s32 $0x1, s2  }
0x488: {  	p0 =	sne.s32 s2, s30  }
.Ltmp3:
0x489: {  	_ = 	snop;
	(pc) =	sbr.rel @p0 .LBB2_1-.Ltmp3, $3  }
0x48a: {  	_ =	sdelay $0x1  }
0x48b: {  	[sflag:s1] =	ssyncset.done $0x0  }
0x48c: {  	[sflag:s1] =	ssyncadd.s32 $0xFFFFA000  }
0x48d: {  	_ =	sfence.sel $0x180000  }
0x48e: {  	[bflag:$0x0] =	sbarrier.arrive $0xFFFF  }
0x48f: {  	_ =	strace $0x90000047  }
0x490: {  	s0 =	stileid.u32;
	[bflag:$0x2] =	sbarrier.arrive $0xFFFF  }
0x491: {  	p0 =	sne.s32 s0, $0x0;
	s0 =	rddreg [dreg:$0x4]  }
0x492: {  	s0 =	sadd.s32 @!p0 $0x100000, s0  }
0x493: {  	[sflag:s0] =	ssyncadd.tile.s32 @!p0 $0x1;
	_ =	shalt  }
.Lfunc_end2:
_tile_overlayer_lowered:
.L_overlay_start_2:
0x494: {  	(tag) =	ssettag $0x2  }
0x495: {  	s0 =	rddreg [dreg:$0x0];
	s2 =	stileid.u32  }
0x496: {  	s1 =	rddreg [dreg:$0x1];
	p0 =	sne.s32 s2, $0x0  }
0x497: {  	s3 =	rddreg [dreg:$0x2];
	[bflag:$0x3] =	sbarrier.arrive $0xFFFF;
	s2 =	simm.s32 @!p0 $0x1C05  }
0x498: {  	[timem:s3], [sflag:s2] =	dma.local @!p0 [hbm:s0], s1  }
0x499: {  	s0 =	simm.s32 @!p0 $0x5  }
0x49a: {  	_ =	swait.ge @!p0 [sflag:s0], s1  }
0x49b: {  	s1 =	ssub.s32 @!p0 $0x0, s1;
	[sflag:s0] =	ssyncset.done @!p0 $0x0  }
0x49c: {  	[sflag:s0] =	ssyncadd.s32 @!p0 s1  }
0x49d: {  	[bflag:$0x3] =	sbarrier.arrive $0xFFFF  }
0x49e: {  	_ =	shalt  }

</sc_bundles>
